<compile_context>
chip_gen: v7x
topology: tpu7x:2x2x1
jax: 0.10.2.dev20260603
libtpu: 0.0.44.dev20260713+nightly
codegen_flags: <defaults>
</compile_context>

<pallas_src>
import functools
import math

import jax
import jax.numpy as jnp
from jax import lax
from jax.experimental import pallas as pl
from jax.experimental.pallas import tpu as pltpu
from jax.experimental.pallas import tpu_sc as plsc

D_MODEL = 64
N_WORKERS = 32
SEQ = 200
BATCHES_PER_WORKER = 128
SPLIT = 128
NBUF = 4
SCALE = math.sqrt(D_MODEL)

_mesh = plsc.VectorSubcoreMesh(core_axis_name="c", subcore_axis_name="s")


@functools.partial(
    pl.kernel,
    mesh=_mesh,
    compiler_params=pltpu.CompilerParams(use_tc_tiling_on_sc=False),
    out_type=jax.ShapeDtypeStruct((N_WORKERS * BATCHES_PER_WORKER, SEQ,
                                   D_MODEL), jnp.float32),
    scratch_types=[
        pltpu.VMEM((BATCHES_PER_WORKER, SEQ), jnp.int32),
        pltpu.VMEM((NBUF, SEQ, D_MODEL), jnp.float32),
        pltpu.SemaphoreType.DMA,
        pltpu.SemaphoreType.DMA,
        pltpu.SemaphoreType.DMA,
        pltpu.SemaphoreType.DMA,
        pltpu.SemaphoreType.DMA,
    ],
)
def _embed_sc(x_hbm, table_hbm, out_hbm, idx_v, rows_v, sem0, sem1, sem2,
              sem3, store_sem):
    wid = lax.axis_index("s") * 2 + lax.axis_index("c")
    base = wid * BATCHES_PER_WORKER
    sems = (sem0, sem1, sem2, sem3)

    pltpu.sync_copy(x_hbm.at[pl.ds(base, BATCHES_PER_WORKER)], idx_v)

    def fire(b, q):
        pltpu.async_copy(
            table_hbm.at[idx_v.at[b, pl.ds(0, SPLIT)]],
            rows_v.at[q, pl.ds(0, SPLIT)], sems[q])
        pltpu.async_copy(
            table_hbm.at[idx_v.at[b, pl.ds(SPLIT, SEQ - SPLIT)]],
            rows_v.at[q, pl.ds(SPLIT, SEQ - SPLIT)], sems[q])

    def drain(q):
        pltpu.make_async_copy(
            table_hbm.at[pl.ds(0, SEQ)], rows_v.at[q], sems[q]).wait()

    def wait_one_store():
        pltpu.make_async_copy(
            rows_v.at[0], out_hbm.at[0], store_sem).wait()

    for q in range(NBUF):
        fire(q, q)

    def outer(b4, carry):
        for q in range(NBUF):
            b = b4 * NBUF + q

            refill = (q - 1) % NBUF
            bq = b4 * NBUF + q - 1

            @pl.when((b >= 1) & (b + NBUF - 1 < BATCHES_PER_WORKER))
            def _():
                wait_one_store()
                fire(bq + NBUF, refill)

            drain(q)

            buf = rows_v.at[q]

            @plsc.parallel_loop(0, SEQ, step=8, unroll=2)
            def _scale(i):
                for k in range(8):
                    for j in range(D_MODEL // 16):
                        sl = pl.ds(j * 16, 16)
                        buf[i + k, sl] = buf[i + k, sl] * SCALE

            pltpu.async_copy(buf, out_hbm.at[base + b], store_sem)
        return carry

    lax.fori_loop(0, BATCHES_PER_WORKER // NBUF, outer, 0)

    for _ in range(NBUF):
        wait_one_store()


def kernel(x, table):
    return _embed_sc(x, table)

# --- scband reference (transcript-rebuilt; emitter-appended) ---
"""Pipeline reference for scband-input-embeddings-1683627180509 (READ-ONLY COPY).

The authoritative reference and input builder live on the scoring server;
editing this copy changes nothing except your own understanding.
"""

import jax, jax.numpy as jnp
import numpy as np
import math

D_MODEL = 64
VOCAB = 1000000

def setup_inputs(seed: int = 0) -> dict:
    key = jax.random.key(seed)
    k_idx, k_tab = jax.random.split(key)
    x = jax.random.randint(k_idx, (4096, 200), 0, VOCAB, dtype=jnp.int64) if jax.config.read('jax_enable_x64') else jax.random.randint(k_idx, (4096, 200), 0, VOCAB, dtype=jnp.int32)
    table = jax.random.normal(k_tab, (VOCAB, D_MODEL), dtype=jnp.float32) * 0.02
    return {"x": x, "table": table}

def reference(x, table):
    # embedding lookup followed by sqrt(d_model) scaling
    emb = jnp.take(table, x, axis=0)
    return emb * math.sqrt(D_MODEL)

if __name__ == "__main__":
    import jax
    _d = setup_inputs()
    print(jax.jit(kernel)(*tuple(_d.values())))

</pallas_src>

<mosaic_0001>
#map = affine_map<(d0, d1) -> (0, 0)>
#map1 = affine_map<(d0, d1) -> (0, 0, 0)>
module attributes {stable_mosaic.version = 14 : i64} {
  func.func @_embed_sc(%arg0: i32, %arg1: i32, %arg2: memref<4096x200xi32, #tpu.memory_space<hbm>>, %arg3: memref<1000000x64xf32, #tpu.memory_space<hbm>>, %arg4: memref<4096x200x64xf32, #tpu.memory_space<hbm>>, %arg5: memref<128x200xi32, #tpu.memory_space<vmem>>, %arg6: memref<4x200x64xf32, #tpu.memory_space<vmem>>, %arg7: memref<!tpu.dma_semaphore, #tpu.memory_space<semaphore_mem>>, %arg8: memref<!tpu.dma_semaphore, #tpu.memory_space<semaphore_mem>>, %arg9: memref<!tpu.dma_semaphore, #tpu.memory_space<semaphore_mem>>, %arg10: memref<!tpu.dma_semaphore, #tpu.memory_space<semaphore_mem>>, %arg11: memref<!tpu.dma_semaphore, #tpu.memory_space<semaphore_mem>>) attributes {dimension_semantics = [#tpu.dimension_semantics<core_parallel>, #tpu.dimension_semantics<subcore_parallel>], iteration_bounds = array<i64: 2, 16>, scalar_prefetch = 0 : i64, scratch_operands = 7 : i64, tpu.core_type = #tpu.core_type<sc_vector_subcore>, window_params = [{transform_indices = #map}, {transform_indices = #map}, {transform_indices = #map1}]} {
    %mul3A = arith.constant 2 : i32
    %mul3A_0 = arith.muli %arg1, %mul3A : i32
    %add3A = arith.addi %mul3A_0, %arg0 : i32
    %mul3A_1 = arith.constant 128 : i32
    %mul3A_2 = arith.muli %add3A, %mul3A_1 : i32
    "tpu.region"() ({
      %run_scoped3A = tpu.sem_alloc : memref<!tpu.dma_semaphore, #tpu.memory_space<semaphore_mem>>
      %dma_start3A_174 = arith.constant 0 : i32
      %dma_start3A_175 = tpu.memref_slice %arg2[%mul3A_2, %dma_start3A_174] : memref<4096x200xi32, #tpu.memory_space<hbm>> -> memref<128x200xi32, #tpu.memory_space<hbm>>
      %dma_start3A_176 = arith.constant 0 : i32
      %dma_start3A_177 = tpu.memref_slice %arg2[%mul3A_2, %dma_start3A_176] : memref<4096x200xi32, #tpu.memory_space<hbm>> -> memref<128x200xi32, #tpu.memory_space<hbm>>
      tpu.enqueue_dma source(%dma_start3A_177 : memref<128x200xi32, #tpu.memory_space<hbm>>) target(%arg5 : memref<128x200xi32, #tpu.memory_space<vmem>>) target_semaphore(%run_scoped3A : memref<!tpu.dma_semaphore, #tpu.memory_space<semaphore_mem>>)
      %dma_wait3A_178 = arith.constant 0 : i32
      %dma_wait3A_179 = tpu.memref_slice %arg2[%mul3A_2, %dma_wait3A_178] : memref<4096x200xi32, #tpu.memory_space<hbm>> -> memref<128x200xi32, #tpu.memory_space<hbm>>
      %dma_wait3A_180 = arith.constant 0 : i32
      %dma_wait3A_181 = tpu.memref_slice %arg2[%mul3A_2, %dma_wait3A_180] : memref<4096x200xi32, #tpu.memory_space<hbm>> -> memref<128x200xi32, #tpu.memory_space<hbm>>
      tpu.wait_dma2 semaphore(%run_scoped3A : memref<!tpu.dma_semaphore, #tpu.memory_space<semaphore_mem>>) src(%dma_wait3A_181 : memref<128x200xi32, #tpu.memory_space<hbm>>) dst(%arg5 : memref<128x200xi32, #tpu.memory_space<vmem>>)
      tpu.yield
    }) : () -> ()
    %dma_start3A = arith.constant 0 : i32
    %dma_start3A_3 = arith.constant 0 : i32
    %dma_start3A_4 = arith.constant 0 : i32
    %dma_start3A_5 = arith.constant 0 : i32
    %dma_start3A_6 = tpu.memref_slice %arg6[%dma_start3A_3, %dma_start3A_4, %dma_start3A_5] : memref<4x200x64xf32, #tpu.memory_space<vmem>> -> memref<1x128x64xf32, #tpu.memory_space<vmem>>
    %dma_start3A_7 = tpu.memref_squeeze %dma_start3A_6 : memref<1x128x64xf32, #tpu.memory_space<vmem>> -> memref<128x64xf32, #tpu.memory_space<vmem>>
    %dma_start3A_8 = arith.constant 0 : i32
    %dma_start3A_9 = tpu.memref_slice %arg5[%dma_start3A, %dma_start3A_8] : memref<128x200xi32, #tpu.memory_space<vmem>> -> memref<1x128xi32, #tpu.memory_space<vmem>>
    %dma_start3A_10 = tpu.memref_squeeze %dma_start3A_9 : memref<1x128xi32, #tpu.memory_space<vmem>> -> memref<128xi32, #tpu.memory_space<vmem>>
    %dma_start3A_11 = arith.constant 0 : i32
    %dma_start3A_12 = arith.constant 0 : i32
    %dma_start3A_13 = tpu.memref_slice %arg3[%dma_start3A_11, %dma_start3A_12] : memref<1000000x64xf32, #tpu.memory_space<hbm>> -> memref<1000000x64xf32, #tpu.memory_space<hbm>>
    tpu.enqueue_indirect_dma source(%dma_start3A_13 : memref<1000000x64xf32, #tpu.memory_space<hbm>>) target(%dma_start3A_7 : memref<128x64xf32, #tpu.memory_space<vmem>>) offsets(%dma_start3A_10 : memref<128xi32, #tpu.memory_space<vmem>>) semaphore(%arg7 : memref<!tpu.dma_semaphore, #tpu.memory_space<semaphore_mem>>)
    %dma_start3A_14 = arith.constant 0 : i32
    %dma_start3A_15 = arith.constant 0 : i32
    %dma_start3A_16 = arith.constant 128 : i32
    %dma_start3A_17 = arith.constant 0 : i32
    %dma_start3A_18 = tpu.memref_slice %arg6[%dma_start3A_15, %dma_start3A_16, %dma_start3A_17] : memref<4x200x64xf32, #tpu.memory_space<vmem>> -> memref<1x72x64xf32, #tpu.memory_space<vmem>>
    %dma_start3A_19 = tpu.memref_squeeze %dma_start3A_18 : memref<1x72x64xf32, #tpu.memory_space<vmem>> -> memref<72x64xf32, #tpu.memory_space<vmem>>
    %dma_start3A_20 = arith.constant 128 : i32
    %dma_start3A_21 = tpu.memref_slice %arg5[%dma_start3A_14, %dma_start3A_20] : memref<128x200xi32, #tpu.memory_space<vmem>> -> memref<1x72xi32, #tpu.memory_space<vmem>>
    %dma_start3A_22 = tpu.memref_squeeze %dma_start3A_21 : memref<1x72xi32, #tpu.memory_space<vmem>> -> memref<72xi32, #tpu.memory_space<vmem>>
    %dma_start3A_23 = arith.constant 0 : i32
    %dma_start3A_24 = arith.constant 0 : i32
    %dma_start3A_25 = tpu.memref_slice %arg3[%dma_start3A_23, %dma_start3A_24] : memref<1000000x64xf32, #tpu.memory_space<hbm>> -> memref<1000000x64xf32, #tpu.memory_space<hbm>>
    tpu.enqueue_indirect_dma source(%dma_start3A_25 : memref<1000000x64xf32, #tpu.memory_space<hbm>>) target(%dma_start3A_19 : memref<72x64xf32, #tpu.memory_space<vmem>>) offsets(%dma_start3A_22 : memref<72xi32, #tpu.memory_space<vmem>>) semaphore(%arg7 : memref<!tpu.dma_semaphore, #tpu.memory_space<semaphore_mem>>)
    %dma_start3A_26 = arith.constant 1 : i32
    %dma_start3A_27 = arith.constant 1 : i32
    %dma_start3A_28 = arith.constant 0 : i32
    %dma_start3A_29 = arith.constant 0 : i32
    %dma_start3A_30 = tpu.memref_slice %arg6[%dma_start3A_27, %dma_start3A_28, %dma_start3A_29] : memref<4x200x64xf32, #tpu.memory_space<vmem>> -> memref<1x128x64xf32, #tpu.memory_space<vmem>>
    %dma_start3A_31 = tpu.memref_squeeze %dma_start3A_30 : memref<1x128x64xf32, #tpu.memory_space<vmem>> -> memref<128x64xf32, #tpu.memory_space<vmem>>
    %dma_start3A_32 = arith.constant 0 : i32
    %dma_start3A_33 = tpu.memref_slice %arg5[%dma_start3A_26, %dma_start3A_32] : memref<128x200xi32, #tpu.memory_space<vmem>> -> memref<1x128xi32, #tpu.memory_space<vmem>>
    %dma_start3A_34 = tpu.memref_squeeze %dma_start3A_33 : memref<1x128xi32, #tpu.memory_space<vmem>> -> memref<128xi32, #tpu.memory_space<vmem>>
    %dma_start3A_35 = arith.constant 0 : i32
    %dma_start3A_36 = arith.constant 0 : i32
    %dma_start3A_37 = tpu.memref_slice %arg3[%dma_start3A_35, %dma_start3A_36] : memref<1000000x64xf32, #tpu.memory_space<hbm>> -> memref<1000000x64xf32, #tpu.memory_space<hbm>>
    tpu.enqueue_indirect_dma source(%dma_start3A_37 : memref<1000000x64xf32, #tpu.memory_space<hbm>>) target(%dma_start3A_31 : memref<128x64xf32, #tpu.memory_space<vmem>>) offsets(%dma_start3A_34 : memref<128xi32, #tpu.memory_space<vmem>>) semaphore(%arg8 : memref<!tpu.dma_semaphore, #tpu.memory_space<semaphore_mem>>)
    %dma_start3A_38 = arith.constant 1 : i32
    %dma_start3A_39 = arith.constant 1 : i32
    %dma_start3A_40 = arith.constant 128 : i32
    %dma_start3A_41 = arith.constant 0 : i32
    %dma_start3A_42 = tpu.memref_slice %arg6[%dma_start3A_39, %dma_start3A_40, %dma_start3A_41] : memref<4x200x64xf32, #tpu.memory_space<vmem>> -> memref<1x72x64xf32, #tpu.memory_space<vmem>>
    %dma_start3A_43 = tpu.memref_squeeze %dma_start3A_42 : memref<1x72x64xf32, #tpu.memory_space<vmem>> -> memref<72x64xf32, #tpu.memory_space<vmem>>
    %dma_start3A_44 = arith.constant 128 : i32
    %dma_start3A_45 = tpu.memref_slice %arg5[%dma_start3A_38, %dma_start3A_44] : memref<128x200xi32, #tpu.memory_space<vmem>> -> memref<1x72xi32, #tpu.memory_space<vmem>>
    %dma_start3A_46 = tpu.memref_squeeze %dma_start3A_45 : memref<1x72xi32, #tpu.memory_space<vmem>> -> memref<72xi32, #tpu.memory_space<vmem>>
    %dma_start3A_47 = arith.constant 0 : i32
    %dma_start3A_48 = arith.constant 0 : i32
    %dma_start3A_49 = tpu.memref_slice %arg3[%dma_start3A_47, %dma_start3A_48] : memref<1000000x64xf32, #tpu.memory_space<hbm>> -> memref<1000000x64xf32, #tpu.memory_space<hbm>>
    tpu.enqueue_indirect_dma source(%dma_start3A_49 : memref<1000000x64xf32, #tpu.memory_space<hbm>>) target(%dma_start3A_43 : memref<72x64xf32, #tpu.memory_space<vmem>>) offsets(%dma_start3A_46 : memref<72xi32, #tpu.memory_space<vmem>>) semaphore(%arg8 : memref<!tpu.dma_semaphore, #tpu.memory_space<semaphore_mem>>)
    %dma_start3A_50 = arith.constant 2 : i32
    %dma_start3A_51 = arith.constant 2 : i32
    %dma_start3A_52 = arith.constant 0 : i32
    %dma_start3A_53 = arith.constant 0 : i32
    %dma_start3A_54 = tpu.memref_slice %arg6[%dma_start3A_51, %dma_start3A_52, %dma_start3A_53] : memref<4x200x64xf32, #tpu.memory_space<vmem>> -> memref<1x128x64xf32, #tpu.memory_space<vmem>>
    %dma_start3A_55 = tpu.memref_squeeze %dma_start3A_54 : memref<1x128x64xf32, #tpu.memory_space<vmem>> -> memref<128x64xf32, #tpu.memory_space<vmem>>
    %dma_start3A_56 = arith.constant 0 : i32
    %dma_start3A_57 = tpu.memref_slice %arg5[%dma_start3A_50, %dma_start3A_56] : memref<128x200xi32, #tpu.memory_space<vmem>> -> memref<1x128xi32, #tpu.memory_space<vmem>>
    %dma_start3A_58 = tpu.memref_squeeze %dma_start3A_57 : memref<1x128xi32, #tpu.memory_space<vmem>> -> memref<128xi32, #tpu.memory_space<vmem>>
    %dma_start3A_59 = arith.constant 0 : i32
    %dma_start3A_60 = arith.constant 0 : i32
    %dma_start3A_61 = tpu.memref_slice %arg3[%dma_start3A_59, %dma_start3A_60] : memref<1000000x64xf32, #tpu.memory_space<hbm>> -> memref<1000000x64xf32, #tpu.memory_space<hbm>>
    tpu.enqueue_indirect_dma source(%dma_start3A_61 : memref<1000000x64xf32, #tpu.memory_space<hbm>>) target(%dma_start3A_55 : memref<128x64xf32, #tpu.memory_space<vmem>>) offsets(%dma_start3A_58 : memref<128xi32, #tpu.memory_space<vmem>>) semaphore(%arg9 : memref<!tpu.dma_semaphore, #tpu.memory_space<semaphore_mem>>)
    %dma_start3A_62 = arith.constant 2 : i32
    %dma_start3A_63 = arith.constant 2 : i32
    %dma_start3A_64 = arith.constant 128 : i32
    %dma_start3A_65 = arith.constant 0 : i32
    %dma_start3A_66 = tpu.memref_slice %arg6[%dma_start3A_63, %dma_start3A_64, %dma_start3A_65] : memref<4x200x64xf32, #tpu.memory_space<vmem>> -> memref<1x72x64xf32, #tpu.memory_space<vmem>>
    %dma_start3A_67 = tpu.memref_squeeze %dma_start3A_66 : memref<1x72x64xf32, #tpu.memory_space<vmem>> -> memref<72x64xf32, #tpu.memory_space<vmem>>
    %dma_start3A_68 = arith.constant 128 : i32
    %dma_start3A_69 = tpu.memref_slice %arg5[%dma_start3A_62, %dma_start3A_68] : memref<128x200xi32, #tpu.memory_space<vmem>> -> memref<1x72xi32, #tpu.memory_space<vmem>>
    %dma_start3A_70 = tpu.memref_squeeze %dma_start3A_69 : memref<1x72xi32, #tpu.memory_space<vmem>> -> memref<72xi32, #tpu.memory_space<vmem>>
    %dma_start3A_71 = arith.constant 0 : i32
    %dma_start3A_72 = arith.constant 0 : i32
    %dma_start3A_73 = tpu.memref_slice %arg3[%dma_start3A_71, %dma_start3A_72] : memref<1000000x64xf32, #tpu.memory_space<hbm>> -> memref<1000000x64xf32, #tpu.memory_space<hbm>>
    tpu.enqueue_indirect_dma source(%dma_start3A_73 : memref<1000000x64xf32, #tpu.memory_space<hbm>>) target(%dma_start3A_67 : memref<72x64xf32, #tpu.memory_space<vmem>>) offsets(%dma_start3A_70 : memref<72xi32, #tpu.memory_space<vmem>>) semaphore(%arg9 : memref<!tpu.dma_semaphore, #tpu.memory_space<semaphore_mem>>)
    %dma_start3A_74 = arith.constant 3 : i32
    %dma_start3A_75 = arith.constant 3 : i32
    %dma_start3A_76 = arith.constant 0 : i32
    %dma_start3A_77 = arith.constant 0 : i32
    %dma_start3A_78 = tpu.memref_slice %arg6[%dma_start3A_75, %dma_start3A_76, %dma_start3A_77] : memref<4x200x64xf32, #tpu.memory_space<vmem>> -> memref<1x128x64xf32, #tpu.memory_space<vmem>>
    %dma_start3A_79 = tpu.memref_squeeze %dma_start3A_78 : memref<1x128x64xf32, #tpu.memory_space<vmem>> -> memref<128x64xf32, #tpu.memory_space<vmem>>
    %dma_start3A_80 = arith.constant 0 : i32
    %dma_start3A_81 = tpu.memref_slice %arg5[%dma_start3A_74, %dma_start3A_80] : memref<128x200xi32, #tpu.memory_space<vmem>> -> memref<1x128xi32, #tpu.memory_space<vmem>>
    %dma_start3A_82 = tpu.memref_squeeze %dma_start3A_81 : memref<1x128xi32, #tpu.memory_space<vmem>> -> memref<128xi32, #tpu.memory_space<vmem>>
    %dma_start3A_83 = arith.constant 0 : i32
    %dma_start3A_84 = arith.constant 0 : i32
    %dma_start3A_85 = tpu.memref_slice %arg3[%dma_start3A_83, %dma_start3A_84] : memref<1000000x64xf32, #tpu.memory_space<hbm>> -> memref<1000000x64xf32, #tpu.memory_space<hbm>>
    tpu.enqueue_indirect_dma source(%dma_start3A_85 : memref<1000000x64xf32, #tpu.memory_space<hbm>>) target(%dma_start3A_79 : memref<128x64xf32, #tpu.memory_space<vmem>>) offsets(%dma_start3A_82 : memref<128xi32, #tpu.memory_space<vmem>>) semaphore(%arg10 : memref<!tpu.dma_semaphore, #tpu.memory_space<semaphore_mem>>)
    %dma_start3A_86 = arith.constant 3 : i32
    %dma_start3A_87 = arith.constant 3 : i32
    %dma_start3A_88 = arith.constant 128 : i32
    %dma_start3A_89 = arith.constant 0 : i32
    %dma_start3A_90 = tpu.memref_slice %arg6[%dma_start3A_87, %dma_start3A_88, %dma_start3A_89] : memref<4x200x64xf32, #tpu.memory_space<vmem>> -> memref<1x72x64xf32, #tpu.memory_space<vmem>>
    %dma_start3A_91 = tpu.memref_squeeze %dma_start3A_90 : memref<1x72x64xf32, #tpu.memory_space<vmem>> -> memref<72x64xf32, #tpu.memory_space<vmem>>
    %dma_start3A_92 = arith.constant 128 : i32
    %dma_start3A_93 = tpu.memref_slice %arg5[%dma_start3A_86, %dma_start3A_92] : memref<128x200xi32, #tpu.memory_space<vmem>> -> memref<1x72xi32, #tpu.memory_space<vmem>>
    %dma_start3A_94 = tpu.memref_squeeze %dma_start3A_93 : memref<1x72xi32, #tpu.memory_space<vmem>> -> memref<72xi32, #tpu.memory_space<vmem>>
    %dma_start3A_95 = arith.constant 0 : i32
    %dma_start3A_96 = arith.constant 0 : i32
    %dma_start3A_97 = tpu.memref_slice %arg3[%dma_start3A_95, %dma_start3A_96] : memref<1000000x64xf32, #tpu.memory_space<hbm>> -> memref<1000000x64xf32, #tpu.memory_space<hbm>>
    tpu.enqueue_indirect_dma source(%dma_start3A_97 : memref<1000000x64xf32, #tpu.memory_space<hbm>>) target(%dma_start3A_91 : memref<72x64xf32, #tpu.memory_space<vmem>>) offsets(%dma_start3A_94 : memref<72xi32, #tpu.memory_space<vmem>>) semaphore(%arg10 : memref<!tpu.dma_semaphore, #tpu.memory_space<semaphore_mem>>)
    %scan3A = arith.constant 0 : i32
    %scan3A_98 = arith.constant 0 : i32
    %scan3A_99 = arith.constant 32 : i32
    %scan3A_100 = arith.addi %scan3A_98, %scan3A_99 : i32
    %scan3A_101 = arith.constant 1 : i32
    scf.for %scan3A_174 = %scan3A_98 to %scan3A_100 step %scan3A_101  : i32 {
      %mul3A_175 = arith.constant 4 : i32
      %mul3A_176 = arith.muli %scan3A_174, %mul3A_175 : i32
      %add3A_177 = arith.constant 0 : i32
      %add3A_178 = arith.addi %mul3A_176, %add3A_177 : i32
      %mul3A_179 = arith.constant 4 : i32
      %mul3A_180 = arith.muli %scan3A_174, %mul3A_179 : i32
      %add3A_181 = arith.constant 0 : i32
      %add3A_182 = arith.addi %mul3A_180, %add3A_181 : i32
      %sub3A = arith.constant 1 : i32
      %sub3A_183 = arith.subi %add3A_182, %sub3A : i32
      %ge3A = arith.constant 1 : i32
      %ge3A_184 = arith.cmpi sge, %add3A_178, %ge3A : i32
      %add3A_185 = arith.constant 4 : i32
      %add3A_186 = arith.addi %add3A_178, %add3A_185 : i32
      %sub3A_187 = arith.constant 1 : i32
      %sub3A_188 = arith.subi %add3A_186, %sub3A_187 : i32
      %lt3A = arith.constant 128 : i32
      %lt3A_189 = arith.cmpi slt, %sub3A_188, %lt3A : i32
      %and3A = arith.andi %ge3A_184, %lt3A_189 : i1
      %convert_element_type3A = arith.extui %and3A : i1 to i32
      %cond3A = arith.constant 0 : i32
      %cond3A_190 = arith.cmpi ne, %convert_element_type3A, %cond3A : i32
      scf.if %cond3A_190 {
        %dma_wait3A_404 = arith.constant 0 : i32
        %dma_wait3A_405 = arith.constant 0 : i32
        %dma_wait3A_406 = arith.constant 0 : i32
        %dma_wait3A_407 = arith.constant 0 : i32
        %dma_wait3A_408 = tpu.memref_slice %arg6[%dma_wait3A_404, %dma_wait3A_406, %dma_wait3A_407] : memref<4x200x64xf32, #tpu.memory_space<vmem>> -> memref<1x200x64xf32, #tpu.memory_space<vmem>>
        %dma_wait3A_409 = tpu.memref_squeeze %dma_wait3A_408 : memref<1x200x64xf32, #tpu.memory_space<vmem>> -> memref<200x64xf32, #tpu.memory_space<vmem>>
        %dma_wait3A_410 = arith.constant 0 : i32
        %dma_wait3A_411 = arith.constant 0 : i32
        %dma_wait3A_412 = tpu.memref_slice %arg4[%dma_wait3A_405, %dma_wait3A_410, %dma_wait3A_411] : memref<4096x200x64xf32, #tpu.memory_space<hbm>> -> memref<1x200x64xf32, #tpu.memory_space<hbm>>
        %dma_wait3A_413 = tpu.memref_squeeze %dma_wait3A_412 : memref<1x200x64xf32, #tpu.memory_space<hbm>> -> memref<200x64xf32, #tpu.memory_space<hbm>>
        %dma_wait3A_414 = arith.constant 0 : i32
        %dma_wait3A_415 = arith.constant 0 : i32
        %dma_wait3A_416 = tpu.memref_slice %arg4[%dma_wait3A_405, %dma_wait3A_414, %dma_wait3A_415] : memref<4096x200x64xf32, #tpu.memory_space<hbm>> -> memref<1x200x64xf32, #tpu.memory_space<hbm>>
        %dma_wait3A_417 = tpu.memref_squeeze %dma_wait3A_416 : memref<1x200x64xf32, #tpu.memory_space<hbm>> -> memref<200x64xf32, #tpu.memory_space<hbm>>
        %dma_wait3A_418 = arith.constant 0 : i32
        %dma_wait3A_419 = arith.constant 0 : i32
        %dma_wait3A_420 = tpu.memref_slice %arg6[%dma_wait3A_404, %dma_wait3A_418, %dma_wait3A_419] : memref<4x200x64xf32, #tpu.memory_space<vmem>> -> memref<1x200x64xf32, #tpu.memory_space<vmem>>
        %dma_wait3A_421 = tpu.memref_squeeze %dma_wait3A_420 : memref<1x200x64xf32, #tpu.memory_space<vmem>> -> memref<200x64xf32, #tpu.memory_space<vmem>>
        tpu.wait_dma2 semaphore(%arg11 : memref<!tpu.dma_semaphore, #tpu.memory_space<semaphore_mem>>) src(%dma_wait3A_421 : memref<200x64xf32, #tpu.memory_space<vmem>>) dst(%dma_wait3A_417 : memref<200x64xf32, #tpu.memory_space<hbm>>)
        %add3A_422 = arith.constant 4 : i32
        %add3A_423 = arith.addi %sub3A_183, %add3A_422 : i32
        %dma_start3A_424 = arith.constant 3 : i32
        %dma_start3A_425 = arith.constant 0 : i32
        %dma_start3A_426 = arith.constant 0 : i32
        %dma_start3A_427 = tpu.memref_slice %arg6[%dma_start3A_424, %dma_start3A_425, %dma_start3A_426] : memref<4x200x64xf32, #tpu.memory_space<vmem>> -> memref<1x128x64xf32, #tpu.memory_space<vmem>>
        %dma_start3A_428 = tpu.memref_squeeze %dma_start3A_427 : memref<1x128x64xf32, #tpu.memory_space<vmem>> -> memref<128x64xf32, #tpu.memory_space<vmem>>
        %dma_start3A_429 = arith.constant 0 : i32
        %dma_start3A_430 = tpu.memref_slice %arg5[%add3A_423, %dma_start3A_429] : memref<128x200xi32, #tpu.memory_space<vmem>> -> memref<1x128xi32, #tpu.memory_space<vmem>>
        %dma_start3A_431 = tpu.memref_squeeze %dma_start3A_430 : memref<1x128xi32, #tpu.memory_space<vmem>> -> memref<128xi32, #tpu.memory_space<vmem>>
        %dma_start3A_432 = arith.constant 0 : i32
        %dma_start3A_433 = arith.constant 0 : i32
        %dma_start3A_434 = tpu.memref_slice %arg3[%dma_start3A_432, %dma_start3A_433] : memref<1000000x64xf32, #tpu.memory_space<hbm>> -> memref<1000000x64xf32, #tpu.memory_space<hbm>>
        tpu.enqueue_indirect_dma source(%dma_start3A_434 : memref<1000000x64xf32, #tpu.memory_space<hbm>>) target(%dma_start3A_428 : memref<128x64xf32, #tpu.memory_space<vmem>>) offsets(%dma_start3A_431 : memref<128xi32, #tpu.memory_space<vmem>>) semaphore(%arg10 : memref<!tpu.dma_semaphore, #tpu.memory_space<semaphore_mem>>)
        %dma_start3A_435 = arith.constant 3 : i32
        %dma_start3A_436 = arith.constant 128 : i32
        %dma_start3A_437 = arith.constant 0 : i32
        %dma_start3A_438 = tpu.memref_slice %arg6[%dma_start3A_435, %dma_start3A_436, %dma_start3A_437] : memref<4x200x64xf32, #tpu.memory_space<vmem>> -> memref<1x72x64xf32, #tpu.memory_space<vmem>>
        %dma_start3A_439 = tpu.memref_squeeze %dma_start3A_438 : memref<1x72x64xf32, #tpu.memory_space<vmem>> -> memref<72x64xf32, #tpu.memory_space<vmem>>
        %dma_start3A_440 = arith.constant 128 : i32
        %dma_start3A_441 = tpu.memref_slice %arg5[%add3A_423, %dma_start3A_440] : memref<128x200xi32, #tpu.memory_space<vmem>> -> memref<1x72xi32, #tpu.memory_space<vmem>>
        %dma_start3A_442 = tpu.memref_squeeze %dma_start3A_441 : memref<1x72xi32, #tpu.memory_space<vmem>> -> memref<72xi32, #tpu.memory_space<vmem>>
        %dma_start3A_443 = arith.constant 0 : i32
        %dma_start3A_444 = arith.constant 0 : i32
        %dma_start3A_445 = tpu.memref_slice %arg3[%dma_start3A_443, %dma_start3A_444] : memref<1000000x64xf32, #tpu.memory_space<hbm>> -> memref<1000000x64xf32, #tpu.memory_space<hbm>>
        tpu.enqueue_indirect_dma source(%dma_start3A_445 : memref<1000000x64xf32, #tpu.memory_space<hbm>>) target(%dma_start3A_439 : memref<72x64xf32, #tpu.memory_space<vmem>>) offsets(%dma_start3A_442 : memref<72xi32, #tpu.memory_space<vmem>>) semaphore(%arg10 : memref<!tpu.dma_semaphore, #tpu.memory_space<semaphore_mem>>)
      } else {
      }
      %dma_wait3A_191 = arith.constant 0 : i32
      %dma_wait3A_192 = arith.constant 0 : i32
      %dma_wait3A_193 = arith.constant 0 : i32
      %dma_wait3A_194 = tpu.memref_slice %arg6[%dma_wait3A_191, %dma_wait3A_192, %dma_wait3A_193] : memref<4x200x64xf32, #tpu.memory_space<vmem>> -> memref<1x200x64xf32, #tpu.memory_space<vmem>>
      %dma_wait3A_195 = tpu.memref_squeeze %dma_wait3A_194 : memref<1x200x64xf32, #tpu.memory_space<vmem>> -> memref<200x64xf32, #tpu.memory_space<vmem>>
      %dma_wait3A_196 = arith.constant 0 : i32
      %dma_wait3A_197 = arith.constant 0 : i32
      %dma_wait3A_198 = tpu.memref_slice %arg3[%dma_wait3A_196, %dma_wait3A_197] : memref<1000000x64xf32, #tpu.memory_space<hbm>> -> memref<200x64xf32, #tpu.memory_space<hbm>>
      %dma_wait3A_199 = arith.constant 0 : i32
      %dma_wait3A_200 = arith.constant 0 : i32
      %dma_wait3A_201 = tpu.memref_slice %arg6[%dma_wait3A_191, %dma_wait3A_199, %dma_wait3A_200] : memref<4x200x64xf32, #tpu.memory_space<vmem>> -> memref<1x200x64xf32, #tpu.memory_space<vmem>>
      %dma_wait3A_202 = tpu.memref_squeeze %dma_wait3A_201 : memref<1x200x64xf32, #tpu.memory_space<vmem>> -> memref<200x64xf32, #tpu.memory_space<vmem>>
      %dma_wait3A_203 = arith.constant 0 : i32
      %dma_wait3A_204 = arith.constant 0 : i32
      %dma_wait3A_205 = tpu.memref_slice %arg3[%dma_wait3A_203, %dma_wait3A_204] : memref<1000000x64xf32, #tpu.memory_space<hbm>> -> memref<200x64xf32, #tpu.memory_space<hbm>>
      tpu.wait_dma2 semaphore(%arg7 : memref<!tpu.dma_semaphore, #tpu.memory_space<semaphore_mem>>) src(%dma_wait3A_205 : memref<200x64xf32, #tpu.memory_space<hbm>>) dst(%dma_wait3A_202 : memref<200x64xf32, #tpu.memory_space<vmem>>)
      %parallel_loop3A = arith.constant 0 : i32
      %parallel_loop3A_206 = arith.constant 200 : i32
      %parallel_loop3A_207 = arith.constant 8 : i32
      %parallel_loop3A_208 = arith.constant 0 : i32
      scf.for %parallel_loop3A_404 = %parallel_loop3A to %parallel_loop3A_206 step %parallel_loop3A_207  : i32 {
        %parallel_loop3A_405 = arith.constant 0 : i32
        %parallel_loop3A_406 = arith.addi %parallel_loop3A_404, %parallel_loop3A_405 : i32
        %parallel_loop3A_407 = arith.constant 0 : i32
        %parallel_loop3A_408 = arith.constant 0 : i32
        %parallel_loop3A_409 = tpu.memref_slice %arg6[%parallel_loop3A_208, %parallel_loop3A_407, %parallel_loop3A_408] : memref<4x200x64xf32, #tpu.memory_space<vmem>> -> memref<1x200x64xf32, #tpu.memory_space<vmem>>
        %parallel_loop3A_410 = tpu.memref_squeeze %parallel_loop3A_409 : memref<1x200x64xf32, #tpu.memory_space<vmem>> -> memref<200x64xf32, #tpu.memory_space<vmem>>
        %parallel_loop3A_411 = arith.index_cast %parallel_loop3A_406 : i32 to index
        %parallel_loop3A_412 = arith.constant 0 : index
        %parallel_loop3A_413 = tpu.vector_load %parallel_loop3A_410[%parallel_loop3A_411, %parallel_loop3A_412] {strides = array<i32>} : memref<200x64xf32, #tpu.memory_space<vmem>>, vector<1x16xf32>,
        %parallel_loop3A_414 = vector.shape_cast %parallel_loop3A_413 : vector<1x16xf32> to vector<16xf32>
        %parallel_loop3A_415 = arith.constant 8.000000e+00 : f32
        %parallel_loop3A_416 = vector.broadcast %parallel_loop3A_415 : f32 to vector<16xf32>
        %parallel_loop3A_417 = arith.mulf %parallel_loop3A_414, %parallel_loop3A_416 : vector<16xf32>
        %parallel_loop3A_418 = arith.constant 0 : i32
        %parallel_loop3A_419 = arith.addi %parallel_loop3A_404, %parallel_loop3A_418 : i32
        %parallel_loop3A_420 = arith.constant 0 : i32
        %parallel_loop3A_421 = arith.constant 0 : i32
        %parallel_loop3A_422 = tpu.memref_slice %arg6[%parallel_loop3A_208, %parallel_loop3A_420, %parallel_loop3A_421] : memref<4x200x64xf32, #tpu.memory_space<vmem>> -> memref<1x200x64xf32, #tpu.memory_space<vmem>>
        %parallel_loop3A_423 = tpu.memref_squeeze %parallel_loop3A_422 : memref<1x200x64xf32, #tpu.memory_space<vmem>> -> memref<200x64xf32, #tpu.memory_space<vmem>>
        %parallel_loop3A_424 = arith.index_cast %parallel_loop3A_419 : i32 to index
        %parallel_loop3A_425 = arith.constant 0 : index
        %parallel_loop3A_426 = tpu.vector_load %parallel_loop3A_423[%parallel_loop3A_424, %parallel_loop3A_425] {strides = array<i32>} : memref<200x64xf32, #tpu.memory_space<vmem>>, vector<1x16xf32>,
        %parallel_loop3A_427 = vector.shape_cast %parallel_loop3A_426 : vector<1x16xf32> to vector<16xf32>
        %parallel_loop3A_428 = vector.shape_cast %parallel_loop3A_417 : vector<16xf32> to vector<1x16xf32>
        tpu.vector_store %parallel_loop3A_423[%parallel_loop3A_424, %parallel_loop3A_425], %parallel_loop3A_428 {strides = array<i32>} : memref<200x64xf32, #tpu.memory_space<vmem>>, vector<1x16xf32>,
        %parallel_loop3A_429 = arith.constant 0 : i32
        %parallel_loop3A_430 = arith.addi %parallel_loop3A_404, %parallel_loop3A_429 : i32
        %parallel_loop3A_431 = arith.constant 0 : i32
        %parallel_loop3A_432 = arith.constant 0 : i32
        %parallel_loop3A_433 = tpu.memref_slice %arg6[%parallel_loop3A_208, %parallel_loop3A_431, %parallel_loop3A_432] : memref<4x200x64xf32, #tpu.memory_space<vmem>> -> memref<1x200x64xf32, #tpu.memory_space<vmem>>
        %parallel_loop3A_434 = tpu.memref_squeeze %parallel_loop3A_433 : memref<1x200x64xf32, #tpu.memory_space<vmem>> -> memref<200x64xf32, #tpu.memory_space<vmem>>
        %parallel_loop3A_435 = arith.index_cast %parallel_loop3A_430 : i32 to index
        %parallel_loop3A_436 = arith.constant 16 : index
        %parallel_loop3A_437 = tpu.vector_load %parallel_loop3A_434[%parallel_loop3A_435, %parallel_loop3A_436] {strides = array<i32>} : memref<200x64xf32, #tpu.memory_space<vmem>>, vector<1x16xf32>,
        %parallel_loop3A_438 = vector.shape_cast %parallel_loop3A_437 : vector<1x16xf32> to vector<16xf32>
        %parallel_loop3A_439 = arith.constant 8.000000e+00 : f32
        %parallel_loop3A_440 = vector.broadcast %parallel_loop3A_439 : f32 to vector<16xf32>
        %parallel_loop3A_441 = arith.mulf %parallel_loop3A_438, %parallel_loop3A_440 : vector<16xf32>
        %parallel_loop3A_442 = arith.constant 0 : i32
        %parallel_loop3A_443 = arith.addi %parallel_loop3A_404, %parallel_loop3A_442 : i32
        %parallel_loop3A_444 = arith.constant 0 : i32
        %parallel_loop3A_445 = arith.constant 0 : i32
        %parallel_loop3A_446 = tpu.memref_slice %arg6[%parallel_loop3A_208, %parallel_loop3A_444, %parallel_loop3A_445] : memref<4x200x64xf32, #tpu.memory_space<vmem>> -> memref<1x200x64xf32, #tpu.memory_space<vmem>>
        %parallel_loop3A_447 = tpu.memref_squeeze %parallel_loop3A_446 : memref<1x200x64xf32, #tpu.memory_space<vmem>> -> memref<200x64xf32, #tpu.memory_space<vmem>>
        %parallel_loop3A_448 = arith.index_cast %parallel_loop3A_443 : i32 to index
        %parallel_loop3A_449 = arith.constant 16 : index
        %parallel_loop3A_450 = tpu.vector_load %parallel_loop3A_447[%parallel_loop3A_448, %parallel_loop3A_449] {strides = array<i32>} : memref<200x64xf32, #tpu.memory_space<vmem>>, vector<1x16xf32>,
        %parallel_loop3A_451 = vector.shape_cast %parallel_loop3A_450 : vector<1x16xf32> to vector<16xf32>
        %parallel_loop3A_452 = vector.shape_cast %parallel_loop3A_441 : vector<16xf32> to vector<1x16xf32>
        tpu.vector_store %parallel_loop3A_447[%parallel_loop3A_448, %parallel_loop3A_449], %parallel_loop3A_452 {strides = array<i32>} : memref<200x64xf32, #tpu.memory_space<vmem>>, vector<1x16xf32>,
        %parallel_loop3A_453 = arith.constant 0 : i32
        %parallel_loop3A_454 = arith.addi %parallel_loop3A_404, %parallel_loop3A_453 : i32
        %parallel_loop3A_455 = arith.constant 0 : i32
        %parallel_loop3A_456 = arith.constant 0 : i32
        %parallel_loop3A_457 = tpu.memref_slice %arg6[%parallel_loop3A_208, %parallel_loop3A_455, %parallel_loop3A_456] : memref<4x200x64xf32, #tpu.memory_space<vmem>> -> memref<1x200x64xf32, #tpu.memory_space<vmem>>
        %parallel_loop3A_458 = tpu.memref_squeeze %parallel_loop3A_457 : memref<1x200x64xf32, #tpu.memory_space<vmem>> -> memref<200x64xf32, #tpu.memory_space<vmem>>
        %parallel_loop3A_459 = arith.index_cast %parallel_loop3A_454 : i32 to index
        %parallel_loop3A_460 = arith.constant 32 : index
        %parallel_loop3A_461 = tpu.vector_load %parallel_loop3A_458[%parallel_loop3A_459, %parallel_loop3A_460] {strides = array<i32>} : memref<200x64xf32, #tpu.memory_space<vmem>>, vector<1x16xf32>,
        %parallel_loop3A_462 = vector.shape_cast %parallel_loop3A_461 : vector<1x16xf32> to vector<16xf32>
        %parallel_loop3A_463 = arith.constant 8.000000e+00 : f32
        %parallel_loop3A_464 = vector.broadcast %parallel_loop3A_463 : f32 to vector<16xf32>
        %parallel_loop3A_465 = arith.mulf %parallel_loop3A_462, %parallel_loop3A_464 : vector<16xf32>
        %parallel_loop3A_466 = arith.constant 0 : i32
        %parallel_loop3A_467 = arith.addi %parallel_loop3A_404, %parallel_loop3A_466 : i32
        %parallel_loop3A_468 = arith.constant 0 : i32
        %parallel_loop3A_469 = arith.constant 0 : i32
        %parallel_loop3A_470 = tpu.memref_slice %arg6[%parallel_loop3A_208, %parallel_loop3A_468, %parallel_loop3A_469] : memref<4x200x64xf32, #tpu.memory_space<vmem>> -> memref<1x200x64xf32, #tpu.memory_space<vmem>>
        %parallel_loop3A_471 = tpu.memref_squeeze %parallel_loop3A_470 : memref<1x200x64xf32, #tpu.memory_space<vmem>> -> memref<200x64xf32, #tpu.memory_space<vmem>>
        %parallel_loop3A_472 = arith.index_cast %parallel_loop3A_467 : i32 to index
        %parallel_loop3A_473 = arith.constant 32 : index
        %parallel_loop3A_474 = tpu.vector_load %parallel_loop3A_471[%parallel_loop3A_472, %parallel_loop3A_473] {strides = array<i32>} : memref<200x64xf32, #tpu.memory_space<vmem>>, vector<1x16xf32>,
        %parallel_loop3A_475 = vector.shape_cast %parallel_loop3A_474 : vector<1x16xf32> to vector<16xf32>
        %parallel_loop3A_476 = vector.shape_cast %parallel_loop3A_465 : vector<16xf32> to vector<1x16xf32>
        tpu.vector_store %parallel_loop3A_471[%parallel_loop3A_472, %parallel_loop3A_473], %parallel_loop3A_476 {strides = array<i32>} : memref<200x64xf32, #tpu.memory_space<vmem>>, vector<1x16xf32>,
        %parallel_loop3A_477 = arith.constant 0 : i32
        %parallel_loop3A_478 = arith.addi %parallel_loop3A_404, %parallel_loop3A_477 : i32
        %parallel_loop3A_479 = arith.constant 0 : i32
        %parallel_loop3A_480 = arith.constant 0 : i32
        %parallel_loop3A_481 = tpu.memref_slice %arg6[%parallel_loop3A_208, %parallel_loop3A_479, %parallel_loop3A_480] : memref<4x200x64xf32, #tpu.memory_space<vmem>> -> memref<1x200x64xf32, #tpu.memory_space<vmem>>
        %parallel_loop3A_482 = tpu.memref_squeeze %parallel_loop3A_481 : memref<1x200x64xf32, #tpu.memory_space<vmem>> -> memref<200x64xf32, #tpu.memory_space<vmem>>
        %parallel_loop3A_483 = arith.index_cast %parallel_loop3A_478 : i32 to index
        %parallel_loop3A_484 = arith.constant 48 : index
        %parallel_loop3A_485 = tpu.vector_load %parallel_loop3A_482[%parallel_loop3A_483, %parallel_loop3A_484] {strides = array<i32>} : memref<200x64xf32, #tpu.memory_space<vmem>>, vector<1x16xf32>,
        %parallel_loop3A_486 = vector.shape_cast %parallel_loop3A_485 : vector<1x16xf32> to vector<16xf32>
        %parallel_loop3A_487 = arith.constant 8.000000e+00 : f32
        %parallel_loop3A_488 = vector.broadcast %parallel_loop3A_487 : f32 to vector<16xf32>
        %parallel_loop3A_489 = arith.mulf %parallel_loop3A_486, %parallel_loop3A_488 : vector<16xf32>
        %parallel_loop3A_490 = arith.constant 0 : i32
        %parallel_loop3A_491 = arith.addi %parallel_loop3A_404, %parallel_loop3A_490 : i32
        %parallel_loop3A_492 = arith.constant 0 : i32
        %parallel_loop3A_493 = arith.constant 0 : i32
        %parallel_loop3A_494 = tpu.memref_slice %arg6[%parallel_loop3A_208, %parallel_loop3A_492, %parallel_loop3A_493] : memref<4x200x64xf32, #tpu.memory_space<vmem>> -> memref<1x200x64xf32, #tpu.memory_space<vmem>>
        %parallel_loop3A_495 = tpu.memref_squeeze %parallel_loop3A_494 : memref<1x200x64xf32, #tpu.memory_space<vmem>> -> memref<200x64xf32, #tpu.memory_space<vmem>>
        %parallel_loop3A_496 = arith.index_cast %parallel_loop3A_491 : i32 to index
        %parallel_loop3A_497 = arith.constant 48 : index
        %parallel_loop3A_498 = tpu.vector_load %parallel_loop3A_495[%parallel_loop3A_496, %parallel_loop3A_497] {strides = array<i32>} : memref<200x64xf32, #tpu.memory_space<vmem>>, vector<1x16xf32>,
        %parallel_loop3A_499 = vector.shape_cast %parallel_loop3A_498 : vector<1x16xf32> to vector<16xf32>
        %parallel_loop3A_500 = vector.shape_cast %parallel_loop3A_489 : vector<16xf32> to vector<1x16xf32>
        tpu.vector_store %parallel_loop3A_495[%parallel_loop3A_496, %parallel_loop3A_497], %parallel_loop3A_500 {strides = array<i32>} : memref<200x64xf32, #tpu.memory_space<vmem>>, vector<1x16xf32>,
        %parallel_loop3A_501 = arith.constant 1 : i32
        %parallel_loop3A_502 = arith.addi %parallel_loop3A_404, %parallel_loop3A_501 : i32
        %parallel_loop3A_503 = arith.constant 0 : i32
        %parallel_loop3A_504 = arith.constant 0 : i32
        %parallel_loop3A_505 = tpu.memref_slice %arg6[%parallel_loop3A_208, %parallel_loop3A_503, %parallel_loop3A_504] : memref<4x200x64xf32, #tpu.memory_space<vmem>> -> memref<1x200x64xf32, #tpu.memory_space<vmem>>
        %parallel_loop3A_506 = tpu.memref_squeeze %parallel_loop3A_505 : memref<1x200x64xf32, #tpu.memory_space<vmem>> -> memref<200x64xf32, #tpu.memory_space<vmem>>
        %parallel_loop3A_507 = arith.index_cast %parallel_loop3A_502 : i32 to index
        %parallel_loop3A_508 = arith.constant 0 : index
        %parallel_loop3A_509 = tpu.vector_load %parallel_loop3A_506[%parallel_loop3A_507, %parallel_loop3A_508] {strides = array<i32>} : memref<200x64xf32, #tpu.memory_space<vmem>>, vector<1x16xf32>,
        %parallel_loop3A_510 = vector.shape_cast %parallel_loop3A_509 : vector<1x16xf32> to vector<16xf32>
        %parallel_loop3A_511 = arith.constant 8.000000e+00 : f32
        %parallel_loop3A_512 = vector.broadcast %parallel_loop3A_511 : f32 to vector<16xf32>
        %parallel_loop3A_513 = arith.mulf %parallel_loop3A_510, %parallel_loop3A_512 : vector<16xf32>
        %parallel_loop3A_514 = arith.constant 1 : i32
        %parallel_loop3A_515 = arith.addi %parallel_loop3A_404, %parallel_loop3A_514 : i32
        %parallel_loop3A_516 = arith.constant 0 : i32
        %parallel_loop3A_517 = arith.constant 0 : i32
        %parallel_loop3A_518 = tpu.memref_slice %arg6[%parallel_loop3A_208, %parallel_loop3A_516, %parallel_loop3A_517] : memref<4x200x64xf32, #tpu.memory_space<vmem>> -> memref<1x200x64xf32, #tpu.memory_space<vmem>>
        %parallel_loop3A_519 = tpu.memref_squeeze %parallel_loop3A_518 : memref<1x200x64xf32, #tpu.memory_space<vmem>> -> memref<200x64xf32, #tpu.memory_space<vmem>>
        %parallel_loop3A_520 = arith.index_cast %parallel_loop3A_515 : i32 to index
        %parallel_loop3A_521 = arith.constant 0 : index
        %parallel_loop3A_522 = tpu.vector_load %parallel_loop3A_519[%parallel_loop3A_520, %parallel_loop3A_521] {strides = array<i32>} : memref<200x64xf32, #tpu.memory_space<vmem>>, vector<1x16xf32>,
        %parallel_loop3A_523 = vector.shape_cast %parallel_loop3A_522 : vector<1x16xf32> to vector<16xf32>
        %parallel_loop3A_524 = vector.shape_cast %parallel_loop3A_513 : vector<16xf32> to vector<1x16xf32>
        tpu.vector_store %parallel_loop3A_519[%parallel_loop3A_520, %parallel_loop3A_521], %parallel_loop3A_524 {strides = array<i32>} : memref<200x64xf32, #tpu.memory_space<vmem>>, vector<1x16xf32>,
        %parallel_loop3A_525 = arith.constant 1 : i32
        %parallel_loop3A_526 = arith.addi %parallel_loop3A_404, %parallel_loop3A_525 : i32
        %parallel_loop3A_527 = arith.constant 0 : i32
        %parallel_loop3A_528 = arith.constant 0 : i32
        %parallel_loop3A_529 = tpu.memref_slice %arg6[%parallel_loop3A_208, %parallel_loop3A_527, %parallel_loop3A_528] : memref<4x200x64xf32, #tpu.memory_space<vmem>> -> memref<1x200x64xf32, #tpu.memory_space<vmem>>
        %parallel_loop3A_530 = tpu.memref_squeeze %parallel_loop3A_529 : memref<1x200x64xf32, #tpu.memory_space<vmem>> -> memref<200x64xf32, #tpu.memory_space<vmem>>
        %parallel_loop3A_531 = arith.index_cast %parallel_loop3A_526 : i32 to index
        %parallel_loop3A_532 = arith.constant 16 : index
        %parallel_loop3A_533 = tpu.vector_load %parallel_loop3A_530[%parallel_loop3A_531, %parallel_loop3A_532] {strides = array<i32>} : memref<200x64xf32, #tpu.memory_space<vmem>>, vector<1x16xf32>,
        %parallel_loop3A_534 = vector.shape_cast %parallel_loop3A_533 : vector<1x16xf32> to vector<16xf32>
        %parallel_loop3A_535 = arith.constant 8.000000e+00 : f32
        %parallel_loop3A_536 = vector.broadcast %parallel_loop3A_535 : f32 to vector<16xf32>
        %parallel_loop3A_537 = arith.mulf %parallel_loop3A_534, %parallel_loop3A_536 : vector<16xf32>
        %parallel_loop3A_538 = arith.constant 1 : i32
        %parallel_loop3A_539 = arith.addi %parallel_loop3A_404, %parallel_loop3A_538 : i32
        %parallel_loop3A_540 = arith.constant 0 : i32
        %parallel_loop3A_541 = arith.constant 0 : i32
        %parallel_loop3A_542 = tpu.memref_slice %arg6[%parallel_loop3A_208, %parallel_loop3A_540, %parallel_loop3A_541] : memref<4x200x64xf32, #tpu.memory_space<vmem>> -> memref<1x200x64xf32, #tpu.memory_space<vmem>>
        %parallel_loop3A_543 = tpu.memref_squeeze %parallel_loop3A_542 : memref<1x200x64xf32, #tpu.memory_space<vmem>> -> memref<200x64xf32, #tpu.memory_space<vmem>>
        %parallel_loop3A_544 = arith.index_cast %parallel_loop3A_539 : i32 to index
        %parallel_loop3A_545 = arith.constant 16 : index
        %parallel_loop3A_546 = tpu.vector_load %parallel_loop3A_543[%parallel_loop3A_544, %parallel_loop3A_545] {strides = array<i32>} : memref<200x64xf32, #tpu.memory_space<vmem>>, vector<1x16xf32>,
        %parallel_loop3A_547 = vector.shape_cast %parallel_loop3A_546 : vector<1x16xf32> to vector<16xf32>
        %parallel_loop3A_548 = vector.shape_cast %parallel_loop3A_537 : vector<16xf32> to vector<1x16xf32>
        tpu.vector_store %parallel_loop3A_543[%parallel_loop3A_544, %parallel_loop3A_545], %parallel_loop3A_548 {strides = array<i32>} : memref<200x64xf32, #tpu.memory_space<vmem>>, vector<1x16xf32>,
        %parallel_loop3A_549 = arith.constant 1 : i32
        %parallel_loop3A_550 = arith.addi %parallel_loop3A_404, %parallel_loop3A_549 : i32
        %parallel_loop3A_551 = arith.constant 0 : i32
        %parallel_loop3A_552 = arith.constant 0 : i32
        %parallel_loop3A_553 = tpu.memref_slice %arg6[%parallel_loop3A_208, %parallel_loop3A_551, %parallel_loop3A_552] : memref<4x200x64xf32, #tpu.memory_space<vmem>> -> memref<1x200x64xf32, #tpu.memory_space<vmem>>
        %parallel_loop3A_554 = tpu.memref_squeeze %parallel_loop3A_553 : memref<1x200x64xf32, #tpu.memory_space<vmem>> -> memref<200x64xf32, #tpu.memory_space<vmem>>
        %parallel_loop3A_555 = arith.index_cast %parallel_loop3A_550 : i32 to index
        %parallel_loop3A_556 = arith.constant 32 : index
        %parallel_loop3A_557 = tpu.vector_load %parallel_loop3A_554[%parallel_loop3A_555, %parallel_loop3A_556] {strides = array<i32>} : memref<200x64xf32, #tpu.memory_space<vmem>>, vector<1x16xf32>,
        %parallel_loop3A_558 = vector.shape_cast %parallel_loop3A_557 : vector<1x16xf32> to vector<16xf32>
        %parallel_loop3A_559 = arith.constant 8.000000e+00 : f32
        %parallel_loop3A_560 = vector.broadcast %parallel_loop3A_559 : f32 to vector<16xf32>
        %parallel_loop3A_561 = arith.mulf %parallel_loop3A_558, %parallel_loop3A_560 : vector<16xf32>
        %parallel_loop3A_562 = arith.constant 1 : i32
        %parallel_loop3A_563 = arith.addi %parallel_loop3A_404, %parallel_loop3A_562 : i32
        %parallel_loop3A_564 = arith.constant 0 : i32
        %parallel_loop3A_565 = arith.constant 0 : i32
        %parallel_loop3A_566 = tpu.memref_slice %arg6[%parallel_loop3A_208, %parallel_loop3A_564, %parallel_loop3A_565] : memref<4x200x64xf32, #tpu.memory_space<vmem>> -> memref<1x200x64xf32, #tpu.memory_space<vmem>>
        %parallel_loop3A_567 = tpu.memref_squeeze %parallel_loop3A_566 : memref<1x200x64xf32, #tpu.memory_space<vmem>> -> memref<200x64xf32, #tpu.memory_space<vmem>>
        %parallel_loop3A_568 = arith.index_cast %parallel_loop3A_563 : i32 to index
        %parallel_loop3A_569 = arith.constant 32 : index
        %parallel_loop3A_570 = tpu.vector_load %parallel_loop3A_567[%parallel_loop3A_568, %parallel_loop3A_569] {strides = array<i32>} : memref<200x64xf32, #tpu.memory_space<vmem>>, vector<1x16xf32>,
        %parallel_loop3A_571 = vector.shape_cast %parallel_loop3A_570 : vector<1x16xf32> to vector<16xf32>
        %parallel_loop3A_572 = vector.shape_cast %parallel_loop3A_561 : vector<16xf32> to vector<1x16xf32>
        tpu.vector_store %parallel_loop3A_567[%parallel_loop3A_568, %parallel_loop3A_569], %parallel_loop3A_572 {strides = array<i32>} : memref<200x64xf32, #tpu.memory_space<vmem>>, vector<1x16xf32>,
        %parallel_loop3A_573 = arith.constant 1 : i32
        %parallel_loop3A_574 = arith.addi %parallel_loop3A_404, %parallel_loop3A_573 : i32
        %parallel_loop3A_575 = arith.constant 0 : i32
        %parallel_loop3A_576 = arith.constant 0 : i32
        %parallel_loop3A_577 = tpu.memref_slice %arg6[%parallel_loop3A_208, %parallel_loop3A_575, %parallel_loop3A_576] : memref<4x200x64xf32, #tpu.memory_space<vmem>> -> memref<1x200x64xf32, #tpu.memory_space<vmem>>
        %parallel_loop3A_578 = tpu.memref_squeeze %parallel_loop3A_577 : memref<1x200x64xf32, #tpu.memory_space<vmem>> -> memref<200x64xf32, #tpu.memory_space<vmem>>
        %parallel_loop3A_579 = arith.index_cast %parallel_loop3A_574 : i32 to index
        %parallel_loop3A_580 = arith.constant 48 : index
        %parallel_loop3A_581 = tpu.vector_load %parallel_loop3A_578[%parallel_loop3A_579, %parallel_loop3A_580] {strides = array<i32>} : memref<200x64xf32, #tpu.memory_space<vmem>>, vector<1x16xf32>,
        %parallel_loop3A_582 = vector.shape_cast %parallel_loop3A_581 : vector<1x16xf32> to vector<16xf32>
        %parallel_loop3A_583 = arith.constant 8.000000e+00 : f32
        %parallel_loop3A_584 = vector.broadcast %parallel_loop3A_583 : f32 to vector<16xf32>
        %parallel_loop3A_585 = arith.mulf %parallel_loop3A_582, %parallel_loop3A_584 : vector<16xf32>
        %parallel_loop3A_586 = arith.constant 1 : i32
        %parallel_loop3A_587 = arith.addi %parallel_loop3A_404, %parallel_loop3A_586 : i32
        %parallel_loop3A_588 = arith.constant 0 : i32
        %parallel_loop3A_589 = arith.constant 0 : i32
        %parallel_loop3A_590 = tpu.memref_slice %arg6[%parallel_loop3A_208, %parallel_loop3A_588, %parallel_loop3A_589] : memref<4x200x64xf32, #tpu.memory_space<vmem>> -> memref<1x200x64xf32, #tpu.memory_space<vmem>>
        %parallel_loop3A_591 = tpu.memref_squeeze %parallel_loop3A_590 : memref<1x200x64xf32, #tpu.memory_space<vmem>> -> memref<200x64xf32, #tpu.memory_space<vmem>>
        %parallel_loop3A_592 = arith.index_cast %parallel_loop3A_587 : i32 to index
        %parallel_loop3A_593 = arith.constant 48 : index
        %parallel_loop3A_594 = tpu.vector_load %parallel_loop3A_591[%parallel_loop3A_592, %parallel_loop3A_593] {strides = array<i32>} : memref<200x64xf32, #tpu.memory_space<vmem>>, vector<1x16xf32>,
        %parallel_loop3A_595 = vector.shape_cast %parallel_loop3A_594 : vector<1x16xf32> to vector<16xf32>
        %parallel_loop3A_596 = vector.shape_cast %parallel_loop3A_585 : vector<16xf32> to vector<1x16xf32>
        tpu.vector_store %parallel_loop3A_591[%parallel_loop3A_592, %parallel_loop3A_593], %parallel_loop3A_596 {strides = array<i32>} : memref<200x64xf32, #tpu.memory_space<vmem>>, vector<1x16xf32>,
        %parallel_loop3A_597 = arith.constant 2 : i32
        %parallel_loop3A_598 = arith.addi %parallel_loop3A_404, %parallel_loop3A_597 : i32
        %parallel_loop3A_599 = arith.constant 0 : i32
        %parallel_loop3A_600 = arith.constant 0 : i32
        %parallel_loop3A_601 = tpu.memref_slice %arg6[%parallel_loop3A_208, %parallel_loop3A_599, %parallel_loop3A_600] : memref<4x200x64xf32, #tpu.memory_space<vmem>> -> memref<1x200x64xf32, #tpu.memory_space<vmem>>
        %parallel_loop3A_602 = tpu.memref_squeeze %parallel_loop3A_601 : memref<1x200x64xf32, #tpu.memory_space<vmem>> -> memref<200x64xf32, #tpu.memory_space<vmem>>
        %parallel_loop3A_603 = arith.index_cast %parallel_loop3A_598 : i32 to index
        %parallel_loop3A_604 = arith.constant 0 : index
        %parallel_loop3A_605 = tpu.vector_load %parallel_loop3A_602[%parallel_loop3A_603, %parallel_loop3A_604] {strides = array<i32>} : memref<200x64xf32, #tpu.memory_space<vmem>>, vector<1x16xf32>,
        %parallel_loop3A_606 = vector.shape_cast %parallel_loop3A_605 : vector<1x16xf32> to vector<16xf32>
        %parallel_loop3A_607 = arith.constant 8.000000e+00 : f32
        %parallel_loop3A_608 = vector.broadcast %parallel_loop3A_607 : f32 to vector<16xf32>
        %parallel_loop3A_609 = arith.mulf %parallel_loop3A_606, %parallel_loop3A_608 : vector<16xf32>
        %parallel_loop3A_610 = arith.constant 2 : i32
        %parallel_loop3A_611 = arith.addi %parallel_loop3A_404, %parallel_loop3A_610 : i32
        %parallel_loop3A_612 = arith.constant 0 : i32
        %parallel_loop3A_613 = arith.constant 0 : i32
        %parallel_loop3A_614 = tpu.memref_slice %arg6[%parallel_loop3A_208, %parallel_loop3A_612, %parallel_loop3A_613] : memref<4x200x64xf32, #tpu.memory_space<vmem>> -> memref<1x200x64xf32, #tpu.memory_space<vmem>>
        %parallel_loop3A_615 = tpu.memref_squeeze %parallel_loop3A_614 : memref<1x200x64xf32, #tpu.memory_space<vmem>> -> memref<200x64xf32, #tpu.memory_space<vmem>>
        %parallel_loop3A_616 = arith.index_cast %parallel_loop3A_611 : i32 to index
        %parallel_loop3A_617 = arith.constant 0 : index
        %parallel_loop3A_618 = tpu.vector_load %parallel_loop3A_615[%parallel_loop3A_616, %parallel_loop3A_617] {strides = array<i32>} : memref<200x64xf32, #tpu.memory_space<vmem>>, vector<1x16xf32>,
        %parallel_loop3A_619 = vector.shape_cast %parallel_loop3A_618 : vector<1x16xf32> to vector<16xf32>
        %parallel_loop3A_620 = vector.shape_cast %parallel_loop3A_609 : vector<16xf32> to vector<1x16xf32>
        tpu.vector_store %parallel_loop3A_615[%parallel_loop3A_616, %parallel_loop3A_617], %parallel_loop3A_620 {strides = array<i32>} : memref<200x64xf32, #tpu.memory_space<vmem>>, vector<1x16xf32>,
        %parallel_loop3A_621 = arith.constant 2 : i32
        %parallel_loop3A_622 = arith.addi %parallel_loop3A_404, %parallel_loop3A_621 : i32
        %parallel_loop3A_623 = arith.constant 0 : i32
        %parallel_loop3A_624 = arith.constant 0 : i32
        %parallel_loop3A_625 = tpu.memref_slice %arg6[%parallel_loop3A_208, %parallel_loop3A_623, %parallel_loop3A_624] : memref<4x200x64xf32, #tpu.memory_space<vmem>> -> memref<1x200x64xf32, #tpu.memory_space<vmem>>
        %parallel_loop3A_626 = tpu.memref_squeeze %parallel_loop3A_625 : memref<1x200x64xf32, #tpu.memory_space<vmem>> -> memref<200x64xf32, #tpu.memory_space<vmem>>
        %parallel_loop3A_627 = arith.index_cast %parallel_loop3A_622 : i32 to index
        %parallel_loop3A_628 = arith.constant 16 : index
        %parallel_loop3A_629 = tpu.vector_load %parallel_loop3A_626[%parallel_loop3A_627, %parallel_loop3A_628] {strides = array<i32>} : memref<200x64xf32, #tpu.memory_space<vmem>>, vector<1x16xf32>,
        %parallel_loop3A_630 = vector.shape_cast %parallel_loop3A_629 : vector<1x16xf32> to vector<16xf32>
        %parallel_loop3A_631 = arith.constant 8.000000e+00 : f32
        %parallel_loop3A_632 = vector.broadcast %parallel_loop3A_631 : f32 to vector<16xf32>
        %parallel_loop3A_633 = arith.mulf %parallel_loop3A_630, %parallel_loop3A_632 : vector<16xf32>
        %parallel_loop3A_634 = arith.constant 2 : i32
        %parallel_loop3A_635 = arith.addi %parallel_loop3A_404, %parallel_loop3A_634 : i32
        %parallel_loop3A_636 = arith.constant 0 : i32
        %parallel_loop3A_637 = arith.constant 0 : i32
        %parallel_loop3A_638 = tpu.memref_slice %arg6[%parallel_loop3A_208, %parallel_loop3A_636, %parallel_loop3A_637] : memref<4x200x64xf32, #tpu.memory_space<vmem>> -> memref<1x200x64xf32, #tpu.memory_space<vmem>>
        %parallel_loop3A_639 = tpu.memref_squeeze %parallel_loop3A_638 : memref<1x200x64xf32, #tpu.memory_space<vmem>> -> memref<200x64xf32, #tpu.memory_space<vmem>>
        %parallel_loop3A_640 = arith.index_cast %parallel_loop3A_635 : i32 to index
        %parallel_loop3A_641 = arith.constant 16 : index
        %parallel_loop3A_642 = tpu.vector_load %parallel_loop3A_639[%parallel_loop3A_640, %parallel_loop3A_641] {strides = array<i32>} : memref<200x64xf32, #tpu.memory_space<vmem>>, vector<1x16xf32>,
        %parallel_loop3A_643 = vector.shape_cast %parallel_loop3A_642 : vector<1x16xf32> to vector<16xf32>
        %parallel_loop3A_644 = vector.shape_cast %parallel_loop3A_633 : vector<16xf32> to vector<1x16xf32>
        tpu.vector_store %parallel_loop3A_639[%parallel_loop3A_640, %parallel_loop3A_641], %parallel_loop3A_644 {strides = array<i32>} : memref<200x64xf32, #tpu.memory_space<vmem>>, vector<1x16xf32>,
        %parallel_loop3A_645 = arith.constant 2 : i32
        %parallel_loop3A_646 = arith.addi %parallel_loop3A_404, %parallel_loop3A_645 : i32
        %parallel_loop3A_647 = arith.constant 0 : i32
        %parallel_loop3A_648 = arith.constant 0 : i32
        %parallel_loop3A_649 = tpu.memref_slice %arg6[%parallel_loop3A_208, %parallel_loop3A_647, %parallel_loop3A_648] : memref<4x200x64xf32, #tpu.memory_space<vmem>> -> memref<1x200x64xf32, #tpu.memory_space<vmem>>
        %parallel_loop3A_650 = tpu.memref_squeeze %parallel_loop3A_649 : memref<1x200x64xf32, #tpu.memory_space<vmem>> -> memref<200x64xf32, #tpu.memory_space<vmem>>
        %parallel_loop3A_651 = arith.index_cast %parallel_loop3A_646 : i32 to index
        %parallel_loop3A_652 = arith.constant 32 : index
        %parallel_loop3A_653 = tpu.vector_load %parallel_loop3A_650[%parallel_loop3A_651, %parallel_loop3A_652] {strides = array<i32>} : memref<200x64xf32, #tpu.memory_space<vmem>>, vector<1x16xf32>,
        %parallel_loop3A_654 = vector.shape_cast %parallel_loop3A_653 : vector<1x16xf32> to vector<16xf32>
        %parallel_loop3A_655 = arith.constant 8.000000e+00 : f32
        %parallel_loop3A_656 = vector.broadcast %parallel_loop3A_655 : f32 to vector<16xf32>
        %parallel_loop3A_657 = arith.mulf %parallel_loop3A_654, %parallel_loop3A_656 : vector<16xf32>
        %parallel_loop3A_658 = arith.constant 2 : i32
        %parallel_loop3A_659 = arith.addi %parallel_loop3A_404, %parallel_loop3A_658 : i32
        %parallel_loop3A_660 = arith.constant 0 : i32
        %parallel_loop3A_661 = arith.constant 0 : i32
        %parallel_loop3A_662 = tpu.memref_slice %arg6[%parallel_loop3A_208, %parallel_loop3A_660, %parallel_loop3A_661] : memref<4x200x64xf32, #tpu.memory_space<vmem>> -> memref<1x200x64xf32, #tpu.memory_space<vmem>>
        %parallel_loop3A_663 = tpu.memref_squeeze %parallel_loop3A_662 : memref<1x200x64xf32, #tpu.memory_space<vmem>> -> memref<200x64xf32, #tpu.memory_space<vmem>>
        %parallel_loop3A_664 = arith.index_cast %parallel_loop3A_659 : i32 to index
        %parallel_loop3A_665 = arith.constant 32 : index
        %parallel_loop3A_666 = tpu.vector_load %parallel_loop3A_663[%parallel_loop3A_664, %parallel_loop3A_665] {strides = array<i32>} : memref<200x64xf32, #tpu.memory_space<vmem>>, vector<1x16xf32>,
        %parallel_loop3A_667 = vector.shape_cast %parallel_loop3A_666 : vector<1x16xf32> to vector<16xf32>
        %parallel_loop3A_668 = vector.shape_cast %parallel_loop3A_657 : vector<16xf32> to vector<1x16xf32>
        tpu.vector_store %parallel_loop3A_663[%parallel_loop3A_664, %parallel_loop3A_665], %parallel_loop3A_668 {strides = array<i32>} : memref<200x64xf32, #tpu.memory_space<vmem>>, vector<1x16xf32>,
        %parallel_loop3A_669 = arith.constant 2 : i32
        %parallel_loop3A_670 = arith.addi %parallel_loop3A_404, %parallel_loop3A_669 : i32
        %parallel_loop3A_671 = arith.constant 0 : i32
        %parallel_loop3A_672 = arith.constant 0 : i32
        %parallel_loop3A_673 = tpu.memref_slice %arg6[%parallel_loop3A_208, %parallel_loop3A_671, %parallel_loop3A_672] : memref<4x200x64xf32, #tpu.memory_space<vmem>> -> memref<1x200x64xf32, #tpu.memory_space<vmem>>
        %parallel_loop3A_674 = tpu.memref_squeeze %parallel_loop3A_673 : memref<1x200x64xf32, #tpu.memory_space<vmem>> -> memref<200x64xf32, #tpu.memory_space<vmem>>
        %parallel_loop3A_675 = arith.index_cast %parallel_loop3A_670 : i32 to index
        %parallel_loop3A_676 = arith.constant 48 : index
        %parallel_loop3A_677 = tpu.vector_load %parallel_loop3A_674[%parallel_loop3A_675, %parallel_loop3A_676] {strides = array<i32>} : memref<200x64xf32, #tpu.memory_space<vmem>>, vector<1x16xf32>,
        %parallel_loop3A_678 = vector.shape_cast %parallel_loop3A_677 : vector<1x16xf32> to vector<16xf32>
        %parallel_loop3A_679 = arith.constant 8.000000e+00 : f32
        %parallel_loop3A_680 = vector.broadcast %parallel_loop3A_679 : f32 to vector<16xf32>
        %parallel_loop3A_681 = arith.mulf %parallel_loop3A_678, %parallel_loop3A_680 : vector<16xf32>
        %parallel_loop3A_682 = arith.constant 2 : i32
        %parallel_loop3A_683 = arith.addi %parallel_loop3A_404, %parallel_loop3A_682 : i32
        %parallel_loop3A_684 = arith.constant 0 : i32
        %parallel_loop3A_685 = arith.constant 0 : i32
        %parallel_loop3A_686 = tpu.memref_slice %arg6[%parallel_loop3A_208, %parallel_loop3A_684, %parallel_loop3A_685] : memref<4x200x64xf32, #tpu.memory_space<vmem>> -> memref<1x200x64xf32, #tpu.memory_space<vmem>>
        %parallel_loop3A_687 = tpu.memref_squeeze %parallel_loop3A_686 : memref<1x200x64xf32, #tpu.memory_space<vmem>> -> memref<200x64xf32, #tpu.memory_space<vmem>>
        %parallel_loop3A_688 = arith.index_cast %parallel_loop3A_683 : i32 to index
        %parallel_loop3A_689 = arith.constant 48 : index
        %parallel_loop3A_690 = tpu.vector_load %parallel_loop3A_687[%parallel_loop3A_688, %parallel_loop3A_689] {strides = array<i32>} : memref<200x64xf32, #tpu.memory_space<vmem>>, vector<1x16xf32>,
        %parallel_loop3A_691 = vector.shape_cast %parallel_loop3A_690 : vector<1x16xf32> to vector<16xf32>
        %parallel_loop3A_692 = vector.shape_cast %parallel_loop3A_681 : vector<16xf32> to vector<1x16xf32>
        tpu.vector_store %parallel_loop3A_687[%parallel_loop3A_688, %parallel_loop3A_689], %parallel_loop3A_692 {strides = array<i32>} : memref<200x64xf32, #tpu.memory_space<vmem>>, vector<1x16xf32>,
        %parallel_loop3A_693 = arith.constant 3 : i32
        %parallel_loop3A_694 = arith.addi %parallel_loop3A_404, %parallel_loop3A_693 : i32
        %parallel_loop3A_695 = arith.constant 0 : i32
        %parallel_loop3A_696 = arith.constant 0 : i32
        %parallel_loop3A_697 = tpu.memref_slice %arg6[%parallel_loop3A_208, %parallel_loop3A_695, %parallel_loop3A_696] : memref<4x200x64xf32, #tpu.memory_space<vmem>> -> memref<1x200x64xf32, #tpu.memory_space<vmem>>
        %parallel_loop3A_698 = tpu.memref_squeeze %parallel_loop3A_697 : memref<1x200x64xf32, #tpu.memory_space<vmem>> -> memref<200x64xf32, #tpu.memory_space<vmem>>
        %parallel_loop3A_699 = arith.index_cast %parallel_loop3A_694 : i32 to index
        %parallel_loop3A_700 = arith.constant 0 : index
        %parallel_loop3A_701 = tpu.vector_load %parallel_loop3A_698[%parallel_loop3A_699, %parallel_loop3A_700] {strides = array<i32>} : memref<200x64xf32, #tpu.memory_space<vmem>>, vector<1x16xf32>,
        %parallel_loop3A_702 = vector.shape_cast %parallel_loop3A_701 : vector<1x16xf32> to vector<16xf32>
        %parallel_loop3A_703 = arith.constant 8.000000e+00 : f32
        %parallel_loop3A_704 = vector.broadcast %parallel_loop3A_703 : f32 to vector<16xf32>
        %parallel_loop3A_705 = arith.mulf %parallel_loop3A_702, %parallel_loop3A_704 : vector<16xf32>
        %parallel_loop3A_706 = arith.constant 3 : i32
        %parallel_loop3A_707 = arith.addi %parallel_loop3A_404, %parallel_loop3A_706 : i32
        %parallel_loop3A_708 = arith.constant 0 : i32
        %parallel_loop3A_709 = arith.constant 0 : i32
        %parallel_loop3A_710 = tpu.memref_slice %arg6[%parallel_loop3A_208, %parallel_loop3A_708, %parallel_loop3A_709] : memref<4x200x64xf32, #tpu.memory_space<vmem>> -> memref<1x200x64xf32, #tpu.memory_space<vmem>>
        %parallel_loop3A_711 = tpu.memref_squeeze %parallel_loop3A_710 : memref<1x200x64xf32, #tpu.memory_space<vmem>> -> memref<200x64xf32, #tpu.memory_space<vmem>>
        %parallel_loop3A_712 = arith.index_cast %parallel_loop3A_707 : i32 to index
        %parallel_loop3A_713 = arith.constant 0 : index
        %parallel_loop3A_714 = tpu.vector_load %parallel_loop3A_711[%parallel_loop3A_712, %parallel_loop3A_713] {strides = array<i32>} : memref<200x64xf32, #tpu.memory_space<vmem>>, vector<1x16xf32>,
        %parallel_loop3A_715 = vector.shape_cast %parallel_loop3A_714 : vector<1x16xf32> to vector<16xf32>
        %parallel_loop3A_716 = vector.shape_cast %parallel_loop3A_705 : vector<16xf32> to vector<1x16xf32>
        tpu.vector_store %parallel_loop3A_711[%parallel_loop3A_712, %parallel_loop3A_713], %parallel_loop3A_716 {strides = array<i32>} : memref<200x64xf32, #tpu.memory_space<vmem>>, vector<1x16xf32>,
        %parallel_loop3A_717 = arith.constant 3 : i32
        %parallel_loop3A_718 = arith.addi %parallel_loop3A_404, %parallel_loop3A_717 : i32
        %parallel_loop3A_719 = arith.constant 0 : i32
        %parallel_loop3A_720 = arith.constant 0 : i32
        %parallel_loop3A_721 = tpu.memref_slice %arg6[%parallel_loop3A_208, %parallel_loop3A_719, %parallel_loop3A_720] : memref<4x200x64xf32, #tpu.memory_space<vmem>> -> memref<1x200x64xf32, #tpu.memory_space<vmem>>
        %parallel_loop3A_722 = tpu.memref_squeeze %parallel_loop3A_721 : memref<1x200x64xf32, #tpu.memory_space<vmem>> -> memref<200x64xf32, #tpu.memory_space<vmem>>
        %parallel_loop3A_723 = arith.index_cast %parallel_loop3A_718 : i32 to index
        %parallel_loop3A_724 = arith.constant 16 : index
        %parallel_loop3A_725 = tpu.vector_load %parallel_loop3A_722[%parallel_loop3A_723, %parallel_loop3A_724] {strides = array<i32>} : memref<200x64xf32, #tpu.memory_space<vmem>>, vector<1x16xf32>,
        %parallel_loop3A_726 = vector.shape_cast %parallel_loop3A_725 : vector<1x16xf32> to vector<16xf32>
        %parallel_loop3A_727 = arith.constant 8.000000e+00 : f32
        %parallel_loop3A_728 = vector.broadcast %parallel_loop3A_727 : f32 to vector<16xf32>
        %parallel_loop3A_729 = arith.mulf %parallel_loop3A_726, %parallel_loop3A_728 : vector<16xf32>
        %parallel_loop3A_730 = arith.constant 3 : i32
        %parallel_loop3A_731 = arith.addi %parallel_loop3A_404, %parallel_loop3A_730 : i32
        %parallel_loop3A_732 = arith.constant 0 : i32
        %parallel_loop3A_733 = arith.constant 0 : i32
        %parallel_loop3A_734 = tpu.memref_slice %arg6[%parallel_loop3A_208, %parallel_loop3A_732, %parallel_loop3A_733] : memref<4x200x64xf32, #tpu.memory_space<vmem>> -> memref<1x200x64xf32, #tpu.memory_space<vmem>>
        %parallel_loop3A_735 = tpu.memref_squeeze %parallel_loop3A_734 : memref<1x200x64xf32, #tpu.memory_space<vmem>> -> memref<200x64xf32, #tpu.memory_space<vmem>>
        %parallel_loop3A_736 = arith.index_cast %parallel_loop3A_731 : i32 to index
        %parallel_loop3A_737 = arith.constant 16 : index
        %parallel_loop3A_738 = tpu.vector_load %parallel_loop3A_735[%parallel_loop3A_736, %parallel_loop3A_737] {strides = array<i32>} : memref<200x64xf32, #tpu.memory_space<vmem>>, vector<1x16xf32>,
        %parallel_loop3A_739 = vector.shape_cast %parallel_loop3A_738 : vector<1x16xf32> to vector<16xf32>
        %parallel_loop3A_740 = vector.shape_cast %parallel_loop3A_729 : vector<16xf32> to vector<1x16xf32>
        tpu.vector_store %parallel_loop3A_735[%parallel_loop3A_736, %parallel_loop3A_737], %parallel_loop3A_740 {strides = array<i32>} : memref<200x64xf32, #tpu.memory_space<vmem>>, vector<1x16xf32>,
        %parallel_loop3A_741 = arith.constant 3 : i32
        %parallel_loop3A_742 = arith.addi %parallel_loop3A_404, %parallel_loop3A_741 : i32
        %parallel_loop3A_743 = arith.constant 0 : i32
        %parallel_loop3A_744 = arith.constant 0 : i32
        %parallel_loop3A_745 = tpu.memref_slice %arg6[%parallel_loop3A_208, %parallel_loop3A_743, %parallel_loop3A_744] : memref<4x200x64xf32, #tpu.memory_space<vmem>> -> memref<1x200x64xf32, #tpu.memory_space<vmem>>
        %parallel_loop3A_746 = tpu.memref_squeeze %parallel_loop3A_745 : memref<1x200x64xf32, #tpu.memory_space<vmem>> -> memref<200x64xf32, #tpu.memory_space<vmem>>
        %parallel_loop3A_747 = arith.index_cast %parallel_loop3A_742 : i32 to index
        %parallel_loop3A_748 = arith.constant 32 : index
        %parallel_loop3A_749 = tpu.vector_load %parallel_loop3A_746[%parallel_loop3A_747, %parallel_loop3A_748] {strides = array<i32>} : memref<200x64xf32, #tpu.memory_space<vmem>>, vector<1x16xf32>,
        %parallel_loop3A_750 = vector.shape_cast %parallel_loop3A_749 : vector<1x16xf32> to vector<16xf32>
        %parallel_loop3A_751 = arith.constant 8.000000e+00 : f32
        %parallel_loop3A_752 = vector.broadcast %parallel_loop3A_751 : f32 to vector<16xf32>
        %parallel_loop3A_753 = arith.mulf %parallel_loop3A_750, %parallel_loop3A_752 : vector<16xf32>
        %parallel_loop3A_754 = arith.constant 3 : i32
        %parallel_loop3A_755 = arith.addi %parallel_loop3A_404, %parallel_loop3A_754 : i32
        %parallel_loop3A_756 = arith.constant 0 : i32
        %parallel_loop3A_757 = arith.constant 0 : i32
        %parallel_loop3A_758 = tpu.memref_slice %arg6[%parallel_loop3A_208, %parallel_loop3A_756, %parallel_loop3A_757] : memref<4x200x64xf32, #tpu.memory_space<vmem>> -> memref<1x200x64xf32, #tpu.memory_space<vmem>>
        %parallel_loop3A_759 = tpu.memref_squeeze %parallel_loop3A_758 : memref<1x200x64xf32, #tpu.memory_space<vmem>> -> memref<200x64xf32, #tpu.memory_space<vmem>>
        %parallel_loop3A_760 = arith.index_cast %parallel_loop3A_755 : i32 to index
        %parallel_loop3A_761 = arith.constant 32 : index
        %parallel_loop3A_762 = tpu.vector_load %parallel_loop3A_759[%parallel_loop3A_760, %parallel_loop3A_761] {strides = array<i32>} : memref<200x64xf32, #tpu.memory_space<vmem>>, vector<1x16xf32>,
        %parallel_loop3A_763 = vector.shape_cast %parallel_loop3A_762 : vector<1x16xf32> to vector<16xf32>
        %parallel_loop3A_764 = vector.shape_cast %parallel_loop3A_753 : vector<16xf32> to vector<1x16xf32>
        tpu.vector_store %parallel_loop3A_759[%parallel_loop3A_760, %parallel_loop3A_761], %parallel_loop3A_764 {strides = array<i32>} : memref<200x64xf32, #tpu.memory_space<vmem>>, vector<1x16xf32>,
        %parallel_loop3A_765 = arith.constant 3 : i32
        %parallel_loop3A_766 = arith.addi %parallel_loop3A_404, %parallel_loop3A_765 : i32
        %parallel_loop3A_767 = arith.constant 0 : i32
        %parallel_loop3A_768 = arith.constant 0 : i32
        %parallel_loop3A_769 = tpu.memref_slice %arg6[%parallel_loop3A_208, %parallel_loop3A_767, %parallel_loop3A_768] : memref<4x200x64xf32, #tpu.memory_space<vmem>> -> memref<1x200x64xf32, #tpu.memory_space<vmem>>
        %parallel_loop3A_770 = tpu.memref_squeeze %parallel_loop3A_769 : memref<1x200x64xf32, #tpu.memory_space<vmem>> -> memref<200x64xf32, #tpu.memory_space<vmem>>
        %parallel_loop3A_771 = arith.index_cast %parallel_loop3A_766 : i32 to index
        %parallel_loop3A_772 = arith.constant 48 : index
        %parallel_loop3A_773 = tpu.vector_load %parallel_loop3A_770[%parallel_loop3A_771, %parallel_loop3A_772] {strides = array<i32>} : memref<200x64xf32, #tpu.memory_space<vmem>>, vector<1x16xf32>,
        %parallel_loop3A_774 = vector.shape_cast %parallel_loop3A_773 : vector<1x16xf32> to vector<16xf32>
        %parallel_loop3A_775 = arith.constant 8.000000e+00 : f32
        %parallel_loop3A_776 = vector.broadcast %parallel_loop3A_775 : f32 to vector<16xf32>
        %parallel_loop3A_777 = arith.mulf %parallel_loop3A_774, %parallel_loop3A_776 : vector<16xf32>
        %parallel_loop3A_778 = arith.constant 3 : i32
        %parallel_loop3A_779 = arith.addi %parallel_loop3A_404, %parallel_loop3A_778 : i32
        %parallel_loop3A_780 = arith.constant 0 : i32
        %parallel_loop3A_781 = arith.constant 0 : i32
        %parallel_loop3A_782 = tpu.memref_slice %arg6[%parallel_loop3A_208, %parallel_loop3A_780, %parallel_loop3A_781] : memref<4x200x64xf32, #tpu.memory_space<vmem>> -> memref<1x200x64xf32, #tpu.memory_space<vmem>>
        %parallel_loop3A_783 = tpu.memref_squeeze %parallel_loop3A_782 : memref<1x200x64xf32, #tpu.memory_space<vmem>> -> memref<200x64xf32, #tpu.memory_space<vmem>>
        %parallel_loop3A_784 = arith.index_cast %parallel_loop3A_779 : i32 to index
        %parallel_loop3A_785 = arith.constant 48 : index
        %parallel_loop3A_786 = tpu.vector_load %parallel_loop3A_783[%parallel_loop3A_784, %parallel_loop3A_785] {strides = array<i32>} : memref<200x64xf32, #tpu.memory_space<vmem>>, vector<1x16xf32>,
        %parallel_loop3A_787 = vector.shape_cast %parallel_loop3A_786 : vector<1x16xf32> to vector<16xf32>
        %parallel_loop3A_788 = vector.shape_cast %parallel_loop3A_777 : vector<16xf32> to vector<1x16xf32>
        tpu.vector_store %parallel_loop3A_783[%parallel_loop3A_784, %parallel_loop3A_785], %parallel_loop3A_788 {strides = array<i32>} : memref<200x64xf32, #tpu.memory_space<vmem>>, vector<1x16xf32>,
        %parallel_loop3A_789 = arith.constant 4 : i32
        %parallel_loop3A_790 = arith.addi %parallel_loop3A_404, %parallel_loop3A_789 : i32
        %parallel_loop3A_791 = arith.constant 0 : i32
        %parallel_loop3A_792 = arith.constant 0 : i32
        %parallel_loop3A_793 = tpu.memref_slice %arg6[%parallel_loop3A_208, %parallel_loop3A_791, %parallel_loop3A_792] : memref<4x200x64xf32, #tpu.memory_space<vmem>> -> memref<1x200x64xf32, #tpu.memory_space<vmem>>
        %parallel_loop3A_794 = tpu.memref_squeeze %parallel_loop3A_793 : memref<1x200x64xf32, #tpu.memory_space<vmem>> -> memref<200x64xf32, #tpu.memory_space<vmem>>
        %parallel_loop3A_795 = arith.index_cast %parallel_loop3A_790 : i32 to index
        %parallel_loop3A_796 = arith.constant 0 : index
        %parallel_loop3A_797 = tpu.vector_load %parallel_loop3A_794[%parallel_loop3A_795, %parallel_loop3A_796] {strides = array<i32>} : memref<200x64xf32, #tpu.memory_space<vmem>>, vector<1x16xf32>,
        %parallel_loop3A_798 = vector.shape_cast %parallel_loop3A_797 : vector<1x16xf32> to vector<16xf32>
        %parallel_loop3A_799 = arith.constant 8.000000e+00 : f32
        %parallel_loop3A_800 = vector.broadcast %parallel_loop3A_799 : f32 to vector<16xf32>
        %parallel_loop3A_801 = arith.mulf %parallel_loop3A_798, %parallel_loop3A_800 : vector<16xf32>
        %parallel_loop3A_802 = arith.constant 4 : i32
        %parallel_loop3A_803 = arith.addi %parallel_loop3A_404, %parallel_loop3A_802 : i32
        %parallel_loop3A_804 = arith.constant 0 : i32
        %parallel_loop3A_805 = arith.constant 0 : i32
        %parallel_loop3A_806 = tpu.memref_slice %arg6[%parallel_loop3A_208, %parallel_loop3A_804, %parallel_loop3A_805] : memref<4x200x64xf32, #tpu.memory_space<vmem>> -> memref<1x200x64xf32, #tpu.memory_space<vmem>>
        %parallel_loop3A_807 = tpu.memref_squeeze %parallel_loop3A_806 : memref<1x200x64xf32, #tpu.memory_space<vmem>> -> memref<200x64xf32, #tpu.memory_space<vmem>>
        %parallel_loop3A_808 = arith.index_cast %parallel_loop3A_803 : i32 to index
        %parallel_loop3A_809 = arith.constant 0 : index
        %parallel_loop3A_810 = tpu.vector_load %parallel_loop3A_807[%parallel_loop3A_808, %parallel_loop3A_809] {strides = array<i32>} : memref<200x64xf32, #tpu.memory_space<vmem>>, vector<1x16xf32>,
        %parallel_loop3A_811 = vector.shape_cast %parallel_loop3A_810 : vector<1x16xf32> to vector<16xf32>
        %parallel_loop3A_812 = vector.shape_cast %parallel_loop3A_801 : vector<16xf32> to vector<1x16xf32>
        tpu.vector_store %parallel_loop3A_807[%parallel_loop3A_808, %parallel_loop3A_809], %parallel_loop3A_812 {strides = array<i32>} : memref<200x64xf32, #tpu.memory_space<vmem>>, vector<1x16xf32>,
        %parallel_loop3A_813 = arith.constant 4 : i32
        %parallel_loop3A_814 = arith.addi %parallel_loop3A_404, %parallel_loop3A_813 : i32
        %parallel_loop3A_815 = arith.constant 0 : i32
        %parallel_loop3A_816 = arith.constant 0 : i32
        %parallel_loop3A_817 = tpu.memref_slice %arg6[%parallel_loop3A_208, %parallel_loop3A_815, %parallel_loop3A_816] : memref<4x200x64xf32, #tpu.memory_space<vmem>> -> memref<1x200x64xf32, #tpu.memory_space<vmem>>
        %parallel_loop3A_818 = tpu.memref_squeeze %parallel_loop3A_817 : memref<1x200x64xf32, #tpu.memory_space<vmem>> -> memref<200x64xf32, #tpu.memory_space<vmem>>
        %parallel_loop3A_819 = arith.index_cast %parallel_loop3A_814 : i32 to index
        %parallel_loop3A_820 = arith.constant 16 : index
        %parallel_loop3A_821 = tpu.vector_load %parallel_loop3A_818[%parallel_loop3A_819, %parallel_loop3A_820] {strides = array<i32>} : memref<200x64xf32, #tpu.memory_space<vmem>>, vector<1x16xf32>,
        %parallel_loop3A_822 = vector.shape_cast %parallel_loop3A_821 : vector<1x16xf32> to vector<16xf32>
        %parallel_loop3A_823 = arith.constant 8.000000e+00 : f32
        %parallel_loop3A_824 = vector.broadcast %parallel_loop3A_823 : f32 to vector<16xf32>
        %parallel_loop3A_825 = arith.mulf %parallel_loop3A_822, %parallel_loop3A_824 : vector<16xf32>
        %parallel_loop3A_826 = arith.constant 4 : i32
        %parallel_loop3A_827 = arith.addi %parallel_loop3A_404, %parallel_loop3A_826 : i32
        %parallel_loop3A_828 = arith.constant 0 : i32
        %parallel_loop3A_829 = arith.constant 0 : i32
        %parallel_loop3A_830 = tpu.memref_slice %arg6[%parallel_loop3A_208, %parallel_loop3A_828, %parallel_loop3A_829] : memref<4x200x64xf32, #tpu.memory_space<vmem>> -> memref<1x200x64xf32, #tpu.memory_space<vmem>>
        %parallel_loop3A_831 = tpu.memref_squeeze %parallel_loop3A_830 : memref<1x200x64xf32, #tpu.memory_space<vmem>> -> memref<200x64xf32, #tpu.memory_space<vmem>>
        %parallel_loop3A_832 = arith.index_cast %parallel_loop3A_827 : i32 to index
        %parallel_loop3A_833 = arith.constant 16 : index
        %parallel_loop3A_834 = tpu.vector_load %parallel_loop3A_831[%parallel_loop3A_832, %parallel_loop3A_833] {strides = array<i32>} : memref<200x64xf32, #tpu.memory_space<vmem>>, vector<1x16xf32>,
        %parallel_loop3A_835 = vector.shape_cast %parallel_loop3A_834 : vector<1x16xf32> to vector<16xf32>
        %parallel_loop3A_836 = vector.shape_cast %parallel_loop3A_825 : vector<16xf32> to vector<1x16xf32>
        tpu.vector_store %parallel_loop3A_831[%parallel_loop3A_832, %parallel_loop3A_833], %parallel_loop3A_836 {strides = array<i32>} : memref<200x64xf32, #tpu.memory_space<vmem>>, vector<1x16xf32>,
        %parallel_loop3A_837 = arith.constant 4 : i32
        %parallel_loop3A_838 = arith.addi %parallel_loop3A_404, %parallel_loop3A_837 : i32
        %parallel_loop3A_839 = arith.constant 0 : i32
        %parallel_loop3A_840 = arith.constant 0 : i32
        %parallel_loop3A_841 = tpu.memref_slice %arg6[%parallel_loop3A_208, %parallel_loop3A_839, %parallel_loop3A_840] : memref<4x200x64xf32, #tpu.memory_space<vmem>> -> memref<1x200x64xf32, #tpu.memory_space<vmem>>
        %parallel_loop3A_842 = tpu.memref_squeeze %parallel_loop3A_841 : memref<1x200x64xf32, #tpu.memory_space<vmem>> -> memref<200x64xf32, #tpu.memory_space<vmem>>
        %parallel_loop3A_843 = arith.index_cast %parallel_loop3A_838 : i32 to index
        %parallel_loop3A_844 = arith.constant 32 : index
        %parallel_loop3A_845 = tpu.vector_load %parallel_loop3A_842[%parallel_loop3A_843, %parallel_loop3A_844] {strides = array<i32>} : memref<200x64xf32, #tpu.memory_space<vmem>>, vector<1x16xf32>,
        %parallel_loop3A_846 = vector.shape_cast %parallel_loop3A_845 : vector<1x16xf32> to vector<16xf32>
        %parallel_loop3A_847 = arith.constant 8.000000e+00 : f32
        %parallel_loop3A_848 = vector.broadcast %parallel_loop3A_847 : f32 to vector<16xf32>
        %parallel_loop3A_849 = arith.mulf %parallel_loop3A_846, %parallel_loop3A_848 : vector<16xf32>
        %parallel_loop3A_850 = arith.constant 4 : i32
        %parallel_loop3A_851 = arith.addi %parallel_loop3A_404, %parallel_loop3A_850 : i32
        %parallel_loop3A_852 = arith.constant 0 : i32
        %parallel_loop3A_853 = arith.constant 0 : i32
        %parallel_loop3A_854 = tpu.memref_slice %arg6[%parallel_loop3A_208, %parallel_loop3A_852, %parallel_loop3A_853] : memref<4x200x64xf32, #tpu.memory_space<vmem>> -> memref<1x200x64xf32, #tpu.memory_space<vmem>>
        %parallel_loop3A_855 = tpu.memref_squeeze %parallel_loop3A_854 : memref<1x200x64xf32, #tpu.memory_space<vmem>> -> memref<200x64xf32, #tpu.memory_space<vmem>>
        %parallel_loop3A_856 = arith.index_cast %parallel_loop3A_851 : i32 to index
        %parallel_loop3A_857 = arith.constant 32 : index
        %parallel_loop3A_858 = tpu.vector_load %parallel_loop3A_855[%parallel_loop3A_856, %parallel_loop3A_857] {strides = array<i32>} : memref<200x64xf32, #tpu.memory_space<vmem>>, vector<1x16xf32>,
        %parallel_loop3A_859 = vector.shape_cast %parallel_loop3A_858 : vector<1x16xf32> to vector<16xf32>
        %parallel_loop3A_860 = vector.shape_cast %parallel_loop3A_849 : vector<16xf32> to vector<1x16xf32>
        tpu.vector_store %parallel_loop3A_855[%parallel_loop3A_856, %parallel_loop3A_857], %parallel_loop3A_860 {strides = array<i32>} : memref<200x64xf32, #tpu.memory_space<vmem>>, vector<1x16xf32>,
        %parallel_loop3A_861 = arith.constant 4 : i32
        %parallel_loop3A_862 = arith.addi %parallel_loop3A_404, %parallel_loop3A_861 : i32
        %parallel_loop3A_863 = arith.constant 0 : i32
        %parallel_loop3A_864 = arith.constant 0 : i32
        %parallel_loop3A_865 = tpu.memref_slice %arg6[%parallel_loop3A_208, %parallel_loop3A_863, %parallel_loop3A_864] : memref<4x200x64xf32, #tpu.memory_space<vmem>> -> memref<1x200x64xf32, #tpu.memory_space<vmem>>
        %parallel_loop3A_866 = tpu.memref_squeeze %parallel_loop3A_865 : memref<1x200x64xf32, #tpu.memory_space<vmem>> -> memref<200x64xf32, #tpu.memory_space<vmem>>
        %parallel_loop3A_867 = arith.index_cast %parallel_loop3A_862 : i32 to index
        %parallel_loop3A_868 = arith.constant 48 : index
        %parallel_loop3A_869 = tpu.vector_load %parallel_loop3A_866[%parallel_loop3A_867, %parallel_loop3A_868] {strides = array<i32>} : memref<200x64xf32, #tpu.memory_space<vmem>>, vector<1x16xf32>,
        %parallel_loop3A_870 = vector.shape_cast %parallel_loop3A_869 : vector<1x16xf32> to vector<16xf32>
        %parallel_loop3A_871 = arith.constant 8.000000e+00 : f32
        %parallel_loop3A_872 = vector.broadcast %parallel_loop3A_871 : f32 to vector<16xf32>
        %parallel_loop3A_873 = arith.mulf %parallel_loop3A_870, %parallel_loop3A_872 : vector<16xf32>
        %parallel_loop3A_874 = arith.constant 4 : i32
        %parallel_loop3A_875 = arith.addi %parallel_loop3A_404, %parallel_loop3A_874 : i32
        %parallel_loop3A_876 = arith.constant 0 : i32
        %parallel_loop3A_877 = arith.constant 0 : i32
        %parallel_loop3A_878 = tpu.memref_slice %arg6[%parallel_loop3A_208, %parallel_loop3A_876, %parallel_loop3A_877] : memref<4x200x64xf32, #tpu.memory_space<vmem>> -> memref<1x200x64xf32, #tpu.memory_space<vmem>>
        %parallel_loop3A_879 = tpu.memref_squeeze %parallel_loop3A_878 : memref<1x200x64xf32, #tpu.memory_space<vmem>> -> memref<200x64xf32, #tpu.memory_space<vmem>>
        %parallel_loop3A_880 = arith.index_cast %parallel_loop3A_875 : i32 to index
        %parallel_loop3A_881 = arith.constant 48 : index
        %parallel_loop3A_882 = tpu.vector_load %parallel_loop3A_879[%parallel_loop3A_880, %parallel_loop3A_881] {strides = array<i32>} : memref<200x64xf32, #tpu.memory_space<vmem>>, vector<1x16xf32>,
        %parallel_loop3A_883 = vector.shape_cast %parallel_loop3A_882 : vector<1x16xf32> to vector<16xf32>
        %parallel_loop3A_884 = vector.shape_cast %parallel_loop3A_873 : vector<16xf32> to vector<1x16xf32>
        tpu.vector_store %parallel_loop3A_879[%parallel_loop3A_880, %parallel_loop3A_881], %parallel_loop3A_884 {strides = array<i32>} : memref<200x64xf32, #tpu.memory_space<vmem>>, vector<1x16xf32>,
        %parallel_loop3A_885 = arith.constant 5 : i32
        %parallel_loop3A_886 = arith.addi %parallel_loop3A_404, %parallel_loop3A_885 : i32
        %parallel_loop3A_887 = arith.constant 0 : i32
        %parallel_loop3A_888 = arith.constant 0 : i32
        %parallel_loop3A_889 = tpu.memref_slice %arg6[%parallel_loop3A_208, %parallel_loop3A_887, %parallel_loop3A_888] : memref<4x200x64xf32, #tpu.memory_space<vmem>> -> memref<1x200x64xf32, #tpu.memory_space<vmem>>
        %parallel_loop3A_890 = tpu.memref_squeeze %parallel_loop3A_889 : memref<1x200x64xf32, #tpu.memory_space<vmem>> -> memref<200x64xf32, #tpu.memory_space<vmem>>
        %parallel_loop3A_891 = arith.index_cast %parallel_loop3A_886 : i32 to index
        %parallel_loop3A_892 = arith.constant 0 : index
        %parallel_loop3A_893 = tpu.vector_load %parallel_loop3A_890[%parallel_loop3A_891, %parallel_loop3A_892] {strides = array<i32>} : memref<200x64xf32, #tpu.memory_space<vmem>>, vector<1x16xf32>,
        %parallel_loop3A_894 = vector.shape_cast %parallel_loop3A_893 : vector<1x16xf32> to vector<16xf32>
        %parallel_loop3A_895 = arith.constant 8.000000e+00 : f32
        %parallel_loop3A_896 = vector.broadcast %parallel_loop3A_895 : f32 to vector<16xf32>
        %parallel_loop3A_897 = arith.mulf %parallel_loop3A_894, %parallel_loop3A_896 : vector<16xf32>
        %parallel_loop3A_898 = arith.constant 5 : i32
        %parallel_loop3A_899 = arith.addi %parallel_loop3A_404, %parallel_loop3A_898 : i32
        %parallel_loop3A_900 = arith.constant 0 : i32
        %parallel_loop3A_901 = arith.constant 0 : i32
        %parallel_loop3A_902 = tpu.memref_slice %arg6[%parallel_loop3A_208, %parallel_loop3A_900, %parallel_loop3A_901] : memref<4x200x64xf32, #tpu.memory_space<vmem>> -> memref<1x200x64xf32, #tpu.memory_space<vmem>>
        %parallel_loop3A_903 = tpu.memref_squeeze %parallel_loop3A_902 : memref<1x200x64xf32, #tpu.memory_space<vmem>> -> memref<200x64xf32, #tpu.memory_space<vmem>>
        %parallel_loop3A_904 = arith.index_cast %parallel_loop3A_899 : i32 to index
        %parallel_loop3A_905 = arith.constant 0 : index
        %parallel_loop3A_906 = tpu.vector_load %parallel_loop3A_903[%parallel_loop3A_904, %parallel_loop3A_905] {strides = array<i32>} : memref<200x64xf32, #tpu.memory_space<vmem>>, vector<1x16xf32>,
        %parallel_loop3A_907 = vector.shape_cast %parallel_loop3A_906 : vector<1x16xf32> to vector<16xf32>
        %parallel_loop3A_908 = vector.shape_cast %parallel_loop3A_897 : vector<16xf32> to vector<1x16xf32>
        tpu.vector_store %parallel_loop3A_903[%parallel_loop3A_904, %parallel_loop3A_905], %parallel_loop3A_908 {strides = array<i32>} : memref<200x64xf32, #tpu.memory_space<vmem>>, vector<1x16xf32>,
        %parallel_loop3A_909 = arith.constant 5 : i32
        %parallel_loop3A_910 = arith.addi %parallel_loop3A_404, %parallel_loop3A_909 : i32
        %parallel_loop3A_911 = arith.constant 0 : i32
        %parallel_loop3A_912 = arith.constant 0 : i32
        %parallel_loop3A_913 = tpu.memref_slice %arg6[%parallel_loop3A_208, %parallel_loop3A_911, %parallel_loop3A_912] : memref<4x200x64xf32, #tpu.memory_space<vmem>> -> memref<1x200x64xf32, #tpu.memory_space<vmem>>
        %parallel_loop3A_914 = tpu.memref_squeeze %parallel_loop3A_913 : memref<1x200x64xf32, #tpu.memory_space<vmem>> -> memref<200x64xf32, #tpu.memory_space<vmem>>
        %parallel_loop3A_915 = arith.index_cast %parallel_loop3A_910 : i32 to index
        %parallel_loop3A_916 = arith.constant 16 : index
        %parallel_loop3A_917 = tpu.vector_load %parallel_loop3A_914[%parallel_loop3A_915, %parallel_loop3A_916] {strides = array<i32>} : memref<200x64xf32, #tpu.memory_space<vmem>>, vector<1x16xf32>,
        %parallel_loop3A_918 = vector.shape_cast %parallel_loop3A_917 : vector<1x16xf32> to vector<16xf32>
        %parallel_loop3A_919 = arith.constant 8.000000e+00 : f32
        %parallel_loop3A_920 = vector.broadcast %parallel_loop3A_919 : f32 to vector<16xf32>
        %parallel_loop3A_921 = arith.mulf %parallel_loop3A_918, %parallel_loop3A_920 : vector<16xf32>
        %parallel_loop3A_922 = arith.constant 5 : i32
        %parallel_loop3A_923 = arith.addi %parallel_loop3A_404, %parallel_loop3A_922 : i32
        %parallel_loop3A_924 = arith.constant 0 : i32
        %parallel_loop3A_925 = arith.constant 0 : i32
        %parallel_loop3A_926 = tpu.memref_slice %arg6[%parallel_loop3A_208, %parallel_loop3A_924, %parallel_loop3A_925] : memref<4x200x64xf32, #tpu.memory_space<vmem>> -> memref<1x200x64xf32, #tpu.memory_space<vmem>>
        %parallel_loop3A_927 = tpu.memref_squeeze %parallel_loop3A_926 : memref<1x200x64xf32, #tpu.memory_space<vmem>> -> memref<200x64xf32, #tpu.memory_space<vmem>>
        %parallel_loop3A_928 = arith.index_cast %parallel_loop3A_923 : i32 to index
        %parallel_loop3A_929 = arith.constant 16 : index
        %parallel_loop3A_930 = tpu.vector_load %parallel_loop3A_927[%parallel_loop3A_928, %parallel_loop3A_929] {strides = array<i32>} : memref<200x64xf32, #tpu.memory_space<vmem>>, vector<1x16xf32>,
        %parallel_loop3A_931 = vector.shape_cast %parallel_loop3A_930 : vector<1x16xf32> to vector<16xf32>
        %parallel_loop3A_932 = vector.shape_cast %parallel_loop3A_921 : vector<16xf32> to vector<1x16xf32>
        tpu.vector_store %parallel_loop3A_927[%parallel_loop3A_928, %parallel_loop3A_929], %parallel_loop3A_932 {strides = array<i32>} : memref<200x64xf32, #tpu.memory_space<vmem>>, vector<1x16xf32>,
        %parallel_loop3A_933 = arith.constant 5 : i32
        %parallel_loop3A_934 = arith.addi %parallel_loop3A_404, %parallel_loop3A_933 : i32
        %parallel_loop3A_935 = arith.constant 0 : i32
        %parallel_loop3A_936 = arith.constant 0 : i32
        %parallel_loop3A_937 = tpu.memref_slice %arg6[%parallel_loop3A_208, %parallel_loop3A_935, %parallel_loop3A_936] : memref<4x200x64xf32, #tpu.memory_space<vmem>> -> memref<1x200x64xf32, #tpu.memory_space<vmem>>
        %parallel_loop3A_938 = tpu.memref_squeeze %parallel_loop3A_937 : memref<1x200x64xf32, #tpu.memory_space<vmem>> -> memref<200x64xf32, #tpu.memory_space<vmem>>
        %parallel_loop3A_939 = arith.index_cast %parallel_loop3A_934 : i32 to index
        %parallel_loop3A_940 = arith.constant 32 : index
        %parallel_loop3A_941 = tpu.vector_load %parallel_loop3A_938[%parallel_loop3A_939, %parallel_loop3A_940] {strides = array<i32>} : memref<200x64xf32, #tpu.memory_space<vmem>>, vector<1x16xf32>,
        %parallel_loop3A_942 = vector.shape_cast %parallel_loop3A_941 : vector<1x16xf32> to vector<16xf32>
        %parallel_loop3A_943 = arith.constant 8.000000e+00 : f32
        %parallel_loop3A_944 = vector.broadcast %parallel_loop3A_943 : f32 to vector<16xf32>
        %parallel_loop3A_945 = arith.mulf %parallel_loop3A_942, %parallel_loop3A_944 : vector<16xf32>
        %parallel_loop3A_946 = arith.constant 5 : i32
        %parallel_loop3A_947 = arith.addi %parallel_loop3A_404, %parallel_loop3A_946 : i32
        %parallel_loop3A_948 = arith.constant 0 : i32
        %parallel_loop3A_949 = arith.constant 0 : i32
        %parallel_loop3A_950 = tpu.memref_slice %arg6[%parallel_loop3A_208, %parallel_loop3A_948, %parallel_loop3A_949] : memref<4x200x64xf32, #tpu.memory_space<vmem>> -> memref<1x200x64xf32, #tpu.memory_space<vmem>>
        %parallel_loop3A_951 = tpu.memref_squeeze %parallel_loop3A_950 : memref<1x200x64xf32, #tpu.memory_space<vmem>> -> memref<200x64xf32, #tpu.memory_space<vmem>>
        %parallel_loop3A_952 = arith.index_cast %parallel_loop3A_947 : i32 to index
        %parallel_loop3A_953 = arith.constant 32 : index
        %parallel_loop3A_954 = tpu.vector_load %parallel_loop3A_951[%parallel_loop3A_952, %parallel_loop3A_953] {strides = array<i32>} : memref<200x64xf32, #tpu.memory_space<vmem>>, vector<1x16xf32>,
        %parallel_loop3A_955 = vector.shape_cast %parallel_loop3A_954 : vector<1x16xf32> to vector<16xf32>
        %parallel_loop3A_956 = vector.shape_cast %parallel_loop3A_945 : vector<16xf32> to vector<1x16xf32>
        tpu.vector_store %parallel_loop3A_951[%parallel_loop3A_952, %parallel_loop3A_953], %parallel_loop3A_956 {strides = array<i32>} : memref<200x64xf32, #tpu.memory_space<vmem>>, vector<1x16xf32>,
        %parallel_loop3A_957 = arith.constant 5 : i32
        %parallel_loop3A_958 = arith.addi %parallel_loop3A_404, %parallel_loop3A_957 : i32
        %parallel_loop3A_959 = arith.constant 0 : i32
        %parallel_loop3A_960 = arith.constant 0 : i32
        %parallel_loop3A_961 = tpu.memref_slice %arg6[%parallel_loop3A_208, %parallel_loop3A_959, %parallel_loop3A_960] : memref<4x200x64xf32, #tpu.memory_space<vmem>> -> memref<1x200x64xf32, #tpu.memory_space<vmem>>
        %parallel_loop3A_962 = tpu.memref_squeeze %parallel_loop3A_961 : memref<1x200x64xf32, #tpu.memory_space<vmem>> -> memref<200x64xf32, #tpu.memory_space<vmem>>
        %parallel_loop3A_963 = arith.index_cast %parallel_loop3A_958 : i32 to index
        %parallel_loop3A_964 = arith.constant 48 : index
        %parallel_loop3A_965 = tpu.vector_load %parallel_loop3A_962[%parallel_loop3A_963, %parallel_loop3A_964] {strides = array<i32>} : memref<200x64xf32, #tpu.memory_space<vmem>>, vector<1x16xf32>,
        %parallel_loop3A_966 = vector.shape_cast %parallel_loop3A_965 : vector<1x16xf32> to vector<16xf32>
        %parallel_loop3A_967 = arith.constant 8.000000e+00 : f32
        %parallel_loop3A_968 = vector.broadcast %parallel_loop3A_967 : f32 to vector<16xf32>
        %parallel_loop3A_969 = arith.mulf %parallel_loop3A_966, %parallel_loop3A_968 : vector<16xf32>
        %parallel_loop3A_970 = arith.constant 5 : i32
        %parallel_loop3A_971 = arith.addi %parallel_loop3A_404, %parallel_loop3A_970 : i32
        %parallel_loop3A_972 = arith.constant 0 : i32
        %parallel_loop3A_973 = arith.constant 0 : i32
        %parallel_loop3A_974 = tpu.memref_slice %arg6[%parallel_loop3A_208, %parallel_loop3A_972, %parallel_loop3A_973] : memref<4x200x64xf32, #tpu.memory_space<vmem>> -> memref<1x200x64xf32, #tpu.memory_space<vmem>>
        %parallel_loop3A_975 = tpu.memref_squeeze %parallel_loop3A_974 : memref<1x200x64xf32, #tpu.memory_space<vmem>> -> memref<200x64xf32, #tpu.memory_space<vmem>>
        %parallel_loop3A_976 = arith.index_cast %parallel_loop3A_971 : i32 to index
        %parallel_loop3A_977 = arith.constant 48 : index
        %parallel_loop3A_978 = tpu.vector_load %parallel_loop3A_975[%parallel_loop3A_976, %parallel_loop3A_977] {strides = array<i32>} : memref<200x64xf32, #tpu.memory_space<vmem>>, vector<1x16xf32>,
        %parallel_loop3A_979 = vector.shape_cast %parallel_loop3A_978 : vector<1x16xf32> to vector<16xf32>
        %parallel_loop3A_980 = vector.shape_cast %parallel_loop3A_969 : vector<16xf32> to vector<1x16xf32>
        tpu.vector_store %parallel_loop3A_975[%parallel_loop3A_976, %parallel_loop3A_977], %parallel_loop3A_980 {strides = array<i32>} : memref<200x64xf32, #tpu.memory_space<vmem>>, vector<1x16xf32>,
        %parallel_loop3A_981 = arith.constant 6 : i32
        %parallel_loop3A_982 = arith.addi %parallel_loop3A_404, %parallel_loop3A_981 : i32
        %parallel_loop3A_983 = arith.constant 0 : i32
        %parallel_loop3A_984 = arith.constant 0 : i32
        %parallel_loop3A_985 = tpu.memref_slice %arg6[%parallel_loop3A_208, %parallel_loop3A_983, %parallel_loop3A_984] : memref<4x200x64xf32, #tpu.memory_space<vmem>> -> memref<1x200x64xf32, #tpu.memory_space<vmem>>
        %parallel_loop3A_986 = tpu.memref_squeeze %parallel_loop3A_985 : memref<1x200x64xf32, #tpu.memory_space<vmem>> -> memref<200x64xf32, #tpu.memory_space<vmem>>
        %parallel_loop3A_987 = arith.index_cast %parallel_loop3A_982 : i32 to index
        %parallel_loop3A_988 = arith.constant 0 : index
        %parallel_loop3A_989 = tpu.vector_load %parallel_loop3A_986[%parallel_loop3A_987, %parallel_loop3A_988] {strides = array<i32>} : memref<200x64xf32, #tpu.memory_space<vmem>>, vector<1x16xf32>,
        %parallel_loop3A_990 = vector.shape_cast %parallel_loop3A_989 : vector<1x16xf32> to vector<16xf32>
        %parallel_loop3A_991 = arith.constant 8.000000e+00 : f32
        %parallel_loop3A_992 = vector.broadcast %parallel_loop3A_991 : f32 to vector<16xf32>
        %parallel_loop3A_993 = arith.mulf %parallel_loop3A_990, %parallel_loop3A_992 : vector<16xf32>
        %parallel_loop3A_994 = arith.constant 6 : i32
        %parallel_loop3A_995 = arith.addi %parallel_loop3A_404, %parallel_loop3A_994 : i32
        %parallel_loop3A_996 = arith.constant 0 : i32
        %parallel_loop3A_997 = arith.constant 0 : i32
        %parallel_loop3A_998 = tpu.memref_slice %arg6[%parallel_loop3A_208, %parallel_loop3A_996, %parallel_loop3A_997] : memref<4x200x64xf32, #tpu.memory_space<vmem>> -> memref<1x200x64xf32, #tpu.memory_space<vmem>>
        %parallel_loop3A_999 = tpu.memref_squeeze %parallel_loop3A_998 : memref<1x200x64xf32, #tpu.memory_space<vmem>> -> memref<200x64xf32, #tpu.memory_space<vmem>>
        %parallel_loop3A_1000 = arith.index_cast %parallel_loop3A_995 : i32 to index
        %parallel_loop3A_1001 = arith.constant 0 : index
        %parallel_loop3A_1002 = tpu.vector_load %parallel_loop3A_999[%parallel_loop3A_1000, %parallel_loop3A_1001] {strides = array<i32>} : memref<200x64xf32, #tpu.memory_space<vmem>>, vector<1x16xf32>,
        %parallel_loop3A_1003 = vector.shape_cast %parallel_loop3A_1002 : vector<1x16xf32> to vector<16xf32>
        %parallel_loop3A_1004 = vector.shape_cast %parallel_loop3A_993 : vector<16xf32> to vector<1x16xf32>
        tpu.vector_store %parallel_loop3A_999[%parallel_loop3A_1000, %parallel_loop3A_1001], %parallel_loop3A_1004 {strides = array<i32>} : memref<200x64xf32, #tpu.memory_space<vmem>>, vector<1x16xf32>,
        %parallel_loop3A_1005 = arith.constant 6 : i32
        %parallel_loop3A_1006 = arith.addi %parallel_loop3A_404, %parallel_loop3A_1005 : i32
        %parallel_loop3A_1007 = arith.constant 0 : i32
        %parallel_loop3A_1008 = arith.constant 0 : i32
        %parallel_loop3A_1009 = tpu.memref_slice %arg6[%parallel_loop3A_208, %parallel_loop3A_1007, %parallel_loop3A_1008] : memref<4x200x64xf32, #tpu.memory_space<vmem>> -> memref<1x200x64xf32, #tpu.memory_space<vmem>>
        %parallel_loop3A_1010 = tpu.memref_squeeze %parallel_loop3A_1009 : memref<1x200x64xf32, #tpu.memory_space<vmem>> -> memref<200x64xf32, #tpu.memory_space<vmem>>
        %parallel_loop3A_1011 = arith.index_cast %parallel_loop3A_1006 : i32 to index
        %parallel_loop3A_1012 = arith.constant 16 : index
        %parallel_loop3A_1013 = tpu.vector_load %parallel_loop3A_1010[%parallel_loop3A_1011, %parallel_loop3A_1012] {strides = array<i32>} : memref<200x64xf32, #tpu.memory_space<vmem>>, vector<1x16xf32>,
        %parallel_loop3A_1014 = vector.shape_cast %parallel_loop3A_1013 : vector<1x16xf32> to vector<16xf32>
        %parallel_loop3A_1015 = arith.constant 8.000000e+00 : f32
        %parallel_loop3A_1016 = vector.broadcast %parallel_loop3A_1015 : f32 to vector<16xf32>
        %parallel_loop3A_1017 = arith.mulf %parallel_loop3A_1014, %parallel_loop3A_1016 : vector<16xf32>
        %parallel_loop3A_1018 = arith.constant 6 : i32
        %parallel_loop3A_1019 = arith.addi %parallel_loop3A_404, %parallel_loop3A_1018 : i32
        %parallel_loop3A_1020 = arith.constant 0 : i32
        %parallel_loop3A_1021 = arith.constant 0 : i32
        %parallel_loop3A_1022 = tpu.memref_slice %arg6[%parallel_loop3A_208, %parallel_loop3A_1020, %parallel_loop3A_1021] : memref<4x200x64xf32, #tpu.memory_space<vmem>> -> memref<1x200x64xf32, #tpu.memory_space<vmem>>
        %parallel_loop3A_1023 = tpu.memref_squeeze %parallel_loop3A_1022 : memref<1x200x64xf32, #tpu.memory_space<vmem>> -> memref<200x64xf32, #tpu.memory_space<vmem>>
        %parallel_loop3A_1024 = arith.index_cast %parallel_loop3A_1019 : i32 to index
        %parallel_loop3A_1025 = arith.constant 16 : index
        %parallel_loop3A_1026 = tpu.vector_load %parallel_loop3A_1023[%parallel_loop3A_1024, %parallel_loop3A_1025] {strides = array<i32>} : memref<200x64xf32, #tpu.memory_space<vmem>>, vector<1x16xf32>,
        %parallel_loop3A_1027 = vector.shape_cast %parallel_loop3A_1026 : vector<1x16xf32> to vector<16xf32>
        %parallel_loop3A_1028 = vector.shape_cast %parallel_loop3A_1017 : vector<16xf32> to vector<1x16xf32>
        tpu.vector_store %parallel_loop3A_1023[%parallel_loop3A_1024, %parallel_loop3A_1025], %parallel_loop3A_1028 {strides = array<i32>} : memref<200x64xf32, #tpu.memory_space<vmem>>, vector<1x16xf32>,
        %parallel_loop3A_1029 = arith.constant 6 : i32
        %parallel_loop3A_1030 = arith.addi %parallel_loop3A_404, %parallel_loop3A_1029 : i32
        %parallel_loop3A_1031 = arith.constant 0 : i32
        %parallel_loop3A_1032 = arith.constant 0 : i32
        %parallel_loop3A_1033 = tpu.memref_slice %arg6[%parallel_loop3A_208, %parallel_loop3A_1031, %parallel_loop3A_1032] : memref<4x200x64xf32, #tpu.memory_space<vmem>> -> memref<1x200x64xf32, #tpu.memory_space<vmem>>
        %parallel_loop3A_1034 = tpu.memref_squeeze %parallel_loop3A_1033 : memref<1x200x64xf32, #tpu.memory_space<vmem>> -> memref<200x64xf32, #tpu.memory_space<vmem>>
        %parallel_loop3A_1035 = arith.index_cast %parallel_loop3A_1030 : i32 to index
        %parallel_loop3A_1036 = arith.constant 32 : index
        %parallel_loop3A_1037 = tpu.vector_load %parallel_loop3A_1034[%parallel_loop3A_1035, %parallel_loop3A_1036] {strides = array<i32>} : memref<200x64xf32, #tpu.memory_space<vmem>>, vector<1x16xf32>,
        %parallel_loop3A_1038 = vector.shape_cast %parallel_loop3A_1037 : vector<1x16xf32> to vector<16xf32>
        %parallel_loop3A_1039 = arith.constant 8.000000e+00 : f32
        %parallel_loop3A_1040 = vector.broadcast %parallel_loop3A_1039 : f32 to vector<16xf32>
        %parallel_loop3A_1041 = arith.mulf %parallel_loop3A_1038, %parallel_loop3A_1040 : vector<16xf32>
        %parallel_loop3A_1042 = arith.constant 6 : i32
        %parallel_loop3A_1043 = arith.addi %parallel_loop3A_404, %parallel_loop3A_1042 : i32
        %parallel_loop3A_1044 = arith.constant 0 : i32
        %parallel_loop3A_1045 = arith.constant 0 : i32
        %parallel_loop3A_1046 = tpu.memref_slice %arg6[%parallel_loop3A_208, %parallel_loop3A_1044, %parallel_loop3A_1045] : memref<4x200x64xf32, #tpu.memory_space<vmem>> -> memref<1x200x64xf32, #tpu.memory_space<vmem>>
        %parallel_loop3A_1047 = tpu.memref_squeeze %parallel_loop3A_1046 : memref<1x200x64xf32, #tpu.memory_space<vmem>> -> memref<200x64xf32, #tpu.memory_space<vmem>>
        %parallel_loop3A_1048 = arith.index_cast %parallel_loop3A_1043 : i32 to index
        %parallel_loop3A_1049 = arith.constant 32 : index
        %parallel_loop3A_1050 = tpu.vector_load %parallel_loop3A_1047[%parallel_loop3A_1048, %parallel_loop3A_1049] {strides = array<i32>} : memref<200x64xf32, #tpu.memory_space<vmem>>, vector<1x16xf32>,
        %parallel_loop3A_1051 = vector.shape_cast %parallel_loop3A_1050 : vector<1x16xf32> to vector<16xf32>
        %parallel_loop3A_1052 = vector.shape_cast %parallel_loop3A_1041 : vector<16xf32> to vector<1x16xf32>
        tpu.vector_store %parallel_loop3A_1047[%parallel_loop3A_1048, %parallel_loop3A_1049], %parallel_loop3A_1052 {strides = array<i32>} : memref<200x64xf32, #tpu.memory_space<vmem>>, vector<1x16xf32>,
        %parallel_loop3A_1053 = arith.constant 6 : i32
        %parallel_loop3A_1054 = arith.addi %parallel_loop3A_404, %parallel_loop3A_1053 : i32
        %parallel_loop3A_1055 = arith.constant 0 : i32
        %parallel_loop3A_1056 = arith.constant 0 : i32
        %parallel_loop3A_1057 = tpu.memref_slice %arg6[%parallel_loop3A_208, %parallel_loop3A_1055, %parallel_loop3A_1056] : memref<4x200x64xf32, #tpu.memory_space<vmem>> -> memref<1x200x64xf32, #tpu.memory_space<vmem>>
        %parallel_loop3A_1058 = tpu.memref_squeeze %parallel_loop3A_1057 : memref<1x200x64xf32, #tpu.memory_space<vmem>> -> memref<200x64xf32, #tpu.memory_space<vmem>>
        %parallel_loop3A_1059 = arith.index_cast %parallel_loop3A_1054 : i32 to index
        %parallel_loop3A_1060 = arith.constant 48 : index
        %parallel_loop3A_1061 = tpu.vector_load %parallel_loop3A_1058[%parallel_loop3A_1059, %parallel_loop3A_1060] {strides = array<i32>} : memref<200x64xf32, #tpu.memory_space<vmem>>, vector<1x16xf32>,
        %parallel_loop3A_1062 = vector.shape_cast %parallel_loop3A_1061 : vector<1x16xf32> to vector<16xf32>
        %parallel_loop3A_1063 = arith.constant 8.000000e+00 : f32
        %parallel_loop3A_1064 = vector.broadcast %parallel_loop3A_1063 : f32 to vector<16xf32>
        %parallel_loop3A_1065 = arith.mulf %parallel_loop3A_1062, %parallel_loop3A_1064 : vector<16xf32>
        %parallel_loop3A_1066 = arith.constant 6 : i32
        %parallel_loop3A_1067 = arith.addi %parallel_loop3A_404, %parallel_loop3A_1066 : i32
        %parallel_loop3A_1068 = arith.constant 0 : i32
        %parallel_loop3A_1069 = arith.constant 0 : i32
        %parallel_loop3A_1070 = tpu.memref_slice %arg6[%parallel_loop3A_208, %parallel_loop3A_1068, %parallel_loop3A_1069] : memref<4x200x64xf32, #tpu.memory_space<vmem>> -> memref<1x200x64xf32, #tpu.memory_space<vmem>>
        %parallel_loop3A_1071 = tpu.memref_squeeze %parallel_loop3A_1070 : memref<1x200x64xf32, #tpu.memory_space<vmem>> -> memref<200x64xf32, #tpu.memory_space<vmem>>
        %parallel_loop3A_1072 = arith.index_cast %parallel_loop3A_1067 : i32 to index
        %parallel_loop3A_1073 = arith.constant 48 : index
        %parallel_loop3A_1074 = tpu.vector_load %parallel_loop3A_1071[%parallel_loop3A_1072, %parallel_loop3A_1073] {strides = array<i32>} : memref<200x64xf32, #tpu.memory_space<vmem>>, vector<1x16xf32>,
        %parallel_loop3A_1075 = vector.shape_cast %parallel_loop3A_1074 : vector<1x16xf32> to vector<16xf32>
        %parallel_loop3A_1076 = vector.shape_cast %parallel_loop3A_1065 : vector<16xf32> to vector<1x16xf32>
        tpu.vector_store %parallel_loop3A_1071[%parallel_loop3A_1072, %parallel_loop3A_1073], %parallel_loop3A_1076 {strides = array<i32>} : memref<200x64xf32, #tpu.memory_space<vmem>>, vector<1x16xf32>,
        %parallel_loop3A_1077 = arith.constant 7 : i32
        %parallel_loop3A_1078 = arith.addi %parallel_loop3A_404, %parallel_loop3A_1077 : i32
        %parallel_loop3A_1079 = arith.constant 0 : i32
        %parallel_loop3A_1080 = arith.constant 0 : i32
        %parallel_loop3A_1081 = tpu.memref_slice %arg6[%parallel_loop3A_208, %parallel_loop3A_1079, %parallel_loop3A_1080] : memref<4x200x64xf32, #tpu.memory_space<vmem>> -> memref<1x200x64xf32, #tpu.memory_space<vmem>>
        %parallel_loop3A_1082 = tpu.memref_squeeze %parallel_loop3A_1081 : memref<1x200x64xf32, #tpu.memory_space<vmem>> -> memref<200x64xf32, #tpu.memory_space<vmem>>
        %parallel_loop3A_1083 = arith.index_cast %parallel_loop3A_1078 : i32 to index
        %parallel_loop3A_1084 = arith.constant 0 : index
        %parallel_loop3A_1085 = tpu.vector_load %parallel_loop3A_1082[%parallel_loop3A_1083, %parallel_loop3A_1084] {strides = array<i32>} : memref<200x64xf32, #tpu.memory_space<vmem>>, vector<1x16xf32>,
        %parallel_loop3A_1086 = vector.shape_cast %parallel_loop3A_1085 : vector<1x16xf32> to vector<16xf32>
        %parallel_loop3A_1087 = arith.constant 8.000000e+00 : f32
        %parallel_loop3A_1088 = vector.broadcast %parallel_loop3A_1087 : f32 to vector<16xf32>
        %parallel_loop3A_1089 = arith.mulf %parallel_loop3A_1086, %parallel_loop3A_1088 : vector<16xf32>
        %parallel_loop3A_1090 = arith.constant 7 : i32
        %parallel_loop3A_1091 = arith.addi %parallel_loop3A_404, %parallel_loop3A_1090 : i32
        %parallel_loop3A_1092 = arith.constant 0 : i32
        %parallel_loop3A_1093 = arith.constant 0 : i32
        %parallel_loop3A_1094 = tpu.memref_slice %arg6[%parallel_loop3A_208, %parallel_loop3A_1092, %parallel_loop3A_1093] : memref<4x200x64xf32, #tpu.memory_space<vmem>> -> memref<1x200x64xf32, #tpu.memory_space<vmem>>
        %parallel_loop3A_1095 = tpu.memref_squeeze %parallel_loop3A_1094 : memref<1x200x64xf32, #tpu.memory_space<vmem>> -> memref<200x64xf32, #tpu.memory_space<vmem>>
        %parallel_loop3A_1096 = arith.index_cast %parallel_loop3A_1091 : i32 to index
        %parallel_loop3A_1097 = arith.constant 0 : index
        %parallel_loop3A_1098 = tpu.vector_load %parallel_loop3A_1095[%parallel_loop3A_1096, %parallel_loop3A_1097] {strides = array<i32>} : memref<200x64xf32, #tpu.memory_space<vmem>>, vector<1x16xf32>,
        %parallel_loop3A_1099 = vector.shape_cast %parallel_loop3A_1098 : vector<1x16xf32> to vector<16xf32>
        %parallel_loop3A_1100 = vector.shape_cast %parallel_loop3A_1089 : vector<16xf32> to vector<1x16xf32>
        tpu.vector_store %parallel_loop3A_1095[%parallel_loop3A_1096, %parallel_loop3A_1097], %parallel_loop3A_1100 {strides = array<i32>} : memref<200x64xf32, #tpu.memory_space<vmem>>, vector<1x16xf32>,
        %parallel_loop3A_1101 = arith.constant 7 : i32
        %parallel_loop3A_1102 = arith.addi %parallel_loop3A_404, %parallel_loop3A_1101 : i32
        %parallel_loop3A_1103 = arith.constant 0 : i32
        %parallel_loop3A_1104 = arith.constant 0 : i32
        %parallel_loop3A_1105 = tpu.memref_slice %arg6[%parallel_loop3A_208, %parallel_loop3A_1103, %parallel_loop3A_1104] : memref<4x200x64xf32, #tpu.memory_space<vmem>> -> memref<1x200x64xf32, #tpu.memory_space<vmem>>
        %parallel_loop3A_1106 = tpu.memref_squeeze %parallel_loop3A_1105 : memref<1x200x64xf32, #tpu.memory_space<vmem>> -> memref<200x64xf32, #tpu.memory_space<vmem>>
        %parallel_loop3A_1107 = arith.index_cast %parallel_loop3A_1102 : i32 to index
        %parallel_loop3A_1108 = arith.constant 16 : index
        %parallel_loop3A_1109 = tpu.vector_load %parallel_loop3A_1106[%parallel_loop3A_1107, %parallel_loop3A_1108] {strides = array<i32>} : memref<200x64xf32, #tpu.memory_space<vmem>>, vector<1x16xf32>,
        %parallel_loop3A_1110 = vector.shape_cast %parallel_loop3A_1109 : vector<1x16xf32> to vector<16xf32>
        %parallel_loop3A_1111 = arith.constant 8.000000e+00 : f32
        %parallel_loop3A_1112 = vector.broadcast %parallel_loop3A_1111 : f32 to vector<16xf32>
        %parallel_loop3A_1113 = arith.mulf %parallel_loop3A_1110, %parallel_loop3A_1112 : vector<16xf32>
        %parallel_loop3A_1114 = arith.constant 7 : i32
        %parallel_loop3A_1115 = arith.addi %parallel_loop3A_404, %parallel_loop3A_1114 : i32
        %parallel_loop3A_1116 = arith.constant 0 : i32
        %parallel_loop3A_1117 = arith.constant 0 : i32
        %parallel_loop3A_1118 = tpu.memref_slice %arg6[%parallel_loop3A_208, %parallel_loop3A_1116, %parallel_loop3A_1117] : memref<4x200x64xf32, #tpu.memory_space<vmem>> -> memref<1x200x64xf32, #tpu.memory_space<vmem>>
        %parallel_loop3A_1119 = tpu.memref_squeeze %parallel_loop3A_1118 : memref<1x200x64xf32, #tpu.memory_space<vmem>> -> memref<200x64xf32, #tpu.memory_space<vmem>>
        %parallel_loop3A_1120 = arith.index_cast %parallel_loop3A_1115 : i32 to index
        %parallel_loop3A_1121 = arith.constant 16 : index
        %parallel_loop3A_1122 = tpu.vector_load %parallel_loop3A_1119[%parallel_loop3A_1120, %parallel_loop3A_1121] {strides = array<i32>} : memref<200x64xf32, #tpu.memory_space<vmem>>, vector<1x16xf32>,
        %parallel_loop3A_1123 = vector.shape_cast %parallel_loop3A_1122 : vector<1x16xf32> to vector<16xf32>
        %parallel_loop3A_1124 = vector.shape_cast %parallel_loop3A_1113 : vector<16xf32> to vector<1x16xf32>
        tpu.vector_store %parallel_loop3A_1119[%parallel_loop3A_1120, %parallel_loop3A_1121], %parallel_loop3A_1124 {strides = array<i32>} : memref<200x64xf32, #tpu.memory_space<vmem>>, vector<1x16xf32>,
        %parallel_loop3A_1125 = arith.constant 7 : i32
        %parallel_loop3A_1126 = arith.addi %parallel_loop3A_404, %parallel_loop3A_1125 : i32
        %parallel_loop3A_1127 = arith.constant 0 : i32
        %parallel_loop3A_1128 = arith.constant 0 : i32
        %parallel_loop3A_1129 = tpu.memref_slice %arg6[%parallel_loop3A_208, %parallel_loop3A_1127, %parallel_loop3A_1128] : memref<4x200x64xf32, #tpu.memory_space<vmem>> -> memref<1x200x64xf32, #tpu.memory_space<vmem>>
        %parallel_loop3A_1130 = tpu.memref_squeeze %parallel_loop3A_1129 : memref<1x200x64xf32, #tpu.memory_space<vmem>> -> memref<200x64xf32, #tpu.memory_space<vmem>>
        %parallel_loop3A_1131 = arith.index_cast %parallel_loop3A_1126 : i32 to index
        %parallel_loop3A_1132 = arith.constant 32 : index
        %parallel_loop3A_1133 = tpu.vector_load %parallel_loop3A_1130[%parallel_loop3A_1131, %parallel_loop3A_1132] {strides = array<i32>} : memref<200x64xf32, #tpu.memory_space<vmem>>, vector<1x16xf32>,
        %parallel_loop3A_1134 = vector.shape_cast %parallel_loop3A_1133 : vector<1x16xf32> to vector<16xf32>
        %parallel_loop3A_1135 = arith.constant 8.000000e+00 : f32
        %parallel_loop3A_1136 = vector.broadcast %parallel_loop3A_1135 : f32 to vector<16xf32>
        %parallel_loop3A_1137 = arith.mulf %parallel_loop3A_1134, %parallel_loop3A_1136 : vector<16xf32>
        %parallel_loop3A_1138 = arith.constant 7 : i32
        %parallel_loop3A_1139 = arith.addi %parallel_loop3A_404, %parallel_loop3A_1138 : i32
        %parallel_loop3A_1140 = arith.constant 0 : i32
        %parallel_loop3A_1141 = arith.constant 0 : i32
        %parallel_loop3A_1142 = tpu.memref_slice %arg6[%parallel_loop3A_208, %parallel_loop3A_1140, %parallel_loop3A_1141] : memref<4x200x64xf32, #tpu.memory_space<vmem>> -> memref<1x200x64xf32, #tpu.memory_space<vmem>>
        %parallel_loop3A_1143 = tpu.memref_squeeze %parallel_loop3A_1142 : memref<1x200x64xf32, #tpu.memory_space<vmem>> -> memref<200x64xf32, #tpu.memory_space<vmem>>
        %parallel_loop3A_1144 = arith.index_cast %parallel_loop3A_1139 : i32 to index
        %parallel_loop3A_1145 = arith.constant 32 : index
        %parallel_loop3A_1146 = tpu.vector_load %parallel_loop3A_1143[%parallel_loop3A_1144, %parallel_loop3A_1145] {strides = array<i32>} : memref<200x64xf32, #tpu.memory_space<vmem>>, vector<1x16xf32>,
        %parallel_loop3A_1147 = vector.shape_cast %parallel_loop3A_1146 : vector<1x16xf32> to vector<16xf32>
        %parallel_loop3A_1148 = vector.shape_cast %parallel_loop3A_1137 : vector<16xf32> to vector<1x16xf32>
        tpu.vector_store %parallel_loop3A_1143[%parallel_loop3A_1144, %parallel_loop3A_1145], %parallel_loop3A_1148 {strides = array<i32>} : memref<200x64xf32, #tpu.memory_space<vmem>>, vector<1x16xf32>,
        %parallel_loop3A_1149 = arith.constant 7 : i32
        %parallel_loop3A_1150 = arith.addi %parallel_loop3A_404, %parallel_loop3A_1149 : i32
        %parallel_loop3A_1151 = arith.constant 0 : i32
        %parallel_loop3A_1152 = arith.constant 0 : i32
        %parallel_loop3A_1153 = tpu.memref_slice %arg6[%parallel_loop3A_208, %parallel_loop3A_1151, %parallel_loop3A_1152] : memref<4x200x64xf32, #tpu.memory_space<vmem>> -> memref<1x200x64xf32, #tpu.memory_space<vmem>>
        %parallel_loop3A_1154 = tpu.memref_squeeze %parallel_loop3A_1153 : memref<1x200x64xf32, #tpu.memory_space<vmem>> -> memref<200x64xf32, #tpu.memory_space<vmem>>
        %parallel_loop3A_1155 = arith.index_cast %parallel_loop3A_1150 : i32 to index
        %parallel_loop3A_1156 = arith.constant 48 : index
        %parallel_loop3A_1157 = tpu.vector_load %parallel_loop3A_1154[%parallel_loop3A_1155, %parallel_loop3A_1156] {strides = array<i32>} : memref<200x64xf32, #tpu.memory_space<vmem>>, vector<1x16xf32>,
        %parallel_loop3A_1158 = vector.shape_cast %parallel_loop3A_1157 : vector<1x16xf32> to vector<16xf32>
        %parallel_loop3A_1159 = arith.constant 8.000000e+00 : f32
        %parallel_loop3A_1160 = vector.broadcast %parallel_loop3A_1159 : f32 to vector<16xf32>
        %parallel_loop3A_1161 = arith.mulf %parallel_loop3A_1158, %parallel_loop3A_1160 : vector<16xf32>
        %parallel_loop3A_1162 = arith.constant 7 : i32
        %parallel_loop3A_1163 = arith.addi %parallel_loop3A_404, %parallel_loop3A_1162 : i32
        %parallel_loop3A_1164 = arith.constant 0 : i32
        %parallel_loop3A_1165 = arith.constant 0 : i32
        %parallel_loop3A_1166 = tpu.memref_slice %arg6[%parallel_loop3A_208, %parallel_loop3A_1164, %parallel_loop3A_1165] : memref<4x200x64xf32, #tpu.memory_space<vmem>> -> memref<1x200x64xf32, #tpu.memory_space<vmem>>
        %parallel_loop3A_1167 = tpu.memref_squeeze %parallel_loop3A_1166 : memref<1x200x64xf32, #tpu.memory_space<vmem>> -> memref<200x64xf32, #tpu.memory_space<vmem>>
        %parallel_loop3A_1168 = arith.index_cast %parallel_loop3A_1163 : i32 to index
        %parallel_loop3A_1169 = arith.constant 48 : index
        %parallel_loop3A_1170 = tpu.vector_load %parallel_loop3A_1167[%parallel_loop3A_1168, %parallel_loop3A_1169] {strides = array<i32>} : memref<200x64xf32, #tpu.memory_space<vmem>>, vector<1x16xf32>,
        %parallel_loop3A_1171 = vector.shape_cast %parallel_loop3A_1170 : vector<1x16xf32> to vector<16xf32>
        %parallel_loop3A_1172 = vector.shape_cast %parallel_loop3A_1161 : vector<16xf32> to vector<1x16xf32>
        tpu.vector_store %parallel_loop3A_1167[%parallel_loop3A_1168, %parallel_loop3A_1169], %parallel_loop3A_1172 {strides = array<i32>} : memref<200x64xf32, #tpu.memory_space<vmem>>, vector<1x16xf32>,
      } {sc.loop_unroll_factor = 2 : i64, sc.parallel_access}
      %add3A_209 = arith.addi %mul3A_2, %add3A_178 : i32
      %dma_start3A_210 = arith.constant 0 : i32
      %dma_start3A_211 = arith.constant 0 : i32
      %dma_start3A_212 = arith.constant 0 : i32
      %dma_start3A_213 = tpu.memref_slice %arg6[%dma_start3A_210, %dma_start3A_211, %dma_start3A_212] : memref<4x200x64xf32, #tpu.memory_space<vmem>> -> memref<1x200x64xf32, #tpu.memory_space<vmem>>
      %dma_start3A_214 = tpu.memref_squeeze %dma_start3A_213 : memref<1x200x64xf32, #tpu.memory_space<vmem>> -> memref<200x64xf32, #tpu.memory_space<vmem>>
      %dma_start3A_215 = arith.constant 0 : i32
      %dma_start3A_216 = arith.constant 0 : i32
      %dma_start3A_217 = tpu.memref_slice %arg4[%add3A_209, %dma_start3A_215, %dma_start3A_216] : memref<4096x200x64xf32, #tpu.memory_space<hbm>> -> memref<1x200x64xf32, #tpu.memory_space<hbm>>
      %dma_start3A_218 = tpu.memref_squeeze %dma_start3A_217 : memref<1x200x64xf32, #tpu.memory_space<hbm>> -> memref<200x64xf32, #tpu.memory_space<hbm>>
      %dma_start3A_219 = arith.constant 0 : i32
      %dma_start3A_220 = arith.constant 0 : i32
      %dma_start3A_221 = tpu.memref_slice %arg4[%add3A_209, %dma_start3A_219, %dma_start3A_220] : memref<4096x200x64xf32, #tpu.memory_space<hbm>> -> memref<1x200x64xf32, #tpu.memory_space<hbm>>
      %dma_start3A_222 = tpu.memref_squeeze %dma_start3A_221 : memref<1x200x64xf32, #tpu.memory_space<hbm>> -> memref<200x64xf32, #tpu.memory_space<hbm>>
      %dma_start3A_223 = arith.constant 0 : i32
      %dma_start3A_224 = arith.constant 0 : i32
      %dma_start3A_225 = tpu.memref_slice %arg6[%dma_start3A_210, %dma_start3A_223, %dma_start3A_224] : memref<4x200x64xf32, #tpu.memory_space<vmem>> -> memref<1x200x64xf32, #tpu.memory_space<vmem>>
      %dma_start3A_226 = tpu.memref_squeeze %dma_start3A_225 : memref<1x200x64xf32, #tpu.memory_space<vmem>> -> memref<200x64xf32, #tpu.memory_space<vmem>>
      tpu.enqueue_dma source(%dma_start3A_226 : memref<200x64xf32, #tpu.memory_space<vmem>>) target(%dma_start3A_222 : memref<200x64xf32, #tpu.memory_space<hbm>>) target_semaphore(%arg11 : memref<!tpu.dma_semaphore, #tpu.memory_space<semaphore_mem>>)
      %mul3A_227 = arith.constant 4 : i32
      %mul3A_228 = arith.muli %scan3A_174, %mul3A_227 : i32
      %add3A_229 = arith.constant 1 : i32
      %add3A_230 = arith.addi %mul3A_228, %add3A_229 : i32
      %mul3A_231 = arith.constant 4 : i32
      %mul3A_232 = arith.muli %scan3A_174, %mul3A_231 : i32
      %add3A_233 = arith.constant 1 : i32
      %add3A_234 = arith.addi %mul3A_232, %add3A_233 : i32
      %sub3A_235 = arith.constant 1 : i32
      %sub3A_236 = arith.subi %add3A_234, %sub3A_235 : i32
      %ge3A_237 = arith.constant 1 : i32
      %ge3A_238 = arith.cmpi sge, %add3A_230, %ge3A_237 : i32
      %add3A_239 = arith.constant 4 : i32
      %add3A_240 = arith.addi %add3A_230, %add3A_239 : i32
      %sub3A_241 = arith.constant 1 : i32
      %sub3A_242 = arith.subi %add3A_240, %sub3A_241 : i32
      %lt3A_243 = arith.constant 128 : i32
      %lt3A_244 = arith.cmpi slt, %sub3A_242, %lt3A_243 : i32
      %and3A_245 = arith.andi %ge3A_238, %lt3A_244 : i1
      %convert_element_type3A_246 = arith.extui %and3A_245 : i1 to i32
      %cond3A_247 = arith.constant 0 : i32
      %cond3A_248 = arith.cmpi ne, %convert_element_type3A_246, %cond3A_247 : i32
      scf.if %cond3A_248 {
        %dma_wait3A_404 = arith.constant 0 : i32
        %dma_wait3A_405 = arith.constant 0 : i32
        %dma_wait3A_406 = arith.constant 0 : i32
        %dma_wait3A_407 = arith.constant 0 : i32
        %dma_wait3A_408 = tpu.memref_slice %arg6[%dma_wait3A_404, %dma_wait3A_406, %dma_wait3A_407] : memref<4x200x64xf32, #tpu.memory_space<vmem>> -> memref<1x200x64xf32, #tpu.memory_space<vmem>>
        %dma_wait3A_409 = tpu.memref_squeeze %dma_wait3A_408 : memref<1x200x64xf32, #tpu.memory_space<vmem>> -> memref<200x64xf32, #tpu.memory_space<vmem>>
        %dma_wait3A_410 = arith.constant 0 : i32
        %dma_wait3A_411 = arith.constant 0 : i32
        %dma_wait3A_412 = tpu.memref_slice %arg4[%dma_wait3A_405, %dma_wait3A_410, %dma_wait3A_411] : memref<4096x200x64xf32, #tpu.memory_space<hbm>> -> memref<1x200x64xf32, #tpu.memory_space<hbm>>
        %dma_wait3A_413 = tpu.memref_squeeze %dma_wait3A_412 : memref<1x200x64xf32, #tpu.memory_space<hbm>> -> memref<200x64xf32, #tpu.memory_space<hbm>>
        %dma_wait3A_414 = arith.constant 0 : i32
        %dma_wait3A_415 = arith.constant 0 : i32
        %dma_wait3A_416 = tpu.memref_slice %arg4[%dma_wait3A_405, %dma_wait3A_414, %dma_wait3A_415] : memref<4096x200x64xf32, #tpu.memory_space<hbm>> -> memref<1x200x64xf32, #tpu.memory_space<hbm>>
        %dma_wait3A_417 = tpu.memref_squeeze %dma_wait3A_416 : memref<1x200x64xf32, #tpu.memory_space<hbm>> -> memref<200x64xf32, #tpu.memory_space<hbm>>
        %dma_wait3A_418 = arith.constant 0 : i32
        %dma_wait3A_419 = arith.constant 0 : i32
        %dma_wait3A_420 = tpu.memref_slice %arg6[%dma_wait3A_404, %dma_wait3A_418, %dma_wait3A_419] : memref<4x200x64xf32, #tpu.memory_space<vmem>> -> memref<1x200x64xf32, #tpu.memory_space<vmem>>
        %dma_wait3A_421 = tpu.memref_squeeze %dma_wait3A_420 : memref<1x200x64xf32, #tpu.memory_space<vmem>> -> memref<200x64xf32, #tpu.memory_space<vmem>>
        tpu.wait_dma2 semaphore(%arg11 : memref<!tpu.dma_semaphore, #tpu.memory_space<semaphore_mem>>) src(%dma_wait3A_421 : memref<200x64xf32, #tpu.memory_space<vmem>>) dst(%dma_wait3A_417 : memref<200x64xf32, #tpu.memory_space<hbm>>)
        %add3A_422 = arith.constant 4 : i32
        %add3A_423 = arith.addi %sub3A_236, %add3A_422 : i32
        %dma_start3A_424 = arith.constant 0 : i32
        %dma_start3A_425 = arith.constant 0 : i32
        %dma_start3A_426 = arith.constant 0 : i32
        %dma_start3A_427 = tpu.memref_slice %arg6[%dma_start3A_424, %dma_start3A_425, %dma_start3A_426] : memref<4x200x64xf32, #tpu.memory_space<vmem>> -> memref<1x128x64xf32, #tpu.memory_space<vmem>>
        %dma_start3A_428 = tpu.memref_squeeze %dma_start3A_427 : memref<1x128x64xf32, #tpu.memory_space<vmem>> -> memref<128x64xf32, #tpu.memory_space<vmem>>
        %dma_start3A_429 = arith.constant 0 : i32
        %dma_start3A_430 = tpu.memref_slice %arg5[%add3A_423, %dma_start3A_429] : memref<128x200xi32, #tpu.memory_space<vmem>> -> memref<1x128xi32, #tpu.memory_space<vmem>>
        %dma_start3A_431 = tpu.memref_squeeze %dma_start3A_430 : memref<1x128xi32, #tpu.memory_space<vmem>> -> memref<128xi32, #tpu.memory_space<vmem>>
        %dma_start3A_432 = arith.constant 0 : i32
        %dma_start3A_433 = arith.constant 0 : i32
        %dma_start3A_434 = tpu.memref_slice %arg3[%dma_start3A_432, %dma_start3A_433] : memref<1000000x64xf32, #tpu.memory_space<hbm>> -> memref<1000000x64xf32, #tpu.memory_space<hbm>>
        tpu.enqueue_indirect_dma source(%dma_start3A_434 : memref<1000000x64xf32, #tpu.memory_space<hbm>>) target(%dma_start3A_428 : memref<128x64xf32, #tpu.memory_space<vmem>>) offsets(%dma_start3A_431 : memref<128xi32, #tpu.memory_space<vmem>>) semaphore(%arg7 : memref<!tpu.dma_semaphore, #tpu.memory_space<semaphore_mem>>)
        %dma_start3A_435 = arith.constant 0 : i32
        %dma_start3A_436 = arith.constant 128 : i32
        %dma_start3A_437 = arith.constant 0 : i32
        %dma_start3A_438 = tpu.memref_slice %arg6[%dma_start3A_435, %dma_start3A_436, %dma_start3A_437] : memref<4x200x64xf32, #tpu.memory_space<vmem>> -> memref<1x72x64xf32, #tpu.memory_space<vmem>>
        %dma_start3A_439 = tpu.memref_squeeze %dma_start3A_438 : memref<1x72x64xf32, #tpu.memory_space<vmem>> -> memref<72x64xf32, #tpu.memory_space<vmem>>
        %dma_start3A_440 = arith.constant 128 : i32
        %dma_start3A_441 = tpu.memref_slice %arg5[%add3A_423, %dma_start3A_440] : memref<128x200xi32, #tpu.memory_space<vmem>> -> memref<1x72xi32, #tpu.memory_space<vmem>>
        %dma_start3A_442 = tpu.memref_squeeze %dma_start3A_441 : memref<1x72xi32, #tpu.memory_space<vmem>> -> memref<72xi32, #tpu.memory_space<vmem>>
        %dma_start3A_443 = arith.constant 0 : i32
        %dma_start3A_444 = arith.constant 0 : i32
        %dma_start3A_445 = tpu.memref_slice %arg3[%dma_start3A_443, %dma_start3A_444] : memref<1000000x64xf32, #tpu.memory_space<hbm>> -> memref<1000000x64xf32, #tpu.memory_space<hbm>>
        tpu.enqueue_indirect_dma source(%dma_start3A_445 : memref<1000000x64xf32, #tpu.memory_space<hbm>>) target(%dma_start3A_439 : memref<72x64xf32, #tpu.memory_space<vmem>>) offsets(%dma_start3A_442 : memref<72xi32, #tpu.memory_space<vmem>>) semaphore(%arg7 : memref<!tpu.dma_semaphore, #tpu.memory_space<semaphore_mem>>)
      } else {
      }
      %dma_wait3A_249 = arith.constant 1 : i32
      %dma_wait3A_250 = arith.constant 0 : i32
      %dma_wait3A_251 = arith.constant 0 : i32
      %dma_wait3A_252 = tpu.memref_slice %arg6[%dma_wait3A_249, %dma_wait3A_250, %dma_wait3A_251] : memref<4x200x64xf32, #tpu.memory_space<vmem>> -> memref<1x200x64xf32, #tpu.memory_space<vmem>>
      %dma_wait3A_253 = tpu.memref_squeeze %dma_wait3A_252 : memref<1x200x64xf32, #tpu.memory_space<vmem>> -> memref<200x64xf32, #tpu.memory_space<vmem>>
      %dma_wait3A_254 = arith.constant 0 : i32
      %dma_wait3A_255 = arith.constant 0 : i32
      %dma_wait3A_256 = tpu.memref_slice %arg3[%dma_wait3A_254, %dma_wait3A_255] : memref<1000000x64xf32, #tpu.memory_space<hbm>> -> memref<200x64xf32, #tpu.memory_space<hbm>>
      %dma_wait3A_257 = arith.constant 0 : i32
      %dma_wait3A_258 = arith.constant 0 : i32
      %dma_wait3A_259 = tpu.memref_slice %arg6[%dma_wait3A_249, %dma_wait3A_257, %dma_wait3A_258] : memref<4x200x64xf32, #tpu.memory_space<vmem>> -> memref<1x200x64xf32, #tpu.memory_space<vmem>>
      %dma_wait3A_260 = tpu.memref_squeeze %dma_wait3A_259 : memref<1x200x64xf32, #tpu.memory_space<vmem>> -> memref<200x64xf32, #tpu.memory_space<vmem>>
      %dma_wait3A_261 = arith.constant 0 : i32
      %dma_wait3A_262 = arith.constant 0 : i32
      %dma_wait3A_263 = tpu.memref_slice %arg3[%dma_wait3A_261, %dma_wait3A_262] : memref<1000000x64xf32, #tpu.memory_space<hbm>> -> memref<200x64xf32, #tpu.memory_space<hbm>>
      tpu.wait_dma2 semaphore(%arg8 : memref<!tpu.dma_semaphore, #tpu.memory_space<semaphore_mem>>) src(%dma_wait3A_263 : memref<200x64xf32, #tpu.memory_space<hbm>>) dst(%dma_wait3A_260 : memref<200x64xf32, #tpu.memory_space<vmem>>)
      %parallel_loop3A_264 = arith.constant 0 : i32
      %parallel_loop3A_265 = arith.constant 200 : i32
      %parallel_loop3A_266 = arith.constant 8 : i32
      %parallel_loop3A_267 = arith.constant 1 : i32
      scf.for %parallel_loop3A_404 = %parallel_loop3A_264 to %parallel_loop3A_265 step %parallel_loop3A_266  : i32 {
        %parallel_loop3A_405 = arith.constant 0 : i32
        %parallel_loop3A_406 = arith.addi %parallel_loop3A_404, %parallel_loop3A_405 : i32
        %parallel_loop3A_407 = arith.constant 0 : i32
        %parallel_loop3A_408 = arith.constant 0 : i32
        %parallel_loop3A_409 = tpu.memref_slice %arg6[%parallel_loop3A_267, %parallel_loop3A_407, %parallel_loop3A_408] : memref<4x200x64xf32, #tpu.memory_space<vmem>> -> memref<1x200x64xf32, #tpu.memory_space<vmem>>
        %parallel_loop3A_410 = tpu.memref_squeeze %parallel_loop3A_409 : memref<1x200x64xf32, #tpu.memory_space<vmem>> -> memref<200x64xf32, #tpu.memory_space<vmem>>
        %parallel_loop3A_411 = arith.index_cast %parallel_loop3A_406 : i32 to index
        %parallel_loop3A_412 = arith.constant 0 : index
        %parallel_loop3A_413 = tpu.vector_load %parallel_loop3A_410[%parallel_loop3A_411, %parallel_loop3A_412] {strides = array<i32>} : memref<200x64xf32, #tpu.memory_space<vmem>>, vector<1x16xf32>,
        %parallel_loop3A_414 = vector.shape_cast %parallel_loop3A_413 : vector<1x16xf32> to vector<16xf32>
        %parallel_loop3A_415 = arith.constant 8.000000e+00 : f32
        %parallel_loop3A_416 = vector.broadcast %parallel_loop3A_415 : f32 to vector<16xf32>
        %parallel_loop3A_417 = arith.mulf %parallel_loop3A_414, %parallel_loop3A_416 : vector<16xf32>
        %parallel_loop3A_418 = arith.constant 0 : i32
        %parallel_loop3A_419 = arith.addi %parallel_loop3A_404, %parallel_loop3A_418 : i32
        %parallel_loop3A_420 = arith.constant 0 : i32
        %parallel_loop3A_421 = arith.constant 0 : i32
        %parallel_loop3A_422 = tpu.memref_slice %arg6[%parallel_loop3A_267, %parallel_loop3A_420, %parallel_loop3A_421] : memref<4x200x64xf32, #tpu.memory_space<vmem>> -> memref<1x200x64xf32, #tpu.memory_space<vmem>>
        %parallel_loop3A_423 = tpu.memref_squeeze %parallel_loop3A_422 : memref<1x200x64xf32, #tpu.memory_space<vmem>> -> memref<200x64xf32, #tpu.memory_space<vmem>>
        %parallel_loop3A_424 = arith.index_cast %parallel_loop3A_419 : i32 to index
        %parallel_loop3A_425 = arith.constant 0 : index
        %parallel_loop3A_426 = tpu.vector_load %parallel_loop3A_423[%parallel_loop3A_424, %parallel_loop3A_425] {strides = array<i32>} : memref<200x64xf32, #tpu.memory_space<vmem>>, vector<1x16xf32>,
        %parallel_loop3A_427 = vector.shape_cast %parallel_loop3A_426 : vector<1x16xf32> to vector<16xf32>
        %parallel_loop3A_428 = vector.shape_cast %parallel_loop3A_417 : vector<16xf32> to vector<1x16xf32>
        tpu.vector_store %parallel_loop3A_423[%parallel_loop3A_424, %parallel_loop3A_425], %parallel_loop3A_428 {strides = array<i32>} : memref<200x64xf32, #tpu.memory_space<vmem>>, vector<1x16xf32>,
        %parallel_loop3A_429 = arith.constant 0 : i32
        %parallel_loop3A_430 = arith.addi %parallel_loop3A_404, %parallel_loop3A_429 : i32
        %parallel_loop3A_431 = arith.constant 0 : i32
        %parallel_loop3A_432 = arith.constant 0 : i32
        %parallel_loop3A_433 = tpu.memref_slice %arg6[%parallel_loop3A_267, %parallel_loop3A_431, %parallel_loop3A_432] : memref<4x200x64xf32, #tpu.memory_space<vmem>> -> memref<1x200x64xf32, #tpu.memory_space<vmem>>
        %parallel_loop3A_434 = tpu.memref_squeeze %parallel_loop3A_433 : memref<1x200x64xf32, #tpu.memory_space<vmem>> -> memref<200x64xf32, #tpu.memory_space<vmem>>
        %parallel_loop3A_435 = arith.index_cast %parallel_loop3A_430 : i32 to index
        %parallel_loop3A_436 = arith.constant 16 : index
        %parallel_loop3A_437 = tpu.vector_load %parallel_loop3A_434[%parallel_loop3A_435, %parallel_loop3A_436] {strides = array<i32>} : memref<200x64xf32, #tpu.memory_space<vmem>>, vector<1x16xf32>,
        %parallel_loop3A_438 = vector.shape_cast %parallel_loop3A_437 : vector<1x16xf32> to vector<16xf32>
        %parallel_loop3A_439 = arith.constant 8.000000e+00 : f32
        %parallel_loop3A_440 = vector.broadcast %parallel_loop3A_439 : f32 to vector<16xf32>
        %parallel_loop3A_441 = arith.mulf %parallel_loop3A_438, %parallel_loop3A_440 : vector<16xf32>
        %parallel_loop3A_442 = arith.constant 0 : i32
        %parallel_loop3A_443 = arith.addi %parallel_loop3A_404, %parallel_loop3A_442 : i32
        %parallel_loop3A_444 = arith.constant 0 : i32
        %parallel_loop3A_445 = arith.constant 0 : i32
        %parallel_loop3A_446 = tpu.memref_slice %arg6[%parallel_loop3A_267, %parallel_loop3A_444, %parallel_loop3A_445] : memref<4x200x64xf32, #tpu.memory_space<vmem>> -> memref<1x200x64xf32, #tpu.memory_space<vmem>>
        %parallel_loop3A_447 = tpu.memref_squeeze %parallel_loop3A_446 : memref<1x200x64xf32, #tpu.memory_space<vmem>> -> memref<200x64xf32, #tpu.memory_space<vmem>>
        %parallel_loop3A_448 = arith.index_cast %parallel_loop3A_443 : i32 to index
        %parallel_loop3A_449 = arith.constant 16 : index
        %parallel_loop3A_450 = tpu.vector_load %parallel_loop3A_447[%parallel_loop3A_448, %parallel_loop3A_449] {strides = array<i32>} : memref<200x64xf32, #tpu.memory_space<vmem>>, vector<1x16xf32>,
        %parallel_loop3A_451 = vector.shape_cast %parallel_loop3A_450 : vector<1x16xf32> to vector<16xf32>
        %parallel_loop3A_452 = vector.shape_cast %parallel_loop3A_441 : vector<16xf32> to vector<1x16xf32>
        tpu.vector_store %parallel_loop3A_447[%parallel_loop3A_448, %parallel_loop3A_449], %parallel_loop3A_452 {strides = array<i32>} : memref<200x64xf32, #tpu.memory_space<vmem>>, vector<1x16xf32>,
        %parallel_loop3A_453 = arith.constant 0 : i32
        %parallel_loop3A_454 = arith.addi %parallel_loop3A_404, %parallel_loop3A_453 : i32
        %parallel_loop3A_455 = arith.constant 0 : i32
        %parallel_loop3A_456 = arith.constant 0 : i32
        %parallel_loop3A_457 = tpu.memref_slice %arg6[%parallel_loop3A_267, %parallel_loop3A_455, %parallel_loop3A_456] : memref<4x200x64xf32, #tpu.memory_space<vmem>> -> memref<1x200x64xf32, #tpu.memory_space<vmem>>
        %parallel_loop3A_458 = tpu.memref_squeeze %parallel_loop3A_457 : memref<1x200x64xf32, #tpu.memory_space<vmem>> -> memref<200x64xf32, #tpu.memory_space<vmem>>
        %parallel_loop3A_459 = arith.index_cast %parallel_loop3A_454 : i32 to index
        %parallel_loop3A_460 = arith.constant 32 : index
        %parallel_loop3A_461 = tpu.vector_load %parallel_loop3A_458[%parallel_loop3A_459, %parallel_loop3A_460] {strides = array<i32>} : memref<200x64xf32, #tpu.memory_space<vmem>>, vector<1x16xf32>,
        %parallel_loop3A_462 = vector.shape_cast %parallel_loop3A_461 : vector<1x16xf32> to vector<16xf32>
        %parallel_loop3A_463 = arith.constant 8.000000e+00 : f32
        %parallel_loop3A_464 = vector.broadcast %parallel_loop3A_463 : f32 to vector<16xf32>
        %parallel_loop3A_465 = arith.mulf %parallel_loop3A_462, %parallel_loop3A_464 : vector<16xf32>
        %parallel_loop3A_466 = arith.constant 0 : i32
        %parallel_loop3A_467 = arith.addi %parallel_loop3A_404, %parallel_loop3A_466 : i32
        %parallel_loop3A_468 = arith.constant 0 : i32
        %parallel_loop3A_469 = arith.constant 0 : i32
        %parallel_loop3A_470 = tpu.memref_slice %arg6[%parallel_loop3A_267, %parallel_loop3A_468, %parallel_loop3A_469] : memref<4x200x64xf32, #tpu.memory_space<vmem>> -> memref<1x200x64xf32, #tpu.memory_space<vmem>>
        %parallel_loop3A_471 = tpu.memref_squeeze %parallel_loop3A_470 : memref<1x200x64xf32, #tpu.memory_space<vmem>> -> memref<200x64xf32, #tpu.memory_space<vmem>>
        %parallel_loop3A_472 = arith.index_cast %parallel_loop3A_467 : i32 to index
        %parallel_loop3A_473 = arith.constant 32 : index
        %parallel_loop3A_474 = tpu.vector_load %parallel_loop3A_471[%parallel_loop3A_472, %parallel_loop3A_473] {strides = array<i32>} : memref<200x64xf32, #tpu.memory_space<vmem>>, vector<1x16xf32>,
        %parallel_loop3A_475 = vector.shape_cast %parallel_loop3A_474 : vector<1x16xf32> to vector<16xf32>
        %parallel_loop3A_476 = vector.shape_cast %parallel_loop3A_465 : vector<16xf32> to vector<1x16xf32>
        tpu.vector_store %parallel_loop3A_471[%parallel_loop3A_472, %parallel_loop3A_473], %parallel_loop3A_476 {strides = array<i32>} : memref<200x64xf32, #tpu.memory_space<vmem>>, vector<1x16xf32>,
        %parallel_loop3A_477 = arith.constant 0 : i32
        %parallel_loop3A_478 = arith.addi %parallel_loop3A_404, %parallel_loop3A_477 : i32
        %parallel_loop3A_479 = arith.constant 0 : i32
        %parallel_loop3A_480 = arith.constant 0 : i32
        %parallel_loop3A_481 = tpu.memref_slice %arg6[%parallel_loop3A_267, %parallel_loop3A_479, %parallel_loop3A_480] : memref<4x200x64xf32, #tpu.memory_space<vmem>> -> memref<1x200x64xf32, #tpu.memory_space<vmem>>
        %parallel_loop3A_482 = tpu.memref_squeeze %parallel_loop3A_481 : memref<1x200x64xf32, #tpu.memory_space<vmem>> -> memref<200x64xf32, #tpu.memory_space<vmem>>
        %parallel_loop3A_483 = arith.index_cast %parallel_loop3A_478 : i32 to index
        %parallel_loop3A_484 = arith.constant 48 : index
        %parallel_loop3A_485 = tpu.vector_load %parallel_loop3A_482[%parallel_loop3A_483, %parallel_loop3A_484] {strides = array<i32>} : memref<200x64xf32, #tpu.memory_space<vmem>>, vector<1x16xf32>,
        %parallel_loop3A_486 = vector.shape_cast %parallel_loop3A_485 : vector<1x16xf32> to vector<16xf32>
        %parallel_loop3A_487 = arith.constant 8.000000e+00 : f32
        %parallel_loop3A_488 = vector.broadcast %parallel_loop3A_487 : f32 to vector<16xf32>
        %parallel_loop3A_489 = arith.mulf %parallel_loop3A_486, %parallel_loop3A_488 : vector<16xf32>
        %parallel_loop3A_490 = arith.constant 0 : i32
        %parallel_loop3A_491 = arith.addi %parallel_loop3A_404, %parallel_loop3A_490 : i32
        %parallel_loop3A_492 = arith.constant 0 : i32
        %parallel_loop3A_493 = arith.constant 0 : i32
        %parallel_loop3A_494 = tpu.memref_slice %arg6[%parallel_loop3A_267, %parallel_loop3A_492, %parallel_loop3A_493] : memref<4x200x64xf32, #tpu.memory_space<vmem>> -> memref<1x200x64xf32, #tpu.memory_space<vmem>>
        %parallel_loop3A_495 = tpu.memref_squeeze %parallel_loop3A_494 : memref<1x200x64xf32, #tpu.memory_space<vmem>> -> memref<200x64xf32, #tpu.memory_space<vmem>>
        %parallel_loop3A_496 = arith.index_cast %parallel_loop3A_491 : i32 to index
        %parallel_loop3A_497 = arith.constant 48 : index
        %parallel_loop3A_498 = tpu.vector_load %parallel_loop3A_495[%parallel_loop3A_496, %parallel_loop3A_497] {strides = array<i32>} : memref<200x64xf32, #tpu.memory_space<vmem>>, vector<1x16xf32>,
        %parallel_loop3A_499 = vector.shape_cast %parallel_loop3A_498 : vector<1x16xf32> to vector<16xf32>
        %parallel_loop3A_500 = vector.shape_cast %parallel_loop3A_489 : vector<16xf32> to vector<1x16xf32>
        tpu.vector_store %parallel_loop3A_495[%parallel_loop3A_496, %parallel_loop3A_497], %parallel_loop3A_500 {strides = array<i32>} : memref<200x64xf32, #tpu.memory_space<vmem>>, vector<1x16xf32>,
        %parallel_loop3A_501 = arith.constant 1 : i32
        %parallel_loop3A_502 = arith.addi %parallel_loop3A_404, %parallel_loop3A_501 : i32
        %parallel_loop3A_503 = arith.constant 0 : i32
        %parallel_loop3A_504 = arith.constant 0 : i32
        %parallel_loop3A_505 = tpu.memref_slice %arg6[%parallel_loop3A_267, %parallel_loop3A_503, %parallel_loop3A_504] : memref<4x200x64xf32, #tpu.memory_space<vmem>> -> memref<1x200x64xf32, #tpu.memory_space<vmem>>
        %parallel_loop3A_506 = tpu.memref_squeeze %parallel_loop3A_505 : memref<1x200x64xf32, #tpu.memory_space<vmem>> -> memref<200x64xf32, #tpu.memory_space<vmem>>
        %parallel_loop3A_507 = arith.index_cast %parallel_loop3A_502 : i32 to index
        %parallel_loop3A_508 = arith.constant 0 : index
        %parallel_loop3A_509 = tpu.vector_load %parallel_loop3A_506[%parallel_loop3A_507, %parallel_loop3A_508] {strides = array<i32>} : memref<200x64xf32, #tpu.memory_space<vmem>>, vector<1x16xf32>,
        %parallel_loop3A_510 = vector.shape_cast %parallel_loop3A_509 : vector<1x16xf32> to vector<16xf32>
        %parallel_loop3A_511 = arith.constant 8.000000e+00 : f32
        %parallel_loop3A_512 = vector.broadcast %parallel_loop3A_511 : f32 to vector<16xf32>
        %parallel_loop3A_513 = arith.mulf %parallel_loop3A_510, %parallel_loop3A_512 : vector<16xf32>
        %parallel_loop3A_514 = arith.constant 1 : i32
        %parallel_loop3A_515 = arith.addi %parallel_loop3A_404, %parallel_loop3A_514 : i32
        %parallel_loop3A_516 = arith.constant 0 : i32
        %parallel_loop3A_517 = arith.constant 0 : i32
        %parallel_loop3A_518 = tpu.memref_slice %arg6[%parallel_loop3A_267, %parallel_loop3A_516, %parallel_loop3A_517] : memref<4x200x64xf32, #tpu.memory_space<vmem>> -> memref<1x200x64xf32, #tpu.memory_space<vmem>>
        %parallel_loop3A_519 = tpu.memref_squeeze %parallel_loop3A_518 : memref<1x200x64xf32, #tpu.memory_space<vmem>> -> memref<200x64xf32, #tpu.memory_space<vmem>>
        %parallel_loop3A_520 = arith.index_cast %parallel_loop3A_515 : i32 to index
        %parallel_loop3A_521 = arith.constant 0 : index
        %parallel_loop3A_522 = tpu.vector_load %parallel_loop3A_519[%parallel_loop3A_520, %parallel_loop3A_521] {strides = array<i32>} : memref<200x64xf32, #tpu.memory_space<vmem>>, vector<1x16xf32>,
        %parallel_loop3A_523 = vector.shape_cast %parallel_loop3A_522 : vector<1x16xf32> to vector<16xf32>
        %parallel_loop3A_524 = vector.shape_cast %parallel_loop3A_513 : vector<16xf32> to vector<1x16xf32>
        tpu.vector_store %parallel_loop3A_519[%parallel_loop3A_520, %parallel_loop3A_521], %parallel_loop3A_524 {strides = array<i32>} : memref<200x64xf32, #tpu.memory_space<vmem>>, vector<1x16xf32>,
        %parallel_loop3A_525 = arith.constant 1 : i32
        %parallel_loop3A_526 = arith.addi %parallel_loop3A_404, %parallel_loop3A_525 : i32
        %parallel_loop3A_527 = arith.constant 0 : i32
        %parallel_loop3A_528 = arith.constant 0 : i32
        %parallel_loop3A_529 = tpu.memref_slice %arg6[%parallel_loop3A_267, %parallel_loop3A_527, %parallel_loop3A_528] : memref<4x200x64xf32, #tpu.memory_space<vmem>> -> memref<1x200x64xf32, #tpu.memory_space<vmem>>
        %parallel_loop3A_530 = tpu.memref_squeeze %parallel_loop3A_529 : memref<1x200x64xf32, #tpu.memory_space<vmem>> -> memref<200x64xf32, #tpu.memory_space<vmem>>
        %parallel_loop3A_531 = arith.index_cast %parallel_loop3A_526 : i32 to index
        %parallel_loop3A_532 = arith.constant 16 : index
        %parallel_loop3A_533 = tpu.vector_load %parallel_loop3A_530[%parallel_loop3A_531, %parallel_loop3A_532] {strides = array<i32>} : memref<200x64xf32, #tpu.memory_space<vmem>>, vector<1x16xf32>,
        %parallel_loop3A_534 = vector.shape_cast %parallel_loop3A_533 : vector<1x16xf32> to vector<16xf32>
        %parallel_loop3A_535 = arith.constant 8.000000e+00 : f32
        %parallel_loop3A_536 = vector.broadcast %parallel_loop3A_535 : f32 to vector<16xf32>
        %parallel_loop3A_537 = arith.mulf %parallel_loop3A_534, %parallel_loop3A_536 : vector<16xf32>
        %parallel_loop3A_538 = arith.constant 1 : i32
        %parallel_loop3A_539 = arith.addi %parallel_loop3A_404, %parallel_loop3A_538 : i32
        %parallel_loop3A_540 = arith.constant 0 : i32
        %parallel_loop3A_541 = arith.constant 0 : i32
        %parallel_loop3A_542 = tpu.memref_slice %arg6[%parallel_loop3A_267, %parallel_loop3A_540, %parallel_loop3A_541] : memref<4x200x64xf32, #tpu.memory_space<vmem>> -> memref<1x200x64xf32, #tpu.memory_space<vmem>>
        %parallel_loop3A_543 = tpu.memref_squeeze %parallel_loop3A_542 : memref<1x200x64xf32, #tpu.memory_space<vmem>> -> memref<200x64xf32, #tpu.memory_space<vmem>>
        %parallel_loop3A_544 = arith.index_cast %parallel_loop3A_539 : i32 to index
        %parallel_loop3A_545 = arith.constant 16 : index
        %parallel_loop3A_546 = tpu.vector_load %parallel_loop3A_543[%parallel_loop3A_544, %parallel_loop3A_545] {strides = array<i32>} : memref<200x64xf32, #tpu.memory_space<vmem>>, vector<1x16xf32>,
        %parallel_loop3A_547 = vector.shape_cast %parallel_loop3A_546 : vector<1x16xf32> to vector<16xf32>
        %parallel_loop3A_548 = vector.shape_cast %parallel_loop3A_537 : vector<16xf32> to vector<1x16xf32>
        tpu.vector_store %parallel_loop3A_543[%parallel_loop3A_544, %parallel_loop3A_545], %parallel_loop3A_548 {strides = array<i32>} : memref<200x64xf32, #tpu.memory_space<vmem>>, vector<1x16xf32>,
        %parallel_loop3A_549 = arith.constant 1 : i32
        %parallel_loop3A_550 = arith.addi %parallel_loop3A_404, %parallel_loop3A_549 : i32
        %parallel_loop3A_551 = arith.constant 0 : i32
        %parallel_loop3A_552 = arith.constant 0 : i32
        %parallel_loop3A_553 = tpu.memref_slice %arg6[%parallel_loop3A_267, %parallel_loop3A_551, %parallel_loop3A_552] : memref<4x200x64xf32, #tpu.memory_space<vmem>> -> memref<1x200x64xf32, #tpu.memory_space<vmem>>
        %parallel_loop3A_554 = tpu.memref_squeeze %parallel_loop3A_553 : memref<1x200x64xf32, #tpu.memory_space<vmem>> -> memref<200x64xf32, #tpu.memory_space<vmem>>
        %parallel_loop3A_555 = arith.index_cast %parallel_loop3A_550 : i32 to index
        %parallel_loop3A_556 = arith.constant 32 : index
        %parallel_loop3A_557 = tpu.vector_load %parallel_loop3A_554[%parallel_loop3A_555, %parallel_loop3A_556] {strides = array<i32>} : memref<200x64xf32, #tpu.memory_space<vmem>>, vector<1x16xf32>,
        %parallel_loop3A_558 = vector.shape_cast %parallel_loop3A_557 : vector<1x16xf32> to vector<16xf32>
        %parallel_loop3A_559 = arith.constant 8.000000e+00 : f32
        %parallel_loop3A_560 = vector.broadcast %parallel_loop3A_559 : f32 to vector<16xf32>
        %parallel_loop3A_561 = arith.mulf %parallel_loop3A_558, %parallel_loop3A_560 : vector<16xf32>
        %parallel_loop3A_562 = arith.constant 1 : i32
        %parallel_loop3A_563 = arith.addi %parallel_loop3A_404, %parallel_loop3A_562 : i32
        %parallel_loop3A_564 = arith.constant 0 : i32
        %parallel_loop3A_565 = arith.constant 0 : i32
        %parallel_loop3A_566 = tpu.memref_slice %arg6[%parallel_loop3A_267, %parallel_loop3A_564, %parallel_loop3A_565] : memref<4x200x64xf32, #tpu.memory_space<vmem>> -> memref<1x200x64xf32, #tpu.memory_space<vmem>>
        %parallel_loop3A_567 = tpu.memref_squeeze %parallel_loop3A_566 : memref<1x200x64xf32, #tpu.memory_space<vmem>> -> memref<200x64xf32, #tpu.memory_space<vmem>>
        %parallel_loop3A_568 = arith.index_cast %parallel_loop3A_563 : i32 to index
        %parallel_loop3A_569 = arith.constant 32 : index
        %parallel_loop3A_570 = tpu.vector_load %parallel_loop3A_567[%parallel_loop3A_568, %parallel_loop3A_569] {strides = array<i32>} : memref<200x64xf32, #tpu.memory_space<vmem>>, vector<1x16xf32>,
        %parallel_loop3A_571 = vector.shape_cast %parallel_loop3A_570 : vector<1x16xf32> to vector<16xf32>
        %parallel_loop3A_572 = vector.shape_cast %parallel_loop3A_561 : vector<16xf32> to vector<1x16xf32>
        tpu.vector_store %parallel_loop3A_567[%parallel_loop3A_568, %parallel_loop3A_569], %parallel_loop3A_572 {strides = array<i32>} : memref<200x64xf32, #tpu.memory_space<vmem>>, vector<1x16xf32>,
        %parallel_loop3A_573 = arith.constant 1 : i32
        %parallel_loop3A_574 = arith.addi %parallel_loop3A_404, %parallel_loop3A_573 : i32
        %parallel_loop3A_575 = arith.constant 0 : i32
        %parallel_loop3A_576 = arith.constant 0 : i32
        %parallel_loop3A_577 = tpu.memref_slice %arg6[%parallel_loop3A_267, %parallel_loop3A_575, %parallel_loop3A_576] : memref<4x200x64xf32, #tpu.memory_space<vmem>> -> memref<1x200x64xf32, #tpu.memory_space<vmem>>
        %parallel_loop3A_578 = tpu.memref_squeeze %parallel_loop3A_577 : memref<1x200x64xf32, #tpu.memory_space<vmem>> -> memref<200x64xf32, #tpu.memory_space<vmem>>
        %parallel_loop3A_579 = arith.index_cast %parallel_loop3A_574 : i32 to index
        %parallel_loop3A_580 = arith.constant 48 : index
        %parallel_loop3A_581 = tpu.vector_load %parallel_loop3A_578[%parallel_loop3A_579, %parallel_loop3A_580] {strides = array<i32>} : memref<200x64xf32, #tpu.memory_space<vmem>>, vector<1x16xf32>,
        %parallel_loop3A_582 = vector.shape_cast %parallel_loop3A_581 : vector<1x16xf32> to vector<16xf32>
        %parallel_loop3A_583 = arith.constant 8.000000e+00 : f32
        %parallel_loop3A_584 = vector.broadcast %parallel_loop3A_583 : f32 to vector<16xf32>
        %parallel_loop3A_585 = arith.mulf %parallel_loop3A_582, %parallel_loop3A_584 : vector<16xf32>
        %parallel_loop3A_586 = arith.constant 1 : i32
        %parallel_loop3A_587 = arith.addi %parallel_loop3A_404, %parallel_loop3A_586 : i32
        %parallel_loop3A_588 = arith.constant 0 : i32
        %parallel_loop3A_589 = arith.constant 0 : i32
        %parallel_loop3A_590 = tpu.memref_slice %arg6[%parallel_loop3A_267, %parallel_loop3A_588, %parallel_loop3A_589] : memref<4x200x64xf32, #tpu.memory_space<vmem>> -> memref<1x200x64xf32, #tpu.memory_space<vmem>>
        %parallel_loop3A_591 = tpu.memref_squeeze %parallel_loop3A_590 : memref<1x200x64xf32, #tpu.memory_space<vmem>> -> memref<200x64xf32, #tpu.memory_space<vmem>>
        %parallel_loop3A_592 = arith.index_cast %parallel_loop3A_587 : i32 to index
        %parallel_loop3A_593 = arith.constant 48 : index
        %parallel_loop3A_594 = tpu.vector_load %parallel_loop3A_591[%parallel_loop3A_592, %parallel_loop3A_593] {strides = array<i32>} : memref<200x64xf32, #tpu.memory_space<vmem>>, vector<1x16xf32>,
        %parallel_loop3A_595 = vector.shape_cast %parallel_loop3A_594 : vector<1x16xf32> to vector<16xf32>
        %parallel_loop3A_596 = vector.shape_cast %parallel_loop3A_585 : vector<16xf32> to vector<1x16xf32>
        tpu.vector_store %parallel_loop3A_591[%parallel_loop3A_592, %parallel_loop3A_593], %parallel_loop3A_596 {strides = array<i32>} : memref<200x64xf32, #tpu.memory_space<vmem>>, vector<1x16xf32>,
        %parallel_loop3A_597 = arith.constant 2 : i32
        %parallel_loop3A_598 = arith.addi %parallel_loop3A_404, %parallel_loop3A_597 : i32
        %parallel_loop3A_599 = arith.constant 0 : i32
        %parallel_loop3A_600 = arith.constant 0 : i32
        %parallel_loop3A_601 = tpu.memref_slice %arg6[%parallel_loop3A_267, %parallel_loop3A_599, %parallel_loop3A_600] : memref<4x200x64xf32, #tpu.memory_space<vmem>> -> memref<1x200x64xf32, #tpu.memory_space<vmem>>
        %parallel_loop3A_602 = tpu.memref_squeeze %parallel_loop3A_601 : memref<1x200x64xf32, #tpu.memory_space<vmem>> -> memref<200x64xf32, #tpu.memory_space<vmem>>
        %parallel_loop3A_603 = arith.index_cast %parallel_loop3A_598 : i32 to index
        %parallel_loop3A_604 = arith.constant 0 : index
        %parallel_loop3A_605 = tpu.vector_load %parallel_loop3A_602[%parallel_loop3A_603, %parallel_loop3A_604] {strides = array<i32>} : memref<200x64xf32, #tpu.memory_space<vmem>>, vector<1x16xf32>,
        %parallel_loop3A_606 = vector.shape_cast %parallel_loop3A_605 : vector<1x16xf32> to vector<16xf32>
        %parallel_loop3A_607 = arith.constant 8.000000e+00 : f32
        %parallel_loop3A_608 = vector.broadcast %parallel_loop3A_607 : f32 to vector<16xf32>
        %parallel_loop3A_609 = arith.mulf %parallel_loop3A_606, %parallel_loop3A_608 : vector<16xf32>
        %parallel_loop3A_610 = arith.constant 2 : i32
        %parallel_loop3A_611 = arith.addi %parallel_loop3A_404, %parallel_loop3A_610 : i32
        %parallel_loop3A_612 = arith.constant 0 : i32
        %parallel_loop3A_613 = arith.constant 0 : i32
        %parallel_loop3A_614 = tpu.memref_slice %arg6[%parallel_loop3A_267, %parallel_loop3A_612, %parallel_loop3A_613] : memref<4x200x64xf32, #tpu.memory_space<vmem>> -> memref<1x200x64xf32, #tpu.memory_space<vmem>>
        %parallel_loop3A_615 = tpu.memref_squeeze %parallel_loop3A_614 : memref<1x200x64xf32, #tpu.memory_space<vmem>> -> memref<200x64xf32, #tpu.memory_space<vmem>>
        %parallel_loop3A_616 = arith.index_cast %parallel_loop3A_611 : i32 to index
        %parallel_loop3A_617 = arith.constant 0 : index
        %parallel_loop3A_618 = tpu.vector_load %parallel_loop3A_615[%parallel_loop3A_616, %parallel_loop3A_617] {strides = array<i32>} : memref<200x64xf32, #tpu.memory_space<vmem>>, vector<1x16xf32>,
        %parallel_loop3A_619 = vector.shape_cast %parallel_loop3A_618 : vector<1x16xf32> to vector<16xf32>
        %parallel_loop3A_620 = vector.shape_cast %parallel_loop3A_609 : vector<16xf32> to vector<1x16xf32>
        tpu.vector_store %parallel_loop3A_615[%parallel_loop3A_616, %parallel_loop3A_617], %parallel_loop3A_620 {strides = array<i32>} : memref<200x64xf32, #tpu.memory_space<vmem>>, vector<1x16xf32>,
        %parallel_loop3A_621 = arith.constant 2 : i32
        %parallel_loop3A_622 = arith.addi %parallel_loop3A_404, %parallel_loop3A_621 : i32
        %parallel_loop3A_623 = arith.constant 0 : i32
        %parallel_loop3A_624 = arith.constant 0 : i32
        %parallel_loop3A_625 = tpu.memref_slice %arg6[%parallel_loop3A_267, %parallel_loop3A_623, %parallel_loop3A_624] : memref<4x200x64xf32, #tpu.memory_space<vmem>> -> memref<1x200x64xf32, #tpu.memory_space<vmem>>
        %parallel_loop3A_626 = tpu.memref_squeeze %parallel_loop3A_625 : memref<1x200x64xf32, #tpu.memory_space<vmem>> -> memref<200x64xf32, #tpu.memory_space<vmem>>
        %parallel_loop3A_627 = arith.index_cast %parallel_loop3A_622 : i32 to index
        %parallel_loop3A_628 = arith.constant 16 : index
        %parallel_loop3A_629 = tpu.vector_load %parallel_loop3A_626[%parallel_loop3A_627, %parallel_loop3A_628] {strides = array<i32>} : memref<200x64xf32, #tpu.memory_space<vmem>>, vector<1x16xf32>,
        %parallel_loop3A_630 = vector.shape_cast %parallel_loop3A_629 : vector<1x16xf32> to vector<16xf32>
        %parallel_loop3A_631 = arith.constant 8.000000e+00 : f32
        %parallel_loop3A_632 = vector.broadcast %parallel_loop3A_631 : f32 to vector<16xf32>
        %parallel_loop3A_633 = arith.mulf %parallel_loop3A_630, %parallel_loop3A_632 : vector<16xf32>
        %parallel_loop3A_634 = arith.constant 2 : i32
        %parallel_loop3A_635 = arith.addi %parallel_loop3A_404, %parallel_loop3A_634 : i32
        %parallel_loop3A_636 = arith.constant 0 : i32
        %parallel_loop3A_637 = arith.constant 0 : i32
        %parallel_loop3A_638 = tpu.memref_slice %arg6[%parallel_loop3A_267, %parallel_loop3A_636, %parallel_loop3A_637] : memref<4x200x64xf32, #tpu.memory_space<vmem>> -> memref<1x200x64xf32, #tpu.memory_space<vmem>>
        %parallel_loop3A_639 = tpu.memref_squeeze %parallel_loop3A_638 : memref<1x200x64xf32, #tpu.memory_space<vmem>> -> memref<200x64xf32, #tpu.memory_space<vmem>>
        %parallel_loop3A_640 = arith.index_cast %parallel_loop3A_635 : i32 to index
        %parallel_loop3A_641 = arith.constant 16 : index
        %parallel_loop3A_642 = tpu.vector_load %parallel_loop3A_639[%parallel_loop3A_640, %parallel_loop3A_641] {strides = array<i32>} : memref<200x64xf32, #tpu.memory_space<vmem>>, vector<1x16xf32>,
        %parallel_loop3A_643 = vector.shape_cast %parallel_loop3A_642 : vector<1x16xf32> to vector<16xf32>
        %parallel_loop3A_644 = vector.shape_cast %parallel_loop3A_633 : vector<16xf32> to vector<1x16xf32>
        tpu.vector_store %parallel_loop3A_639[%parallel_loop3A_640, %parallel_loop3A_641], %parallel_loop3A_644 {strides = array<i32>} : memref<200x64xf32, #tpu.memory_space<vmem>>, vector<1x16xf32>,
        %parallel_loop3A_645 = arith.constant 2 : i32
        %parallel_loop3A_646 = arith.addi %parallel_loop3A_404, %parallel_loop3A_645 : i32
        %parallel_loop3A_647 = arith.constant 0 : i32
        %parallel_loop3A_648 = arith.constant 0 : i32
        %parallel_loop3A_649 = tpu.memref_slice %arg6[%parallel_loop3A_267, %parallel_loop3A_647, %parallel_loop3A_648] : memref<4x200x64xf32, #tpu.memory_space<vmem>> -> memref<1x200x64xf32, #tpu.memory_space<vmem>>
        %parallel_loop3A_650 = tpu.memref_squeeze %parallel_loop3A_649 : memref<1x200x64xf32, #tpu.memory_space<vmem>> -> memref<200x64xf32, #tpu.memory_space<vmem>>
        %parallel_loop3A_651 = arith.index_cast %parallel_loop3A_646 : i32 to index
        %parallel_loop3A_652 = arith.constant 32 : index
        %parallel_loop3A_653 = tpu.vector_load %parallel_loop3A_650[%parallel_loop3A_651, %parallel_loop3A_652] {strides = array<i32>} : memref<200x64xf32, #tpu.memory_space<vmem>>, vector<1x16xf32>,
        %parallel_loop3A_654 = vector.shape_cast %parallel_loop3A_653 : vector<1x16xf32> to vector<16xf32>
        %parallel_loop3A_655 = arith.constant 8.000000e+00 : f32
        %parallel_loop3A_656 = vector.broadcast %parallel_loop3A_655 : f32 to vector<16xf32>
        %parallel_loop3A_657 = arith.mulf %parallel_loop3A_654, %parallel_loop3A_656 : vector<16xf32>
        %parallel_loop3A_658 = arith.constant 2 : i32
        %parallel_loop3A_659 = arith.addi %parallel_loop3A_404, %parallel_loop3A_658 : i32
        %parallel_loop3A_660 = arith.constant 0 : i32
        %parallel_loop3A_661 = arith.constant 0 : i32
        %parallel_loop3A_662 = tpu.memref_slice %arg6[%parallel_loop3A_267, %parallel_loop3A_660, %parallel_loop3A_661] : memref<4x200x64xf32, #tpu.memory_space<vmem>> -> memref<1x200x64xf32, #tpu.memory_space<vmem>>
        %parallel_loop3A_663 = tpu.memref_squeeze %parallel_loop3A_662 : memref<1x200x64xf32, #tpu.memory_space<vmem>> -> memref<200x64xf32, #tpu.memory_space<vmem>>
        %parallel_loop3A_664 = arith.index_cast %parallel_loop3A_659 : i32 to index
        %parallel_loop3A_665 = arith.constant 32 : index
        %parallel_loop3A_666 = tpu.vector_load %parallel_loop3A_663[%parallel_loop3A_664, %parallel_loop3A_665] {strides = array<i32>} : memref<200x64xf32, #tpu.memory_space<vmem>>, vector<1x16xf32>,
        %parallel_loop3A_667 = vector.shape_cast %parallel_loop3A_666 : vector<1x16xf32> to vector<16xf32>
        %parallel_loop3A_668 = vector.shape_cast %parallel_loop3A_657 : vector<16xf32> to vector<1x16xf32>
        tpu.vector_store %parallel_loop3A_663[%parallel_loop3A_664, %parallel_loop3A_665], %parallel_loop3A_668 {strides = array<i32>} : memref<200x64xf32, #tpu.memory_space<vmem>>, vector<1x16xf32>,
        %parallel_loop3A_669 = arith.constant 2 : i32
        %parallel_loop3A_670 = arith.addi %parallel_loop3A_404, %parallel_loop3A_669 : i32
        %parallel_loop3A_671 = arith.constant 0 : i32
        %parallel_loop3A_672 = arith.constant 0 : i32
        %parallel_loop3A_673 = tpu.memref_slice %arg6[%parallel_loop3A_267, %parallel_loop3A_671, %parallel_loop3A_672] : memref<4x200x64xf32, #tpu.memory_space<vmem>> -> memref<1x200x64xf32, #tpu.memory_space<vmem>>
        %parallel_loop3A_674 = tpu.memref_squeeze %parallel_loop3A_673 : memref<1x200x64xf32, #tpu.memory_space<vmem>> -> memref<200x64xf32, #tpu.memory_space<vmem>>
        %parallel_loop3A_675 = arith.index_cast %parallel_loop3A_670 : i32 to index
        %parallel_loop3A_676 = arith.constant 48 : index
        %parallel_loop3A_677 = tpu.vector_load %parallel_loop3A_674[%parallel_loop3A_675, %parallel_loop3A_676] {strides = array<i32>} : memref<200x64xf32, #tpu.memory_space<vmem>>, vector<1x16xf32>,
        %parallel_loop3A_678 = vector.shape_cast %parallel_loop3A_677 : vector<1x16xf32> to vector<16xf32>
        %parallel_loop3A_679 = arith.constant 8.000000e+00 : f32
        %parallel_loop3A_680 = vector.broadcast %parallel_loop3A_679 : f32 to vector<16xf32>
        %parallel_loop3A_681 = arith.mulf %parallel_loop3A_678, %parallel_loop3A_680 : vector<16xf32>
        %parallel_loop3A_682 = arith.constant 2 : i32
        %parallel_loop3A_683 = arith.addi %parallel_loop3A_404, %parallel_loop3A_682 : i32
        %parallel_loop3A_684 = arith.constant 0 : i32
        %parallel_loop3A_685 = arith.constant 0 : i32
        %parallel_loop3A_686 = tpu.memref_slice %arg6[%parallel_loop3A_267, %parallel_loop3A_684, %parallel_loop3A_685] : memref<4x200x64xf32, #tpu.memory_space<vmem>> -> memref<1x200x64xf32, #tpu.memory_space<vmem>>
        %parallel_loop3A_687 = tpu.memref_squeeze %parallel_loop3A_686 : memref<1x200x64xf32, #tpu.memory_space<vmem>> -> memref<200x64xf32, #tpu.memory_space<vmem>>
        %parallel_loop3A_688 = arith.index_cast %parallel_loop3A_683 : i32 to index
        %parallel_loop3A_689 = arith.constant 48 : index
        %parallel_loop3A_690 = tpu.vector_load %parallel_loop3A_687[%parallel_loop3A_688, %parallel_loop3A_689] {strides = array<i32>} : memref<200x64xf32, #tpu.memory_space<vmem>>, vector<1x16xf32>,
        %parallel_loop3A_691 = vector.shape_cast %parallel_loop3A_690 : vector<1x16xf32> to vector<16xf32>
        %parallel_loop3A_692 = vector.shape_cast %parallel_loop3A_681 : vector<16xf32> to vector<1x16xf32>
        tpu.vector_store %parallel_loop3A_687[%parallel_loop3A_688, %parallel_loop3A_689], %parallel_loop3A_692 {strides = array<i32>} : memref<200x64xf32, #tpu.memory_space<vmem>>, vector<1x16xf32>,
        %parallel_loop3A_693 = arith.constant 3 : i32
        %parallel_loop3A_694 = arith.addi %parallel_loop3A_404, %parallel_loop3A_693 : i32
        %parallel_loop3A_695 = arith.constant 0 : i32
        %parallel_loop3A_696 = arith.constant 0 : i32
        %parallel_loop3A_697 = tpu.memref_slice %arg6[%parallel_loop3A_267, %parallel_loop3A_695, %parallel_loop3A_696] : memref<4x200x64xf32, #tpu.memory_space<vmem>> -> memref<1x200x64xf32, #tpu.memory_space<vmem>>
        %parallel_loop3A_698 = tpu.memref_squeeze %parallel_loop3A_697 : memref<1x200x64xf32, #tpu.memory_space<vmem>> -> memref<200x64xf32, #tpu.memory_space<vmem>>
        %parallel_loop3A_699 = arith.index_cast %parallel_loop3A_694 : i32 to index
        %parallel_loop3A_700 = arith.constant 0 : index
        %parallel_loop3A_701 = tpu.vector_load %parallel_loop3A_698[%parallel_loop3A_699, %parallel_loop3A_700] {strides = array<i32>} : memref<200x64xf32, #tpu.memory_space<vmem>>, vector<1x16xf32>,
        %parallel_loop3A_702 = vector.shape_cast %parallel_loop3A_701 : vector<1x16xf32> to vector<16xf32>
        %parallel_loop3A_703 = arith.constant 8.000000e+00 : f32
        %parallel_loop3A_704 = vector.broadcast %parallel_loop3A_703 : f32 to vector<16xf32>
        %parallel_loop3A_705 = arith.mulf %parallel_loop3A_702, %parallel_loop3A_704 : vector<16xf32>
        %parallel_loop3A_706 = arith.constant 3 : i32
        %parallel_loop3A_707 = arith.addi %parallel_loop3A_404, %parallel_loop3A_706 : i32
        %parallel_loop3A_708 = arith.constant 0 : i32
        %parallel_loop3A_709 = arith.constant 0 : i32
        %parallel_loop3A_710 = tpu.memref_slice %arg6[%parallel_loop3A_267, %parallel_loop3A_708, %parallel_loop3A_709] : memref<4x200x64xf32, #tpu.memory_space<vmem>> -> memref<1x200x64xf32, #tpu.memory_space<vmem>>
        %parallel_loop3A_711 = tpu.memref_squeeze %parallel_loop3A_710 : memref<1x200x64xf32, #tpu.memory_space<vmem>> -> memref<200x64xf32, #tpu.memory_space<vmem>>
        %parallel_loop3A_712 = arith.index_cast %parallel_loop3A_707 : i32 to index
        %parallel_loop3A_713 = arith.constant 0 : index
        %parallel_loop3A_714 = tpu.vector_load %parallel_loop3A_711[%parallel_loop3A_712, %parallel_loop3A_713] {strides = array<i32>} : memref<200x64xf32, #tpu.memory_space<vmem>>, vector<1x16xf32>,
        %parallel_loop3A_715 = vector.shape_cast %parallel_loop3A_714 : vector<1x16xf32> to vector<16xf32>
        %parallel_loop3A_716 = vector.shape_cast %parallel_loop3A_705 : vector<16xf32> to vector<1x16xf32>
        tpu.vector_store %parallel_loop3A_711[%parallel_loop3A_712, %parallel_loop3A_713], %parallel_loop3A_716 {strides = array<i32>} : memref<200x64xf32, #tpu.memory_space<vmem>>, vector<1x16xf32>,
        %parallel_loop3A_717 = arith.constant 3 : i32
        %parallel_loop3A_718 = arith.addi %parallel_loop3A_404, %parallel_loop3A_717 : i32
        %parallel_loop3A_719 = arith.constant 0 : i32
        %parallel_loop3A_720 = arith.constant 0 : i32
        %parallel_loop3A_721 = tpu.memref_slice %arg6[%parallel_loop3A_267, %parallel_loop3A_719, %parallel_loop3A_720] : memref<4x200x64xf32, #tpu.memory_space<vmem>> -> memref<1x200x64xf32, #tpu.memory_space<vmem>>
        %parallel_loop3A_722 = tpu.memref_squeeze %parallel_loop3A_721 : memref<1x200x64xf32, #tpu.memory_space<vmem>> -> memref<200x64xf32, #tpu.memory_space<vmem>>
        %parallel_loop3A_723 = arith.index_cast %parallel_loop3A_718 : i32 to index
        %parallel_loop3A_724 = arith.constant 16 : index
        %parallel_loop3A_725 = tpu.vector_load %parallel_loop3A_722[%parallel_loop3A_723, %parallel_loop3A_724] {strides = array<i32>} : memref<200x64xf32, #tpu.memory_space<vmem>>, vector<1x16xf32>,
        %parallel_loop3A_726 = vector.shape_cast %parallel_loop3A_725 : vector<1x16xf32> to vector<16xf32>
        %parallel_loop3A_727 = arith.constant 8.000000e+00 : f32
        %parallel_loop3A_728 = vector.broadcast %parallel_loop3A_727 : f32 to vector<16xf32>
        %parallel_loop3A_729 = arith.mulf %parallel_loop3A_726, %parallel_loop3A_728 : vector<16xf32>
        %parallel_loop3A_730 = arith.constant 3 : i32
        %parallel_loop3A_731 = arith.addi %parallel_loop3A_404, %parallel_loop3A_730 : i32
        %parallel_loop3A_732 = arith.constant 0 : i32
        %parallel_loop3A_733 = arith.constant 0 : i32
        %parallel_loop3A_734 = tpu.memref_slice %arg6[%parallel_loop3A_267, %parallel_loop3A_732, %parallel_loop3A_733] : memref<4x200x64xf32, #tpu.memory_space<vmem>> -> memref<1x200x64xf32, #tpu.memory_space<vmem>>
        %parallel_loop3A_735 = tpu.memref_squeeze %parallel_loop3A_734 : memref<1x200x64xf32, #tpu.memory_space<vmem>> -> memref<200x64xf32, #tpu.memory_space<vmem>>
        %parallel_loop3A_736 = arith.index_cast %parallel_loop3A_731 : i32 to index
        %parallel_loop3A_737 = arith.constant 16 : index
        %parallel_loop3A_738 = tpu.vector_load %parallel_loop3A_735[%parallel_loop3A_736, %parallel_loop3A_737] {strides = array<i32>} : memref<200x64xf32, #tpu.memory_space<vmem>>, vector<1x16xf32>,
        %parallel_loop3A_739 = vector.shape_cast %parallel_loop3A_738 : vector<1x16xf32> to vector<16xf32>
        %parallel_loop3A_740 = vector.shape_cast %parallel_loop3A_729 : vector<16xf32> to vector<1x16xf32>
        tpu.vector_store %parallel_loop3A_735[%parallel_loop3A_736, %parallel_loop3A_737], %parallel_loop3A_740 {strides = array<i32>} : memref<200x64xf32, #tpu.memory_space<vmem>>, vector<1x16xf32>,
        %parallel_loop3A_741 = arith.constant 3 : i32
        %parallel_loop3A_742 = arith.addi %parallel_loop3A_404, %parallel_loop3A_741 : i32
        %parallel_loop3A_743 = arith.constant 0 : i32
        %parallel_loop3A_744 = arith.constant 0 : i32
        %parallel_loop3A_745 = tpu.memref_slice %arg6[%parallel_loop3A_267, %parallel_loop3A_743, %parallel_loop3A_744] : memref<4x200x64xf32, #tpu.memory_space<vmem>> -> memref<1x200x64xf32, #tpu.memory_space<vmem>>
        %parallel_loop3A_746 = tpu.memref_squeeze %parallel_loop3A_745 : memref<1x200x64xf32, #tpu.memory_space<vmem>> -> memref<200x64xf32, #tpu.memory_space<vmem>>
        %parallel_loop3A_747 = arith.index_cast %parallel_loop3A_742 : i32 to index
        %parallel_loop3A_748 = arith.constant 32 : index
        %parallel_loop3A_749 = tpu.vector_load %parallel_loop3A_746[%parallel_loop3A_747, %parallel_loop3A_748] {strides = array<i32>} : memref<200x64xf32, #tpu.memory_space<vmem>>, vector<1x16xf32>,
        %parallel_loop3A_750 = vector.shape_cast %parallel_loop3A_749 : vector<1x16xf32> to vector<16xf32>
        %parallel_loop3A_751 = arith.constant 8.000000e+00 : f32
        %parallel_loop3A_752 = vector.broadcast %parallel_loop3A_751 : f32 to vector<16xf32>
        %parallel_loop3A_753 = arith.mulf %parallel_loop3A_750, %parallel_loop3A_752 : vector<16xf32>
        %parallel_loop3A_754 = arith.constant 3 : i32
        %parallel_loop3A_755 = arith.addi %parallel_loop3A_404, %parallel_loop3A_754 : i32
        %parallel_loop3A_756 = arith.constant 0 : i32
        %parallel_loop3A_757 = arith.constant 0 : i32
        %parallel_loop3A_758 = tpu.memref_slice %arg6[%parallel_loop3A_267, %parallel_loop3A_756, %parallel_loop3A_757] : memref<4x200x64xf32, #tpu.memory_space<vmem>> -> memref<1x200x64xf32, #tpu.memory_space<vmem>>
        %parallel_loop3A_759 = tpu.memref_squeeze %parallel_loop3A_758 : memref<1x200x64xf32, #tpu.memory_space<vmem>> -> memref<200x64xf32, #tpu.memory_space<vmem>>
        %parallel_loop3A_760 = arith.index_cast %parallel_loop3A_755 : i32 to index
        %parallel_loop3A_761 = arith.constant 32 : index
        %parallel_loop3A_762 = tpu.vector_load %parallel_loop3A_759[%parallel_loop3A_760, %parallel_loop3A_761] {strides = array<i32>} : memref<200x64xf32, #tpu.memory_space<vmem>>, vector<1x16xf32>,
        %parallel_loop3A_763 = vector.shape_cast %parallel_loop3A_762 : vector<1x16xf32> to vector<16xf32>
        %parallel_loop3A_764 = vector.shape_cast %parallel_loop3A_753 : vector<16xf32> to vector<1x16xf32>
        tpu.vector_store %parallel_loop3A_759[%parallel_loop3A_760, %parallel_loop3A_761], %parallel_loop3A_764 {strides = array<i32>} : memref<200x64xf32, #tpu.memory_space<vmem>>, vector<1x16xf32>,
        %parallel_loop3A_765 = arith.constant 3 : i32
        %parallel_loop3A_766 = arith.addi %parallel_loop3A_404, %parallel_loop3A_765 : i32
        %parallel_loop3A_767 = arith.constant 0 : i32
        %parallel_loop3A_768 = arith.constant 0 : i32
        %parallel_loop3A_769 = tpu.memref_slice %arg6[%parallel_loop3A_267, %parallel_loop3A_767, %parallel_loop3A_768] : memref<4x200x64xf32, #tpu.memory_space<vmem>> -> memref<1x200x64xf32, #tpu.memory_space<vmem>>
        %parallel_loop3A_770 = tpu.memref_squeeze %parallel_loop3A_769 : memref<1x200x64xf32, #tpu.memory_space<vmem>> -> memref<200x64xf32, #tpu.memory_space<vmem>>
        %parallel_loop3A_771 = arith.index_cast %parallel_loop3A_766 : i32 to index
        %parallel_loop3A_772 = arith.constant 48 : index
        %parallel_loop3A_773 = tpu.vector_load %parallel_loop3A_770[%parallel_loop3A_771, %parallel_loop3A_772] {strides = array<i32>} : memref<200x64xf32, #tpu.memory_space<vmem>>, vector<1x16xf32>,
        %parallel_loop3A_774 = vector.shape_cast %parallel_loop3A_773 : vector<1x16xf32> to vector<16xf32>
        %parallel_loop3A_775 = arith.constant 8.000000e+00 : f32
        %parallel_loop3A_776 = vector.broadcast %parallel_loop3A_775 : f32 to vector<16xf32>
        %parallel_loop3A_777 = arith.mulf %parallel_loop3A_774, %parallel_loop3A_776 : vector<16xf32>
        %parallel_loop3A_778 = arith.constant 3 : i32
        %parallel_loop3A_779 = arith.addi %parallel_loop3A_404, %parallel_loop3A_778 : i32
        %parallel_loop3A_780 = arith.constant 0 : i32
        %parallel_loop3A_781 = arith.constant 0 : i32
        %parallel_loop3A_782 = tpu.memref_slice %arg6[%parallel_loop3A_267, %parallel_loop3A_780, %parallel_loop3A_781] : memref<4x200x64xf32, #tpu.memory_space<vmem>> -> memref<1x200x64xf32, #tpu.memory_space<vmem>>
        %parallel_loop3A_783 = tpu.memref_squeeze %parallel_loop3A_782 : memref<1x200x64xf32, #tpu.memory_space<vmem>> -> memref<200x64xf32, #tpu.memory_space<vmem>>
        %parallel_loop3A_784 = arith.index_cast %parallel_loop3A_779 : i32 to index
        %parallel_loop3A_785 = arith.constant 48 : index
        %parallel_loop3A_786 = tpu.vector_load %parallel_loop3A_783[%parallel_loop3A_784, %parallel_loop3A_785] {strides = array<i32>} : memref<200x64xf32, #tpu.memory_space<vmem>>, vector<1x16xf32>,
        %parallel_loop3A_787 = vector.shape_cast %parallel_loop3A_786 : vector<1x16xf32> to vector<16xf32>
        %parallel_loop3A_788 = vector.shape_cast %parallel_loop3A_777 : vector<16xf32> to vector<1x16xf32>
        tpu.vector_store %parallel_loop3A_783[%parallel_loop3A_784, %parallel_loop3A_785], %parallel_loop3A_788 {strides = array<i32>} : memref<200x64xf32, #tpu.memory_space<vmem>>, vector<1x16xf32>,
        %parallel_loop3A_789 = arith.constant 4 : i32
        %parallel_loop3A_790 = arith.addi %parallel_loop3A_404, %parallel_loop3A_789 : i32
        %parallel_loop3A_791 = arith.constant 0 : i32
        %parallel_loop3A_792 = arith.constant 0 : i32
        %parallel_loop3A_793 = tpu.memref_slice %arg6[%parallel_loop3A_267, %parallel_loop3A_791, %parallel_loop3A_792] : memref<4x200x64xf32, #tpu.memory_space<vmem>> -> memref<1x200x64xf32, #tpu.memory_space<vmem>>
        %parallel_loop3A_794 = tpu.memref_squeeze %parallel_loop3A_793 : memref<1x200x64xf32, #tpu.memory_space<vmem>> -> memref<200x64xf32, #tpu.memory_space<vmem>>
        %parallel_loop3A_795 = arith.index_cast %parallel_loop3A_790 : i32 to index
        %parallel_loop3A_796 = arith.constant 0 : index
        %parallel_loop3A_797 = tpu.vector_load %parallel_loop3A_794[%parallel_loop3A_795, %parallel_loop3A_796] {strides = array<i32>} : memref<200x64xf32, #tpu.memory_space<vmem>>, vector<1x16xf32>,
        %parallel_loop3A_798 = vector.shape_cast %parallel_loop3A_797 : vector<1x16xf32> to vector<16xf32>
        %parallel_loop3A_799 = arith.constant 8.000000e+00 : f32
        %parallel_loop3A_800 = vector.broadcast %parallel_loop3A_799 : f32 to vector<16xf32>
        %parallel_loop3A_801 = arith.mulf %parallel_loop3A_798, %parallel_loop3A_800 : vector<16xf32>
        %parallel_loop3A_802 = arith.constant 4 : i32
        %parallel_loop3A_803 = arith.addi %parallel_loop3A_404, %parallel_loop3A_802 : i32
        %parallel_loop3A_804 = arith.constant 0 : i32
        %parallel_loop3A_805 = arith.constant 0 : i32
        %parallel_loop3A_806 = tpu.memref_slice %arg6[%parallel_loop3A_267, %parallel_loop3A_804, %parallel_loop3A_805] : memref<4x200x64xf32, #tpu.memory_space<vmem>> -> memref<1x200x64xf32, #tpu.memory_space<vmem>>
        %parallel_loop3A_807 = tpu.memref_squeeze %parallel_loop3A_806 : memref<1x200x64xf32, #tpu.memory_space<vmem>> -> memref<200x64xf32, #tpu.memory_space<vmem>>
        %parallel_loop3A_808 = arith.index_cast %parallel_loop3A_803 : i32 to index
        %parallel_loop3A_809 = arith.constant 0 : index
        %parallel_loop3A_810 = tpu.vector_load %parallel_loop3A_807[%parallel_loop3A_808, %parallel_loop3A_809] {strides = array<i32>} : memref<200x64xf32, #tpu.memory_space<vmem>>, vector<1x16xf32>,
        %parallel_loop3A_811 = vector.shape_cast %parallel_loop3A_810 : vector<1x16xf32> to vector<16xf32>
        %parallel_loop3A_812 = vector.shape_cast %parallel_loop3A_801 : vector<16xf32> to vector<1x16xf32>
        tpu.vector_store %parallel_loop3A_807[%parallel_loop3A_808, %parallel_loop3A_809], %parallel_loop3A_812 {strides = array<i32>} : memref<200x64xf32, #tpu.memory_space<vmem>>, vector<1x16xf32>,
        %parallel_loop3A_813 = arith.constant 4 : i32
        %parallel_loop3A_814 = arith.addi %parallel_loop3A_404, %parallel_loop3A_813 : i32
        %parallel_loop3A_815 = arith.constant 0 : i32
        %parallel_loop3A_816 = arith.constant 0 : i32
        %parallel_loop3A_817 = tpu.memref_slice %arg6[%parallel_loop3A_267, %parallel_loop3A_815, %parallel_loop3A_816] : memref<4x200x64xf32, #tpu.memory_space<vmem>> -> memref<1x200x64xf32, #tpu.memory_space<vmem>>
        %parallel_loop3A_818 = tpu.memref_squeeze %parallel_loop3A_817 : memref<1x200x64xf32, #tpu.memory_space<vmem>> -> memref<200x64xf32, #tpu.memory_space<vmem>>
        %parallel_loop3A_819 = arith.index_cast %parallel_loop3A_814 : i32 to index
        %parallel_loop3A_820 = arith.constant 16 : index
        %parallel_loop3A_821 = tpu.vector_load %parallel_loop3A_818[%parallel_loop3A_819, %parallel_loop3A_820] {strides = array<i32>} : memref<200x64xf32, #tpu.memory_space<vmem>>, vector<1x16xf32>,
        %parallel_loop3A_822 = vector.shape_cast %parallel_loop3A_821 : vector<1x16xf32> to vector<16xf32>
        %parallel_loop3A_823 = arith.constant 8.000000e+00 : f32
        %parallel_loop3A_824 = vector.broadcast %parallel_loop3A_823 : f32 to vector<16xf32>
        %parallel_loop3A_825 = arith.mulf %parallel_loop3A_822, %parallel_loop3A_824 : vector<16xf32>
        %parallel_loop3A_826 = arith.constant 4 : i32
        %parallel_loop3A_827 = arith.addi %parallel_loop3A_404, %parallel_loop3A_826 : i32
        %parallel_loop3A_828 = arith.constant 0 : i32
        %parallel_loop3A_829 = arith.constant 0 : i32
        %parallel_loop3A_830 = tpu.memref_slice %arg6[%parallel_loop3A_267, %parallel_loop3A_828, %parallel_loop3A_829] : memref<4x200x64xf32, #tpu.memory_space<vmem>> -> memref<1x200x64xf32, #tpu.memory_space<vmem>>
        %parallel_loop3A_831 = tpu.memref_squeeze %parallel_loop3A_830 : memref<1x200x64xf32, #tpu.memory_space<vmem>> -> memref<200x64xf32, #tpu.memory_space<vmem>>
        %parallel_loop3A_832 = arith.index_cast %parallel_loop3A_827 : i32 to index
        %parallel_loop3A_833 = arith.constant 16 : index
        %parallel_loop3A_834 = tpu.vector_load %parallel_loop3A_831[%parallel_loop3A_832, %parallel_loop3A_833] {strides = array<i32>} : memref<200x64xf32, #tpu.memory_space<vmem>>, vector<1x16xf32>,
        %parallel_loop3A_835 = vector.shape_cast %parallel_loop3A_834 : vector<1x16xf32> to vector<16xf32>
        %parallel_loop3A_836 = vector.shape_cast %parallel_loop3A_825 : vector<16xf32> to vector<1x16xf32>
        tpu.vector_store %parallel_loop3A_831[%parallel_loop3A_832, %parallel_loop3A_833], %parallel_loop3A_836 {strides = array<i32>} : memref<200x64xf32, #tpu.memory_space<vmem>>, vector<1x16xf32>,
        %parallel_loop3A_837 = arith.constant 4 : i32
        %parallel_loop3A_838 = arith.addi %parallel_loop3A_404, %parallel_loop3A_837 : i32
        %parallel_loop3A_839 = arith.constant 0 : i32
        %parallel_loop3A_840 = arith.constant 0 : i32
        %parallel_loop3A_841 = tpu.memref_slice %arg6[%parallel_loop3A_267, %parallel_loop3A_839, %parallel_loop3A_840] : memref<4x200x64xf32, #tpu.memory_space<vmem>> -> memref<1x200x64xf32, #tpu.memory_space<vmem>>
        %parallel_loop3A_842 = tpu.memref_squeeze %parallel_loop3A_841 : memref<1x200x64xf32, #tpu.memory_space<vmem>> -> memref<200x64xf32, #tpu.memory_space<vmem>>
        %parallel_loop3A_843 = arith.index_cast %parallel_loop3A_838 : i32 to index
        %parallel_loop3A_844 = arith.constant 32 : index
        %parallel_loop3A_845 = tpu.vector_load %parallel_loop3A_842[%parallel_loop3A_843, %parallel_loop3A_844] {strides = array<i32>} : memref<200x64xf32, #tpu.memory_space<vmem>>, vector<1x16xf32>,
        %parallel_loop3A_846 = vector.shape_cast %parallel_loop3A_845 : vector<1x16xf32> to vector<16xf32>
        %parallel_loop3A_847 = arith.constant 8.000000e+00 : f32
        %parallel_loop3A_848 = vector.broadcast %parallel_loop3A_847 : f32 to vector<16xf32>
        %parallel_loop3A_849 = arith.mulf %parallel_loop3A_846, %parallel_loop3A_848 : vector<16xf32>
        %parallel_loop3A_850 = arith.constant 4 : i32
        %parallel_loop3A_851 = arith.addi %parallel_loop3A_404, %parallel_loop3A_850 : i32
        %parallel_loop3A_852 = arith.constant 0 : i32
        %parallel_loop3A_853 = arith.constant 0 : i32
        %parallel_loop3A_854 = tpu.memref_slice %arg6[%parallel_loop3A_267, %parallel_loop3A_852, %parallel_loop3A_853] : memref<4x200x64xf32, #tpu.memory_space<vmem>> -> memref<1x200x64xf32, #tpu.memory_space<vmem>>
        %parallel_loop3A_855 = tpu.memref_squeeze %parallel_loop3A_854 : memref<1x200x64xf32, #tpu.memory_space<vmem>> -> memref<200x64xf32, #tpu.memory_space<vmem>>
        %parallel_loop3A_856 = arith.index_cast %parallel_loop3A_851 : i32 to index
        %parallel_loop3A_857 = arith.constant 32 : index
        %parallel_loop3A_858 = tpu.vector_load %parallel_loop3A_855[%parallel_loop3A_856, %parallel_loop3A_857] {strides = array<i32>} : memref<200x64xf32, #tpu.memory_space<vmem>>, vector<1x16xf32>,
        %parallel_loop3A_859 = vector.shape_cast %parallel_loop3A_858 : vector<1x16xf32> to vector<16xf32>
        %parallel_loop3A_860 = vector.shape_cast %parallel_loop3A_849 : vector<16xf32> to vector<1x16xf32>
        tpu.vector_store %parallel_loop3A_855[%parallel_loop3A_856, %parallel_loop3A_857], %parallel_loop3A_860 {strides = array<i32>} : memref<200x64xf32, #tpu.memory_space<vmem>>, vector<1x16xf32>,
        %parallel_loop3A_861 = arith.constant 4 : i32
        %parallel_loop3A_862 = arith.addi %parallel_loop3A_404, %parallel_loop3A_861 : i32
        %parallel_loop3A_863 = arith.constant 0 : i32
        %parallel_loop3A_864 = arith.constant 0 : i32
        %parallel_loop3A_865 = tpu.memref_slice %arg6[%parallel_loop3A_267, %parallel_loop3A_863, %parallel_loop3A_864] : memref<4x200x64xf32, #tpu.memory_space<vmem>> -> memref<1x200x64xf32, #tpu.memory_space<vmem>>
        %parallel_loop3A_866 = tpu.memref_squeeze %parallel_loop3A_865 : memref<1x200x64xf32, #tpu.memory_space<vmem>> -> memref<200x64xf32, #tpu.memory_space<vmem>>
        %parallel_loop3A_867 = arith.index_cast %parallel_loop3A_862 : i32 to index
        %parallel_loop3A_868 = arith.constant 48 : index
        %parallel_loop3A_869 = tpu.vector_load %parallel_loop3A_866[%parallel_loop3A_867, %parallel_loop3A_868] {strides = array<i32>} : memref<200x64xf32, #tpu.memory_space<vmem>>, vector<1x16xf32>,
        %parallel_loop3A_870 = vector.shape_cast %parallel_loop3A_869 : vector<1x16xf32> to vector<16xf32>
        %parallel_loop3A_871 = arith.constant 8.000000e+00 : f32
        %parallel_loop3A_872 = vector.broadcast %parallel_loop3A_871 : f32 to vector<16xf32>
        %parallel_loop3A_873 = arith.mulf %parallel_loop3A_870, %parallel_loop3A_872 : vector<16xf32>
        %parallel_loop3A_874 = arith.constant 4 : i32
        %parallel_loop3A_875 = arith.addi %parallel_loop3A_404, %parallel_loop3A_874 : i32
        %parallel_loop3A_876 = arith.constant 0 : i32
        %parallel_loop3A_877 = arith.constant 0 : i32
        %parallel_loop3A_878 = tpu.memref_slice %arg6[%parallel_loop3A_267, %parallel_loop3A_876, %parallel_loop3A_877] : memref<4x200x64xf32, #tpu.memory_space<vmem>> -> memref<1x200x64xf32, #tpu.memory_space<vmem>>
        %parallel_loop3A_879 = tpu.memref_squeeze %parallel_loop3A_878 : memref<1x200x64xf32, #tpu.memory_space<vmem>> -> memref<200x64xf32, #tpu.memory_space<vmem>>
        %parallel_loop3A_880 = arith.index_cast %parallel_loop3A_875 : i32 to index
        %parallel_loop3A_881 = arith.constant 48 : index
        %parallel_loop3A_882 = tpu.vector_load %parallel_loop3A_879[%parallel_loop3A_880, %parallel_loop3A_881] {strides = array<i32>} : memref<200x64xf32, #tpu.memory_space<vmem>>, vector<1x16xf32>,
        %parallel_loop3A_883 = vector.shape_cast %parallel_loop3A_882 : vector<1x16xf32> to vector<16xf32>
        %parallel_loop3A_884 = vector.shape_cast %parallel_loop3A_873 : vector<16xf32> to vector<1x16xf32>
        tpu.vector_store %parallel_loop3A_879[%parallel_loop3A_880, %parallel_loop3A_881], %parallel_loop3A_884 {strides = array<i32>} : memref<200x64xf32, #tpu.memory_space<vmem>>, vector<1x16xf32>,
        %parallel_loop3A_885 = arith.constant 5 : i32
        %parallel_loop3A_886 = arith.addi %parallel_loop3A_404, %parallel_loop3A_885 : i32
        %parallel_loop3A_887 = arith.constant 0 : i32
        %parallel_loop3A_888 = arith.constant 0 : i32
        %parallel_loop3A_889 = tpu.memref_slice %arg6[%parallel_loop3A_267, %parallel_loop3A_887, %parallel_loop3A_888] : memref<4x200x64xf32, #tpu.memory_space<vmem>> -> memref<1x200x64xf32, #tpu.memory_space<vmem>>
        %parallel_loop3A_890 = tpu.memref_squeeze %parallel_loop3A_889 : memref<1x200x64xf32, #tpu.memory_space<vmem>> -> memref<200x64xf32, #tpu.memory_space<vmem>>
        %parallel_loop3A_891 = arith.index_cast %parallel_loop3A_886 : i32 to index
        %parallel_loop3A_892 = arith.constant 0 : index
        %parallel_loop3A_893 = tpu.vector_load %parallel_loop3A_890[%parallel_loop3A_891, %parallel_loop3A_892] {strides = array<i32>} : memref<200x64xf32, #tpu.memory_space<vmem>>, vector<1x16xf32>,
        %parallel_loop3A_894 = vector.shape_cast %parallel_loop3A_893 : vector<1x16xf32> to vector<16xf32>
        %parallel_loop3A_895 = arith.constant 8.000000e+00 : f32
        %parallel_loop3A_896 = vector.broadcast %parallel_loop3A_895 : f32 to vector<16xf32>
        %parallel_loop3A_897 = arith.mulf %parallel_loop3A_894, %parallel_loop3A_896 : vector<16xf32>
        %parallel_loop3A_898 = arith.constant 5 : i32
        %parallel_loop3A_899 = arith.addi %parallel_loop3A_404, %parallel_loop3A_898 : i32
        %parallel_loop3A_900 = arith.constant 0 : i32
        %parallel_loop3A_901 = arith.constant 0 : i32
        %parallel_loop3A_902 = tpu.memref_slice %arg6[%parallel_loop3A_267, %parallel_loop3A_900, %parallel_loop3A_901] : memref<4x200x64xf32, #tpu.memory_space<vmem>> -> memref<1x200x64xf32, #tpu.memory_space<vmem>>
        %parallel_loop3A_903 = tpu.memref_squeeze %parallel_loop3A_902 : memref<1x200x64xf32, #tpu.memory_space<vmem>> -> memref<200x64xf32, #tpu.memory_space<vmem>>
        %parallel_loop3A_904 = arith.index_cast %parallel_loop3A_899 : i32 to index
        %parallel_loop3A_905 = arith.constant 0 : index
        %parallel_loop3A_906 = tpu.vector_load %parallel_loop3A_903[%parallel_loop3A_904, %parallel_loop3A_905] {strides = array<i32>} : memref<200x64xf32, #tpu.memory_space<vmem>>, vector<1x16xf32>,
        %parallel_loop3A_907 = vector.shape_cast %parallel_loop3A_906 : vector<1x16xf32> to vector<16xf32>
        %parallel_loop3A_908 = vector.shape_cast %parallel_loop3A_897 : vector<16xf32> to vector<1x16xf32>
        tpu.vector_store %parallel_loop3A_903[%parallel_loop3A_904, %parallel_loop3A_905], %parallel_loop3A_908 {strides = array<i32>} : memref<200x64xf32, #tpu.memory_space<vmem>>, vector<1x16xf32>,
        %parallel_loop3A_909 = arith.constant 5 : i32
        %parallel_loop3A_910 = arith.addi %parallel_loop3A_404, %parallel_loop3A_909 : i32
        %parallel_loop3A_911 = arith.constant 0 : i32
        %parallel_loop3A_912 = arith.constant 0 : i32
        %parallel_loop3A_913 = tpu.memref_slice %arg6[%parallel_loop3A_267, %parallel_loop3A_911, %parallel_loop3A_912] : memref<4x200x64xf32, #tpu.memory_space<vmem>> -> memref<1x200x64xf32, #tpu.memory_space<vmem>>
        %parallel_loop3A_914 = tpu.memref_squeeze %parallel_loop3A_913 : memref<1x200x64xf32, #tpu.memory_space<vmem>> -> memref<200x64xf32, #tpu.memory_space<vmem>>
        %parallel_loop3A_915 = arith.index_cast %parallel_loop3A_910 : i32 to index
        %parallel_loop3A_916 = arith.constant 16 : index
        %parallel_loop3A_917 = tpu.vector_load %parallel_loop3A_914[%parallel_loop3A_915, %parallel_loop3A_916] {strides = array<i32>} : memref<200x64xf32, #tpu.memory_space<vmem>>, vector<1x16xf32>,
        %parallel_loop3A_918 = vector.shape_cast %parallel_loop3A_917 : vector<1x16xf32> to vector<16xf32>
        %parallel_loop3A_919 = arith.constant 8.000000e+00 : f32
        %parallel_loop3A_920 = vector.broadcast %parallel_loop3A_919 : f32 to vector<16xf32>
        %parallel_loop3A_921 = arith.mulf %parallel_loop3A_918, %parallel_loop3A_920 : vector<16xf32>
        %parallel_loop3A_922 = arith.constant 5 : i32
        %parallel_loop3A_923 = arith.addi %parallel_loop3A_404, %parallel_loop3A_922 : i32
        %parallel_loop3A_924 = arith.constant 0 : i32
        %parallel_loop3A_925 = arith.constant 0 : i32
        %parallel_loop3A_926 = tpu.memref_slice %arg6[%parallel_loop3A_267, %parallel_loop3A_924, %parallel_loop3A_925] : memref<4x200x64xf32, #tpu.memory_space<vmem>> -> memref<1x200x64xf32, #tpu.memory_space<vmem>>
        %parallel_loop3A_927 = tpu.memref_squeeze %parallel_loop3A_926 : memref<1x200x64xf32, #tpu.memory_space<vmem>> -> memref<200x64xf32, #tpu.memory_space<vmem>>
        %parallel_loop3A_928 = arith.index_cast %parallel_loop3A_923 : i32 to index
        %parallel_loop3A_929 = arith.constant 16 : index
        %parallel_loop3A_930 = tpu.vector_load %parallel_loop3A_927[%parallel_loop3A_928, %parallel_loop3A_929] {strides = array<i32>} : memref<200x64xf32, #tpu.memory_space<vmem>>, vector<1x16xf32>,
        %parallel_loop3A_931 = vector.shape_cast %parallel_loop3A_930 : vector<1x16xf32> to vector<16xf32>
        %parallel_loop3A_932 = vector.shape_cast %parallel_loop3A_921 : vector<16xf32> to vector<1x16xf32>
        tpu.vector_store %parallel_loop3A_927[%parallel_loop3A_928, %parallel_loop3A_929], %parallel_loop3A_932 {strides = array<i32>} : memref<200x64xf32, #tpu.memory_space<vmem>>, vector<1x16xf32>,
        %parallel_loop3A_933 = arith.constant 5 : i32
        %parallel_loop3A_934 = arith.addi %parallel_loop3A_404, %parallel_loop3A_933 : i32
        %parallel_loop3A_935 = arith.constant 0 : i32
        %parallel_loop3A_936 = arith.constant 0 : i32
        %parallel_loop3A_937 = tpu.memref_slice %arg6[%parallel_loop3A_267, %parallel_loop3A_935, %parallel_loop3A_936] : memref<4x200x64xf32, #tpu.memory_space<vmem>> -> memref<1x200x64xf32, #tpu.memory_space<vmem>>
        %parallel_loop3A_938 = tpu.memref_squeeze %parallel_loop3A_937 : memref<1x200x64xf32, #tpu.memory_space<vmem>> -> memref<200x64xf32, #tpu.memory_space<vmem>>
        %parallel_loop3A_939 = arith.index_cast %parallel_loop3A_934 : i32 to index
        %parallel_loop3A_940 = arith.constant 32 : index
        %parallel_loop3A_941 = tpu.vector_load %parallel_loop3A_938[%parallel_loop3A_939, %parallel_loop3A_940] {strides = array<i32>} : memref<200x64xf32, #tpu.memory_space<vmem>>, vector<1x16xf32>,
        %parallel_loop3A_942 = vector.shape_cast %parallel_loop3A_941 : vector<1x16xf32> to vector<16xf32>
        %parallel_loop3A_943 = arith.constant 8.000000e+00 : f32
        %parallel_loop3A_944 = vector.broadcast %parallel_loop3A_943 : f32 to vector<16xf32>
        %parallel_loop3A_945 = arith.mulf %parallel_loop3A_942, %parallel_loop3A_944 : vector<16xf32>
        %parallel_loop3A_946 = arith.constant 5 : i32
        %parallel_loop3A_947 = arith.addi %parallel_loop3A_404, %parallel_loop3A_946 : i32
        %parallel_loop3A_948 = arith.constant 0 : i32
        %parallel_loop3A_949 = arith.constant 0 : i32
        %parallel_loop3A_950 = tpu.memref_slice %arg6[%parallel_loop3A_267, %parallel_loop3A_948, %parallel_loop3A_949] : memref<4x200x64xf32, #tpu.memory_space<vmem>> -> memref<1x200x64xf32, #tpu.memory_space<vmem>>
        %parallel_loop3A_951 = tpu.memref_squeeze %parallel_loop3A_950 : memref<1x200x64xf32, #tpu.memory_space<vmem>> -> memref<200x64xf32, #tpu.memory_space<vmem>>
        %parallel_loop3A_952 = arith.index_cast %parallel_loop3A_947 : i32 to index
        %parallel_loop3A_953 = arith.constant 32 : index
        %parallel_loop3A_954 = tpu.vector_load %parallel_loop3A_951[%parallel_loop3A_952, %parallel_loop3A_953] {strides = array<i32>} : memref<200x64xf32, #tpu.memory_space<vmem>>, vector<1x16xf32>,
        %parallel_loop3A_955 = vector.shape_cast %parallel_loop3A_954 : vector<1x16xf32> to vector<16xf32>
        %parallel_loop3A_956 = vector.shape_cast %parallel_loop3A_945 : vector<16xf32> to vector<1x16xf32>
        tpu.vector_store %parallel_loop3A_951[%parallel_loop3A_952, %parallel_loop3A_953], %parallel_loop3A_956 {strides = array<i32>} : memref<200x64xf32, #tpu.memory_space<vmem>>, vector<1x16xf32>,
        %parallel_loop3A_957 = arith.constant 5 : i32
        %parallel_loop3A_958 = arith.addi %parallel_loop3A_404, %parallel_loop3A_957 : i32
        %parallel_loop3A_959 = arith.constant 0 : i32
        %parallel_loop3A_960 = arith.constant 0 : i32
        %parallel_loop3A_961 = tpu.memref_slice %arg6[%parallel_loop3A_267, %parallel_loop3A_959, %parallel_loop3A_960] : memref<4x200x64xf32, #tpu.memory_space<vmem>> -> memref<1x200x64xf32, #tpu.memory_space<vmem>>
        %parallel_loop3A_962 = tpu.memref_squeeze %parallel_loop3A_961 : memref<1x200x64xf32, #tpu.memory_space<vmem>> -> memref<200x64xf32, #tpu.memory_space<vmem>>
        %parallel_loop3A_963 = arith.index_cast %parallel_loop3A_958 : i32 to index
        %parallel_loop3A_964 = arith.constant 48 : index
        %parallel_loop3A_965 = tpu.vector_load %parallel_loop3A_962[%parallel_loop3A_963, %parallel_loop3A_964] {strides = array<i32>} : memref<200x64xf32, #tpu.memory_space<vmem>>, vector<1x16xf32>,
        %parallel_loop3A_966 = vector.shape_cast %parallel_loop3A_965 : vector<1x16xf32> to vector<16xf32>
        %parallel_loop3A_967 = arith.constant 8.000000e+00 : f32
        %parallel_loop3A_968 = vector.broadcast %parallel_loop3A_967 : f32 to vector<16xf32>
        %parallel_loop3A_969 = arith.mulf %parallel_loop3A_966, %parallel_loop3A_968 : vector<16xf32>
        %parallel_loop3A_970 = arith.constant 5 : i32
        %parallel_loop3A_971 = arith.addi %parallel_loop3A_404, %parallel_loop3A_970 : i32
        %parallel_loop3A_972 = arith.constant 0 : i32
        %parallel_loop3A_973 = arith.constant 0 : i32
        %parallel_loop3A_974 = tpu.memref_slice %arg6[%parallel_loop3A_267, %parallel_loop3A_972, %parallel_loop3A_973] : memref<4x200x64xf32, #tpu.memory_space<vmem>> -> memref<1x200x64xf32, #tpu.memory_space<vmem>>
        %parallel_loop3A_975 = tpu.memref_squeeze %parallel_loop3A_974 : memref<1x200x64xf32, #tpu.memory_space<vmem>> -> memref<200x64xf32, #tpu.memory_space<vmem>>
        %parallel_loop3A_976 = arith.index_cast %parallel_loop3A_971 : i32 to index
        %parallel_loop3A_977 = arith.constant 48 : index
        %parallel_loop3A_978 = tpu.vector_load %parallel_loop3A_975[%parallel_loop3A_976, %parallel_loop3A_977] {strides = array<i32>} : memref<200x64xf32, #tpu.memory_space<vmem>>, vector<1x16xf32>,
        %parallel_loop3A_979 = vector.shape_cast %parallel_loop3A_978 : vector<1x16xf32> to vector<16xf32>
        %parallel_loop3A_980 = vector.shape_cast %parallel_loop3A_969 : vector<16xf32> to vector<1x16xf32>
        tpu.vector_store %parallel_loop3A_975[%parallel_loop3A_976, %parallel_loop3A_977], %parallel_loop3A_980 {strides = array<i32>} : memref<200x64xf32, #tpu.memory_space<vmem>>, vector<1x16xf32>,
        %parallel_loop3A_981 = arith.constant 6 : i32
        %parallel_loop3A_982 = arith.addi %parallel_loop3A_404, %parallel_loop3A_981 : i32
        %parallel_loop3A_983 = arith.constant 0 : i32
        %parallel_loop3A_984 = arith.constant 0 : i32
        %parallel_loop3A_985 = tpu.memref_slice %arg6[%parallel_loop3A_267, %parallel_loop3A_983, %parallel_loop3A_984] : memref<4x200x64xf32, #tpu.memory_space<vmem>> -> memref<1x200x64xf32, #tpu.memory_space<vmem>>
        %parallel_loop3A_986 = tpu.memref_squeeze %parallel_loop3A_985 : memref<1x200x64xf32, #tpu.memory_space<vmem>> -> memref<200x64xf32, #tpu.memory_space<vmem>>
        %parallel_loop3A_987 = arith.index_cast %parallel_loop3A_982 : i32 to index
        %parallel_loop3A_988 = arith.constant 0 : index
        %parallel_loop3A_989 = tpu.vector_load %parallel_loop3A_986[%parallel_loop3A_987, %parallel_loop3A_988] {strides = array<i32>} : memref<200x64xf32, #tpu.memory_space<vmem>>, vector<1x16xf32>,
        %parallel_loop3A_990 = vector.shape_cast %parallel_loop3A_989 : vector<1x16xf32> to vector<16xf32>
        %parallel_loop3A_991 = arith.constant 8.000000e+00 : f32
        %parallel_loop3A_992 = vector.broadcast %parallel_loop3A_991 : f32 to vector<16xf32>
        %parallel_loop3A_993 = arith.mulf %parallel_loop3A_990, %parallel_loop3A_992 : vector<16xf32>
        %parallel_loop3A_994 = arith.constant 6 : i32
        %parallel_loop3A_995 = arith.addi %parallel_loop3A_404, %parallel_loop3A_994 : i32
        %parallel_loop3A_996 = arith.constant 0 : i32
        %parallel_loop3A_997 = arith.constant 0 : i32
        %parallel_loop3A_998 = tpu.memref_slice %arg6[%parallel_loop3A_267, %parallel_loop3A_996, %parallel_loop3A_997] : memref<4x200x64xf32, #tpu.memory_space<vmem>> -> memref<1x200x64xf32, #tpu.memory_space<vmem>>
        %parallel_loop3A_999 = tpu.memref_squeeze %parallel_loop3A_998 : memref<1x200x64xf32, #tpu.memory_space<vmem>> -> memref<200x64xf32, #tpu.memory_space<vmem>>
        %parallel_loop3A_1000 = arith.index_cast %parallel_loop3A_995 : i32 to index
        %parallel_loop3A_1001 = arith.constant 0 : index
        %parallel_loop3A_1002 = tpu.vector_load %parallel_loop3A_999[%parallel_loop3A_1000, %parallel_loop3A_1001] {strides = array<i32>} : memref<200x64xf32, #tpu.memory_space<vmem>>, vector<1x16xf32>,
        %parallel_loop3A_1003 = vector.shape_cast %parallel_loop3A_1002 : vector<1x16xf32> to vector<16xf32>
        %parallel_loop3A_1004 = vector.shape_cast %parallel_loop3A_993 : vector<16xf32> to vector<1x16xf32>
        tpu.vector_store %parallel_loop3A_999[%parallel_loop3A_1000, %parallel_loop3A_1001], %parallel_loop3A_1004 {strides = array<i32>} : memref<200x64xf32, #tpu.memory_space<vmem>>, vector<1x16xf32>,
        %parallel_loop3A_1005 = arith.constant 6 : i32
        %parallel_loop3A_1006 = arith.addi %parallel_loop3A_404, %parallel_loop3A_1005 : i32
        %parallel_loop3A_1007 = arith.constant 0 : i32
        %parallel_loop3A_1008 = arith.constant 0 : i32
        %parallel_loop3A_1009 = tpu.memref_slice %arg6[%parallel_loop3A_267, %parallel_loop3A_1007, %parallel_loop3A_1008] : memref<4x200x64xf32, #tpu.memory_space<vmem>> -> memref<1x200x64xf32, #tpu.memory_space<vmem>>
        %parallel_loop3A_1010 = tpu.memref_squeeze %parallel_loop3A_1009 : memref<1x200x64xf32, #tpu.memory_space<vmem>> -> memref<200x64xf32, #tpu.memory_space<vmem>>
        %parallel_loop3A_1011 = arith.index_cast %parallel_loop3A_1006 : i32 to index
        %parallel_loop3A_1012 = arith.constant 16 : index
        %parallel_loop3A_1013 = tpu.vector_load %parallel_loop3A_1010[%parallel_loop3A_1011, %parallel_loop3A_1012] {strides = array<i32>} : memref<200x64xf32, #tpu.memory_space<vmem>>, vector<1x16xf32>,
        %parallel_loop3A_1014 = vector.shape_cast %parallel_loop3A_1013 : vector<1x16xf32> to vector<16xf32>
        %parallel_loop3A_1015 = arith.constant 8.000000e+00 : f32
        %parallel_loop3A_1016 = vector.broadcast %parallel_loop3A_1015 : f32 to vector<16xf32>
        %parallel_loop3A_1017 = arith.mulf %parallel_loop3A_1014, %parallel_loop3A_1016 : vector<16xf32>
        %parallel_loop3A_1018 = arith.constant 6 : i32
        %parallel_loop3A_1019 = arith.addi %parallel_loop3A_404, %parallel_loop3A_1018 : i32
        %parallel_loop3A_1020 = arith.constant 0 : i32
        %parallel_loop3A_1021 = arith.constant 0 : i32
        %parallel_loop3A_1022 = tpu.memref_slice %arg6[%parallel_loop3A_267, %parallel_loop3A_1020, %parallel_loop3A_1021] : memref<4x200x64xf32, #tpu.memory_space<vmem>> -> memref<1x200x64xf32, #tpu.memory_space<vmem>>
        %parallel_loop3A_1023 = tpu.memref_squeeze %parallel_loop3A_1022 : memref<1x200x64xf32, #tpu.memory_space<vmem>> -> memref<200x64xf32, #tpu.memory_space<vmem>>
        %parallel_loop3A_1024 = arith.index_cast %parallel_loop3A_1019 : i32 to index
        %parallel_loop3A_1025 = arith.constant 16 : index
        %parallel_loop3A_1026 = tpu.vector_load %parallel_loop3A_1023[%parallel_loop3A_1024, %parallel_loop3A_1025] {strides = array<i32>} : memref<200x64xf32, #tpu.memory_space<vmem>>, vector<1x16xf32>,
        %parallel_loop3A_1027 = vector.shape_cast %parallel_loop3A_1026 : vector<1x16xf32> to vector<16xf32>
        %parallel_loop3A_1028 = vector.shape_cast %parallel_loop3A_1017 : vector<16xf32> to vector<1x16xf32>
        tpu.vector_store %parallel_loop3A_1023[%parallel_loop3A_1024, %parallel_loop3A_1025], %parallel_loop3A_1028 {strides = array<i32>} : memref<200x64xf32, #tpu.memory_space<vmem>>, vector<1x16xf32>,
        %parallel_loop3A_1029 = arith.constant 6 : i32
        %parallel_loop3A_1030 = arith.addi %parallel_loop3A_404, %parallel_loop3A_1029 : i32
        %parallel_loop3A_1031 = arith.constant 0 : i32
        %parallel_loop3A_1032 = arith.constant 0 : i32
        %parallel_loop3A_1033 = tpu.memref_slice %arg6[%parallel_loop3A_267, %parallel_loop3A_1031, %parallel_loop3A_1032] : memref<4x200x64xf32, #tpu.memory_space<vmem>> -> memref<1x200x64xf32, #tpu.memory_space<vmem>>
        %parallel_loop3A_1034 = tpu.memref_squeeze %parallel_loop3A_1033 : memref<1x200x64xf32, #tpu.memory_space<vmem>> -> memref<200x64xf32, #tpu.memory_space<vmem>>
        %parallel_loop3A_1035 = arith.index_cast %parallel_loop3A_1030 : i32 to index
        %parallel_loop3A_1036 = arith.constant 32 : index
        %parallel_loop3A_1037 = tpu.vector_load %parallel_loop3A_1034[%parallel_loop3A_1035, %parallel_loop3A_1036] {strides = array<i32>} : memref<200x64xf32, #tpu.memory_space<vmem>>, vector<1x16xf32>,
        %parallel_loop3A_1038 = vector.shape_cast %parallel_loop3A_1037 : vector<1x16xf32> to vector<16xf32>
        %parallel_loop3A_1039 = arith.constant 8.000000e+00 : f32
        %parallel_loop3A_1040 = vector.broadcast %parallel_loop3A_1039 : f32 to vector<16xf32>
        %parallel_loop3A_1041 = arith.mulf %parallel_loop3A_1038, %parallel_loop3A_1040 : vector<16xf32>
        %parallel_loop3A_1042 = arith.constant 6 : i32
        %parallel_loop3A_1043 = arith.addi %parallel_loop3A_404, %parallel_loop3A_1042 : i32
        %parallel_loop3A_1044 = arith.constant 0 : i32
        %parallel_loop3A_1045 = arith.constant 0 : i32
        %parallel_loop3A_1046 = tpu.memref_slice %arg6[%parallel_loop3A_267, %parallel_loop3A_1044, %parallel_loop3A_1045] : memref<4x200x64xf32, #tpu.memory_space<vmem>> -> memref<1x200x64xf32, #tpu.memory_space<vmem>>
        %parallel_loop3A_1047 = tpu.memref_squeeze %parallel_loop3A_1046 : memref<1x200x64xf32, #tpu.memory_space<vmem>> -> memref<200x64xf32, #tpu.memory_space<vmem>>
        %parallel_loop3A_1048 = arith.index_cast %parallel_loop3A_1043 : i32 to index
        %parallel_loop3A_1049 = arith.constant 32 : index
        %parallel_loop3A_1050 = tpu.vector_load %parallel_loop3A_1047[%parallel_loop3A_1048, %parallel_loop3A_1049] {strides = array<i32>} : memref<200x64xf32, #tpu.memory_space<vmem>>, vector<1x16xf32>,
        %parallel_loop3A_1051 = vector.shape_cast %parallel_loop3A_1050 : vector<1x16xf32> to vector<16xf32>
        %parallel_loop3A_1052 = vector.shape_cast %parallel_loop3A_1041 : vector<16xf32> to vector<1x16xf32>
        tpu.vector_store %parallel_loop3A_1047[%parallel_loop3A_1048, %parallel_loop3A_1049], %parallel_loop3A_1052 {strides = array<i32>} : memref<200x64xf32, #tpu.memory_space<vmem>>, vector<1x16xf32>,
        %parallel_loop3A_1053 = arith.constant 6 : i32
        %parallel_loop3A_1054 = arith.addi %parallel_loop3A_404, %parallel_loop3A_1053 : i32
        %parallel_loop3A_1055 = arith.constant 0 : i32
        %parallel_loop3A_1056 = arith.constant 0 : i32
        %parallel_loop3A_1057 = tpu.memref_slice %arg6[%parallel_loop3A_267, %parallel_loop3A_1055, %parallel_loop3A_1056] : memref<4x200x64xf32, #tpu.memory_space<vmem>> -> memref<1x200x64xf32, #tpu.memory_space<vmem>>
        %parallel_loop3A_1058 = tpu.memref_squeeze %parallel_loop3A_1057 : memref<1x200x64xf32, #tpu.memory_space<vmem>> -> memref<200x64xf32, #tpu.memory_space<vmem>>
        %parallel_loop3A_1059 = arith.index_cast %parallel_loop3A_1054 : i32 to index
        %parallel_loop3A_1060 = arith.constant 48 : index
        %parallel_loop3A_1061 = tpu.vector_load %parallel_loop3A_1058[%parallel_loop3A_1059, %parallel_loop3A_1060] {strides = array<i32>} : memref<200x64xf32, #tpu.memory_space<vmem>>, vector<1x16xf32>,
        %parallel_loop3A_1062 = vector.shape_cast %parallel_loop3A_1061 : vector<1x16xf32> to vector<16xf32>
        %parallel_loop3A_1063 = arith.constant 8.000000e+00 : f32
        %parallel_loop3A_1064 = vector.broadcast %parallel_loop3A_1063 : f32 to vector<16xf32>
        %parallel_loop3A_1065 = arith.mulf %parallel_loop3A_1062, %parallel_loop3A_1064 : vector<16xf32>
        %parallel_loop3A_1066 = arith.constant 6 : i32
        %parallel_loop3A_1067 = arith.addi %parallel_loop3A_404, %parallel_loop3A_1066 : i32
        %parallel_loop3A_1068 = arith.constant 0 : i32
        %parallel_loop3A_1069 = arith.constant 0 : i32
        %parallel_loop3A_1070 = tpu.memref_slice %arg6[%parallel_loop3A_267, %parallel_loop3A_1068, %parallel_loop3A_1069] : memref<4x200x64xf32, #tpu.memory_space<vmem>> -> memref<1x200x64xf32, #tpu.memory_space<vmem>>
        %parallel_loop3A_1071 = tpu.memref_squeeze %parallel_loop3A_1070 : memref<1x200x64xf32, #tpu.memory_space<vmem>> -> memref<200x64xf32, #tpu.memory_space<vmem>>
        %parallel_loop3A_1072 = arith.index_cast %parallel_loop3A_1067 : i32 to index
        %parallel_loop3A_1073 = arith.constant 48 : index
        %parallel_loop3A_1074 = tpu.vector_load %parallel_loop3A_1071[%parallel_loop3A_1072, %parallel_loop3A_1073] {strides = array<i32>} : memref<200x64xf32, #tpu.memory_space<vmem>>, vector<1x16xf32>,
        %parallel_loop3A_1075 = vector.shape_cast %parallel_loop3A_1074 : vector<1x16xf32> to vector<16xf32>
        %parallel_loop3A_1076 = vector.shape_cast %parallel_loop3A_1065 : vector<16xf32> to vector<1x16xf32>
        tpu.vector_store %parallel_loop3A_1071[%parallel_loop3A_1072, %parallel_loop3A_1073], %parallel_loop3A_1076 {strides = array<i32>} : memref<200x64xf32, #tpu.memory_space<vmem>>, vector<1x16xf32>,
        %parallel_loop3A_1077 = arith.constant 7 : i32
        %parallel_loop3A_1078 = arith.addi %parallel_loop3A_404, %parallel_loop3A_1077 : i32
        %parallel_loop3A_1079 = arith.constant 0 : i32
        %parallel_loop3A_1080 = arith.constant 0 : i32
        %parallel_loop3A_1081 = tpu.memref_slice %arg6[%parallel_loop3A_267, %parallel_loop3A_1079, %parallel_loop3A_1080] : memref<4x200x64xf32, #tpu.memory_space<vmem>> -> memref<1x200x64xf32, #tpu.memory_space<vmem>>
        %parallel_loop3A_1082 = tpu.memref_squeeze %parallel_loop3A_1081 : memref<1x200x64xf32, #tpu.memory_space<vmem>> -> memref<200x64xf32, #tpu.memory_space<vmem>>
        %parallel_loop3A_1083 = arith.index_cast %parallel_loop3A_1078 : i32 to index
        %parallel_loop3A_1084 = arith.constant 0 : index
        %parallel_loop3A_1085 = tpu.vector_load %parallel_loop3A_1082[%parallel_loop3A_1083, %parallel_loop3A_1084] {strides = array<i32>} : memref<200x64xf32, #tpu.memory_space<vmem>>, vector<1x16xf32>,
        %parallel_loop3A_1086 = vector.shape_cast %parallel_loop3A_1085 : vector<1x16xf32> to vector<16xf32>
        %parallel_loop3A_1087 = arith.constant 8.000000e+00 : f32
        %parallel_loop3A_1088 = vector.broadcast %parallel_loop3A_1087 : f32 to vector<16xf32>
        %parallel_loop3A_1089 = arith.mulf %parallel_loop3A_1086, %parallel_loop3A_1088 : vector<16xf32>
        %parallel_loop3A_1090 = arith.constant 7 : i32
        %parallel_loop3A_1091 = arith.addi %parallel_loop3A_404, %parallel_loop3A_1090 : i32
        %parallel_loop3A_1092 = arith.constant 0 : i32
        %parallel_loop3A_1093 = arith.constant 0 : i32
        %parallel_loop3A_1094 = tpu.memref_slice %arg6[%parallel_loop3A_267, %parallel_loop3A_1092, %parallel_loop3A_1093] : memref<4x200x64xf32, #tpu.memory_space<vmem>> -> memref<1x200x64xf32, #tpu.memory_space<vmem>>
        %parallel_loop3A_1095 = tpu.memref_squeeze %parallel_loop3A_1094 : memref<1x200x64xf32, #tpu.memory_space<vmem>> -> memref<200x64xf32, #tpu.memory_space<vmem>>
        %parallel_loop3A_1096 = arith.index_cast %parallel_loop3A_1091 : i32 to index
        %parallel_loop3A_1097 = arith.constant 0 : index
        %parallel_loop3A_1098 = tpu.vector_load %parallel_loop3A_1095[%parallel_loop3A_1096, %parallel_loop3A_1097] {strides = array<i32>} : memref<200x64xf32, #tpu.memory_space<vmem>>, vector<1x16xf32>,
        %parallel_loop3A_1099 = vector.shape_cast %parallel_loop3A_1098 : vector<1x16xf32> to vector<16xf32>
        %parallel_loop3A_1100 = vector.shape_cast %parallel_loop3A_1089 : vector<16xf32> to vector<1x16xf32>
        tpu.vector_store %parallel_loop3A_1095[%parallel_loop3A_1096, %parallel_loop3A_1097], %parallel_loop3A_1100 {strides = array<i32>} : memref<200x64xf32, #tpu.memory_space<vmem>>, vector<1x16xf32>,
        %parallel_loop3A_1101 = arith.constant 7 : i32
        %parallel_loop3A_1102 = arith.addi %parallel_loop3A_404, %parallel_loop3A_1101 : i32
        %parallel_loop3A_1103 = arith.constant 0 : i32
        %parallel_loop3A_1104 = arith.constant 0 : i32
        %parallel_loop3A_1105 = tpu.memref_slice %arg6[%parallel_loop3A_267, %parallel_loop3A_1103, %parallel_loop3A_1104] : memref<4x200x64xf32, #tpu.memory_space<vmem>> -> memref<1x200x64xf32, #tpu.memory_space<vmem>>
        %parallel_loop3A_1106 = tpu.memref_squeeze %parallel_loop3A_1105 : memref<1x200x64xf32, #tpu.memory_space<vmem>> -> memref<200x64xf32, #tpu.memory_space<vmem>>
        %parallel_loop3A_1107 = arith.index_cast %parallel_loop3A_1102 : i32 to index
        %parallel_loop3A_1108 = arith.constant 16 : index
        %parallel_loop3A_1109 = tpu.vector_load %parallel_loop3A_1106[%parallel_loop3A_1107, %parallel_loop3A_1108] {strides = array<i32>} : memref<200x64xf32, #tpu.memory_space<vmem>>, vector<1x16xf32>,
        %parallel_loop3A_1110 = vector.shape_cast %parallel_loop3A_1109 : vector<1x16xf32> to vector<16xf32>
        %parallel_loop3A_1111 = arith.constant 8.000000e+00 : f32
        %parallel_loop3A_1112 = vector.broadcast %parallel_loop3A_1111 : f32 to vector<16xf32>
        %parallel_loop3A_1113 = arith.mulf %parallel_loop3A_1110, %parallel_loop3A_1112 : vector<16xf32>
        %parallel_loop3A_1114 = arith.constant 7 : i32
        %parallel_loop3A_1115 = arith.addi %parallel_loop3A_404, %parallel_loop3A_1114 : i32
        %parallel_loop3A_1116 = arith.constant 0 : i32
        %parallel_loop3A_1117 = arith.constant 0 : i32
        %parallel_loop3A_1118 = tpu.memref_slice %arg6[%parallel_loop3A_267, %parallel_loop3A_1116, %parallel_loop3A_1117] : memref<4x200x64xf32, #tpu.memory_space<vmem>> -> memref<1x200x64xf32, #tpu.memory_space<vmem>>
        %parallel_loop3A_1119 = tpu.memref_squeeze %parallel_loop3A_1118 : memref<1x200x64xf32, #tpu.memory_space<vmem>> -> memref<200x64xf32, #tpu.memory_space<vmem>>
        %parallel_loop3A_1120 = arith.index_cast %parallel_loop3A_1115 : i32 to index
        %parallel_loop3A_1121 = arith.constant 16 : index
        %parallel_loop3A_1122 = tpu.vector_load %parallel_loop3A_1119[%parallel_loop3A_1120, %parallel_loop3A_1121] {strides = array<i32>} : memref<200x64xf32, #tpu.memory_space<vmem>>, vector<1x16xf32>,
        %parallel_loop3A_1123 = vector.shape_cast %parallel_loop3A_1122 : vector<1x16xf32> to vector<16xf32>
        %parallel_loop3A_1124 = vector.shape_cast %parallel_loop3A_1113 : vector<16xf32> to vector<1x16xf32>
        tpu.vector_store %parallel_loop3A_1119[%parallel_loop3A_1120, %parallel_loop3A_1121], %parallel_loop3A_1124 {strides = array<i32>} : memref<200x64xf32, #tpu.memory_space<vmem>>, vector<1x16xf32>,
        %parallel_loop3A_1125 = arith.constant 7 : i32
        %parallel_loop3A_1126 = arith.addi %parallel_loop3A_404, %parallel_loop3A_1125 : i32
        %parallel_loop3A_1127 = arith.constant 0 : i32
        %parallel_loop3A_1128 = arith.constant 0 : i32
        %parallel_loop3A_1129 = tpu.memref_slice %arg6[%parallel_loop3A_267, %parallel_loop3A_1127, %parallel_loop3A_1128] : memref<4x200x64xf32, #tpu.memory_space<vmem>> -> memref<1x200x64xf32, #tpu.memory_space<vmem>>
        %parallel_loop3A_1130 = tpu.memref_squeeze %parallel_loop3A_1129 : memref<1x200x64xf32, #tpu.memory_space<vmem>> -> memref<200x64xf32, #tpu.memory_space<vmem>>
        %parallel_loop3A_1131 = arith.index_cast %parallel_loop3A_1126 : i32 to index
        %parallel_loop3A_1132 = arith.constant 32 : index
        %parallel_loop3A_1133 = tpu.vector_load %parallel_loop3A_1130[%parallel_loop3A_1131, %parallel_loop3A_1132] {strides = array<i32>} : memref<200x64xf32, #tpu.memory_space<vmem>>, vector<1x16xf32>,
        %parallel_loop3A_1134 = vector.shape_cast %parallel_loop3A_1133 : vector<1x16xf32> to vector<16xf32>
        %parallel_loop3A_1135 = arith.constant 8.000000e+00 : f32
        %parallel_loop3A_1136 = vector.broadcast %parallel_loop3A_1135 : f32 to vector<16xf32>
        %parallel_loop3A_1137 = arith.mulf %parallel_loop3A_1134, %parallel_loop3A_1136 : vector<16xf32>
        %parallel_loop3A_1138 = arith.constant 7 : i32
        %parallel_loop3A_1139 = arith.addi %parallel_loop3A_404, %parallel_loop3A_1138 : i32
        %parallel_loop3A_1140 = arith.constant 0 : i32
        %parallel_loop3A_1141 = arith.constant 0 : i32
        %parallel_loop3A_1142 = tpu.memref_slice %arg6[%parallel_loop3A_267, %parallel_loop3A_1140, %parallel_loop3A_1141] : memref<4x200x64xf32, #tpu.memory_space<vmem>> -> memref<1x200x64xf32, #tpu.memory_space<vmem>>
        %parallel_loop3A_1143 = tpu.memref_squeeze %parallel_loop3A_1142 : memref<1x200x64xf32, #tpu.memory_space<vmem>> -> memref<200x64xf32, #tpu.memory_space<vmem>>
        %parallel_loop3A_1144 = arith.index_cast %parallel_loop3A_1139 : i32 to index
        %parallel_loop3A_1145 = arith.constant 32 : index
        %parallel_loop3A_1146 = tpu.vector_load %parallel_loop3A_1143[%parallel_loop3A_1144, %parallel_loop3A_1145] {strides = array<i32>} : memref<200x64xf32, #tpu.memory_space<vmem>>, vector<1x16xf32>,
        %parallel_loop3A_1147 = vector.shape_cast %parallel_loop3A_1146 : vector<1x16xf32> to vector<16xf32>
        %parallel_loop3A_1148 = vector.shape_cast %parallel_loop3A_1137 : vector<16xf32> to vector<1x16xf32>
        tpu.vector_store %parallel_loop3A_1143[%parallel_loop3A_1144, %parallel_loop3A_1145], %parallel_loop3A_1148 {strides = array<i32>} : memref<200x64xf32, #tpu.memory_space<vmem>>, vector<1x16xf32>,
        %parallel_loop3A_1149 = arith.constant 7 : i32
        %parallel_loop3A_1150 = arith.addi %parallel_loop3A_404, %parallel_loop3A_1149 : i32
        %parallel_loop3A_1151 = arith.constant 0 : i32
        %parallel_loop3A_1152 = arith.constant 0 : i32
        %parallel_loop3A_1153 = tpu.memref_slice %arg6[%parallel_loop3A_267, %parallel_loop3A_1151, %parallel_loop3A_1152] : memref<4x200x64xf32, #tpu.memory_space<vmem>> -> memref<1x200x64xf32, #tpu.memory_space<vmem>>
        %parallel_loop3A_1154 = tpu.memref_squeeze %parallel_loop3A_1153 : memref<1x200x64xf32, #tpu.memory_space<vmem>> -> memref<200x64xf32, #tpu.memory_space<vmem>>
        %parallel_loop3A_1155 = arith.index_cast %parallel_loop3A_1150 : i32 to index
        %parallel_loop3A_1156 = arith.constant 48 : index
        %parallel_loop3A_1157 = tpu.vector_load %parallel_loop3A_1154[%parallel_loop3A_1155, %parallel_loop3A_1156] {strides = array<i32>} : memref<200x64xf32, #tpu.memory_space<vmem>>, vector<1x16xf32>,
        %parallel_loop3A_1158 = vector.shape_cast %parallel_loop3A_1157 : vector<1x16xf32> to vector<16xf32>
        %parallel_loop3A_1159 = arith.constant 8.000000e+00 : f32
        %parallel_loop3A_1160 = vector.broadcast %parallel_loop3A_1159 : f32 to vector<16xf32>
        %parallel_loop3A_1161 = arith.mulf %parallel_loop3A_1158, %parallel_loop3A_1160 : vector<16xf32>
        %parallel_loop3A_1162 = arith.constant 7 : i32
        %parallel_loop3A_1163 = arith.addi %parallel_loop3A_404, %parallel_loop3A_1162 : i32
        %parallel_loop3A_1164 = arith.constant 0 : i32
        %parallel_loop3A_1165 = arith.constant 0 : i32
        %parallel_loop3A_1166 = tpu.memref_slice %arg6[%parallel_loop3A_267, %parallel_loop3A_1164, %parallel_loop3A_1165] : memref<4x200x64xf32, #tpu.memory_space<vmem>> -> memref<1x200x64xf32, #tpu.memory_space<vmem>>
        %parallel_loop3A_1167 = tpu.memref_squeeze %parallel_loop3A_1166 : memref<1x200x64xf32, #tpu.memory_space<vmem>> -> memref<200x64xf32, #tpu.memory_space<vmem>>
        %parallel_loop3A_1168 = arith.index_cast %parallel_loop3A_1163 : i32 to index
        %parallel_loop3A_1169 = arith.constant 48 : index
        %parallel_loop3A_1170 = tpu.vector_load %parallel_loop3A_1167[%parallel_loop3A_1168, %parallel_loop3A_1169] {strides = array<i32>} : memref<200x64xf32, #tpu.memory_space<vmem>>, vector<1x16xf32>,
        %parallel_loop3A_1171 = vector.shape_cast %parallel_loop3A_1170 : vector<1x16xf32> to vector<16xf32>
        %parallel_loop3A_1172 = vector.shape_cast %parallel_loop3A_1161 : vector<16xf32> to vector<1x16xf32>
        tpu.vector_store %parallel_loop3A_1167[%parallel_loop3A_1168, %parallel_loop3A_1169], %parallel_loop3A_1172 {strides = array<i32>} : memref<200x64xf32, #tpu.memory_space<vmem>>, vector<1x16xf32>,
      } {sc.loop_unroll_factor = 2 : i64, sc.parallel_access}
      %add3A_268 = arith.addi %mul3A_2, %add3A_230 : i32
      %dma_start3A_269 = arith.constant 1 : i32
      %dma_start3A_270 = arith.constant 0 : i32
      %dma_start3A_271 = arith.constant 0 : i32
      %dma_start3A_272 = tpu.memref_slice %arg6[%dma_start3A_269, %dma_start3A_270, %dma_start3A_271] : memref<4x200x64xf32, #tpu.memory_space<vmem>> -> memref<1x200x64xf32, #tpu.memory_space<vmem>>
      %dma_start3A_273 = tpu.memref_squeeze %dma_start3A_272 : memref<1x200x64xf32, #tpu.memory_space<vmem>> -> memref<200x64xf32, #tpu.memory_space<vmem>>
      %dma_start3A_274 = arith.constant 0 : i32
      %dma_start3A_275 = arith.constant 0 : i32
      %dma_start3A_276 = tpu.memref_slice %arg4[%add3A_268, %dma_start3A_274, %dma_start3A_275] : memref<4096x200x64xf32, #tpu.memory_space<hbm>> -> memref<1x200x64xf32, #tpu.memory_space<hbm>>
      %dma_start3A_277 = tpu.memref_squeeze %dma_start3A_276 : memref<1x200x64xf32, #tpu.memory_space<hbm>> -> memref<200x64xf32, #tpu.memory_space<hbm>>
      %dma_start3A_278 = arith.constant 0 : i32
      %dma_start3A_279 = arith.constant 0 : i32
      %dma_start3A_280 = tpu.memref_slice %arg4[%add3A_268, %dma_start3A_278, %dma_start3A_279] : memref<4096x200x64xf32, #tpu.memory_space<hbm>> -> memref<1x200x64xf32, #tpu.memory_space<hbm>>
      %dma_start3A_281 = tpu.memref_squeeze %dma_start3A_280 : memref<1x200x64xf32, #tpu.memory_space<hbm>> -> memref<200x64xf32, #tpu.memory_space<hbm>>
      %dma_start3A_282 = arith.constant 0 : i32
      %dma_start3A_283 = arith.constant 0 : i32
      %dma_start3A_284 = tpu.memref_slice %arg6[%dma_start3A_269, %dma_start3A_282, %dma_start3A_283] : memref<4x200x64xf32, #tpu.memory_space<vmem>> -> memref<1x200x64xf32, #tpu.memory_space<vmem>>
      %dma_start3A_285 = tpu.memref_squeeze %dma_start3A_284 : memref<1x200x64xf32, #tpu.memory_space<vmem>> -> memref<200x64xf32, #tpu.memory_space<vmem>>
      tpu.enqueue_dma source(%dma_start3A_285 : memref<200x64xf32, #tpu.memory_space<vmem>>) target(%dma_start3A_281 : memref<200x64xf32, #tpu.memory_space<hbm>>) target_semaphore(%arg11 : memref<!tpu.dma_semaphore, #tpu.memory_space<semaphore_mem>>)
      %mul3A_286 = arith.constant 4 : i32
      %mul3A_287 = arith.muli %scan3A_174, %mul3A_286 : i32
      %add3A_288 = arith.constant 2 : i32
      %add3A_289 = arith.addi %mul3A_287, %add3A_288 : i32
      %mul3A_290 = arith.constant 4 : i32
      %mul3A_291 = arith.muli %scan3A_174, %mul3A_290 : i32
      %add3A_292 = arith.constant 2 : i32
      %add3A_293 = arith.addi %mul3A_291, %add3A_292 : i32
      %sub3A_294 = arith.constant 1 : i32
      %sub3A_295 = arith.subi %add3A_293, %sub3A_294 : i32
      %ge3A_296 = arith.constant 1 : i32
      %ge3A_297 = arith.cmpi sge, %add3A_289, %ge3A_296 : i32
      %add3A_298 = arith.constant 4 : i32
      %add3A_299 = arith.addi %add3A_289, %add3A_298 : i32
      %sub3A_300 = arith.constant 1 : i32
      %sub3A_301 = arith.subi %add3A_299, %sub3A_300 : i32
      %lt3A_302 = arith.constant 128 : i32
      %lt3A_303 = arith.cmpi slt, %sub3A_301, %lt3A_302 : i32
      %and3A_304 = arith.andi %ge3A_297, %lt3A_303 : i1
      %convert_element_type3A_305 = arith.extui %and3A_304 : i1 to i32
      %cond3A_306 = arith.constant 0 : i32
      %cond3A_307 = arith.cmpi ne, %convert_element_type3A_305, %cond3A_306 : i32
      scf.if %cond3A_307 {
        %dma_wait3A_404 = arith.constant 0 : i32
        %dma_wait3A_405 = arith.constant 0 : i32
        %dma_wait3A_406 = arith.constant 0 : i32
        %dma_wait3A_407 = arith.constant 0 : i32
        %dma_wait3A_408 = tpu.memref_slice %arg6[%dma_wait3A_404, %dma_wait3A_406, %dma_wait3A_407] : memref<4x200x64xf32, #tpu.memory_space<vmem>> -> memref<1x200x64xf32, #tpu.memory_space<vmem>>
        %dma_wait3A_409 = tpu.memref_squeeze %dma_wait3A_408 : memref<1x200x64xf32, #tpu.memory_space<vmem>> -> memref<200x64xf32, #tpu.memory_space<vmem>>
        %dma_wait3A_410 = arith.constant 0 : i32
        %dma_wait3A_411 = arith.constant 0 : i32
        %dma_wait3A_412 = tpu.memref_slice %arg4[%dma_wait3A_405, %dma_wait3A_410, %dma_wait3A_411] : memref<4096x200x64xf32, #tpu.memory_space<hbm>> -> memref<1x200x64xf32, #tpu.memory_space<hbm>>
        %dma_wait3A_413 = tpu.memref_squeeze %dma_wait3A_412 : memref<1x200x64xf32, #tpu.memory_space<hbm>> -> memref<200x64xf32, #tpu.memory_space<hbm>>
        %dma_wait3A_414 = arith.constant 0 : i32
        %dma_wait3A_415 = arith.constant 0 : i32
        %dma_wait3A_416 = tpu.memref_slice %arg4[%dma_wait3A_405, %dma_wait3A_414, %dma_wait3A_415] : memref<4096x200x64xf32, #tpu.memory_space<hbm>> -> memref<1x200x64xf32, #tpu.memory_space<hbm>>
        %dma_wait3A_417 = tpu.memref_squeeze %dma_wait3A_416 : memref<1x200x64xf32, #tpu.memory_space<hbm>> -> memref<200x64xf32, #tpu.memory_space<hbm>>
        %dma_wait3A_418 = arith.constant 0 : i32
        %dma_wait3A_419 = arith.constant 0 : i32
        %dma_wait3A_420 = tpu.memref_slice %arg6[%dma_wait3A_404, %dma_wait3A_418, %dma_wait3A_419] : memref<4x200x64xf32, #tpu.memory_space<vmem>> -> memref<1x200x64xf32, #tpu.memory_space<vmem>>
        %dma_wait3A_421 = tpu.memref_squeeze %dma_wait3A_420 : memref<1x200x64xf32, #tpu.memory_space<vmem>> -> memref<200x64xf32, #tpu.memory_space<vmem>>
        tpu.wait_dma2 semaphore(%arg11 : memref<!tpu.dma_semaphore, #tpu.memory_space<semaphore_mem>>) src(%dma_wait3A_421 : memref<200x64xf32, #tpu.memory_space<vmem>>) dst(%dma_wait3A_417 : memref<200x64xf32, #tpu.memory_space<hbm>>)
        %add3A_422 = arith.constant 4 : i32
        %add3A_423 = arith.addi %sub3A_295, %add3A_422 : i32
        %dma_start3A_424 = arith.constant 1 : i32
        %dma_start3A_425 = arith.constant 0 : i32
        %dma_start3A_426 = arith.constant 0 : i32
        %dma_start3A_427 = tpu.memref_slice %arg6[%dma_start3A_424, %dma_start3A_425, %dma_start3A_426] : memref<4x200x64xf32, #tpu.memory_space<vmem>> -> memref<1x128x64xf32, #tpu.memory_space<vmem>>
        %dma_start3A_428 = tpu.memref_squeeze %dma_start3A_427 : memref<1x128x64xf32, #tpu.memory_space<vmem>> -> memref<128x64xf32, #tpu.memory_space<vmem>>
        %dma_start3A_429 = arith.constant 0 : i32
        %dma_start3A_430 = tpu.memref_slice %arg5[%add3A_423, %dma_start3A_429] : memref<128x200xi32, #tpu.memory_space<vmem>> -> memref<1x128xi32, #tpu.memory_space<vmem>>
        %dma_start3A_431 = tpu.memref_squeeze %dma_start3A_430 : memref<1x128xi32, #tpu.memory_space<vmem>> -> memref<128xi32, #tpu.memory_space<vmem>>
        %dma_start3A_432 = arith.constant 0 : i32
        %dma_start3A_433 = arith.constant 0 : i32
        %dma_start3A_434 = tpu.memref_slice %arg3[%dma_start3A_432, %dma_start3A_433] : memref<1000000x64xf32, #tpu.memory_space<hbm>> -> memref<1000000x64xf32, #tpu.memory_space<hbm>>
        tpu.enqueue_indirect_dma source(%dma_start3A_434 : memref<1000000x64xf32, #tpu.memory_space<hbm>>) target(%dma_start3A_428 : memref<128x64xf32, #tpu.memory_space<vmem>>) offsets(%dma_start3A_431 : memref<128xi32, #tpu.memory_space<vmem>>) semaphore(%arg8 : memref<!tpu.dma_semaphore, #tpu.memory_space<semaphore_mem>>)
        %dma_start3A_435 = arith.constant 1 : i32
        %dma_start3A_436 = arith.constant 128 : i32
        %dma_start3A_437 = arith.constant 0 : i32
        %dma_start3A_438 = tpu.memref_slice %arg6[%dma_start3A_435, %dma_start3A_436, %dma_start3A_437] : memref<4x200x64xf32, #tpu.memory_space<vmem>> -> memref<1x72x64xf32, #tpu.memory_space<vmem>>
        %dma_start3A_439 = tpu.memref_squeeze %dma_start3A_438 : memref<1x72x64xf32, #tpu.memory_space<vmem>> -> memref<72x64xf32, #tpu.memory_space<vmem>>
        %dma_start3A_440 = arith.constant 128 : i32
        %dma_start3A_441 = tpu.memref_slice %arg5[%add3A_423, %dma_start3A_440] : memref<128x200xi32, #tpu.memory_space<vmem>> -> memref<1x72xi32, #tpu.memory_space<vmem>>
        %dma_start3A_442 = tpu.memref_squeeze %dma_start3A_441 : memref<1x72xi32, #tpu.memory_space<vmem>> -> memref<72xi32, #tpu.memory_space<vmem>>
        %dma_start3A_443 = arith.constant 0 : i32
        %dma_start3A_444 = arith.constant 0 : i32
        %dma_start3A_445 = tpu.memref_slice %arg3[%dma_start3A_443, %dma_start3A_444] : memref<1000000x64xf32, #tpu.memory_space<hbm>> -> memref<1000000x64xf32, #tpu.memory_space<hbm>>
        tpu.enqueue_indirect_dma source(%dma_start3A_445 : memref<1000000x64xf32, #tpu.memory_space<hbm>>) target(%dma_start3A_439 : memref<72x64xf32, #tpu.memory_space<vmem>>) offsets(%dma_start3A_442 : memref<72xi32, #tpu.memory_space<vmem>>) semaphore(%arg8 : memref<!tpu.dma_semaphore, #tpu.memory_space<semaphore_mem>>)
      } else {
      }
      %dma_wait3A_308 = arith.constant 2 : i32
      %dma_wait3A_309 = arith.constant 0 : i32
      %dma_wait3A_310 = arith.constant 0 : i32
      %dma_wait3A_311 = tpu.memref_slice %arg6[%dma_wait3A_308, %dma_wait3A_309, %dma_wait3A_310] : memref<4x200x64xf32, #tpu.memory_space<vmem>> -> memref<1x200x64xf32, #tpu.memory_space<vmem>>
      %dma_wait3A_312 = tpu.memref_squeeze %dma_wait3A_311 : memref<1x200x64xf32, #tpu.memory_space<vmem>> -> memref<200x64xf32, #tpu.memory_space<vmem>>
      %dma_wait3A_313 = arith.constant 0 : i32
      %dma_wait3A_314 = arith.constant 0 : i32
      %dma_wait3A_315 = tpu.memref_slice %arg3[%dma_wait3A_313, %dma_wait3A_314] : memref<1000000x64xf32, #tpu.memory_space<hbm>> -> memref<200x64xf32, #tpu.memory_space<hbm>>
      %dma_wait3A_316 = arith.constant 0 : i32
      %dma_wait3A_317 = arith.constant 0 : i32
      %dma_wait3A_318 = tpu.memref_slice %arg6[%dma_wait3A_308, %dma_wait3A_316, %dma_wait3A_317] : memref<4x200x64xf32, #tpu.memory_space<vmem>> -> memref<1x200x64xf32, #tpu.memory_space<vmem>>
      %dma_wait3A_319 = tpu.memref_squeeze %dma_wait3A_318 : memref<1x200x64xf32, #tpu.memory_space<vmem>> -> memref<200x64xf32, #tpu.memory_space<vmem>>
      %dma_wait3A_320 = arith.constant 0 : i32
      %dma_wait3A_321 = arith.constant 0 : i32
      %dma_wait3A_322 = tpu.memref_slice %arg3[%dma_wait3A_320, %dma_wait3A_321] : memref<1000000x64xf32, #tpu.memory_space<hbm>> -> memref<200x64xf32, #tpu.memory_space<hbm>>
      tpu.wait_dma2 semaphore(%arg9 : memref<!tpu.dma_semaphore, #tpu.memory_space<semaphore_mem>>) src(%dma_wait3A_322 : memref<200x64xf32, #tpu.memory_space<hbm>>) dst(%dma_wait3A_319 : memref<200x64xf32, #tpu.memory_space<vmem>>)
      %parallel_loop3A_323 = arith.constant 0 : i32
      %parallel_loop3A_324 = arith.constant 200 : i32
      %parallel_loop3A_325 = arith.constant 8 : i32
      %parallel_loop3A_326 = arith.constant 2 : i32
      scf.for %parallel_loop3A_404 = %parallel_loop3A_323 to %parallel_loop3A_324 step %parallel_loop3A_325  : i32 {
        %parallel_loop3A_405 = arith.constant 0 : i32
        %parallel_loop3A_406 = arith.addi %parallel_loop3A_404, %parallel_loop3A_405 : i32
        %parallel_loop3A_407 = arith.constant 0 : i32
        %parallel_loop3A_408 = arith.constant 0 : i32
        %parallel_loop3A_409 = tpu.memref_slice %arg6[%parallel_loop3A_326, %parallel_loop3A_407, %parallel_loop3A_408] : memref<4x200x64xf32, #tpu.memory_space<vmem>> -> memref<1x200x64xf32, #tpu.memory_space<vmem>>
        %parallel_loop3A_410 = tpu.memref_squeeze %parallel_loop3A_409 : memref<1x200x64xf32, #tpu.memory_space<vmem>> -> memref<200x64xf32, #tpu.memory_space<vmem>>
        %parallel_loop3A_411 = arith.index_cast %parallel_loop3A_406 : i32 to index
        %parallel_loop3A_412 = arith.constant 0 : index
        %parallel_loop3A_413 = tpu.vector_load %parallel_loop3A_410[%parallel_loop3A_411, %parallel_loop3A_412] {strides = array<i32>} : memref<200x64xf32, #tpu.memory_space<vmem>>, vector<1x16xf32>,
        %parallel_loop3A_414 = vector.shape_cast %parallel_loop3A_413 : vector<1x16xf32> to vector<16xf32>
        %parallel_loop3A_415 = arith.constant 8.000000e+00 : f32
        %parallel_loop3A_416 = vector.broadcast %parallel_loop3A_415 : f32 to vector<16xf32>
        %parallel_loop3A_417 = arith.mulf %parallel_loop3A_414, %parallel_loop3A_416 : vector<16xf32>
        %parallel_loop3A_418 = arith.constant 0 : i32
        %parallel_loop3A_419 = arith.addi %parallel_loop3A_404, %parallel_loop3A_418 : i32
        %parallel_loop3A_420 = arith.constant 0 : i32
        %parallel_loop3A_421 = arith.constant 0 : i32
        %parallel_loop3A_422 = tpu.memref_slice %arg6[%parallel_loop3A_326, %parallel_loop3A_420, %parallel_loop3A_421] : memref<4x200x64xf32, #tpu.memory_space<vmem>> -> memref<1x200x64xf32, #tpu.memory_space<vmem>>
        %parallel_loop3A_423 = tpu.memref_squeeze %parallel_loop3A_422 : memref<1x200x64xf32, #tpu.memory_space<vmem>> -> memref<200x64xf32, #tpu.memory_space<vmem>>
        %parallel_loop3A_424 = arith.index_cast %parallel_loop3A_419 : i32 to index
        %parallel_loop3A_425 = arith.constant 0 : index
        %parallel_loop3A_426 = tpu.vector_load %parallel_loop3A_423[%parallel_loop3A_424, %parallel_loop3A_425] {strides = array<i32>} : memref<200x64xf32, #tpu.memory_space<vmem>>, vector<1x16xf32>,
        %parallel_loop3A_427 = vector.shape_cast %parallel_loop3A_426 : vector<1x16xf32> to vector<16xf32>
        %parallel_loop3A_428 = vector.shape_cast %parallel_loop3A_417 : vector<16xf32> to vector<1x16xf32>
        tpu.vector_store %parallel_loop3A_423[%parallel_loop3A_424, %parallel_loop3A_425], %parallel_loop3A_428 {strides = array<i32>} : memref<200x64xf32, #tpu.memory_space<vmem>>, vector<1x16xf32>,
        %parallel_loop3A_429 = arith.constant 0 : i32
        %parallel_loop3A_430 = arith.addi %parallel_loop3A_404, %parallel_loop3A_429 : i32
        %parallel_loop3A_431 = arith.constant 0 : i32
        %parallel_loop3A_432 = arith.constant 0 : i32
        %parallel_loop3A_433 = tpu.memref_slice %arg6[%parallel_loop3A_326, %parallel_loop3A_431, %parallel_loop3A_432] : memref<4x200x64xf32, #tpu.memory_space<vmem>> -> memref<1x200x64xf32, #tpu.memory_space<vmem>>
        %parallel_loop3A_434 = tpu.memref_squeeze %parallel_loop3A_433 : memref<1x200x64xf32, #tpu.memory_space<vmem>> -> memref<200x64xf32, #tpu.memory_space<vmem>>
        %parallel_loop3A_435 = arith.index_cast %parallel_loop3A_430 : i32 to index
        %parallel_loop3A_436 = arith.constant 16 : index
        %parallel_loop3A_437 = tpu.vector_load %parallel_loop3A_434[%parallel_loop3A_435, %parallel_loop3A_436] {strides = array<i32>} : memref<200x64xf32, #tpu.memory_space<vmem>>, vector<1x16xf32>,
        %parallel_loop3A_438 = vector.shape_cast %parallel_loop3A_437 : vector<1x16xf32> to vector<16xf32>
        %parallel_loop3A_439 = arith.constant 8.000000e+00 : f32
        %parallel_loop3A_440 = vector.broadcast %parallel_loop3A_439 : f32 to vector<16xf32>
        %parallel_loop3A_441 = arith.mulf %parallel_loop3A_438, %parallel_loop3A_440 : vector<16xf32>
        %parallel_loop3A_442 = arith.constant 0 : i32
        %parallel_loop3A_443 = arith.addi %parallel_loop3A_404, %parallel_loop3A_442 : i32
        %parallel_loop3A_444 = arith.constant 0 : i32
        %parallel_loop3A_445 = arith.constant 0 : i32
        %parallel_loop3A_446 = tpu.memref_slice %arg6[%parallel_loop3A_326, %parallel_loop3A_444, %parallel_loop3A_445] : memref<4x200x64xf32, #tpu.memory_space<vmem>> -> memref<1x200x64xf32, #tpu.memory_space<vmem>>
        %parallel_loop3A_447 = tpu.memref_squeeze %parallel_loop3A_446 : memref<1x200x64xf32, #tpu.memory_space<vmem>> -> memref<200x64xf32, #tpu.memory_space<vmem>>
        %parallel_loop3A_448 = arith.index_cast %parallel_loop3A_443 : i32 to index
        %parallel_loop3A_449 = arith.constant 16 : index
        %parallel_loop3A_450 = tpu.vector_load %parallel_loop3A_447[%parallel_loop3A_448, %parallel_loop3A_449] {strides = array<i32>} : memref<200x64xf32, #tpu.memory_space<vmem>>, vector<1x16xf32>,
        %parallel_loop3A_451 = vector.shape_cast %parallel_loop3A_450 : vector<1x16xf32> to vector<16xf32>
        %parallel_loop3A_452 = vector.shape_cast %parallel_loop3A_441 : vector<16xf32> to vector<1x16xf32>
        tpu.vector_store %parallel_loop3A_447[%parallel_loop3A_448, %parallel_loop3A_449], %parallel_loop3A_452 {strides = array<i32>} : memref<200x64xf32, #tpu.memory_space<vmem>>, vector<1x16xf32>,
        %parallel_loop3A_453 = arith.constant 0 : i32
        %parallel_loop3A_454 = arith.addi %parallel_loop3A_404, %parallel_loop3A_453 : i32
        %parallel_loop3A_455 = arith.constant 0 : i32
        %parallel_loop3A_456 = arith.constant 0 : i32
        %parallel_loop3A_457 = tpu.memref_slice %arg6[%parallel_loop3A_326, %parallel_loop3A_455, %parallel_loop3A_456] : memref<4x200x64xf32, #tpu.memory_space<vmem>> -> memref<1x200x64xf32, #tpu.memory_space<vmem>>
        %parallel_loop3A_458 = tpu.memref_squeeze %parallel_loop3A_457 : memref<1x200x64xf32, #tpu.memory_space<vmem>> -> memref<200x64xf32, #tpu.memory_space<vmem>>
        %parallel_loop3A_459 = arith.index_cast %parallel_loop3A_454 : i32 to index
        %parallel_loop3A_460 = arith.constant 32 : index
        %parallel_loop3A_461 = tpu.vector_load %parallel_loop3A_458[%parallel_loop3A_459, %parallel_loop3A_460] {strides = array<i32>} : memref<200x64xf32, #tpu.memory_space<vmem>>, vector<1x16xf32>,
        %parallel_loop3A_462 = vector.shape_cast %parallel_loop3A_461 : vector<1x16xf32> to vector<16xf32>
        %parallel_loop3A_463 = arith.constant 8.000000e+00 : f32
        %parallel_loop3A_464 = vector.broadcast %parallel_loop3A_463 : f32 to vector<16xf32>
        %parallel_loop3A_465 = arith.mulf %parallel_loop3A_462, %parallel_loop3A_464 : vector<16xf32>
        %parallel_loop3A_466 = arith.constant 0 : i32
        %parallel_loop3A_467 = arith.addi %parallel_loop3A_404, %parallel_loop3A_466 : i32
        %parallel_loop3A_468 = arith.constant 0 : i32
        %parallel_loop3A_469 = arith.constant 0 : i32
        %parallel_loop3A_470 = tpu.memref_slice %arg6[%parallel_loop3A_326, %parallel_loop3A_468, %parallel_loop3A_469] : memref<4x200x64xf32, #tpu.memory_space<vmem>> -> memref<1x200x64xf32, #tpu.memory_space<vmem>>
        %parallel_loop3A_471 = tpu.memref_squeeze %parallel_loop3A_470 : memref<1x200x64xf32, #tpu.memory_space<vmem>> -> memref<200x64xf32, #tpu.memory_space<vmem>>
        %parallel_loop3A_472 = arith.index_cast %parallel_loop3A_467 : i32 to index
        %parallel_loop3A_473 = arith.constant 32 : index
        %parallel_loop3A_474 = tpu.vector_load %parallel_loop3A_471[%parallel_loop3A_472, %parallel_loop3A_473] {strides = array<i32>} : memref<200x64xf32, #tpu.memory_space<vmem>>, vector<1x16xf32>,
        %parallel_loop3A_475 = vector.shape_cast %parallel_loop3A_474 : vector<1x16xf32> to vector<16xf32>
        %parallel_loop3A_476 = vector.shape_cast %parallel_loop3A_465 : vector<16xf32> to vector<1x16xf32>
        tpu.vector_store %parallel_loop3A_471[%parallel_loop3A_472, %parallel_loop3A_473], %parallel_loop3A_476 {strides = array<i32>} : memref<200x64xf32, #tpu.memory_space<vmem>>, vector<1x16xf32>,
        %parallel_loop3A_477 = arith.constant 0 : i32
        %parallel_loop3A_478 = arith.addi %parallel_loop3A_404, %parallel_loop3A_477 : i32
        %parallel_loop3A_479 = arith.constant 0 : i32
        %parallel_loop3A_480 = arith.constant 0 : i32
        %parallel_loop3A_481 = tpu.memref_slice %arg6[%parallel_loop3A_326, %parallel_loop3A_479, %parallel_loop3A_480] : memref<4x200x64xf32, #tpu.memory_space<vmem>> -> memref<1x200x64xf32, #tpu.memory_space<vmem>>
        %parallel_loop3A_482 = tpu.memref_squeeze %parallel_loop3A_481 : memref<1x200x64xf32, #tpu.memory_space<vmem>> -> memref<200x64xf32, #tpu.memory_space<vmem>>
        %parallel_loop3A_483 = arith.index_cast %parallel_loop3A_478 : i32 to index
        %parallel_loop3A_484 = arith.constant 48 : index
        %parallel_loop3A_485 = tpu.vector_load %parallel_loop3A_482[%parallel_loop3A_483, %parallel_loop3A_484] {strides = array<i32>} : memref<200x64xf32, #tpu.memory_space<vmem>>, vector<1x16xf32>,
        %parallel_loop3A_486 = vector.shape_cast %parallel_loop3A_485 : vector<1x16xf32> to vector<16xf32>
        %parallel_loop3A_487 = arith.constant 8.000000e+00 : f32
        %parallel_loop3A_488 = vector.broadcast %parallel_loop3A_487 : f32 to vector<16xf32>
        %parallel_loop3A_489 = arith.mulf %parallel_loop3A_486, %parallel_loop3A_488 : vector<16xf32>
        %parallel_loop3A_490 = arith.constant 0 : i32
        %parallel_loop3A_491 = arith.addi %parallel_loop3A_404, %parallel_loop3A_490 : i32
        %parallel_loop3A_492 = arith.constant 0 : i32
        %parallel_loop3A_493 = arith.constant 0 : i32
        %parallel_loop3A_494 = tpu.memref_slice %arg6[%parallel_loop3A_326, %parallel_loop3A_492, %parallel_loop3A_493] : memref<4x200x64xf32, #tpu.memory_space<vmem>> -> memref<1x200x64xf32, #tpu.memory_space<vmem>>
        %parallel_loop3A_495 = tpu.memref_squeeze %parallel_loop3A_494 : memref<1x200x64xf32, #tpu.memory_space<vmem>> -> memref<200x64xf32, #tpu.memory_space<vmem>>
        %parallel_loop3A_496 = arith.index_cast %parallel_loop3A_491 : i32 to index
        %parallel_loop3A_497 = arith.constant 48 : index
        %parallel_loop3A_498 = tpu.vector_load %parallel_loop3A_495[%parallel_loop3A_496, %parallel_loop3A_497] {strides = array<i32>} : memref<200x64xf32, #tpu.memory_space<vmem>>, vector<1x16xf32>,
        %parallel_loop3A_499 = vector.shape_cast %parallel_loop3A_498 : vector<1x16xf32> to vector<16xf32>
        %parallel_loop3A_500 = vector.shape_cast %parallel_loop3A_489 : vector<16xf32> to vector<1x16xf32>
        tpu.vector_store %parallel_loop3A_495[%parallel_loop3A_496, %parallel_loop3A_497], %parallel_loop3A_500 {strides = array<i32>} : memref<200x64xf32, #tpu.memory_space<vmem>>, vector<1x16xf32>,
        %parallel_loop3A_501 = arith.constant 1 : i32
        %parallel_loop3A_502 = arith.addi %parallel_loop3A_404, %parallel_loop3A_501 : i32
        %parallel_loop3A_503 = arith.constant 0 : i32
        %parallel_loop3A_504 = arith.constant 0 : i32
        %parallel_loop3A_505 = tpu.memref_slice %arg6[%parallel_loop3A_326, %parallel_loop3A_503, %parallel_loop3A_504] : memref<4x200x64xf32, #tpu.memory_space<vmem>> -> memref<1x200x64xf32, #tpu.memory_space<vmem>>
        %parallel_loop3A_506 = tpu.memref_squeeze %parallel_loop3A_505 : memref<1x200x64xf32, #tpu.memory_space<vmem>> -> memref<200x64xf32, #tpu.memory_space<vmem>>
        %parallel_loop3A_507 = arith.index_cast %parallel_loop3A_502 : i32 to index
        %parallel_loop3A_508 = arith.constant 0 : index
        %parallel_loop3A_509 = tpu.vector_load %parallel_loop3A_506[%parallel_loop3A_507, %parallel_loop3A_508] {strides = array<i32>} : memref<200x64xf32, #tpu.memory_space<vmem>>, vector<1x16xf32>,
        %parallel_loop3A_510 = vector.shape_cast %parallel_loop3A_509 : vector<1x16xf32> to vector<16xf32>
        %parallel_loop3A_511 = arith.constant 8.000000e+00 : f32
        %parallel_loop3A_512 = vector.broadcast %parallel_loop3A_511 : f32 to vector<16xf32>
        %parallel_loop3A_513 = arith.mulf %parallel_loop3A_510, %parallel_loop3A_512 : vector<16xf32>
        %parallel_loop3A_514 = arith.constant 1 : i32
        %parallel_loop3A_515 = arith.addi %parallel_loop3A_404, %parallel_loop3A_514 : i32
        %parallel_loop3A_516 = arith.constant 0 : i32
        %parallel_loop3A_517 = arith.constant 0 : i32
        %parallel_loop3A_518 = tpu.memref_slice %arg6[%parallel_loop3A_326, %parallel_loop3A_516, %parallel_loop3A_517] : memref<4x200x64xf32, #tpu.memory_space<vmem>> -> memref<1x200x64xf32, #tpu.memory_space<vmem>>
        %parallel_loop3A_519 = tpu.memref_squeeze %parallel_loop3A_518 : memref<1x200x64xf32, #tpu.memory_space<vmem>> -> memref<200x64xf32, #tpu.memory_space<vmem>>
        %parallel_loop3A_520 = arith.index_cast %parallel_loop3A_515 : i32 to index
        %parallel_loop3A_521 = arith.constant 0 : index
        %parallel_loop3A_522 = tpu.vector_load %parallel_loop3A_519[%parallel_loop3A_520, %parallel_loop3A_521] {strides = array<i32>} : memref<200x64xf32, #tpu.memory_space<vmem>>, vector<1x16xf32>,
        %parallel_loop3A_523 = vector.shape_cast %parallel_loop3A_522 : vector<1x16xf32> to vector<16xf32>
        %parallel_loop3A_524 = vector.shape_cast %parallel_loop3A_513 : vector<16xf32> to vector<1x16xf32>
        tpu.vector_store %parallel_loop3A_519[%parallel_loop3A_520, %parallel_loop3A_521], %parallel_loop3A_524 {strides = array<i32>} : memref<200x64xf32, #tpu.memory_space<vmem>>, vector<1x16xf32>,
        %parallel_loop3A_525 = arith.constant 1 : i32
        %parallel_loop3A_526 = arith.addi %parallel_loop3A_404, %parallel_loop3A_525 : i32
        %parallel_loop3A_527 = arith.constant 0 : i32
        %parallel_loop3A_528 = arith.constant 0 : i32
        %parallel_loop3A_529 = tpu.memref_slice %arg6[%parallel_loop3A_326, %parallel_loop3A_527, %parallel_loop3A_528] : memref<4x200x64xf32, #tpu.memory_space<vmem>> -> memref<1x200x64xf32, #tpu.memory_space<vmem>>
        %parallel_loop3A_530 = tpu.memref_squeeze %parallel_loop3A_529 : memref<1x200x64xf32, #tpu.memory_space<vmem>> -> memref<200x64xf32, #tpu.memory_space<vmem>>
        %parallel_loop3A_531 = arith.index_cast %parallel_loop3A_526 : i32 to index
        %parallel_loop3A_532 = arith.constant 16 : index
        %parallel_loop3A_533 = tpu.vector_load %parallel_loop3A_530[%parallel_loop3A_531, %parallel_loop3A_532] {strides = array<i32>} : memref<200x64xf32, #tpu.memory_space<vmem>>, vector<1x16xf32>,
        %parallel_loop3A_534 = vector.shape_cast %parallel_loop3A_533 : vector<1x16xf32> to vector<16xf32>
        %parallel_loop3A_535 = arith.constant 8.000000e+00 : f32
        %parallel_loop3A_536 = vector.broadcast %parallel_loop3A_535 : f32 to vector<16xf32>
        %parallel_loop3A_537 = arith.mulf %parallel_loop3A_534, %parallel_loop3A_536 : vector<16xf32>
        %parallel_loop3A_538 = arith.constant 1 : i32
        %parallel_loop3A_539 = arith.addi %parallel_loop3A_404, %parallel_loop3A_538 : i32
        %parallel_loop3A_540 = arith.constant 0 : i32
        %parallel_loop3A_541 = arith.constant 0 : i32
        %parallel_loop3A_542 = tpu.memref_slice %arg6[%parallel_loop3A_326, %parallel_loop3A_540, %parallel_loop3A_541] : memref<4x200x64xf32, #tpu.memory_space<vmem>> -> memref<1x200x64xf32, #tpu.memory_space<vmem>>
        %parallel_loop3A_543 = tpu.memref_squeeze %parallel_loop3A_542 : memref<1x200x64xf32, #tpu.memory_space<vmem>> -> memref<200x64xf32, #tpu.memory_space<vmem>>
        %parallel_loop3A_544 = arith.index_cast %parallel_loop3A_539 : i32 to index
        %parallel_loop3A_545 = arith.constant 16 : index
        %parallel_loop3A_546 = tpu.vector_load %parallel_loop3A_543[%parallel_loop3A_544, %parallel_loop3A_545] {strides = array<i32>} : memref<200x64xf32, #tpu.memory_space<vmem>>, vector<1x16xf32>,
        %parallel_loop3A_547 = vector.shape_cast %parallel_loop3A_546 : vector<1x16xf32> to vector<16xf32>
        %parallel_loop3A_548 = vector.shape_cast %parallel_loop3A_537 : vector<16xf32> to vector<1x16xf32>
        tpu.vector_store %parallel_loop3A_543[%parallel_loop3A_544, %parallel_loop3A_545], %parallel_loop3A_548 {strides = array<i32>} : memref<200x64xf32, #tpu.memory_space<vmem>>, vector<1x16xf32>,
        %parallel_loop3A_549 = arith.constant 1 : i32
        %parallel_loop3A_550 = arith.addi %parallel_loop3A_404, %parallel_loop3A_549 : i32
        %parallel_loop3A_551 = arith.constant 0 : i32
        %parallel_loop3A_552 = arith.constant 0 : i32
        %parallel_loop3A_553 = tpu.memref_slice %arg6[%parallel_loop3A_326, %parallel_loop3A_551, %parallel_loop3A_552] : memref<4x200x64xf32, #tpu.memory_space<vmem>> -> memref<1x200x64xf32, #tpu.memory_space<vmem>>
        %parallel_loop3A_554 = tpu.memref_squeeze %parallel_loop3A_553 : memref<1x200x64xf32, #tpu.memory_space<vmem>> -> memref<200x64xf32, #tpu.memory_space<vmem>>
        %parallel_loop3A_555 = arith.index_cast %parallel_loop3A_550 : i32 to index
        %parallel_loop3A_556 = arith.constant 32 : index
        %parallel_loop3A_557 = tpu.vector_load %parallel_loop3A_554[%parallel_loop3A_555, %parallel_loop3A_556] {strides = array<i32>} : memref<200x64xf32, #tpu.memory_space<vmem>>, vector<1x16xf32>,
        %parallel_loop3A_558 = vector.shape_cast %parallel_loop3A_557 : vector<1x16xf32> to vector<16xf32>
        %parallel_loop3A_559 = arith.constant 8.000000e+00 : f32
        %parallel_loop3A_560 = vector.broadcast %parallel_loop3A_559 : f32 to vector<16xf32>
        %parallel_loop3A_561 = arith.mulf %parallel_loop3A_558, %parallel_loop3A_560 : vector<16xf32>
        %parallel_loop3A_562 = arith.constant 1 : i32
        %parallel_loop3A_563 = arith.addi %parallel_loop3A_404, %parallel_loop3A_562 : i32
        %parallel_loop3A_564 = arith.constant 0 : i32
        %parallel_loop3A_565 = arith.constant 0 : i32
        %parallel_loop3A_566 = tpu.memref_slice %arg6[%parallel_loop3A_326, %parallel_loop3A_564, %parallel_loop3A_565] : memref<4x200x64xf32, #tpu.memory_space<vmem>> -> memref<1x200x64xf32, #tpu.memory_space<vmem>>
        %parallel_loop3A_567 = tpu.memref_squeeze %parallel_loop3A_566 : memref<1x200x64xf32, #tpu.memory_space<vmem>> -> memref<200x64xf32, #tpu.memory_space<vmem>>
        %parallel_loop3A_568 = arith.index_cast %parallel_loop3A_563 : i32 to index
        %parallel_loop3A_569 = arith.constant 32 : index
        %parallel_loop3A_570 = tpu.vector_load %parallel_loop3A_567[%parallel_loop3A_568, %parallel_loop3A_569] {strides = array<i32>} : memref<200x64xf32, #tpu.memory_space<vmem>>, vector<1x16xf32>,
        %parallel_loop3A_571 = vector.shape_cast %parallel_loop3A_570 : vector<1x16xf32> to vector<16xf32>
        %parallel_loop3A_572 = vector.shape_cast %parallel_loop3A_561 : vector<16xf32> to vector<1x16xf32>
        tpu.vector_store %parallel_loop3A_567[%parallel_loop3A_568, %parallel_loop3A_569], %parallel_loop3A_572 {strides = array<i32>} : memref<200x64xf32, #tpu.memory_space<vmem>>, vector<1x16xf32>,
        %parallel_loop3A_573 = arith.constant 1 : i32
        %parallel_loop3A_574 = arith.addi %parallel_loop3A_404, %parallel_loop3A_573 : i32
        %parallel_loop3A_575 = arith.constant 0 : i32
        %parallel_loop3A_576 = arith.constant 0 : i32
        %parallel_loop3A_577 = tpu.memref_slice %arg6[%parallel_loop3A_326, %parallel_loop3A_575, %parallel_loop3A_576] : memref<4x200x64xf32, #tpu.memory_space<vmem>> -> memref<1x200x64xf32, #tpu.memory_space<vmem>>
        %parallel_loop3A_578 = tpu.memref_squeeze %parallel_loop3A_577 : memref<1x200x64xf32, #tpu.memory_space<vmem>> -> memref<200x64xf32, #tpu.memory_space<vmem>>
        %parallel_loop3A_579 = arith.index_cast %parallel_loop3A_574 : i32 to index
        %parallel_loop3A_580 = arith.constant 48 : index
        %parallel_loop3A_581 = tpu.vector_load %parallel_loop3A_578[%parallel_loop3A_579, %parallel_loop3A_580] {strides = array<i32>} : memref<200x64xf32, #tpu.memory_space<vmem>>, vector<1x16xf32>,
        %parallel_loop3A_582 = vector.shape_cast %parallel_loop3A_581 : vector<1x16xf32> to vector<16xf32>
        %parallel_loop3A_583 = arith.constant 8.000000e+00 : f32
        %parallel_loop3A_584 = vector.broadcast %parallel_loop3A_583 : f32 to vector<16xf32>
        %parallel_loop3A_585 = arith.mulf %parallel_loop3A_582, %parallel_loop3A_584 : vector<16xf32>
        %parallel_loop3A_586 = arith.constant 1 : i32
        %parallel_loop3A_587 = arith.addi %parallel_loop3A_404, %parallel_loop3A_586 : i32
        %parallel_loop3A_588 = arith.constant 0 : i32
        %parallel_loop3A_589 = arith.constant 0 : i32
        %parallel_loop3A_590 = tpu.memref_slice %arg6[%parallel_loop3A_326, %parallel_loop3A_588, %parallel_loop3A_589] : memref<4x200x64xf32, #tpu.memory_space<vmem>> -> memref<1x200x64xf32, #tpu.memory_space<vmem>>
        %parallel_loop3A_591 = tpu.memref_squeeze %parallel_loop3A_590 : memref<1x200x64xf32, #tpu.memory_space<vmem>> -> memref<200x64xf32, #tpu.memory_space<vmem>>
        %parallel_loop3A_592 = arith.index_cast %parallel_loop3A_587 : i32 to index
        %parallel_loop3A_593 = arith.constant 48 : index
        %parallel_loop3A_594 = tpu.vector_load %parallel_loop3A_591[%parallel_loop3A_592, %parallel_loop3A_593] {strides = array<i32>} : memref<200x64xf32, #tpu.memory_space<vmem>>, vector<1x16xf32>,
        %parallel_loop3A_595 = vector.shape_cast %parallel_loop3A_594 : vector<1x16xf32> to vector<16xf32>
        %parallel_loop3A_596 = vector.shape_cast %parallel_loop3A_585 : vector<16xf32> to vector<1x16xf32>
        tpu.vector_store %parallel_loop3A_591[%parallel_loop3A_592, %parallel_loop3A_593], %parallel_loop3A_596 {strides = array<i32>} : memref<200x64xf32, #tpu.memory_space<vmem>>, vector<1x16xf32>,
        %parallel_loop3A_597 = arith.constant 2 : i32
        %parallel_loop3A_598 = arith.addi %parallel_loop3A_404, %parallel_loop3A_597 : i32
        %parallel_loop3A_599 = arith.constant 0 : i32
        %parallel_loop3A_600 = arith.constant 0 : i32
        %parallel_loop3A_601 = tpu.memref_slice %arg6[%parallel_loop3A_326, %parallel_loop3A_599, %parallel_loop3A_600] : memref<4x200x64xf32, #tpu.memory_space<vmem>> -> memref<1x200x64xf32, #tpu.memory_space<vmem>>
        %parallel_loop3A_602 = tpu.memref_squeeze %parallel_loop3A_601 : memref<1x200x64xf32, #tpu.memory_space<vmem>> -> memref<200x64xf32, #tpu.memory_space<vmem>>
        %parallel_loop3A_603 = arith.index_cast %parallel_loop3A_598 : i32 to index
        %parallel_loop3A_604 = arith.constant 0 : index
        %parallel_loop3A_605 = tpu.vector_load %parallel_loop3A_602[%parallel_loop3A_603, %parallel_loop3A_604] {strides = array<i32>} : memref<200x64xf32, #tpu.memory_space<vmem>>, vector<1x16xf32>,
        %parallel_loop3A_606 = vector.shape_cast %parallel_loop3A_605 : vector<1x16xf32> to vector<16xf32>
        %parallel_loop3A_607 = arith.constant 8.000000e+00 : f32
        %parallel_loop3A_608 = vector.broadcast %parallel_loop3A_607 : f32 to vector<16xf32>
        %parallel_loop3A_609 = arith.mulf %parallel_loop3A_606, %parallel_loop3A_608 : vector<16xf32>
        %parallel_loop3A_610 = arith.constant 2 : i32
        %parallel_loop3A_611 = arith.addi %parallel_loop3A_404, %parallel_loop3A_610 : i32
        %parallel_loop3A_612 = arith.constant 0 : i32
        %parallel_loop3A_613 = arith.constant 0 : i32
        %parallel_loop3A_614 = tpu.memref_slice %arg6[%parallel_loop3A_326, %parallel_loop3A_612, %parallel_loop3A_613] : memref<4x200x64xf32, #tpu.memory_space<vmem>> -> memref<1x200x64xf32, #tpu.memory_space<vmem>>
        %parallel_loop3A_615 = tpu.memref_squeeze %parallel_loop3A_614 : memref<1x200x64xf32, #tpu.memory_space<vmem>> -> memref<200x64xf32, #tpu.memory_space<vmem>>
        %parallel_loop3A_616 = arith.index_cast %parallel_loop3A_611 : i32 to index
        %parallel_loop3A_617 = arith.constant 0 : index
        %parallel_loop3A_618 = tpu.vector_load %parallel_loop3A_615[%parallel_loop3A_616, %parallel_loop3A_617] {strides = array<i32>} : memref<200x64xf32, #tpu.memory_space<vmem>>, vector<1x16xf32>,
        %parallel_loop3A_619 = vector.shape_cast %parallel_loop3A_618 : vector<1x16xf32> to vector<16xf32>
        %parallel_loop3A_620 = vector.shape_cast %parallel_loop3A_609 : vector<16xf32> to vector<1x16xf32>
        tpu.vector_store %parallel_loop3A_615[%parallel_loop3A_616, %parallel_loop3A_617], %parallel_loop3A_620 {strides = array<i32>} : memref<200x64xf32, #tpu.memory_space<vmem>>, vector<1x16xf32>,
        %parallel_loop3A_621 = arith.constant 2 : i32
        %parallel_loop3A_622 = arith.addi %parallel_loop3A_404, %parallel_loop3A_621 : i32
        %parallel_loop3A_623 = arith.constant 0 : i32
        %parallel_loop3A_624 = arith.constant 0 : i32
        %parallel_loop3A_625 = tpu.memref_slice %arg6[%parallel_loop3A_326, %parallel_loop3A_623, %parallel_loop3A_624] : memref<4x200x64xf32, #tpu.memory_space<vmem>> -> memref<1x200x64xf32, #tpu.memory_space<vmem>>
        %parallel_loop3A_626 = tpu.memref_squeeze %parallel_loop3A_625 : memref<1x200x64xf32, #tpu.memory_space<vmem>> -> memref<200x64xf32, #tpu.memory_space<vmem>>
        %parallel_loop3A_627 = arith.index_cast %parallel_loop3A_622 : i32 to index
        %parallel_loop3A_628 = arith.constant 16 : index
        %parallel_loop3A_629 = tpu.vector_load %parallel_loop3A_626[%parallel_loop3A_627, %parallel_loop3A_628] {strides = array<i32>} : memref<200x64xf32, #tpu.memory_space<vmem>>, vector<1x16xf32>,
        %parallel_loop3A_630 = vector.shape_cast %parallel_loop3A_629 : vector<1x16xf32> to vector<16xf32>
        %parallel_loop3A_631 = arith.constant 8.000000e+00 : f32
        %parallel_loop3A_632 = vector.broadcast %parallel_loop3A_631 : f32 to vector<16xf32>
        %parallel_loop3A_633 = arith.mulf %parallel_loop3A_630, %parallel_loop3A_632 : vector<16xf32>
        %parallel_loop3A_634 = arith.constant 2 : i32
        %parallel_loop3A_635 = arith.addi %parallel_loop3A_404, %parallel_loop3A_634 : i32
        %parallel_loop3A_636 = arith.constant 0 : i32
        %parallel_loop3A_637 = arith.constant 0 : i32
        %parallel_loop3A_638 = tpu.memref_slice %arg6[%parallel_loop3A_326, %parallel_loop3A_636, %parallel_loop3A_637] : memref<4x200x64xf32, #tpu.memory_space<vmem>> -> memref<1x200x64xf32, #tpu.memory_space<vmem>>
        %parallel_loop3A_639 = tpu.memref_squeeze %parallel_loop3A_638 : memref<1x200x64xf32, #tpu.memory_space<vmem>> -> memref<200x64xf32, #tpu.memory_space<vmem>>
        %parallel_loop3A_640 = arith.index_cast %parallel_loop3A_635 : i32 to index
        %parallel_loop3A_641 = arith.constant 16 : index
        %parallel_loop3A_642 = tpu.vector_load %parallel_loop3A_639[%parallel_loop3A_640, %parallel_loop3A_641] {strides = array<i32>} : memref<200x64xf32, #tpu.memory_space<vmem>>, vector<1x16xf32>,
        %parallel_loop3A_643 = vector.shape_cast %parallel_loop3A_642 : vector<1x16xf32> to vector<16xf32>
        %parallel_loop3A_644 = vector.shape_cast %parallel_loop3A_633 : vector<16xf32> to vector<1x16xf32>
        tpu.vector_store %parallel_loop3A_639[%parallel_loop3A_640, %parallel_loop3A_641], %parallel_loop3A_644 {strides = array<i32>} : memref<200x64xf32, #tpu.memory_space<vmem>>, vector<1x16xf32>,
        %parallel_loop3A_645 = arith.constant 2 : i32
        %parallel_loop3A_646 = arith.addi %parallel_loop3A_404, %parallel_loop3A_645 : i32
        %parallel_loop3A_647 = arith.constant 0 : i32
        %parallel_loop3A_648 = arith.constant 0 : i32
        %parallel_loop3A_649 = tpu.memref_slice %arg6[%parallel_loop3A_326, %parallel_loop3A_647, %parallel_loop3A_648] : memref<4x200x64xf32, #tpu.memory_space<vmem>> -> memref<1x200x64xf32, #tpu.memory_space<vmem>>
        %parallel_loop3A_650 = tpu.memref_squeeze %parallel_loop3A_649 : memref<1x200x64xf32, #tpu.memory_space<vmem>> -> memref<200x64xf32, #tpu.memory_space<vmem>>
        %parallel_loop3A_651 = arith.index_cast %parallel_loop3A_646 : i32 to index
        %parallel_loop3A_652 = arith.constant 32 : index
        %parallel_loop3A_653 = tpu.vector_load %parallel_loop3A_650[%parallel_loop3A_651, %parallel_loop3A_652] {strides = array<i32>} : memref<200x64xf32, #tpu.memory_space<vmem>>, vector<1x16xf32>,
        %parallel_loop3A_654 = vector.shape_cast %parallel_loop3A_653 : vector<1x16xf32> to vector<16xf32>
        %parallel_loop3A_655 = arith.constant 8.000000e+00 : f32
        %parallel_loop3A_656 = vector.broadcast %parallel_loop3A_655 : f32 to vector<16xf32>
        %parallel_loop3A_657 = arith.mulf %parallel_loop3A_654, %parallel_loop3A_656 : vector<16xf32>
        %parallel_loop3A_658 = arith.constant 2 : i32
        %parallel_loop3A_659 = arith.addi %parallel_loop3A_404, %parallel_loop3A_658 : i32
        %parallel_loop3A_660 = arith.constant 0 : i32
        %parallel_loop3A_661 = arith.constant 0 : i32
        %parallel_loop3A_662 = tpu.memref_slice %arg6[%parallel_loop3A_326, %parallel_loop3A_660, %parallel_loop3A_661] : memref<4x200x64xf32, #tpu.memory_space<vmem>> -> memref<1x200x64xf32, #tpu.memory_space<vmem>>
        %parallel_loop3A_663 = tpu.memref_squeeze %parallel_loop3A_662 : memref<1x200x64xf32, #tpu.memory_space<vmem>> -> memref<200x64xf32, #tpu.memory_space<vmem>>
        %parallel_loop3A_664 = arith.index_cast %parallel_loop3A_659 : i32 to index
        %parallel_loop3A_665 = arith.constant 32 : index
        %parallel_loop3A_666 = tpu.vector_load %parallel_loop3A_663[%parallel_loop3A_664, %parallel_loop3A_665] {strides = array<i32>} : memref<200x64xf32, #tpu.memory_space<vmem>>, vector<1x16xf32>,
        %parallel_loop3A_667 = vector.shape_cast %parallel_loop3A_666 : vector<1x16xf32> to vector<16xf32>
        %parallel_loop3A_668 = vector.shape_cast %parallel_loop3A_657 : vector<16xf32> to vector<1x16xf32>
        tpu.vector_store %parallel_loop3A_663[%parallel_loop3A_664, %parallel_loop3A_665], %parallel_loop3A_668 {strides = array<i32>} : memref<200x64xf32, #tpu.memory_space<vmem>>, vector<1x16xf32>,
        %parallel_loop3A_669 = arith.constant 2 : i32
        %parallel_loop3A_670 = arith.addi %parallel_loop3A_404, %parallel_loop3A_669 : i32
        %parallel_loop3A_671 = arith.constant 0 : i32
        %parallel_loop3A_672 = arith.constant 0 : i32
        %parallel_loop3A_673 = tpu.memref_slice %arg6[%parallel_loop3A_326, %parallel_loop3A_671, %parallel_loop3A_672] : memref<4x200x64xf32, #tpu.memory_space<vmem>> -> memref<1x200x64xf32, #tpu.memory_space<vmem>>
        %parallel_loop3A_674 = tpu.memref_squeeze %parallel_loop3A_673 : memref<1x200x64xf32, #tpu.memory_space<vmem>> -> memref<200x64xf32, #tpu.memory_space<vmem>>
        %parallel_loop3A_675 = arith.index_cast %parallel_loop3A_670 : i32 to index
        %parallel_loop3A_676 = arith.constant 48 : index
        %parallel_loop3A_677 = tpu.vector_load %parallel_loop3A_674[%parallel_loop3A_675, %parallel_loop3A_676] {strides = array<i32>} : memref<200x64xf32, #tpu.memory_space<vmem>>, vector<1x16xf32>,
        %parallel_loop3A_678 = vector.shape_cast %parallel_loop3A_677 : vector<1x16xf32> to vector<16xf32>
        %parallel_loop3A_679 = arith.constant 8.000000e+00 : f32
        %parallel_loop3A_680 = vector.broadcast %parallel_loop3A_679 : f32 to vector<16xf32>
        %parallel_loop3A_681 = arith.mulf %parallel_loop3A_678, %parallel_loop3A_680 : vector<16xf32>
        %parallel_loop3A_682 = arith.constant 2 : i32
        %parallel_loop3A_683 = arith.addi %parallel_loop3A_404, %parallel_loop3A_682 : i32
        %parallel_loop3A_684 = arith.constant 0 : i32
        %parallel_loop3A_685 = arith.constant 0 : i32
        %parallel_loop3A_686 = tpu.memref_slice %arg6[%parallel_loop3A_326, %parallel_loop3A_684, %parallel_loop3A_685] : memref<4x200x64xf32, #tpu.memory_space<vmem>> -> memref<1x200x64xf32, #tpu.memory_space<vmem>>
        %parallel_loop3A_687 = tpu.memref_squeeze %parallel_loop3A_686 : memref<1x200x64xf32, #tpu.memory_space<vmem>> -> memref<200x64xf32, #tpu.memory_space<vmem>>
        %parallel_loop3A_688 = arith.index_cast %parallel_loop3A_683 : i32 to index
        %parallel_loop3A_689 = arith.constant 48 : index
        %parallel_loop3A_690 = tpu.vector_load %parallel_loop3A_687[%parallel_loop3A_688, %parallel_loop3A_689] {strides = array<i32>} : memref<200x64xf32, #tpu.memory_space<vmem>>, vector<1x16xf32>,
        %parallel_loop3A_691 = vector.shape_cast %parallel_loop3A_690 : vector<1x16xf32> to vector<16xf32>
        %parallel_loop3A_692 = vector.shape_cast %parallel_loop3A_681 : vector<16xf32> to vector<1x16xf32>
        tpu.vector_store %parallel_loop3A_687[%parallel_loop3A_688, %parallel_loop3A_689], %parallel_loop3A_692 {strides = array<i32>} : memref<200x64xf32, #tpu.memory_space<vmem>>, vector<1x16xf32>,
        %parallel_loop3A_693 = arith.constant 3 : i32
        %parallel_loop3A_694 = arith.addi %parallel_loop3A_404, %parallel_loop3A_693 : i32
        %parallel_loop3A_695 = arith.constant 0 : i32
        %parallel_loop3A_696 = arith.constant 0 : i32
        %parallel_loop3A_697 = tpu.memref_slice %arg6[%parallel_loop3A_326, %parallel_loop3A_695, %parallel_loop3A_696] : memref<4x200x64xf32, #tpu.memory_space<vmem>> -> memref<1x200x64xf32, #tpu.memory_space<vmem>>
        %parallel_loop3A_698 = tpu.memref_squeeze %parallel_loop3A_697 : memref<1x200x64xf32, #tpu.memory_space<vmem>> -> memref<200x64xf32, #tpu.memory_space<vmem>>
        %parallel_loop3A_699 = arith.index_cast %parallel_loop3A_694 : i32 to index
        %parallel_loop3A_700 = arith.constant 0 : index
        %parallel_loop3A_701 = tpu.vector_load %parallel_loop3A_698[%parallel_loop3A_699, %parallel_loop3A_700] {strides = array<i32>} : memref<200x64xf32, #tpu.memory_space<vmem>>, vector<1x16xf32>,
        %parallel_loop3A_702 = vector.shape_cast %parallel_loop3A_701 : vector<1x16xf32> to vector<16xf32>
        %parallel_loop3A_703 = arith.constant 8.000000e+00 : f32
        %parallel_loop3A_704 = vector.broadcast %parallel_loop3A_703 : f32 to vector<16xf32>
        %parallel_loop3A_705 = arith.mulf %parallel_loop3A_702, %parallel_loop3A_704 : vector<16xf32>
        %parallel_loop3A_706 = arith.constant 3 : i32
        %parallel_loop3A_707 = arith.addi %parallel_loop3A_404, %parallel_loop3A_706 : i32
        %parallel_loop3A_708 = arith.constant 0 : i32
        %parallel_loop3A_709 = arith.constant 0 : i32
        %parallel_loop3A_710 = tpu.memref_slice %arg6[%parallel_loop3A_326, %parallel_loop3A_708, %parallel_loop3A_709] : memref<4x200x64xf32, #tpu.memory_space<vmem>> -> memref<1x200x64xf32, #tpu.memory_space<vmem>>
        %parallel_loop3A_711 = tpu.memref_squeeze %parallel_loop3A_710 : memref<1x200x64xf32, #tpu.memory_space<vmem>> -> memref<200x64xf32, #tpu.memory_space<vmem>>
        %parallel_loop3A_712 = arith.index_cast %parallel_loop3A_707 : i32 to index
        %parallel_loop3A_713 = arith.constant 0 : index
        %parallel_loop3A_714 = tpu.vector_load %parallel_loop3A_711[%parallel_loop3A_712, %parallel_loop3A_713] {strides = array<i32>} : memref<200x64xf32, #tpu.memory_space<vmem>>, vector<1x16xf32>,
        %parallel_loop3A_715 = vector.shape_cast %parallel_loop3A_714 : vector<1x16xf32> to vector<16xf32>
        %parallel_loop3A_716 = vector.shape_cast %parallel_loop3A_705 : vector<16xf32> to vector<1x16xf32>
        tpu.vector_store %parallel_loop3A_711[%parallel_loop3A_712, %parallel_loop3A_713], %parallel_loop3A_716 {strides = array<i32>} : memref<200x64xf32, #tpu.memory_space<vmem>>, vector<1x16xf32>,
        %parallel_loop3A_717 = arith.constant 3 : i32
        %parallel_loop3A_718 = arith.addi %parallel_loop3A_404, %parallel_loop3A_717 : i32
        %parallel_loop3A_719 = arith.constant 0 : i32
        %parallel_loop3A_720 = arith.constant 0 : i32
        %parallel_loop3A_721 = tpu.memref_slice %arg6[%parallel_loop3A_326, %parallel_loop3A_719, %parallel_loop3A_720] : memref<4x200x64xf32, #tpu.memory_space<vmem>> -> memref<1x200x64xf32, #tpu.memory_space<vmem>>
        %parallel_loop3A_722 = tpu.memref_squeeze %parallel_loop3A_721 : memref<1x200x64xf32, #tpu.memory_space<vmem>> -> memref<200x64xf32, #tpu.memory_space<vmem>>
        %parallel_loop3A_723 = arith.index_cast %parallel_loop3A_718 : i32 to index
        %parallel_loop3A_724 = arith.constant 16 : index
        %parallel_loop3A_725 = tpu.vector_load %parallel_loop3A_722[%parallel_loop3A_723, %parallel_loop3A_724] {strides = array<i32>} : memref<200x64xf32, #tpu.memory_space<vmem>>, vector<1x16xf32>,
        %parallel_loop3A_726 = vector.shape_cast %parallel_loop3A_725 : vector<1x16xf32> to vector<16xf32>
        %parallel_loop3A_727 = arith.constant 8.000000e+00 : f32
        %parallel_loop3A_728 = vector.broadcast %parallel_loop3A_727 : f32 to vector<16xf32>
        %parallel_loop3A_729 = arith.mulf %parallel_loop3A_726, %parallel_loop3A_728 : vector<16xf32>
        %parallel_loop3A_730 = arith.constant 3 : i32
        %parallel_loop3A_731 = arith.addi %parallel_loop3A_404, %parallel_loop3A_730 : i32
        %parallel_loop3A_732 = arith.constant 0 : i32
        %parallel_loop3A_733 = arith.constant 0 : i32
        %parallel_loop3A_734 = tpu.memref_slice %arg6[%parallel_loop3A_326, %parallel_loop3A_732, %parallel_loop3A_733] : memref<4x200x64xf32, #tpu.memory_space<vmem>> -> memref<1x200x64xf32, #tpu.memory_space<vmem>>
        %parallel_loop3A_735 = tpu.memref_squeeze %parallel_loop3A_734 : memref<1x200x64xf32, #tpu.memory_space<vmem>> -> memref<200x64xf32, #tpu.memory_space<vmem>>
        %parallel_loop3A_736 = arith.index_cast %parallel_loop3A_731 : i32 to index
        %parallel_loop3A_737 = arith.constant 16 : index
        %parallel_loop3A_738 = tpu.vector_load %parallel_loop3A_735[%parallel_loop3A_736, %parallel_loop3A_737] {strides = array<i32>} : memref<200x64xf32, #tpu.memory_space<vmem>>, vector<1x16xf32>,
        %parallel_loop3A_739 = vector.shape_cast %parallel_loop3A_738 : vector<1x16xf32> to vector<16xf32>
        %parallel_loop3A_740 = vector.shape_cast %parallel_loop3A_729 : vector<16xf32> to vector<1x16xf32>
        tpu.vector_store %parallel_loop3A_735[%parallel_loop3A_736, %parallel_loop3A_737], %parallel_loop3A_740 {strides = array<i32>} : memref<200x64xf32, #tpu.memory_space<vmem>>, vector<1x16xf32>,
        %parallel_loop3A_741 = arith.constant 3 : i32
        %parallel_loop3A_742 = arith.addi %parallel_loop3A_404, %parallel_loop3A_741 : i32
        %parallel_loop3A_743 = arith.constant 0 : i32
        %parallel_loop3A_744 = arith.constant 0 : i32
        %parallel_loop3A_745 = tpu.memref_slice %arg6[%parallel_loop3A_326, %parallel_loop3A_743, %parallel_loop3A_744] : memref<4x200x64xf32, #tpu.memory_space<vmem>> -> memref<1x200x64xf32, #tpu.memory_space<vmem>>
        %parallel_loop3A_746 = tpu.memref_squeeze %parallel_loop3A_745 : memref<1x200x64xf32, #tpu.memory_space<vmem>> -> memref<200x64xf32, #tpu.memory_space<vmem>>
        %parallel_loop3A_747 = arith.index_cast %parallel_loop3A_742 : i32 to index
        %parallel_loop3A_748 = arith.constant 32 : index
        %parallel_loop3A_749 = tpu.vector_load %parallel_loop3A_746[%parallel_loop3A_747, %parallel_loop3A_748] {strides = array<i32>} : memref<200x64xf32, #tpu.memory_space<vmem>>, vector<1x16xf32>,
        %parallel_loop3A_750 = vector.shape_cast %parallel_loop3A_749 : vector<1x16xf32> to vector<16xf32>
        %parallel_loop3A_751 = arith.constant 8.000000e+00 : f32
        %parallel_loop3A_752 = vector.broadcast %parallel_loop3A_751 : f32 to vector<16xf32>
        %parallel_loop3A_753 = arith.mulf %parallel_loop3A_750, %parallel_loop3A_752 : vector<16xf32>
        %parallel_loop3A_754 = arith.constant 3 : i32
        %parallel_loop3A_755 = arith.addi %parallel_loop3A_404, %parallel_loop3A_754 : i32
        %parallel_loop3A_756 = arith.constant 0 : i32
        %parallel_loop3A_757 = arith.constant 0 : i32
        %parallel_loop3A_758 = tpu.memref_slice %arg6[%parallel_loop3A_326, %parallel_loop3A_756, %parallel_loop3A_757] : memref<4x200x64xf32, #tpu.memory_space<vmem>> -> memref<1x200x64xf32, #tpu.memory_space<vmem>>
        %parallel_loop3A_759 = tpu.memref_squeeze %parallel_loop3A_758 : memref<1x200x64xf32, #tpu.memory_space<vmem>> -> memref<200x64xf32, #tpu.memory_space<vmem>>
        %parallel_loop3A_760 = arith.index_cast %parallel_loop3A_755 : i32 to index
        %parallel_loop3A_761 = arith.constant 32 : index
        %parallel_loop3A_762 = tpu.vector_load %parallel_loop3A_759[%parallel_loop3A_760, %parallel_loop3A_761] {strides = array<i32>} : memref<200x64xf32, #tpu.memory_space<vmem>>, vector<1x16xf32>,
        %parallel_loop3A_763 = vector.shape_cast %parallel_loop3A_762 : vector<1x16xf32> to vector<16xf32>
        %parallel_loop3A_764 = vector.shape_cast %parallel_loop3A_753 : vector<16xf32> to vector<1x16xf32>
        tpu.vector_store %parallel_loop3A_759[%parallel_loop3A_760, %parallel_loop3A_761], %parallel_loop3A_764 {strides = array<i32>} : memref<200x64xf32, #tpu.memory_space<vmem>>, vector<1x16xf32>,
        %parallel_loop3A_765 = arith.constant 3 : i32
        %parallel_loop3A_766 = arith.addi %parallel_loop3A_404, %parallel_loop3A_765 : i32
        %parallel_loop3A_767 = arith.constant 0 : i32
        %parallel_loop3A_768 = arith.constant 0 : i32
        %parallel_loop3A_769 = tpu.memref_slice %arg6[%parallel_loop3A_326, %parallel_loop3A_767, %parallel_loop3A_768] : memref<4x200x64xf32, #tpu.memory_space<vmem>> -> memref<1x200x64xf32, #tpu.memory_space<vmem>>
        %parallel_loop3A_770 = tpu.memref_squeeze %parallel_loop3A_769 : memref<1x200x64xf32, #tpu.memory_space<vmem>> -> memref<200x64xf32, #tpu.memory_space<vmem>>
        %parallel_loop3A_771 = arith.index_cast %parallel_loop3A_766 : i32 to index
        %parallel_loop3A_772 = arith.constant 48 : index
        %parallel_loop3A_773 = tpu.vector_load %parallel_loop3A_770[%parallel_loop3A_771, %parallel_loop3A_772] {strides = array<i32>} : memref<200x64xf32, #tpu.memory_space<vmem>>, vector<1x16xf32>,
        %parallel_loop3A_774 = vector.shape_cast %parallel_loop3A_773 : vector<1x16xf32> to vector<16xf32>
        %parallel_loop3A_775 = arith.constant 8.000000e+00 : f32
        %parallel_loop3A_776 = vector.broadcast %parallel_loop3A_775 : f32 to vector<16xf32>
        %parallel_loop3A_777 = arith.mulf %parallel_loop3A_774, %parallel_loop3A_776 : vector<16xf32>
        %parallel_loop3A_778 = arith.constant 3 : i32
        %parallel_loop3A_779 = arith.addi %parallel_loop3A_404, %parallel_loop3A_778 : i32
        %parallel_loop3A_780 = arith.constant 0 : i32
        %parallel_loop3A_781 = arith.constant 0 : i32
        %parallel_loop3A_782 = tpu.memref_slice %arg6[%parallel_loop3A_326, %parallel_loop3A_780, %parallel_loop3A_781] : memref<4x200x64xf32, #tpu.memory_space<vmem>> -> memref<1x200x64xf32, #tpu.memory_space<vmem>>
        %parallel_loop3A_783 = tpu.memref_squeeze %parallel_loop3A_782 : memref<1x200x64xf32, #tpu.memory_space<vmem>> -> memref<200x64xf32, #tpu.memory_space<vmem>>
        %parallel_loop3A_784 = arith.index_cast %parallel_loop3A_779 : i32 to index
        %parallel_loop3A_785 = arith.constant 48 : index
        %parallel_loop3A_786 = tpu.vector_load %parallel_loop3A_783[%parallel_loop3A_784, %parallel_loop3A_785] {strides = array<i32>} : memref<200x64xf32, #tpu.memory_space<vmem>>, vector<1x16xf32>,
        %parallel_loop3A_787 = vector.shape_cast %parallel_loop3A_786 : vector<1x16xf32> to vector<16xf32>
        %parallel_loop3A_788 = vector.shape_cast %parallel_loop3A_777 : vector<16xf32> to vector<1x16xf32>
        tpu.vector_store %parallel_loop3A_783[%parallel_loop3A_784, %parallel_loop3A_785], %parallel_loop3A_788 {strides = array<i32>} : memref<200x64xf32, #tpu.memory_space<vmem>>, vector<1x16xf32>,
        %parallel_loop3A_789 = arith.constant 4 : i32
        %parallel_loop3A_790 = arith.addi %parallel_loop3A_404, %parallel_loop3A_789 : i32
        %parallel_loop3A_791 = arith.constant 0 : i32
        %parallel_loop3A_792 = arith.constant 0 : i32
        %parallel_loop3A_793 = tpu.memref_slice %arg6[%parallel_loop3A_326, %parallel_loop3A_791, %parallel_loop3A_792] : memref<4x200x64xf32, #tpu.memory_space<vmem>> -> memref<1x200x64xf32, #tpu.memory_space<vmem>>
        %parallel_loop3A_794 = tpu.memref_squeeze %parallel_loop3A_793 : memref<1x200x64xf32, #tpu.memory_space<vmem>> -> memref<200x64xf32, #tpu.memory_space<vmem>>
        %parallel_loop3A_795 = arith.index_cast %parallel_loop3A_790 : i32 to index
        %parallel_loop3A_796 = arith.constant 0 : index
        %parallel_loop3A_797 = tpu.vector_load %parallel_loop3A_794[%parallel_loop3A_795, %parallel_loop3A_796] {strides = array<i32>} : memref<200x64xf32, #tpu.memory_space<vmem>>, vector<1x16xf32>,
        %parallel_loop3A_798 = vector.shape_cast %parallel_loop3A_797 : vector<1x16xf32> to vector<16xf32>
        %parallel_loop3A_799 = arith.constant 8.000000e+00 : f32
        %parallel_loop3A_800 = vector.broadcast %parallel_loop3A_799 : f32 to vector<16xf32>
        %parallel_loop3A_801 = arith.mulf %parallel_loop3A_798, %parallel_loop3A_800 : vector<16xf32>
        %parallel_loop3A_802 = arith.constant 4 : i32
        %parallel_loop3A_803 = arith.addi %parallel_loop3A_404, %parallel_loop3A_802 : i32
        %parallel_loop3A_804 = arith.constant 0 : i32
        %parallel_loop3A_805 = arith.constant 0 : i32
        %parallel_loop3A_806 = tpu.memref_slice %arg6[%parallel_loop3A_326, %parallel_loop3A_804, %parallel_loop3A_805] : memref<4x200x64xf32, #tpu.memory_space<vmem>> -> memref<1x200x64xf32, #tpu.memory_space<vmem>>
        %parallel_loop3A_807 = tpu.memref_squeeze %parallel_loop3A_806 : memref<1x200x64xf32, #tpu.memory_space<vmem>> -> memref<200x64xf32, #tpu.memory_space<vmem>>
        %parallel_loop3A_808 = arith.index_cast %parallel_loop3A_803 : i32 to index
        %parallel_loop3A_809 = arith.constant 0 : index
        %parallel_loop3A_810 = tpu.vector_load %parallel_loop3A_807[%parallel_loop3A_808, %parallel_loop3A_809] {strides = array<i32>} : memref<200x64xf32, #tpu.memory_space<vmem>>, vector<1x16xf32>,
        %parallel_loop3A_811 = vector.shape_cast %parallel_loop3A_810 : vector<1x16xf32> to vector<16xf32>
        %parallel_loop3A_812 = vector.shape_cast %parallel_loop3A_801 : vector<16xf32> to vector<1x16xf32>
        tpu.vector_store %parallel_loop3A_807[%parallel_loop3A_808, %parallel_loop3A_809], %parallel_loop3A_812 {strides = array<i32>} : memref<200x64xf32, #tpu.memory_space<vmem>>, vector<1x16xf32>,
        %parallel_loop3A_813 = arith.constant 4 : i32
        %parallel_loop3A_814 = arith.addi %parallel_loop3A_404, %parallel_loop3A_813 : i32
        %parallel_loop3A_815 = arith.constant 0 : i32
        %parallel_loop3A_816 = arith.constant 0 : i32
        %parallel_loop3A_817 = tpu.memref_slice %arg6[%parallel_loop3A_326, %parallel_loop3A_815, %parallel_loop3A_816] : memref<4x200x64xf32, #tpu.memory_space<vmem>> -> memref<1x200x64xf32, #tpu.memory_space<vmem>>
        %parallel_loop3A_818 = tpu.memref_squeeze %parallel_loop3A_817 : memref<1x200x64xf32, #tpu.memory_space<vmem>> -> memref<200x64xf32, #tpu.memory_space<vmem>>
        %parallel_loop3A_819 = arith.index_cast %parallel_loop3A_814 : i32 to index
        %parallel_loop3A_820 = arith.constant 16 : index
        %parallel_loop3A_821 = tpu.vector_load %parallel_loop3A_818[%parallel_loop3A_819, %parallel_loop3A_820] {strides = array<i32>} : memref<200x64xf32, #tpu.memory_space<vmem>>, vector<1x16xf32>,
        %parallel_loop3A_822 = vector.shape_cast %parallel_loop3A_821 : vector<1x16xf32> to vector<16xf32>
        %parallel_loop3A_823 = arith.constant 8.000000e+00 : f32
        %parallel_loop3A_824 = vector.broadcast %parallel_loop3A_823 : f32 to vector<16xf32>
        %parallel_loop3A_825 = arith.mulf %parallel_loop3A_822, %parallel_loop3A_824 : vector<16xf32>
        %parallel_loop3A_826 = arith.constant 4 : i32
        %parallel_loop3A_827 = arith.addi %parallel_loop3A_404, %parallel_loop3A_826 : i32
        %parallel_loop3A_828 = arith.constant 0 : i32
        %parallel_loop3A_829 = arith.constant 0 : i32
        %parallel_loop3A_830 = tpu.memref_slice %arg6[%parallel_loop3A_326, %parallel_loop3A_828, %parallel_loop3A_829] : memref<4x200x64xf32, #tpu.memory_space<vmem>> -> memref<1x200x64xf32, #tpu.memory_space<vmem>>
        %parallel_loop3A_831 = tpu.memref_squeeze %parallel_loop3A_830 : memref<1x200x64xf32, #tpu.memory_space<vmem>> -> memref<200x64xf32, #tpu.memory_space<vmem>>
        %parallel_loop3A_832 = arith.index_cast %parallel_loop3A_827 : i32 to index
        %parallel_loop3A_833 = arith.constant 16 : index
        %parallel_loop3A_834 = tpu.vector_load %parallel_loop3A_831[%parallel_loop3A_832, %parallel_loop3A_833] {strides = array<i32>} : memref<200x64xf32, #tpu.memory_space<vmem>>, vector<1x16xf32>,
        %parallel_loop3A_835 = vector.shape_cast %parallel_loop3A_834 : vector<1x16xf32> to vector<16xf32>
        %parallel_loop3A_836 = vector.shape_cast %parallel_loop3A_825 : vector<16xf32> to vector<1x16xf32>
        tpu.vector_store %parallel_loop3A_831[%parallel_loop3A_832, %parallel_loop3A_833], %parallel_loop3A_836 {strides = array<i32>} : memref<200x64xf32, #tpu.memory_space<vmem>>, vector<1x16xf32>,
        %parallel_loop3A_837 = arith.constant 4 : i32
        %parallel_loop3A_838 = arith.addi %parallel_loop3A_404, %parallel_loop3A_837 : i32
        %parallel_loop3A_839 = arith.constant 0 : i32
        %parallel_loop3A_840 = arith.constant 0 : i32
        %parallel_loop3A_841 = tpu.memref_slice %arg6[%parallel_loop3A_326, %parallel_loop3A_839, %parallel_loop3A_840] : memref<4x200x64xf32, #tpu.memory_space<vmem>> -> memref<1x200x64xf32, #tpu.memory_space<vmem>>
        %parallel_loop3A_842 = tpu.memref_squeeze %parallel_loop3A_841 : memref<1x200x64xf32, #tpu.memory_space<vmem>> -> memref<200x64xf32, #tpu.memory_space<vmem>>
        %parallel_loop3A_843 = arith.index_cast %parallel_loop3A_838 : i32 to index
        %parallel_loop3A_844 = arith.constant 32 : index
        %parallel_loop3A_845 = tpu.vector_load %parallel_loop3A_842[%parallel_loop3A_843, %parallel_loop3A_844] {strides = array<i32>} : memref<200x64xf32, #tpu.memory_space<vmem>>, vector<1x16xf32>,
        %parallel_loop3A_846 = vector.shape_cast %parallel_loop3A_845 : vector<1x16xf32> to vector<16xf32>
        %parallel_loop3A_847 = arith.constant 8.000000e+00 : f32
        %parallel_loop3A_848 = vector.broadcast %parallel_loop3A_847 : f32 to vector<16xf32>
        %parallel_loop3A_849 = arith.mulf %parallel_loop3A_846, %parallel_loop3A_848 : vector<16xf32>
        %parallel_loop3A_850 = arith.constant 4 : i32
        %parallel_loop3A_851 = arith.addi %parallel_loop3A_404, %parallel_loop3A_850 : i32
        %parallel_loop3A_852 = arith.constant 0 : i32
        %parallel_loop3A_853 = arith.constant 0 : i32
        %parallel_loop3A_854 = tpu.memref_slice %arg6[%parallel_loop3A_326, %parallel_loop3A_852, %parallel_loop3A_853] : memref<4x200x64xf32, #tpu.memory_space<vmem>> -> memref<1x200x64xf32, #tpu.memory_space<vmem>>
        %parallel_loop3A_855 = tpu.memref_squeeze %parallel_loop3A_854 : memref<1x200x64xf32, #tpu.memory_space<vmem>> -> memref<200x64xf32, #tpu.memory_space<vmem>>
        %parallel_loop3A_856 = arith.index_cast %parallel_loop3A_851 : i32 to index
        %parallel_loop3A_857 = arith.constant 32 : index
        %parallel_loop3A_858 = tpu.vector_load %parallel_loop3A_855[%parallel_loop3A_856, %parallel_loop3A_857] {strides = array<i32>} : memref<200x64xf32, #tpu.memory_space<vmem>>, vector<1x16xf32>,
        %parallel_loop3A_859 = vector.shape_cast %parallel_loop3A_858 : vector<1x16xf32> to vector<16xf32>
        %parallel_loop3A_860 = vector.shape_cast %parallel_loop3A_849 : vector<16xf32> to vector<1x16xf32>
        tpu.vector_store %parallel_loop3A_855[%parallel_loop3A_856, %parallel_loop3A_857], %parallel_loop3A_860 {strides = array<i32>} : memref<200x64xf32, #tpu.memory_space<vmem>>, vector<1x16xf32>,
        %parallel_loop3A_861 = arith.constant 4 : i32
        %parallel_loop3A_862 = arith.addi %parallel_loop3A_404, %parallel_loop3A_861 : i32
        %parallel_loop3A_863 = arith.constant 0 : i32
        %parallel_loop3A_864 = arith.constant 0 : i32
        %parallel_loop3A_865 = tpu.memref_slice %arg6[%parallel_loop3A_326, %parallel_loop3A_863, %parallel_loop3A_864] : memref<4x200x64xf32, #tpu.memory_space<vmem>> -> memref<1x200x64xf32, #tpu.memory_space<vmem>>
        %parallel_loop3A_866 = tpu.memref_squeeze %parallel_loop3A_865 : memref<1x200x64xf32, #tpu.memory_space<vmem>> -> memref<200x64xf32, #tpu.memory_space<vmem>>
        %parallel_loop3A_867 = arith.index_cast %parallel_loop3A_862 : i32 to index
        %parallel_loop3A_868 = arith.constant 48 : index
        %parallel_loop3A_869 = tpu.vector_load %parallel_loop3A_866[%parallel_loop3A_867, %parallel_loop3A_868] {strides = array<i32>} : memref<200x64xf32, #tpu.memory_space<vmem>>, vector<1x16xf32>,
        %parallel_loop3A_870 = vector.shape_cast %parallel_loop3A_869 : vector<1x16xf32> to vector<16xf32>
        %parallel_loop3A_871 = arith.constant 8.000000e+00 : f32
        %parallel_loop3A_872 = vector.broadcast %parallel_loop3A_871 : f32 to vector<16xf32>
        %parallel_loop3A_873 = arith.mulf %parallel_loop3A_870, %parallel_loop3A_872 : vector<16xf32>
        %parallel_loop3A_874 = arith.constant 4 : i32
        %parallel_loop3A_875 = arith.addi %parallel_loop3A_404, %parallel_loop3A_874 : i32
        %parallel_loop3A_876 = arith.constant 0 : i32
        %parallel_loop3A_877 = arith.constant 0 : i32
        %parallel_loop3A_878 = tpu.memref_slice %arg6[%parallel_loop3A_326, %parallel_loop3A_876, %parallel_loop3A_877] : memref<4x200x64xf32, #tpu.memory_space<vmem>> -> memref<1x200x64xf32, #tpu.memory_space<vmem>>
        %parallel_loop3A_879 = tpu.memref_squeeze %parallel_loop3A_878 : memref<1x200x64xf32, #tpu.memory_space<vmem>> -> memref<200x64xf32, #tpu.memory_space<vmem>>
        %parallel_loop3A_880 = arith.index_cast %parallel_loop3A_875 : i32 to index
        %parallel_loop3A_881 = arith.constant 48 : index
        %parallel_loop3A_882 = tpu.vector_load %parallel_loop3A_879[%parallel_loop3A_880, %parallel_loop3A_881] {strides = array<i32>} : memref<200x64xf32, #tpu.memory_space<vmem>>, vector<1x16xf32>,
        %parallel_loop3A_883 = vector.shape_cast %parallel_loop3A_882 : vector<1x16xf32> to vector<16xf32>
        %parallel_loop3A_884 = vector.shape_cast %parallel_loop3A_873 : vector<16xf32> to vector<1x16xf32>
        tpu.vector_store %parallel_loop3A_879[%parallel_loop3A_880, %parallel_loop3A_881], %parallel_loop3A_884 {strides = array<i32>} : memref<200x64xf32, #tpu.memory_space<vmem>>, vector<1x16xf32>,
        %parallel_loop3A_885 = arith.constant 5 : i32
        %parallel_loop3A_886 = arith.addi %parallel_loop3A_404, %parallel_loop3A_885 : i32
        %parallel_loop3A_887 = arith.constant 0 : i32
        %parallel_loop3A_888 = arith.constant 0 : i32
        %parallel_loop3A_889 = tpu.memref_slice %arg6[%parallel_loop3A_326, %parallel_loop3A_887, %parallel_loop3A_888] : memref<4x200x64xf32, #tpu.memory_space<vmem>> -> memref<1x200x64xf32, #tpu.memory_space<vmem>>
        %parallel_loop3A_890 = tpu.memref_squeeze %parallel_loop3A_889 : memref<1x200x64xf32, #tpu.memory_space<vmem>> -> memref<200x64xf32, #tpu.memory_space<vmem>>
        %parallel_loop3A_891 = arith.index_cast %parallel_loop3A_886 : i32 to index
        %parallel_loop3A_892 = arith.constant 0 : index
        %parallel_loop3A_893 = tpu.vector_load %parallel_loop3A_890[%parallel_loop3A_891, %parallel_loop3A_892] {strides = array<i32>} : memref<200x64xf32, #tpu.memory_space<vmem>>, vector<1x16xf32>,
        %parallel_loop3A_894 = vector.shape_cast %parallel_loop3A_893 : vector<1x16xf32> to vector<16xf32>
        %parallel_loop3A_895 = arith.constant 8.000000e+00 : f32
        %parallel_loop3A_896 = vector.broadcast %parallel_loop3A_895 : f32 to vector<16xf32>
        %parallel_loop3A_897 = arith.mulf %parallel_loop3A_894, %parallel_loop3A_896 : vector<16xf32>
        %parallel_loop3A_898 = arith.constant 5 : i32
        %parallel_loop3A_899 = arith.addi %parallel_loop3A_404, %parallel_loop3A_898 : i32
        %parallel_loop3A_900 = arith.constant 0 : i32
        %parallel_loop3A_901 = arith.constant 0 : i32
        %parallel_loop3A_902 = tpu.memref_slice %arg6[%parallel_loop3A_326, %parallel_loop3A_900, %parallel_loop3A_901] : memref<4x200x64xf32, #tpu.memory_space<vmem>> -> memref<1x200x64xf32, #tpu.memory_space<vmem>>
        %parallel_loop3A_903 = tpu.memref_squeeze %parallel_loop3A_902 : memref<1x200x64xf32, #tpu.memory_space<vmem>> -> memref<200x64xf32, #tpu.memory_space<vmem>>
        %parallel_loop3A_904 = arith.index_cast %parallel_loop3A_899 : i32 to index
        %parallel_loop3A_905 = arith.constant 0 : index
        %parallel_loop3A_906 = tpu.vector_load %parallel_loop3A_903[%parallel_loop3A_904, %parallel_loop3A_905] {strides = array<i32>} : memref<200x64xf32, #tpu.memory_space<vmem>>, vector<1x16xf32>,
        %parallel_loop3A_907 = vector.shape_cast %parallel_loop3A_906 : vector<1x16xf32> to vector<16xf32>
        %parallel_loop3A_908 = vector.shape_cast %parallel_loop3A_897 : vector<16xf32> to vector<1x16xf32>
        tpu.vector_store %parallel_loop3A_903[%parallel_loop3A_904, %parallel_loop3A_905], %parallel_loop3A_908 {strides = array<i32>} : memref<200x64xf32, #tpu.memory_space<vmem>>, vector<1x16xf32>,
        %parallel_loop3A_909 = arith.constant 5 : i32
        %parallel_loop3A_910 = arith.addi %parallel_loop3A_404, %parallel_loop3A_909 : i32
        %parallel_loop3A_911 = arith.constant 0 : i32
        %parallel_loop3A_912 = arith.constant 0 : i32
        %parallel_loop3A_913 = tpu.memref_slice %arg6[%parallel_loop3A_326, %parallel_loop3A_911, %parallel_loop3A_912] : memref<4x200x64xf32, #tpu.memory_space<vmem>> -> memref<1x200x64xf32, #tpu.memory_space<vmem>>
        %parallel_loop3A_914 = tpu.memref_squeeze %parallel_loop3A_913 : memref<1x200x64xf32, #tpu.memory_space<vmem>> -> memref<200x64xf32, #tpu.memory_space<vmem>>
        %parallel_loop3A_915 = arith.index_cast %parallel_loop3A_910 : i32 to index
        %parallel_loop3A_916 = arith.constant 16 : index
        %parallel_loop3A_917 = tpu.vector_load %parallel_loop3A_914[%parallel_loop3A_915, %parallel_loop3A_916] {strides = array<i32>} : memref<200x64xf32, #tpu.memory_space<vmem>>, vector<1x16xf32>,
        %parallel_loop3A_918 = vector.shape_cast %parallel_loop3A_917 : vector<1x16xf32> to vector<16xf32>
        %parallel_loop3A_919 = arith.constant 8.000000e+00 : f32
        %parallel_loop3A_920 = vector.broadcast %parallel_loop3A_919 : f32 to vector<16xf32>
        %parallel_loop3A_921 = arith.mulf %parallel_loop3A_918, %parallel_loop3A_920 : vector<16xf32>
        %parallel_loop3A_922 = arith.constant 5 : i32
        %parallel_loop3A_923 = arith.addi %parallel_loop3A_404, %parallel_loop3A_922 : i32
        %parallel_loop3A_924 = arith.constant 0 : i32
        %parallel_loop3A_925 = arith.constant 0 : i32
        %parallel_loop3A_926 = tpu.memref_slice %arg6[%parallel_loop3A_326, %parallel_loop3A_924, %parallel_loop3A_925] : memref<4x200x64xf32, #tpu.memory_space<vmem>> -> memref<1x200x64xf32, #tpu.memory_space<vmem>>
        %parallel_loop3A_927 = tpu.memref_squeeze %parallel_loop3A_926 : memref<1x200x64xf32, #tpu.memory_space<vmem>> -> memref<200x64xf32, #tpu.memory_space<vmem>>
        %parallel_loop3A_928 = arith.index_cast %parallel_loop3A_923 : i32 to index
        %parallel_loop3A_929 = arith.constant 16 : index
        %parallel_loop3A_930 = tpu.vector_load %parallel_loop3A_927[%parallel_loop3A_928, %parallel_loop3A_929] {strides = array<i32>} : memref<200x64xf32, #tpu.memory_space<vmem>>, vector<1x16xf32>,
        %parallel_loop3A_931 = vector.shape_cast %parallel_loop3A_930 : vector<1x16xf32> to vector<16xf32>
        %parallel_loop3A_932 = vector.shape_cast %parallel_loop3A_921 : vector<16xf32> to vector<1x16xf32>
        tpu.vector_store %parallel_loop3A_927[%parallel_loop3A_928, %parallel_loop3A_929], %parallel_loop3A_932 {strides = array<i32>} : memref<200x64xf32, #tpu.memory_space<vmem>>, vector<1x16xf32>,
        %parallel_loop3A_933 = arith.constant 5 : i32
        %parallel_loop3A_934 = arith.addi %parallel_loop3A_404, %parallel_loop3A_933 : i32
        %parallel_loop3A_935 = arith.constant 0 : i32
        %parallel_loop3A_936 = arith.constant 0 : i32
        %parallel_loop3A_937 = tpu.memref_slice %arg6[%parallel_loop3A_326, %parallel_loop3A_935, %parallel_loop3A_936] : memref<4x200x64xf32, #tpu.memory_space<vmem>> -> memref<1x200x64xf32, #tpu.memory_space<vmem>>
        %parallel_loop3A_938 = tpu.memref_squeeze %parallel_loop3A_937 : memref<1x200x64xf32, #tpu.memory_space<vmem>> -> memref<200x64xf32, #tpu.memory_space<vmem>>
        %parallel_loop3A_939 = arith.index_cast %parallel_loop3A_934 : i32 to index
        %parallel_loop3A_940 = arith.constant 32 : index
        %parallel_loop3A_941 = tpu.vector_load %parallel_loop3A_938[%parallel_loop3A_939, %parallel_loop3A_940] {strides = array<i32>} : memref<200x64xf32, #tpu.memory_space<vmem>>, vector<1x16xf32>,
        %parallel_loop3A_942 = vector.shape_cast %parallel_loop3A_941 : vector<1x16xf32> to vector<16xf32>
        %parallel_loop3A_943 = arith.constant 8.000000e+00 : f32
        %parallel_loop3A_944 = vector.broadcast %parallel_loop3A_943 : f32 to vector<16xf32>
        %parallel_loop3A_945 = arith.mulf %parallel_loop3A_942, %parallel_loop3A_944 : vector<16xf32>
        %parallel_loop3A_946 = arith.constant 5 : i32
        %parallel_loop3A_947 = arith.addi %parallel_loop3A_404, %parallel_loop3A_946 : i32
        %parallel_loop3A_948 = arith.constant 0 : i32
        %parallel_loop3A_949 = arith.constant 0 : i32
        %parallel_loop3A_950 = tpu.memref_slice %arg6[%parallel_loop3A_326, %parallel_loop3A_948, %parallel_loop3A_949] : memref<4x200x64xf32, #tpu.memory_space<vmem>> -> memref<1x200x64xf32, #tpu.memory_space<vmem>>
        %parallel_loop3A_951 = tpu.memref_squeeze %parallel_loop3A_950 : memref<1x200x64xf32, #tpu.memory_space<vmem>> -> memref<200x64xf32, #tpu.memory_space<vmem>>
        %parallel_loop3A_952 = arith.index_cast %parallel_loop3A_947 : i32 to index
        %parallel_loop3A_953 = arith.constant 32 : index
        %parallel_loop3A_954 = tpu.vector_load %parallel_loop3A_951[%parallel_loop3A_952, %parallel_loop3A_953] {strides = array<i32>} : memref<200x64xf32, #tpu.memory_space<vmem>>, vector<1x16xf32>,
        %parallel_loop3A_955 = vector.shape_cast %parallel_loop3A_954 : vector<1x16xf32> to vector<16xf32>
        %parallel_loop3A_956 = vector.shape_cast %parallel_loop3A_945 : vector<16xf32> to vector<1x16xf32>
        tpu.vector_store %parallel_loop3A_951[%parallel_loop3A_952, %parallel_loop3A_953], %parallel_loop3A_956 {strides = array<i32>} : memref<200x64xf32, #tpu.memory_space<vmem>>, vector<1x16xf32>,
        %parallel_loop3A_957 = arith.constant 5 : i32
        %parallel_loop3A_958 = arith.addi %parallel_loop3A_404, %parallel_loop3A_957 : i32
        %parallel_loop3A_959 = arith.constant 0 : i32
        %parallel_loop3A_960 = arith.constant 0 : i32
        %parallel_loop3A_961 = tpu.memref_slice %arg6[%parallel_loop3A_326, %parallel_loop3A_959, %parallel_loop3A_960] : memref<4x200x64xf32, #tpu.memory_space<vmem>> -> memref<1x200x64xf32, #tpu.memory_space<vmem>>
        %parallel_loop3A_962 = tpu.memref_squeeze %parallel_loop3A_961 : memref<1x200x64xf32, #tpu.memory_space<vmem>> -> memref<200x64xf32, #tpu.memory_space<vmem>>
        %parallel_loop3A_963 = arith.index_cast %parallel_loop3A_958 : i32 to index
        %parallel_loop3A_964 = arith.constant 48 : index
        %parallel_loop3A_965 = tpu.vector_load %parallel_loop3A_962[%parallel_loop3A_963, %parallel_loop3A_964] {strides = array<i32>} : memref<200x64xf32, #tpu.memory_space<vmem>>, vector<1x16xf32>,
        %parallel_loop3A_966 = vector.shape_cast %parallel_loop3A_965 : vector<1x16xf32> to vector<16xf32>
        %parallel_loop3A_967 = arith.constant 8.000000e+00 : f32
        %parallel_loop3A_968 = vector.broadcast %parallel_loop3A_967 : f32 to vector<16xf32>
        %parallel_loop3A_969 = arith.mulf %parallel_loop3A_966, %parallel_loop3A_968 : vector<16xf32>
        %parallel_loop3A_970 = arith.constant 5 : i32
        %parallel_loop3A_971 = arith.addi %parallel_loop3A_404, %parallel_loop3A_970 : i32
        %parallel_loop3A_972 = arith.constant 0 : i32
        %parallel_loop3A_973 = arith.constant 0 : i32
        %parallel_loop3A_974 = tpu.memref_slice %arg6[%parallel_loop3A_326, %parallel_loop3A_972, %parallel_loop3A_973] : memref<4x200x64xf32, #tpu.memory_space<vmem>> -> memref<1x200x64xf32, #tpu.memory_space<vmem>>
        %parallel_loop3A_975 = tpu.memref_squeeze %parallel_loop3A_974 : memref<1x200x64xf32, #tpu.memory_space<vmem>> -> memref<200x64xf32, #tpu.memory_space<vmem>>
        %parallel_loop3A_976 = arith.index_cast %parallel_loop3A_971 : i32 to index
        %parallel_loop3A_977 = arith.constant 48 : index
        %parallel_loop3A_978 = tpu.vector_load %parallel_loop3A_975[%parallel_loop3A_976, %parallel_loop3A_977] {strides = array<i32>} : memref<200x64xf32, #tpu.memory_space<vmem>>, vector<1x16xf32>,
        %parallel_loop3A_979 = vector.shape_cast %parallel_loop3A_978 : vector<1x16xf32> to vector<16xf32>
        %parallel_loop3A_980 = vector.shape_cast %parallel_loop3A_969 : vector<16xf32> to vector<1x16xf32>
        tpu.vector_store %parallel_loop3A_975[%parallel_loop3A_976, %parallel_loop3A_977], %parallel_loop3A_980 {strides = array<i32>} : memref<200x64xf32, #tpu.memory_space<vmem>>, vector<1x16xf32>,
        %parallel_loop3A_981 = arith.constant 6 : i32
        %parallel_loop3A_982 = arith.addi %parallel_loop3A_404, %parallel_loop3A_981 : i32
        %parallel_loop3A_983 = arith.constant 0 : i32
        %parallel_loop3A_984 = arith.constant 0 : i32
        %parallel_loop3A_985 = tpu.memref_slice %arg6[%parallel_loop3A_326, %parallel_loop3A_983, %parallel_loop3A_984] : memref<4x200x64xf32, #tpu.memory_space<vmem>> -> memref<1x200x64xf32, #tpu.memory_space<vmem>>
        %parallel_loop3A_986 = tpu.memref_squeeze %parallel_loop3A_985 : memref<1x200x64xf32, #tpu.memory_space<vmem>> -> memref<200x64xf32, #tpu.memory_space<vmem>>
        %parallel_loop3A_987 = arith.index_cast %parallel_loop3A_982 : i32 to index
        %parallel_loop3A_988 = arith.constant 0 : index
        %parallel_loop3A_989 = tpu.vector_load %parallel_loop3A_986[%parallel_loop3A_987, %parallel_loop3A_988] {strides = array<i32>} : memref<200x64xf32, #tpu.memory_space<vmem>>, vector<1x16xf32>,
        %parallel_loop3A_990 = vector.shape_cast %parallel_loop3A_989 : vector<1x16xf32> to vector<16xf32>
        %parallel_loop3A_991 = arith.constant 8.000000e+00 : f32
        %parallel_loop3A_992 = vector.broadcast %parallel_loop3A_991 : f32 to vector<16xf32>
        %parallel_loop3A_993 = arith.mulf %parallel_loop3A_990, %parallel_loop3A_992 : vector<16xf32>
        %parallel_loop3A_994 = arith.constant 6 : i32
        %parallel_loop3A_995 = arith.addi %parallel_loop3A_404, %parallel_loop3A_994 : i32
        %parallel_loop3A_996 = arith.constant 0 : i32
        %parallel_loop3A_997 = arith.constant 0 : i32
        %parallel_loop3A_998 = tpu.memref_slice %arg6[%parallel_loop3A_326, %parallel_loop3A_996, %parallel_loop3A_997] : memref<4x200x64xf32, #tpu.memory_space<vmem>> -> memref<1x200x64xf32, #tpu.memory_space<vmem>>
        %parallel_loop3A_999 = tpu.memref_squeeze %parallel_loop3A_998 : memref<1x200x64xf32, #tpu.memory_space<vmem>> -> memref<200x64xf32, #tpu.memory_space<vmem>>
        %parallel_loop3A_1000 = arith.index_cast %parallel_loop3A_995 : i32 to index
        %parallel_loop3A_1001 = arith.constant 0 : index
        %parallel_loop3A_1002 = tpu.vector_load %parallel_loop3A_999[%parallel_loop3A_1000, %parallel_loop3A_1001] {strides = array<i32>} : memref<200x64xf32, #tpu.memory_space<vmem>>, vector<1x16xf32>,
        %parallel_loop3A_1003 = vector.shape_cast %parallel_loop3A_1002 : vector<1x16xf32> to vector<16xf32>
        %parallel_loop3A_1004 = vector.shape_cast %parallel_loop3A_993 : vector<16xf32> to vector<1x16xf32>
        tpu.vector_store %parallel_loop3A_999[%parallel_loop3A_1000, %parallel_loop3A_1001], %parallel_loop3A_1004 {strides = array<i32>} : memref<200x64xf32, #tpu.memory_space<vmem>>, vector<1x16xf32>,
        %parallel_loop3A_1005 = arith.constant 6 : i32
        %parallel_loop3A_1006 = arith.addi %parallel_loop3A_404, %parallel_loop3A_1005 : i32
        %parallel_loop3A_1007 = arith.constant 0 : i32
        %parallel_loop3A_1008 = arith.constant 0 : i32
        %parallel_loop3A_1009 = tpu.memref_slice %arg6[%parallel_loop3A_326, %parallel_loop3A_1007, %parallel_loop3A_1008] : memref<4x200x64xf32, #tpu.memory_space<vmem>> -> memref<1x200x64xf32, #tpu.memory_space<vmem>>
        %parallel_loop3A_1010 = tpu.memref_squeeze %parallel_loop3A_1009 : memref<1x200x64xf32, #tpu.memory_space<vmem>> -> memref<200x64xf32, #tpu.memory_space<vmem>>
        %parallel_loop3A_1011 = arith.index_cast %parallel_loop3A_1006 : i32 to index
        %parallel_loop3A_1012 = arith.constant 16 : index
        %parallel_loop3A_1013 = tpu.vector_load %parallel_loop3A_1010[%parallel_loop3A_1011, %parallel_loop3A_1012] {strides = array<i32>} : memref<200x64xf32, #tpu.memory_space<vmem>>, vector<1x16xf32>,
        %parallel_loop3A_1014 = vector.shape_cast %parallel_loop3A_1013 : vector<1x16xf32> to vector<16xf32>
        %parallel_loop3A_1015 = arith.constant 8.000000e+00 : f32
        %parallel_loop3A_1016 = vector.broadcast %parallel_loop3A_1015 : f32 to vector<16xf32>
        %parallel_loop3A_1017 = arith.mulf %parallel_loop3A_1014, %parallel_loop3A_1016 : vector<16xf32>
        %parallel_loop3A_1018 = arith.constant 6 : i32
        %parallel_loop3A_1019 = arith.addi %parallel_loop3A_404, %parallel_loop3A_1018 : i32
        %parallel_loop3A_1020 = arith.constant 0 : i32
        %parallel_loop3A_1021 = arith.constant 0 : i32
        %parallel_loop3A_1022 = tpu.memref_slice %arg6[%parallel_loop3A_326, %parallel_loop3A_1020, %parallel_loop3A_1021] : memref<4x200x64xf32, #tpu.memory_space<vmem>> -> memref<1x200x64xf32, #tpu.memory_space<vmem>>
        %parallel_loop3A_1023 = tpu.memref_squeeze %parallel_loop3A_1022 : memref<1x200x64xf32, #tpu.memory_space<vmem>> -> memref<200x64xf32, #tpu.memory_space<vmem>>
        %parallel_loop3A_1024 = arith.index_cast %parallel_loop3A_1019 : i32 to index
        %parallel_loop3A_1025 = arith.constant 16 : index
        %parallel_loop3A_1026 = tpu.vector_load %parallel_loop3A_1023[%parallel_loop3A_1024, %parallel_loop3A_1025] {strides = array<i32>} : memref<200x64xf32, #tpu.memory_space<vmem>>, vector<1x16xf32>,
        %parallel_loop3A_1027 = vector.shape_cast %parallel_loop3A_1026 : vector<1x16xf32> to vector<16xf32>
        %parallel_loop3A_1028 = vector.shape_cast %parallel_loop3A_1017 : vector<16xf32> to vector<1x16xf32>
        tpu.vector_store %parallel_loop3A_1023[%parallel_loop3A_1024, %parallel_loop3A_1025], %parallel_loop3A_1028 {strides = array<i32>} : memref<200x64xf32, #tpu.memory_space<vmem>>, vector<1x16xf32>,
        %parallel_loop3A_1029 = arith.constant 6 : i32
        %parallel_loop3A_1030 = arith.addi %parallel_loop3A_404, %parallel_loop3A_1029 : i32
        %parallel_loop3A_1031 = arith.constant 0 : i32
        %parallel_loop3A_1032 = arith.constant 0 : i32
        %parallel_loop3A_1033 = tpu.memref_slice %arg6[%parallel_loop3A_326, %parallel_loop3A_1031, %parallel_loop3A_1032] : memref<4x200x64xf32, #tpu.memory_space<vmem>> -> memref<1x200x64xf32, #tpu.memory_space<vmem>>
        %parallel_loop3A_1034 = tpu.memref_squeeze %parallel_loop3A_1033 : memref<1x200x64xf32, #tpu.memory_space<vmem>> -> memref<200x64xf32, #tpu.memory_space<vmem>>
        %parallel_loop3A_1035 = arith.index_cast %parallel_loop3A_1030 : i32 to index
        %parallel_loop3A_1036 = arith.constant 32 : index
        %parallel_loop3A_1037 = tpu.vector_load %parallel_loop3A_1034[%parallel_loop3A_1035, %parallel_loop3A_1036] {strides = array<i32>} : memref<200x64xf32, #tpu.memory_space<vmem>>, vector<1x16xf32>,
        %parallel_loop3A_1038 = vector.shape_cast %parallel_loop3A_1037 : vector<1x16xf32> to vector<16xf32>
        %parallel_loop3A_1039 = arith.constant 8.000000e+00 : f32
        %parallel_loop3A_1040 = vector.broadcast %parallel_loop3A_1039 : f32 to vector<16xf32>
        %parallel_loop3A_1041 = arith.mulf %parallel_loop3A_1038, %parallel_loop3A_1040 : vector<16xf32>
        %parallel_loop3A_1042 = arith.constant 6 : i32
        %parallel_loop3A_1043 = arith.addi %parallel_loop3A_404, %parallel_loop3A_1042 : i32
        %parallel_loop3A_1044 = arith.constant 0 : i32
        %parallel_loop3A_1045 = arith.constant 0 : i32
        %parallel_loop3A_1046 = tpu.memref_slice %arg6[%parallel_loop3A_326, %parallel_loop3A_1044, %parallel_loop3A_1045] : memref<4x200x64xf32, #tpu.memory_space<vmem>> -> memref<1x200x64xf32, #tpu.memory_space<vmem>>
        %parallel_loop3A_1047 = tpu.memref_squeeze %parallel_loop3A_1046 : memref<1x200x64xf32, #tpu.memory_space<vmem>> -> memref<200x64xf32, #tpu.memory_space<vmem>>
        %parallel_loop3A_1048 = arith.index_cast %parallel_loop3A_1043 : i32 to index
        %parallel_loop3A_1049 = arith.constant 32 : index
        %parallel_loop3A_1050 = tpu.vector_load %parallel_loop3A_1047[%parallel_loop3A_1048, %parallel_loop3A_1049] {strides = array<i32>} : memref<200x64xf32, #tpu.memory_space<vmem>>, vector<1x16xf32>,
        %parallel_loop3A_1051 = vector.shape_cast %parallel_loop3A_1050 : vector<1x16xf32> to vector<16xf32>
        %parallel_loop3A_1052 = vector.shape_cast %parallel_loop3A_1041 : vector<16xf32> to vector<1x16xf32>
        tpu.vector_store %parallel_loop3A_1047[%parallel_loop3A_1048, %parallel_loop3A_1049], %parallel_loop3A_1052 {strides = array<i32>} : memref<200x64xf32, #tpu.memory_space<vmem>>, vector<1x16xf32>,
        %parallel_loop3A_1053 = arith.constant 6 : i32
        %parallel_loop3A_1054 = arith.addi %parallel_loop3A_404, %parallel_loop3A_1053 : i32
        %parallel_loop3A_1055 = arith.constant 0 : i32
        %parallel_loop3A_1056 = arith.constant 0 : i32
        %parallel_loop3A_1057 = tpu.memref_slice %arg6[%parallel_loop3A_326, %parallel_loop3A_1055, %parallel_loop3A_1056] : memref<4x200x64xf32, #tpu.memory_space<vmem>> -> memref<1x200x64xf32, #tpu.memory_space<vmem>>
        %parallel_loop3A_1058 = tpu.memref_squeeze %parallel_loop3A_1057 : memref<1x200x64xf32, #tpu.memory_space<vmem>> -> memref<200x64xf32, #tpu.memory_space<vmem>>
        %parallel_loop3A_1059 = arith.index_cast %parallel_loop3A_1054 : i32 to index
        %parallel_loop3A_1060 = arith.constant 48 : index
        %parallel_loop3A_1061 = tpu.vector_load %parallel_loop3A_1058[%parallel_loop3A_1059, %parallel_loop3A_1060] {strides = array<i32>} : memref<200x64xf32, #tpu.memory_space<vmem>>, vector<1x16xf32>,
        %parallel_loop3A_1062 = vector.shape_cast %parallel_loop3A_1061 : vector<1x16xf32> to vector<16xf32>
        %parallel_loop3A_1063 = arith.constant 8.000000e+00 : f32
        %parallel_loop3A_1064 = vector.broadcast %parallel_loop3A_1063 : f32 to vector<16xf32>
        %parallel_loop3A_1065 = arith.mulf %parallel_loop3A_1062, %parallel_loop3A_1064 : vector<16xf32>
        %parallel_loop3A_1066 = arith.constant 6 : i32
        %parallel_loop3A_1067 = arith.addi %parallel_loop3A_404, %parallel_loop3A_1066 : i32
        %parallel_loop3A_1068 = arith.constant 0 : i32
        %parallel_loop3A_1069 = arith.constant 0 : i32
        %parallel_loop3A_1070 = tpu.memref_slice %arg6[%parallel_loop3A_326, %parallel_loop3A_1068, %parallel_loop3A_1069] : memref<4x200x64xf32, #tpu.memory_space<vmem>> -> memref<1x200x64xf32, #tpu.memory_space<vmem>>
        %parallel_loop3A_1071 = tpu.memref_squeeze %parallel_loop3A_1070 : memref<1x200x64xf32, #tpu.memory_space<vmem>> -> memref<200x64xf32, #tpu.memory_space<vmem>>
        %parallel_loop3A_1072 = arith.index_cast %parallel_loop3A_1067 : i32 to index
        %parallel_loop3A_1073 = arith.constant 48 : index
        %parallel_loop3A_1074 = tpu.vector_load %parallel_loop3A_1071[%parallel_loop3A_1072, %parallel_loop3A_1073] {strides = array<i32>} : memref<200x64xf32, #tpu.memory_space<vmem>>, vector<1x16xf32>,
        %parallel_loop3A_1075 = vector.shape_cast %parallel_loop3A_1074 : vector<1x16xf32> to vector<16xf32>
        %parallel_loop3A_1076 = vector.shape_cast %parallel_loop3A_1065 : vector<16xf32> to vector<1x16xf32>
        tpu.vector_store %parallel_loop3A_1071[%parallel_loop3A_1072, %parallel_loop3A_1073], %parallel_loop3A_1076 {strides = array<i32>} : memref<200x64xf32, #tpu.memory_space<vmem>>, vector<1x16xf32>,
        %parallel_loop3A_1077 = arith.constant 7 : i32
        %parallel_loop3A_1078 = arith.addi %parallel_loop3A_404, %parallel_loop3A_1077 : i32
        %parallel_loop3A_1079 = arith.constant 0 : i32
        %parallel_loop3A_1080 = arith.constant 0 : i32
        %parallel_loop3A_1081 = tpu.memref_slice %arg6[%parallel_loop3A_326, %parallel_loop3A_1079, %parallel_loop3A_1080] : memref<4x200x64xf32, #tpu.memory_space<vmem>> -> memref<1x200x64xf32, #tpu.memory_space<vmem>>
        %parallel_loop3A_1082 = tpu.memref_squeeze %parallel_loop3A_1081 : memref<1x200x64xf32, #tpu.memory_space<vmem>> -> memref<200x64xf32, #tpu.memory_space<vmem>>
        %parallel_loop3A_1083 = arith.index_cast %parallel_loop3A_1078 : i32 to index
        %parallel_loop3A_1084 = arith.constant 0 : index
        %parallel_loop3A_1085 = tpu.vector_load %parallel_loop3A_1082[%parallel_loop3A_1083, %parallel_loop3A_1084] {strides = array<i32>} : memref<200x64xf32, #tpu.memory_space<vmem>>, vector<1x16xf32>,
        %parallel_loop3A_1086 = vector.shape_cast %parallel_loop3A_1085 : vector<1x16xf32> to vector<16xf32>
        %parallel_loop3A_1087 = arith.constant 8.000000e+00 : f32
        %parallel_loop3A_1088 = vector.broadcast %parallel_loop3A_1087 : f32 to vector<16xf32>
        %parallel_loop3A_1089 = arith.mulf %parallel_loop3A_1086, %parallel_loop3A_1088 : vector<16xf32>
        %parallel_loop3A_1090 = arith.constant 7 : i32
        %parallel_loop3A_1091 = arith.addi %parallel_loop3A_404, %parallel_loop3A_1090 : i32
        %parallel_loop3A_1092 = arith.constant 0 : i32
        %parallel_loop3A_1093 = arith.constant 0 : i32
        %parallel_loop3A_1094 = tpu.memref_slice %arg6[%parallel_loop3A_326, %parallel_loop3A_1092, %parallel_loop3A_1093] : memref<4x200x64xf32, #tpu.memory_space<vmem>> -> memref<1x200x64xf32, #tpu.memory_space<vmem>>
        %parallel_loop3A_1095 = tpu.memref_squeeze %parallel_loop3A_1094 : memref<1x200x64xf32, #tpu.memory_space<vmem>> -> memref<200x64xf32, #tpu.memory_space<vmem>>
        %parallel_loop3A_1096 = arith.index_cast %parallel_loop3A_1091 : i32 to index
        %parallel_loop3A_1097 = arith.constant 0 : index
        %parallel_loop3A_1098 = tpu.vector_load %parallel_loop3A_1095[%parallel_loop3A_1096, %parallel_loop3A_1097] {strides = array<i32>} : memref<200x64xf32, #tpu.memory_space<vmem>>, vector<1x16xf32>,
        %parallel_loop3A_1099 = vector.shape_cast %parallel_loop3A_1098 : vector<1x16xf32> to vector<16xf32>
        %parallel_loop3A_1100 = vector.shape_cast %parallel_loop3A_1089 : vector<16xf32> to vector<1x16xf32>
        tpu.vector_store %parallel_loop3A_1095[%parallel_loop3A_1096, %parallel_loop3A_1097], %parallel_loop3A_1100 {strides = array<i32>} : memref<200x64xf32, #tpu.memory_space<vmem>>, vector<1x16xf32>,
        %parallel_loop3A_1101 = arith.constant 7 : i32
        %parallel_loop3A_1102 = arith.addi %parallel_loop3A_404, %parallel_loop3A_1101 : i32
        %parallel_loop3A_1103 = arith.constant 0 : i32
        %parallel_loop3A_1104 = arith.constant 0 : i32
        %parallel_loop3A_1105 = tpu.memref_slice %arg6[%parallel_loop3A_326, %parallel_loop3A_1103, %parallel_loop3A_1104] : memref<4x200x64xf32, #tpu.memory_space<vmem>> -> memref<1x200x64xf32, #tpu.memory_space<vmem>>
        %parallel_loop3A_1106 = tpu.memref_squeeze %parallel_loop3A_1105 : memref<1x200x64xf32, #tpu.memory_space<vmem>> -> memref<200x64xf32, #tpu.memory_space<vmem>>
        %parallel_loop3A_1107 = arith.index_cast %parallel_loop3A_1102 : i32 to index
        %parallel_loop3A_1108 = arith.constant 16 : index
        %parallel_loop3A_1109 = tpu.vector_load %parallel_loop3A_1106[%parallel_loop3A_1107, %parallel_loop3A_1108] {strides = array<i32>} : memref<200x64xf32, #tpu.memory_space<vmem>>, vector<1x16xf32>,
        %parallel_loop3A_1110 = vector.shape_cast %parallel_loop3A_1109 : vector<1x16xf32> to vector<16xf32>
        %parallel_loop3A_1111 = arith.constant 8.000000e+00 : f32
        %parallel_loop3A_1112 = vector.broadcast %parallel_loop3A_1111 : f32 to vector<16xf32>
        %parallel_loop3A_1113 = arith.mulf %parallel_loop3A_1110, %parallel_loop3A_1112 : vector<16xf32>
        %parallel_loop3A_1114 = arith.constant 7 : i32
        %parallel_loop3A_1115 = arith.addi %parallel_loop3A_404, %parallel_loop3A_1114 : i32
        %parallel_loop3A_1116 = arith.constant 0 : i32
        %parallel_loop3A_1117 = arith.constant 0 : i32
        %parallel_loop3A_1118 = tpu.memref_slice %arg6[%parallel_loop3A_326, %parallel_loop3A_1116, %parallel_loop3A_1117] : memref<4x200x64xf32, #tpu.memory_space<vmem>> -> memref<1x200x64xf32, #tpu.memory_space<vmem>>
        %parallel_loop3A_1119 = tpu.memref_squeeze %parallel_loop3A_1118 : memref<1x200x64xf32, #tpu.memory_space<vmem>> -> memref<200x64xf32, #tpu.memory_space<vmem>>
        %parallel_loop3A_1120 = arith.index_cast %parallel_loop3A_1115 : i32 to index
        %parallel_loop3A_1121 = arith.constant 16 : index
        %parallel_loop3A_1122 = tpu.vector_load %parallel_loop3A_1119[%parallel_loop3A_1120, %parallel_loop3A_1121] {strides = array<i32>} : memref<200x64xf32, #tpu.memory_space<vmem>>, vector<1x16xf32>,
        %parallel_loop3A_1123 = vector.shape_cast %parallel_loop3A_1122 : vector<1x16xf32> to vector<16xf32>
        %parallel_loop3A_1124 = vector.shape_cast %parallel_loop3A_1113 : vector<16xf32> to vector<1x16xf32>
        tpu.vector_store %parallel_loop3A_1119[%parallel_loop3A_1120, %parallel_loop3A_1121], %parallel_loop3A_1124 {strides = array<i32>} : memref<200x64xf32, #tpu.memory_space<vmem>>, vector<1x16xf32>,
        %parallel_loop3A_1125 = arith.constant 7 : i32
        %parallel_loop3A_1126 = arith.addi %parallel_loop3A_404, %parallel_loop3A_1125 : i32
        %parallel_loop3A_1127 = arith.constant 0 : i32
        %parallel_loop3A_1128 = arith.constant 0 : i32
        %parallel_loop3A_1129 = tpu.memref_slice %arg6[%parallel_loop3A_326, %parallel_loop3A_1127, %parallel_loop3A_1128] : memref<4x200x64xf32, #tpu.memory_space<vmem>> -> memref<1x200x64xf32, #tpu.memory_space<vmem>>
        %parallel_loop3A_1130 = tpu.memref_squeeze %parallel_loop3A_1129 : memref<1x200x64xf32, #tpu.memory_space<vmem>> -> memref<200x64xf32, #tpu.memory_space<vmem>>
        %parallel_loop3A_1131 = arith.index_cast %parallel_loop3A_1126 : i32 to index
        %parallel_loop3A_1132 = arith.constant 32 : index
        %parallel_loop3A_1133 = tpu.vector_load %parallel_loop3A_1130[%parallel_loop3A_1131, %parallel_loop3A_1132] {strides = array<i32>} : memref<200x64xf32, #tpu.memory_space<vmem>>, vector<1x16xf32>,
        %parallel_loop3A_1134 = vector.shape_cast %parallel_loop3A_1133 : vector<1x16xf32> to vector<16xf32>
        %parallel_loop3A_1135 = arith.constant 8.000000e+00 : f32
        %parallel_loop3A_1136 = vector.broadcast %parallel_loop3A_1135 : f32 to vector<16xf32>
        %parallel_loop3A_1137 = arith.mulf %parallel_loop3A_1134, %parallel_loop3A_1136 : vector<16xf32>
        %parallel_loop3A_1138 = arith.constant 7 : i32
        %parallel_loop3A_1139 = arith.addi %parallel_loop3A_404, %parallel_loop3A_1138 : i32
        %parallel_loop3A_1140 = arith.constant 0 : i32
        %parallel_loop3A_1141 = arith.constant 0 : i32
        %parallel_loop3A_1142 = tpu.memref_slice %arg6[%parallel_loop3A_326, %parallel_loop3A_1140, %parallel_loop3A_1141] : memref<4x200x64xf32, #tpu.memory_space<vmem>> -> memref<1x200x64xf32, #tpu.memory_space<vmem>>
        %parallel_loop3A_1143 = tpu.memref_squeeze %parallel_loop3A_1142 : memref<1x200x64xf32, #tpu.memory_space<vmem>> -> memref<200x64xf32, #tpu.memory_space<vmem>>
        %parallel_loop3A_1144 = arith.index_cast %parallel_loop3A_1139 : i32 to index
        %parallel_loop3A_1145 = arith.constant 32 : index
        %parallel_loop3A_1146 = tpu.vector_load %parallel_loop3A_1143[%parallel_loop3A_1144, %parallel_loop3A_1145] {strides = array<i32>} : memref<200x64xf32, #tpu.memory_space<vmem>>, vector<1x16xf32>,
        %parallel_loop3A_1147 = vector.shape_cast %parallel_loop3A_1146 : vector<1x16xf32> to vector<16xf32>
        %parallel_loop3A_1148 = vector.shape_cast %parallel_loop3A_1137 : vector<16xf32> to vector<1x16xf32>
        tpu.vector_store %parallel_loop3A_1143[%parallel_loop3A_1144, %parallel_loop3A_1145], %parallel_loop3A_1148 {strides = array<i32>} : memref<200x64xf32, #tpu.memory_space<vmem>>, vector<1x16xf32>,
        %parallel_loop3A_1149 = arith.constant 7 : i32
        %parallel_loop3A_1150 = arith.addi %parallel_loop3A_404, %parallel_loop3A_1149 : i32
        %parallel_loop3A_1151 = arith.constant 0 : i32
        %parallel_loop3A_1152 = arith.constant 0 : i32
        %parallel_loop3A_1153 = tpu.memref_slice %arg6[%parallel_loop3A_326, %parallel_loop3A_1151, %parallel_loop3A_1152] : memref<4x200x64xf32, #tpu.memory_space<vmem>> -> memref<1x200x64xf32, #tpu.memory_space<vmem>>
        %parallel_loop3A_1154 = tpu.memref_squeeze %parallel_loop3A_1153 : memref<1x200x64xf32, #tpu.memory_space<vmem>> -> memref<200x64xf32, #tpu.memory_space<vmem>>
        %parallel_loop3A_1155 = arith.index_cast %parallel_loop3A_1150 : i32 to index
        %parallel_loop3A_1156 = arith.constant 48 : index
        %parallel_loop3A_1157 = tpu.vector_load %parallel_loop3A_1154[%parallel_loop3A_1155, %parallel_loop3A_1156] {strides = array<i32>} : memref<200x64xf32, #tpu.memory_space<vmem>>, vector<1x16xf32>,
        %parallel_loop3A_1158 = vector.shape_cast %parallel_loop3A_1157 : vector<1x16xf32> to vector<16xf32>
        %parallel_loop3A_1159 = arith.constant 8.000000e+00 : f32
        %parallel_loop3A_1160 = vector.broadcast %parallel_loop3A_1159 : f32 to vector<16xf32>
        %parallel_loop3A_1161 = arith.mulf %parallel_loop3A_1158, %parallel_loop3A_1160 : vector<16xf32>
        %parallel_loop3A_1162 = arith.constant 7 : i32
        %parallel_loop3A_1163 = arith.addi %parallel_loop3A_404, %parallel_loop3A_1162 : i32
        %parallel_loop3A_1164 = arith.constant 0 : i32
        %parallel_loop3A_1165 = arith.constant 0 : i32
        %parallel_loop3A_1166 = tpu.memref_slice %arg6[%parallel_loop3A_326, %parallel_loop3A_1164, %parallel_loop3A_1165] : memref<4x200x64xf32, #tpu.memory_space<vmem>> -> memref<1x200x64xf32, #tpu.memory_space<vmem>>
        %parallel_loop3A_1167 = tpu.memref_squeeze %parallel_loop3A_1166 : memref<1x200x64xf32, #tpu.memory_space<vmem>> -> memref<200x64xf32, #tpu.memory_space<vmem>>
        %parallel_loop3A_1168 = arith.index_cast %parallel_loop3A_1163 : i32 to index
        %parallel_loop3A_1169 = arith.constant 48 : index
        %parallel_loop3A_1170 = tpu.vector_load %parallel_loop3A_1167[%parallel_loop3A_1168, %parallel_loop3A_1169] {strides = array<i32>} : memref<200x64xf32, #tpu.memory_space<vmem>>, vector<1x16xf32>,
        %parallel_loop3A_1171 = vector.shape_cast %parallel_loop3A_1170 : vector<1x16xf32> to vector<16xf32>
        %parallel_loop3A_1172 = vector.shape_cast %parallel_loop3A_1161 : vector<16xf32> to vector<1x16xf32>
        tpu.vector_store %parallel_loop3A_1167[%parallel_loop3A_1168, %parallel_loop3A_1169], %parallel_loop3A_1172 {strides = array<i32>} : memref<200x64xf32, #tpu.memory_space<vmem>>, vector<1x16xf32>,
      } {sc.loop_unroll_factor = 2 : i64, sc.parallel_access}
      %add3A_327 = arith.addi %mul3A_2, %add3A_289 : i32
      %dma_start3A_328 = arith.constant 2 : i32
      %dma_start3A_329 = arith.constant 0 : i32
      %dma_start3A_330 = arith.constant 0 : i32
      %dma_start3A_331 = tpu.memref_slice %arg6[%dma_start3A_328, %dma_start3A_329, %dma_start3A_330] : memref<4x200x64xf32, #tpu.memory_space<vmem>> -> memref<1x200x64xf32, #tpu.memory_space<vmem>>
      %dma_start3A_332 = tpu.memref_squeeze %dma_start3A_331 : memref<1x200x64xf32, #tpu.memory_space<vmem>> -> memref<200x64xf32, #tpu.memory_space<vmem>>
      %dma_start3A_333 = arith.constant 0 : i32
      %dma_start3A_334 = arith.constant 0 : i32
      %dma_start3A_335 = tpu.memref_slice %arg4[%add3A_327, %dma_start3A_333, %dma_start3A_334] : memref<4096x200x64xf32, #tpu.memory_space<hbm>> -> memref<1x200x64xf32, #tpu.memory_space<hbm>>
      %dma_start3A_336 = tpu.memref_squeeze %dma_start3A_335 : memref<1x200x64xf32, #tpu.memory_space<hbm>> -> memref<200x64xf32, #tpu.memory_space<hbm>>
      %dma_start3A_337 = arith.constant 0 : i32
      %dma_start3A_338 = arith.constant 0 : i32
      %dma_start3A_339 = tpu.memref_slice %arg4[%add3A_327, %dma_start3A_337, %dma_start3A_338] : memref<4096x200x64xf32, #tpu.memory_space<hbm>> -> memref<1x200x64xf32, #tpu.memory_space<hbm>>
      %dma_start3A_340 = tpu.memref_squeeze %dma_start3A_339 : memref<1x200x64xf32, #tpu.memory_space<hbm>> -> memref<200x64xf32, #tpu.memory_space<hbm>>
      %dma_start3A_341 = arith.constant 0 : i32
      %dma_start3A_342 = arith.constant 0 : i32
      %dma_start3A_343 = tpu.memref_slice %arg6[%dma_start3A_328, %dma_start3A_341, %dma_start3A_342] : memref<4x200x64xf32, #tpu.memory_space<vmem>> -> memref<1x200x64xf32, #tpu.memory_space<vmem>>
      %dma_start3A_344 = tpu.memref_squeeze %dma_start3A_343 : memref<1x200x64xf32, #tpu.memory_space<vmem>> -> memref<200x64xf32, #tpu.memory_space<vmem>>
      tpu.enqueue_dma source(%dma_start3A_344 : memref<200x64xf32, #tpu.memory_space<vmem>>) target(%dma_start3A_340 : memref<200x64xf32, #tpu.memory_space<hbm>>) target_semaphore(%arg11 : memref<!tpu.dma_semaphore, #tpu.memory_space<semaphore_mem>>)
      %mul3A_345 = arith.constant 4 : i32
      %mul3A_346 = arith.muli %scan3A_174, %mul3A_345 : i32
      %add3A_347 = arith.constant 3 : i32
      %add3A_348 = arith.addi %mul3A_346, %add3A_347 : i32
      %mul3A_349 = arith.constant 4 : i32
      %mul3A_350 = arith.muli %scan3A_174, %mul3A_349 : i32
      %add3A_351 = arith.constant 3 : i32
      %add3A_352 = arith.addi %mul3A_350, %add3A_351 : i32
      %sub3A_353 = arith.constant 1 : i32
      %sub3A_354 = arith.subi %add3A_352, %sub3A_353 : i32
      %ge3A_355 = arith.constant 1 : i32
      %ge3A_356 = arith.cmpi sge, %add3A_348, %ge3A_355 : i32
      %add3A_357 = arith.constant 4 : i32
      %add3A_358 = arith.addi %add3A_348, %add3A_357 : i32
      %sub3A_359 = arith.constant 1 : i32
      %sub3A_360 = arith.subi %add3A_358, %sub3A_359 : i32
      %lt3A_361 = arith.constant 128 : i32
      %lt3A_362 = arith.cmpi slt, %sub3A_360, %lt3A_361 : i32
      %and3A_363 = arith.andi %ge3A_356, %lt3A_362 : i1
      %convert_element_type3A_364 = arith.extui %and3A_363 : i1 to i32
      %cond3A_365 = arith.constant 0 : i32
      %cond3A_366 = arith.cmpi ne, %convert_element_type3A_364, %cond3A_365 : i32
      scf.if %cond3A_366 {
        %dma_wait3A_404 = arith.constant 0 : i32
        %dma_wait3A_405 = arith.constant 0 : i32
        %dma_wait3A_406 = arith.constant 0 : i32
        %dma_wait3A_407 = arith.constant 0 : i32
        %dma_wait3A_408 = tpu.memref_slice %arg6[%dma_wait3A_404, %dma_wait3A_406, %dma_wait3A_407] : memref<4x200x64xf32, #tpu.memory_space<vmem>> -> memref<1x200x64xf32, #tpu.memory_space<vmem>>
        %dma_wait3A_409 = tpu.memref_squeeze %dma_wait3A_408 : memref<1x200x64xf32, #tpu.memory_space<vmem>> -> memref<200x64xf32, #tpu.memory_space<vmem>>
        %dma_wait3A_410 = arith.constant 0 : i32
        %dma_wait3A_411 = arith.constant 0 : i32
        %dma_wait3A_412 = tpu.memref_slice %arg4[%dma_wait3A_405, %dma_wait3A_410, %dma_wait3A_411] : memref<4096x200x64xf32, #tpu.memory_space<hbm>> -> memref<1x200x64xf32, #tpu.memory_space<hbm>>
        %dma_wait3A_413 = tpu.memref_squeeze %dma_wait3A_412 : memref<1x200x64xf32, #tpu.memory_space<hbm>> -> memref<200x64xf32, #tpu.memory_space<hbm>>
        %dma_wait3A_414 = arith.constant 0 : i32
        %dma_wait3A_415 = arith.constant 0 : i32
        %dma_wait3A_416 = tpu.memref_slice %arg4[%dma_wait3A_405, %dma_wait3A_414, %dma_wait3A_415] : memref<4096x200x64xf32, #tpu.memory_space<hbm>> -> memref<1x200x64xf32, #tpu.memory_space<hbm>>
        %dma_wait3A_417 = tpu.memref_squeeze %dma_wait3A_416 : memref<1x200x64xf32, #tpu.memory_space<hbm>> -> memref<200x64xf32, #tpu.memory_space<hbm>>
        %dma_wait3A_418 = arith.constant 0 : i32
        %dma_wait3A_419 = arith.constant 0 : i32
        %dma_wait3A_420 = tpu.memref_slice %arg6[%dma_wait3A_404, %dma_wait3A_418, %dma_wait3A_419] : memref<4x200x64xf32, #tpu.memory_space<vmem>> -> memref<1x200x64xf32, #tpu.memory_space<vmem>>
        %dma_wait3A_421 = tpu.memref_squeeze %dma_wait3A_420 : memref<1x200x64xf32, #tpu.memory_space<vmem>> -> memref<200x64xf32, #tpu.memory_space<vmem>>
        tpu.wait_dma2 semaphore(%arg11 : memref<!tpu.dma_semaphore, #tpu.memory_space<semaphore_mem>>) src(%dma_wait3A_421 : memref<200x64xf32, #tpu.memory_space<vmem>>) dst(%dma_wait3A_417 : memref<200x64xf32, #tpu.memory_space<hbm>>)
        %add3A_422 = arith.constant 4 : i32
        %add3A_423 = arith.addi %sub3A_354, %add3A_422 : i32
        %dma_start3A_424 = arith.constant 2 : i32
        %dma_start3A_425 = arith.constant 0 : i32
        %dma_start3A_426 = arith.constant 0 : i32
        %dma_start3A_427 = tpu.memref_slice %arg6[%dma_start3A_424, %dma_start3A_425, %dma_start3A_426] : memref<4x200x64xf32, #tpu.memory_space<vmem>> -> memref<1x128x64xf32, #tpu.memory_space<vmem>>
        %dma_start3A_428 = tpu.memref_squeeze %dma_start3A_427 : memref<1x128x64xf32, #tpu.memory_space<vmem>> -> memref<128x64xf32, #tpu.memory_space<vmem>>
        %dma_start3A_429 = arith.constant 0 : i32
        %dma_start3A_430 = tpu.memref_slice %arg5[%add3A_423, %dma_start3A_429] : memref<128x200xi32, #tpu.memory_space<vmem>> -> memref<1x128xi32, #tpu.memory_space<vmem>>
        %dma_start3A_431 = tpu.memref_squeeze %dma_start3A_430 : memref<1x128xi32, #tpu.memory_space<vmem>> -> memref<128xi32, #tpu.memory_space<vmem>>
        %dma_start3A_432 = arith.constant 0 : i32
        %dma_start3A_433 = arith.constant 0 : i32
        %dma_start3A_434 = tpu.memref_slice %arg3[%dma_start3A_432, %dma_start3A_433] : memref<1000000x64xf32, #tpu.memory_space<hbm>> -> memref<1000000x64xf32, #tpu.memory_space<hbm>>
        tpu.enqueue_indirect_dma source(%dma_start3A_434 : memref<1000000x64xf32, #tpu.memory_space<hbm>>) target(%dma_start3A_428 : memref<128x64xf32, #tpu.memory_space<vmem>>) offsets(%dma_start3A_431 : memref<128xi32, #tpu.memory_space<vmem>>) semaphore(%arg9 : memref<!tpu.dma_semaphore, #tpu.memory_space<semaphore_mem>>)
        %dma_start3A_435 = arith.constant 2 : i32
        %dma_start3A_436 = arith.constant 128 : i32
        %dma_start3A_437 = arith.constant 0 : i32
        %dma_start3A_438 = tpu.memref_slice %arg6[%dma_start3A_435, %dma_start3A_436, %dma_start3A_437] : memref<4x200x64xf32, #tpu.memory_space<vmem>> -> memref<1x72x64xf32, #tpu.memory_space<vmem>>
        %dma_start3A_439 = tpu.memref_squeeze %dma_start3A_438 : memref<1x72x64xf32, #tpu.memory_space<vmem>> -> memref<72x64xf32, #tpu.memory_space<vmem>>
        %dma_start3A_440 = arith.constant 128 : i32
        %dma_start3A_441 = tpu.memref_slice %arg5[%add3A_423, %dma_start3A_440] : memref<128x200xi32, #tpu.memory_space<vmem>> -> memref<1x72xi32, #tpu.memory_space<vmem>>
        %dma_start3A_442 = tpu.memref_squeeze %dma_start3A_441 : memref<1x72xi32, #tpu.memory_space<vmem>> -> memref<72xi32, #tpu.memory_space<vmem>>
        %dma_start3A_443 = arith.constant 0 : i32
        %dma_start3A_444 = arith.constant 0 : i32
        %dma_start3A_445 = tpu.memref_slice %arg3[%dma_start3A_443, %dma_start3A_444] : memref<1000000x64xf32, #tpu.memory_space<hbm>> -> memref<1000000x64xf32, #tpu.memory_space<hbm>>
        tpu.enqueue_indirect_dma source(%dma_start3A_445 : memref<1000000x64xf32, #tpu.memory_space<hbm>>) target(%dma_start3A_439 : memref<72x64xf32, #tpu.memory_space<vmem>>) offsets(%dma_start3A_442 : memref<72xi32, #tpu.memory_space<vmem>>) semaphore(%arg9 : memref<!tpu.dma_semaphore, #tpu.memory_space<semaphore_mem>>)
      } else {
      }
      %dma_wait3A_367 = arith.constant 3 : i32
      %dma_wait3A_368 = arith.constant 0 : i32
      %dma_wait3A_369 = arith.constant 0 : i32
      %dma_wait3A_370 = tpu.memref_slice %arg6[%dma_wait3A_367, %dma_wait3A_368, %dma_wait3A_369] : memref<4x200x64xf32, #tpu.memory_space<vmem>> -> memref<1x200x64xf32, #tpu.memory_space<vmem>>
      %dma_wait3A_371 = tpu.memref_squeeze %dma_wait3A_370 : memref<1x200x64xf32, #tpu.memory_space<vmem>> -> memref<200x64xf32, #tpu.memory_space<vmem>>
      %dma_wait3A_372 = arith.constant 0 : i32
      %dma_wait3A_373 = arith.constant 0 : i32
      %dma_wait3A_374 = tpu.memref_slice %arg3[%dma_wait3A_372, %dma_wait3A_373] : memref<1000000x64xf32, #tpu.memory_space<hbm>> -> memref<200x64xf32, #tpu.memory_space<hbm>>
      %dma_wait3A_375 = arith.constant 0 : i32
      %dma_wait3A_376 = arith.constant 0 : i32
      %dma_wait3A_377 = tpu.memref_slice %arg6[%dma_wait3A_367, %dma_wait3A_375, %dma_wait3A_376] : memref<4x200x64xf32, #tpu.memory_space<vmem>> -> memref<1x200x64xf32, #tpu.memory_space<vmem>>
      %dma_wait3A_378 = tpu.memref_squeeze %dma_wait3A_377 : memref<1x200x64xf32, #tpu.memory_space<vmem>> -> memref<200x64xf32, #tpu.memory_space<vmem>>
      %dma_wait3A_379 = arith.constant 0 : i32
      %dma_wait3A_380 = arith.constant 0 : i32
      %dma_wait3A_381 = tpu.memref_slice %arg3[%dma_wait3A_379, %dma_wait3A_380] : memref<1000000x64xf32, #tpu.memory_space<hbm>> -> memref<200x64xf32, #tpu.memory_space<hbm>>
      tpu.wait_dma2 semaphore(%arg10 : memref<!tpu.dma_semaphore, #tpu.memory_space<semaphore_mem>>) src(%dma_wait3A_381 : memref<200x64xf32, #tpu.memory_space<hbm>>) dst(%dma_wait3A_378 : memref<200x64xf32, #tpu.memory_space<vmem>>)
      %parallel_loop3A_382 = arith.constant 0 : i32
      %parallel_loop3A_383 = arith.constant 200 : i32
      %parallel_loop3A_384 = arith.constant 8 : i32
      %parallel_loop3A_385 = arith.constant 3 : i32
      scf.for %parallel_loop3A_404 = %parallel_loop3A_382 to %parallel_loop3A_383 step %parallel_loop3A_384  : i32 {
        %parallel_loop3A_405 = arith.constant 0 : i32
        %parallel_loop3A_406 = arith.addi %parallel_loop3A_404, %parallel_loop3A_405 : i32
        %parallel_loop3A_407 = arith.constant 0 : i32
        %parallel_loop3A_408 = arith.constant 0 : i32
        %parallel_loop3A_409 = tpu.memref_slice %arg6[%parallel_loop3A_385, %parallel_loop3A_407, %parallel_loop3A_408] : memref<4x200x64xf32, #tpu.memory_space<vmem>> -> memref<1x200x64xf32, #tpu.memory_space<vmem>>
        %parallel_loop3A_410 = tpu.memref_squeeze %parallel_loop3A_409 : memref<1x200x64xf32, #tpu.memory_space<vmem>> -> memref<200x64xf32, #tpu.memory_space<vmem>>
        %parallel_loop3A_411 = arith.index_cast %parallel_loop3A_406 : i32 to index
        %parallel_loop3A_412 = arith.constant 0 : index
        %parallel_loop3A_413 = tpu.vector_load %parallel_loop3A_410[%parallel_loop3A_411, %parallel_loop3A_412] {strides = array<i32>} : memref<200x64xf32, #tpu.memory_space<vmem>>, vector<1x16xf32>,
        %parallel_loop3A_414 = vector.shape_cast %parallel_loop3A_413 : vector<1x16xf32> to vector<16xf32>
        %parallel_loop3A_415 = arith.constant 8.000000e+00 : f32
        %parallel_loop3A_416 = vector.broadcast %parallel_loop3A_415 : f32 to vector<16xf32>
        %parallel_loop3A_417 = arith.mulf %parallel_loop3A_414, %parallel_loop3A_416 : vector<16xf32>
        %parallel_loop3A_418 = arith.constant 0 : i32
        %parallel_loop3A_419 = arith.addi %parallel_loop3A_404, %parallel_loop3A_418 : i32
        %parallel_loop3A_420 = arith.constant 0 : i32
        %parallel_loop3A_421 = arith.constant 0 : i32
        %parallel_loop3A_422 = tpu.memref_slice %arg6[%parallel_loop3A_385, %parallel_loop3A_420, %parallel_loop3A_421] : memref<4x200x64xf32, #tpu.memory_space<vmem>> -> memref<1x200x64xf32, #tpu.memory_space<vmem>>
        %parallel_loop3A_423 = tpu.memref_squeeze %parallel_loop3A_422 : memref<1x200x64xf32, #tpu.memory_space<vmem>> -> memref<200x64xf32, #tpu.memory_space<vmem>>
        %parallel_loop3A_424 = arith.index_cast %parallel_loop3A_419 : i32 to index
        %parallel_loop3A_425 = arith.constant 0 : index
        %parallel_loop3A_426 = tpu.vector_load %parallel_loop3A_423[%parallel_loop3A_424, %parallel_loop3A_425] {strides = array<i32>} : memref<200x64xf32, #tpu.memory_space<vmem>>, vector<1x16xf32>,
        %parallel_loop3A_427 = vector.shape_cast %parallel_loop3A_426 : vector<1x16xf32> to vector<16xf32>
        %parallel_loop3A_428 = vector.shape_cast %parallel_loop3A_417 : vector<16xf32> to vector<1x16xf32>
        tpu.vector_store %parallel_loop3A_423[%parallel_loop3A_424, %parallel_loop3A_425], %parallel_loop3A_428 {strides = array<i32>} : memref<200x64xf32, #tpu.memory_space<vmem>>, vector<1x16xf32>,
        %parallel_loop3A_429 = arith.constant 0 : i32
        %parallel_loop3A_430 = arith.addi %parallel_loop3A_404, %parallel_loop3A_429 : i32
        %parallel_loop3A_431 = arith.constant 0 : i32
        %parallel_loop3A_432 = arith.constant 0 : i32
        %parallel_loop3A_433 = tpu.memref_slice %arg6[%parallel_loop3A_385, %parallel_loop3A_431, %parallel_loop3A_432] : memref<4x200x64xf32, #tpu.memory_space<vmem>> -> memref<1x200x64xf32, #tpu.memory_space<vmem>>
        %parallel_loop3A_434 = tpu.memref_squeeze %parallel_loop3A_433 : memref<1x200x64xf32, #tpu.memory_space<vmem>> -> memref<200x64xf32, #tpu.memory_space<vmem>>
        %parallel_loop3A_435 = arith.index_cast %parallel_loop3A_430 : i32 to index
        %parallel_loop3A_436 = arith.constant 16 : index
        %parallel_loop3A_437 = tpu.vector_load %parallel_loop3A_434[%parallel_loop3A_435, %parallel_loop3A_436] {strides = array<i32>} : memref<200x64xf32, #tpu.memory_space<vmem>>, vector<1x16xf32>,
        %parallel_loop3A_438 = vector.shape_cast %parallel_loop3A_437 : vector<1x16xf32> to vector<16xf32>
        %parallel_loop3A_439 = arith.constant 8.000000e+00 : f32
        %parallel_loop3A_440 = vector.broadcast %parallel_loop3A_439 : f32 to vector<16xf32>
        %parallel_loop3A_441 = arith.mulf %parallel_loop3A_438, %parallel_loop3A_440 : vector<16xf32>
        %parallel_loop3A_442 = arith.constant 0 : i32
        %parallel_loop3A_443 = arith.addi %parallel_loop3A_404, %parallel_loop3A_442 : i32
        %parallel_loop3A_444 = arith.constant 0 : i32
        %parallel_loop3A_445 = arith.constant 0 : i32
        %parallel_loop3A_446 = tpu.memref_slice %arg6[%parallel_loop3A_385, %parallel_loop3A_444, %parallel_loop3A_445] : memref<4x200x64xf32, #tpu.memory_space<vmem>> -> memref<1x200x64xf32, #tpu.memory_space<vmem>>
        %parallel_loop3A_447 = tpu.memref_squeeze %parallel_loop3A_446 : memref<1x200x64xf32, #tpu.memory_space<vmem>> -> memref<200x64xf32, #tpu.memory_space<vmem>>
        %parallel_loop3A_448 = arith.index_cast %parallel_loop3A_443 : i32 to index
        %parallel_loop3A_449 = arith.constant 16 : index
        %parallel_loop3A_450 = tpu.vector_load %parallel_loop3A_447[%parallel_loop3A_448, %parallel_loop3A_449] {strides = array<i32>} : memref<200x64xf32, #tpu.memory_space<vmem>>, vector<1x16xf32>,
        %parallel_loop3A_451 = vector.shape_cast %parallel_loop3A_450 : vector<1x16xf32> to vector<16xf32>
        %parallel_loop3A_452 = vector.shape_cast %parallel_loop3A_441 : vector<16xf32> to vector<1x16xf32>
        tpu.vector_store %parallel_loop3A_447[%parallel_loop3A_448, %parallel_loop3A_449], %parallel_loop3A_452 {strides = array<i32>} : memref<200x64xf32, #tpu.memory_space<vmem>>, vector<1x16xf32>,
        %parallel_loop3A_453 = arith.constant 0 : i32
        %parallel_loop3A_454 = arith.addi %parallel_loop3A_404, %parallel_loop3A_453 : i32
        %parallel_loop3A_455 = arith.constant 0 : i32
        %parallel_loop3A_456 = arith.constant 0 : i32
        %parallel_loop3A_457 = tpu.memref_slice %arg6[%parallel_loop3A_385, %parallel_loop3A_455, %parallel_loop3A_456] : memref<4x200x64xf32, #tpu.memory_space<vmem>> -> memref<1x200x64xf32, #tpu.memory_space<vmem>>
        %parallel_loop3A_458 = tpu.memref_squeeze %parallel_loop3A_457 : memref<1x200x64xf32, #tpu.memory_space<vmem>> -> memref<200x64xf32, #tpu.memory_space<vmem>>
        %parallel_loop3A_459 = arith.index_cast %parallel_loop3A_454 : i32 to index
        %parallel_loop3A_460 = arith.constant 32 : index
        %parallel_loop3A_461 = tpu.vector_load %parallel_loop3A_458[%parallel_loop3A_459, %parallel_loop3A_460] {strides = array<i32>} : memref<200x64xf32, #tpu.memory_space<vmem>>, vector<1x16xf32>,
        %parallel_loop3A_462 = vector.shape_cast %parallel_loop3A_461 : vector<1x16xf32> to vector<16xf32>
        %parallel_loop3A_463 = arith.constant 8.000000e+00 : f32
        %parallel_loop3A_464 = vector.broadcast %parallel_loop3A_463 : f32 to vector<16xf32>
        %parallel_loop3A_465 = arith.mulf %parallel_loop3A_462, %parallel_loop3A_464 : vector<16xf32>
        %parallel_loop3A_466 = arith.constant 0 : i32
        %parallel_loop3A_467 = arith.addi %parallel_loop3A_404, %parallel_loop3A_466 : i32
        %parallel_loop3A_468 = arith.constant 0 : i32
        %parallel_loop3A_469 = arith.constant 0 : i32
        %parallel_loop3A_470 = tpu.memref_slice %arg6[%parallel_loop3A_385, %parallel_loop3A_468, %parallel_loop3A_469] : memref<4x200x64xf32, #tpu.memory_space<vmem>> -> memref<1x200x64xf32, #tpu.memory_space<vmem>>
        %parallel_loop3A_471 = tpu.memref_squeeze %parallel_loop3A_470 : memref<1x200x64xf32, #tpu.memory_space<vmem>> -> memref<200x64xf32, #tpu.memory_space<vmem>>
        %parallel_loop3A_472 = arith.index_cast %parallel_loop3A_467 : i32 to index
        %parallel_loop3A_473 = arith.constant 32 : index
        %parallel_loop3A_474 = tpu.vector_load %parallel_loop3A_471[%parallel_loop3A_472, %parallel_loop3A_473] {strides = array<i32>} : memref<200x64xf32, #tpu.memory_space<vmem>>, vector<1x16xf32>,
        %parallel_loop3A_475 = vector.shape_cast %parallel_loop3A_474 : vector<1x16xf32> to vector<16xf32>
        %parallel_loop3A_476 = vector.shape_cast %parallel_loop3A_465 : vector<16xf32> to vector<1x16xf32>
        tpu.vector_store %parallel_loop3A_471[%parallel_loop3A_472, %parallel_loop3A_473], %parallel_loop3A_476 {strides = array<i32>} : memref<200x64xf32, #tpu.memory_space<vmem>>, vector<1x16xf32>,
        %parallel_loop3A_477 = arith.constant 0 : i32
        %parallel_loop3A_478 = arith.addi %parallel_loop3A_404, %parallel_loop3A_477 : i32
        %parallel_loop3A_479 = arith.constant 0 : i32
        %parallel_loop3A_480 = arith.constant 0 : i32
        %parallel_loop3A_481 = tpu.memref_slice %arg6[%parallel_loop3A_385, %parallel_loop3A_479, %parallel_loop3A_480] : memref<4x200x64xf32, #tpu.memory_space<vmem>> -> memref<1x200x64xf32, #tpu.memory_space<vmem>>
        %parallel_loop3A_482 = tpu.memref_squeeze %parallel_loop3A_481 : memref<1x200x64xf32, #tpu.memory_space<vmem>> -> memref<200x64xf32, #tpu.memory_space<vmem>>
        %parallel_loop3A_483 = arith.index_cast %parallel_loop3A_478 : i32 to index
        %parallel_loop3A_484 = arith.constant 48 : index
        %parallel_loop3A_485 = tpu.vector_load %parallel_loop3A_482[%parallel_loop3A_483, %parallel_loop3A_484] {strides = array<i32>} : memref<200x64xf32, #tpu.memory_space<vmem>>, vector<1x16xf32>,
        %parallel_loop3A_486 = vector.shape_cast %parallel_loop3A_485 : vector<1x16xf32> to vector<16xf32>
        %parallel_loop3A_487 = arith.constant 8.000000e+00 : f32
        %parallel_loop3A_488 = vector.broadcast %parallel_loop3A_487 : f32 to vector<16xf32>
        %parallel_loop3A_489 = arith.mulf %parallel_loop3A_486, %parallel_loop3A_488 : vector<16xf32>
        %parallel_loop3A_490 = arith.constant 0 : i32
        %parallel_loop3A_491 = arith.addi %parallel_loop3A_404, %parallel_loop3A_490 : i32
        %parallel_loop3A_492 = arith.constant 0 : i32
        %parallel_loop3A_493 = arith.constant 0 : i32
        %parallel_loop3A_494 = tpu.memref_slice %arg6[%parallel_loop3A_385, %parallel_loop3A_492, %parallel_loop3A_493] : memref<4x200x64xf32, #tpu.memory_space<vmem>> -> memref<1x200x64xf32, #tpu.memory_space<vmem>>
        %parallel_loop3A_495 = tpu.memref_squeeze %parallel_loop3A_494 : memref<1x200x64xf32, #tpu.memory_space<vmem>> -> memref<200x64xf32, #tpu.memory_space<vmem>>
        %parallel_loop3A_496 = arith.index_cast %parallel_loop3A_491 : i32 to index
        %parallel_loop3A_497 = arith.constant 48 : index
        %parallel_loop3A_498 = tpu.vector_load %parallel_loop3A_495[%parallel_loop3A_496, %parallel_loop3A_497] {strides = array<i32>} : memref<200x64xf32, #tpu.memory_space<vmem>>, vector<1x16xf32>,
        %parallel_loop3A_499 = vector.shape_cast %parallel_loop3A_498 : vector<1x16xf32> to vector<16xf32>
        %parallel_loop3A_500 = vector.shape_cast %parallel_loop3A_489 : vector<16xf32> to vector<1x16xf32>
        tpu.vector_store %parallel_loop3A_495[%parallel_loop3A_496, %parallel_loop3A_497], %parallel_loop3A_500 {strides = array<i32>} : memref<200x64xf32, #tpu.memory_space<vmem>>, vector<1x16xf32>,
        %parallel_loop3A_501 = arith.constant 1 : i32
        %parallel_loop3A_502 = arith.addi %parallel_loop3A_404, %parallel_loop3A_501 : i32
        %parallel_loop3A_503 = arith.constant 0 : i32
        %parallel_loop3A_504 = arith.constant 0 : i32
        %parallel_loop3A_505 = tpu.memref_slice %arg6[%parallel_loop3A_385, %parallel_loop3A_503, %parallel_loop3A_504] : memref<4x200x64xf32, #tpu.memory_space<vmem>> -> memref<1x200x64xf32, #tpu.memory_space<vmem>>
        %parallel_loop3A_506 = tpu.memref_squeeze %parallel_loop3A_505 : memref<1x200x64xf32, #tpu.memory_space<vmem>> -> memref<200x64xf32, #tpu.memory_space<vmem>>
        %parallel_loop3A_507 = arith.index_cast %parallel_loop3A_502 : i32 to index
        %parallel_loop3A_508 = arith.constant 0 : index
        %parallel_loop3A_509 = tpu.vector_load %parallel_loop3A_506[%parallel_loop3A_507, %parallel_loop3A_508] {strides = array<i32>} : memref<200x64xf32, #tpu.memory_space<vmem>>, vector<1x16xf32>,
        %parallel_loop3A_510 = vector.shape_cast %parallel_loop3A_509 : vector<1x16xf32> to vector<16xf32>
        %parallel_loop3A_511 = arith.constant 8.000000e+00 : f32
        %parallel_loop3A_512 = vector.broadcast %parallel_loop3A_511 : f32 to vector<16xf32>
        %parallel_loop3A_513 = arith.mulf %parallel_loop3A_510, %parallel_loop3A_512 : vector<16xf32>
        %parallel_loop3A_514 = arith.constant 1 : i32
        %parallel_loop3A_515 = arith.addi %parallel_loop3A_404, %parallel_loop3A_514 : i32
        %parallel_loop3A_516 = arith.constant 0 : i32
        %parallel_loop3A_517 = arith.constant 0 : i32
        %parallel_loop3A_518 = tpu.memref_slice %arg6[%parallel_loop3A_385, %parallel_loop3A_516, %parallel_loop3A_517] : memref<4x200x64xf32, #tpu.memory_space<vmem>> -> memref<1x200x64xf32, #tpu.memory_space<vmem>>
        %parallel_loop3A_519 = tpu.memref_squeeze %parallel_loop3A_518 : memref<1x200x64xf32, #tpu.memory_space<vmem>> -> memref<200x64xf32, #tpu.memory_space<vmem>>
        %parallel_loop3A_520 = arith.index_cast %parallel_loop3A_515 : i32 to index
        %parallel_loop3A_521 = arith.constant 0 : index
        %parallel_loop3A_522 = tpu.vector_load %parallel_loop3A_519[%parallel_loop3A_520, %parallel_loop3A_521] {strides = array<i32>} : memref<200x64xf32, #tpu.memory_space<vmem>>, vector<1x16xf32>,
        %parallel_loop3A_523 = vector.shape_cast %parallel_loop3A_522 : vector<1x16xf32> to vector<16xf32>
        %parallel_loop3A_524 = vector.shape_cast %parallel_loop3A_513 : vector<16xf32> to vector<1x16xf32>
        tpu.vector_store %parallel_loop3A_519[%parallel_loop3A_520, %parallel_loop3A_521], %parallel_loop3A_524 {strides = array<i32>} : memref<200x64xf32, #tpu.memory_space<vmem>>, vector<1x16xf32>,
        %parallel_loop3A_525 = arith.constant 1 : i32
        %parallel_loop3A_526 = arith.addi %parallel_loop3A_404, %parallel_loop3A_525 : i32
        %parallel_loop3A_527 = arith.constant 0 : i32
        %parallel_loop3A_528 = arith.constant 0 : i32
        %parallel_loop3A_529 = tpu.memref_slice %arg6[%parallel_loop3A_385, %parallel_loop3A_527, %parallel_loop3A_528] : memref<4x200x64xf32, #tpu.memory_space<vmem>> -> memref<1x200x64xf32, #tpu.memory_space<vmem>>
        %parallel_loop3A_530 = tpu.memref_squeeze %parallel_loop3A_529 : memref<1x200x64xf32, #tpu.memory_space<vmem>> -> memref<200x64xf32, #tpu.memory_space<vmem>>
        %parallel_loop3A_531 = arith.index_cast %parallel_loop3A_526 : i32 to index
        %parallel_loop3A_532 = arith.constant 16 : index
        %parallel_loop3A_533 = tpu.vector_load %parallel_loop3A_530[%parallel_loop3A_531, %parallel_loop3A_532] {strides = array<i32>} : memref<200x64xf32, #tpu.memory_space<vmem>>, vector<1x16xf32>,
        %parallel_loop3A_534 = vector.shape_cast %parallel_loop3A_533 : vector<1x16xf32> to vector<16xf32>
        %parallel_loop3A_535 = arith.constant 8.000000e+00 : f32
        %parallel_loop3A_536 = vector.broadcast %parallel_loop3A_535 : f32 to vector<16xf32>
        %parallel_loop3A_537 = arith.mulf %parallel_loop3A_534, %parallel_loop3A_536 : vector<16xf32>
        %parallel_loop3A_538 = arith.constant 1 : i32
        %parallel_loop3A_539 = arith.addi %parallel_loop3A_404, %parallel_loop3A_538 : i32
        %parallel_loop3A_540 = arith.constant 0 : i32
        %parallel_loop3A_541 = arith.constant 0 : i32
        %parallel_loop3A_542 = tpu.memref_slice %arg6[%parallel_loop3A_385, %parallel_loop3A_540, %parallel_loop3A_541] : memref<4x200x64xf32, #tpu.memory_space<vmem>> -> memref<1x200x64xf32, #tpu.memory_space<vmem>>
        %parallel_loop3A_543 = tpu.memref_squeeze %parallel_loop3A_542 : memref<1x200x64xf32, #tpu.memory_space<vmem>> -> memref<200x64xf32, #tpu.memory_space<vmem>>
        %parallel_loop3A_544 = arith.index_cast %parallel_loop3A_539 : i32 to index
        %parallel_loop3A_545 = arith.constant 16 : index
        %parallel_loop3A_546 = tpu.vector_load %parallel_loop3A_543[%parallel_loop3A_544, %parallel_loop3A_545] {strides = array<i32>} : memref<200x64xf32, #tpu.memory_space<vmem>>, vector<1x16xf32>,
        %parallel_loop3A_547 = vector.shape_cast %parallel_loop3A_546 : vector<1x16xf32> to vector<16xf32>
        %parallel_loop3A_548 = vector.shape_cast %parallel_loop3A_537 : vector<16xf32> to vector<1x16xf32>
        tpu.vector_store %parallel_loop3A_543[%parallel_loop3A_544, %parallel_loop3A_545], %parallel_loop3A_548 {strides = array<i32>} : memref<200x64xf32, #tpu.memory_space<vmem>>, vector<1x16xf32>,
        %parallel_loop3A_549 = arith.constant 1 : i32
        %parallel_loop3A_550 = arith.addi %parallel_loop3A_404, %parallel_loop3A_549 : i32
        %parallel_loop3A_551 = arith.constant 0 : i32
        %parallel_loop3A_552 = arith.constant 0 : i32
        %parallel_loop3A_553 = tpu.memref_slice %arg6[%parallel_loop3A_385, %parallel_loop3A_551, %parallel_loop3A_552] : memref<4x200x64xf32, #tpu.memory_space<vmem>> -> memref<1x200x64xf32, #tpu.memory_space<vmem>>
        %parallel_loop3A_554 = tpu.memref_squeeze %parallel_loop3A_553 : memref<1x200x64xf32, #tpu.memory_space<vmem>> -> memref<200x64xf32, #tpu.memory_space<vmem>>
        %parallel_loop3A_555 = arith.index_cast %parallel_loop3A_550 : i32 to index
        %parallel_loop3A_556 = arith.constant 32 : index
        %parallel_loop3A_557 = tpu.vector_load %parallel_loop3A_554[%parallel_loop3A_555, %parallel_loop3A_556] {strides = array<i32>} : memref<200x64xf32, #tpu.memory_space<vmem>>, vector<1x16xf32>,
        %parallel_loop3A_558 = vector.shape_cast %parallel_loop3A_557 : vector<1x16xf32> to vector<16xf32>
        %parallel_loop3A_559 = arith.constant 8.000000e+00 : f32
        %parallel_loop3A_560 = vector.broadcast %parallel_loop3A_559 : f32 to vector<16xf32>
        %parallel_loop3A_561 = arith.mulf %parallel_loop3A_558, %parallel_loop3A_560 : vector<16xf32>
        %parallel_loop3A_562 = arith.constant 1 : i32
        %parallel_loop3A_563 = arith.addi %parallel_loop3A_404, %parallel_loop3A_562 : i32
        %parallel_loop3A_564 = arith.constant 0 : i32
        %parallel_loop3A_565 = arith.constant 0 : i32
        %parallel_loop3A_566 = tpu.memref_slice %arg6[%parallel_loop3A_385, %parallel_loop3A_564, %parallel_loop3A_565] : memref<4x200x64xf32, #tpu.memory_space<vmem>> -> memref<1x200x64xf32, #tpu.memory_space<vmem>>
        %parallel_loop3A_567 = tpu.memref_squeeze %parallel_loop3A_566 : memref<1x200x64xf32, #tpu.memory_space<vmem>> -> memref<200x64xf32, #tpu.memory_space<vmem>>
        %parallel_loop3A_568 = arith.index_cast %parallel_loop3A_563 : i32 to index
        %parallel_loop3A_569 = arith.constant 32 : index
        %parallel_loop3A_570 = tpu.vector_load %parallel_loop3A_567[%parallel_loop3A_568, %parallel_loop3A_569] {strides = array<i32>} : memref<200x64xf32, #tpu.memory_space<vmem>>, vector<1x16xf32>,
        %parallel_loop3A_571 = vector.shape_cast %parallel_loop3A_570 : vector<1x16xf32> to vector<16xf32>
        %parallel_loop3A_572 = vector.shape_cast %parallel_loop3A_561 : vector<16xf32> to vector<1x16xf32>
        tpu.vector_store %parallel_loop3A_567[%parallel_loop3A_568, %parallel_loop3A_569], %parallel_loop3A_572 {strides = array<i32>} : memref<200x64xf32, #tpu.memory_space<vmem>>, vector<1x16xf32>,
        %parallel_loop3A_573 = arith.constant 1 : i32
        %parallel_loop3A_574 = arith.addi %parallel_loop3A_404, %parallel_loop3A_573 : i32
        %parallel_loop3A_575 = arith.constant 0 : i32
        %parallel_loop3A_576 = arith.constant 0 : i32
        %parallel_loop3A_577 = tpu.memref_slice %arg6[%parallel_loop3A_385, %parallel_loop3A_575, %parallel_loop3A_576] : memref<4x200x64xf32, #tpu.memory_space<vmem>> -> memref<1x200x64xf32, #tpu.memory_space<vmem>>
        %parallel_loop3A_578 = tpu.memref_squeeze %parallel_loop3A_577 : memref<1x200x64xf32, #tpu.memory_space<vmem>> -> memref<200x64xf32, #tpu.memory_space<vmem>>
        %parallel_loop3A_579 = arith.index_cast %parallel_loop3A_574 : i32 to index
        %parallel_loop3A_580 = arith.constant 48 : index
        %parallel_loop3A_581 = tpu.vector_load %parallel_loop3A_578[%parallel_loop3A_579, %parallel_loop3A_580] {strides = array<i32>} : memref<200x64xf32, #tpu.memory_space<vmem>>, vector<1x16xf32>,
        %parallel_loop3A_582 = vector.shape_cast %parallel_loop3A_581 : vector<1x16xf32> to vector<16xf32>
        %parallel_loop3A_583 = arith.constant 8.000000e+00 : f32
        %parallel_loop3A_584 = vector.broadcast %parallel_loop3A_583 : f32 to vector<16xf32>
        %parallel_loop3A_585 = arith.mulf %parallel_loop3A_582, %parallel_loop3A_584 : vector<16xf32>
        %parallel_loop3A_586 = arith.constant 1 : i32
        %parallel_loop3A_587 = arith.addi %parallel_loop3A_404, %parallel_loop3A_586 : i32
        %parallel_loop3A_588 = arith.constant 0 : i32
        %parallel_loop3A_589 = arith.constant 0 : i32
        %parallel_loop3A_590 = tpu.memref_slice %arg6[%parallel_loop3A_385, %parallel_loop3A_588, %parallel_loop3A_589] : memref<4x200x64xf32, #tpu.memory_space<vmem>> -> memref<1x200x64xf32, #tpu.memory_space<vmem>>
        %parallel_loop3A_591 = tpu.memref_squeeze %parallel_loop3A_590 : memref<1x200x64xf32, #tpu.memory_space<vmem>> -> memref<200x64xf32, #tpu.memory_space<vmem>>
        %parallel_loop3A_592 = arith.index_cast %parallel_loop3A_587 : i32 to index
        %parallel_loop3A_593 = arith.constant 48 : index
        %parallel_loop3A_594 = tpu.vector_load %parallel_loop3A_591[%parallel_loop3A_592, %parallel_loop3A_593] {strides = array<i32>} : memref<200x64xf32, #tpu.memory_space<vmem>>, vector<1x16xf32>,
        %parallel_loop3A_595 = vector.shape_cast %parallel_loop3A_594 : vector<1x16xf32> to vector<16xf32>
        %parallel_loop3A_596 = vector.shape_cast %parallel_loop3A_585 : vector<16xf32> to vector<1x16xf32>
        tpu.vector_store %parallel_loop3A_591[%parallel_loop3A_592, %parallel_loop3A_593], %parallel_loop3A_596 {strides = array<i32>} : memref<200x64xf32, #tpu.memory_space<vmem>>, vector<1x16xf32>,
        %parallel_loop3A_597 = arith.constant 2 : i32
        %parallel_loop3A_598 = arith.addi %parallel_loop3A_404, %parallel_loop3A_597 : i32
        %parallel_loop3A_599 = arith.constant 0 : i32
        %parallel_loop3A_600 = arith.constant 0 : i32
        %parallel_loop3A_601 = tpu.memref_slice %arg6[%parallel_loop3A_385, %parallel_loop3A_599, %parallel_loop3A_600] : memref<4x200x64xf32, #tpu.memory_space<vmem>> -> memref<1x200x64xf32, #tpu.memory_space<vmem>>
        %parallel_loop3A_602 = tpu.memref_squeeze %parallel_loop3A_601 : memref<1x200x64xf32, #tpu.memory_space<vmem>> -> memref<200x64xf32, #tpu.memory_space<vmem>>
        %parallel_loop3A_603 = arith.index_cast %parallel_loop3A_598 : i32 to index
        %parallel_loop3A_604 = arith.constant 0 : index
        %parallel_loop3A_605 = tpu.vector_load %parallel_loop3A_602[%parallel_loop3A_603, %parallel_loop3A_604] {strides = array<i32>} : memref<200x64xf32, #tpu.memory_space<vmem>>, vector<1x16xf32>,
        %parallel_loop3A_606 = vector.shape_cast %parallel_loop3A_605 : vector<1x16xf32> to vector<16xf32>
        %parallel_loop3A_607 = arith.constant 8.000000e+00 : f32
        %parallel_loop3A_608 = vector.broadcast %parallel_loop3A_607 : f32 to vector<16xf32>
        %parallel_loop3A_609 = arith.mulf %parallel_loop3A_606, %parallel_loop3A_608 : vector<16xf32>
        %parallel_loop3A_610 = arith.constant 2 : i32
        %parallel_loop3A_611 = arith.addi %parallel_loop3A_404, %parallel_loop3A_610 : i32
        %parallel_loop3A_612 = arith.constant 0 : i32
        %parallel_loop3A_613 = arith.constant 0 : i32
        %parallel_loop3A_614 = tpu.memref_slice %arg6[%parallel_loop3A_385, %parallel_loop3A_612, %parallel_loop3A_613] : memref<4x200x64xf32, #tpu.memory_space<vmem>> -> memref<1x200x64xf32, #tpu.memory_space<vmem>>
        %parallel_loop3A_615 = tpu.memref_squeeze %parallel_loop3A_614 : memref<1x200x64xf32, #tpu.memory_space<vmem>> -> memref<200x64xf32, #tpu.memory_space<vmem>>
        %parallel_loop3A_616 = arith.index_cast %parallel_loop3A_611 : i32 to index
        %parallel_loop3A_617 = arith.constant 0 : index
        %parallel_loop3A_618 = tpu.vector_load %parallel_loop3A_615[%parallel_loop3A_616, %parallel_loop3A_617] {strides = array<i32>} : memref<200x64xf32, #tpu.memory_space<vmem>>, vector<1x16xf32>,
        %parallel_loop3A_619 = vector.shape_cast %parallel_loop3A_618 : vector<1x16xf32> to vector<16xf32>
        %parallel_loop3A_620 = vector.shape_cast %parallel_loop3A_609 : vector<16xf32> to vector<1x16xf32>
        tpu.vector_store %parallel_loop3A_615[%parallel_loop3A_616, %parallel_loop3A_617], %parallel_loop3A_620 {strides = array<i32>} : memref<200x64xf32, #tpu.memory_space<vmem>>, vector<1x16xf32>,
        %parallel_loop3A_621 = arith.constant 2 : i32
        %parallel_loop3A_622 = arith.addi %parallel_loop3A_404, %parallel_loop3A_621 : i32
        %parallel_loop3A_623 = arith.constant 0 : i32
        %parallel_loop3A_624 = arith.constant 0 : i32
        %parallel_loop3A_625 = tpu.memref_slice %arg6[%parallel_loop3A_385, %parallel_loop3A_623, %parallel_loop3A_624] : memref<4x200x64xf32, #tpu.memory_space<vmem>> -> memref<1x200x64xf32, #tpu.memory_space<vmem>>
        %parallel_loop3A_626 = tpu.memref_squeeze %parallel_loop3A_625 : memref<1x200x64xf32, #tpu.memory_space<vmem>> -> memref<200x64xf32, #tpu.memory_space<vmem>>
        %parallel_loop3A_627 = arith.index_cast %parallel_loop3A_622 : i32 to index
        %parallel_loop3A_628 = arith.constant 16 : index
        %parallel_loop3A_629 = tpu.vector_load %parallel_loop3A_626[%parallel_loop3A_627, %parallel_loop3A_628] {strides = array<i32>} : memref<200x64xf32, #tpu.memory_space<vmem>>, vector<1x16xf32>,
        %parallel_loop3A_630 = vector.shape_cast %parallel_loop3A_629 : vector<1x16xf32> to vector<16xf32>
        %parallel_loop3A_631 = arith.constant 8.000000e+00 : f32
        %parallel_loop3A_632 = vector.broadcast %parallel_loop3A_631 : f32 to vector<16xf32>
        %parallel_loop3A_633 = arith.mulf %parallel_loop3A_630, %parallel_loop3A_632 : vector<16xf32>
        %parallel_loop3A_634 = arith.constant 2 : i32
        %parallel_loop3A_635 = arith.addi %parallel_loop3A_404, %parallel_loop3A_634 : i32
        %parallel_loop3A_636 = arith.constant 0 : i32
        %parallel_loop3A_637 = arith.constant 0 : i32
        %parallel_loop3A_638 = tpu.memref_slice %arg6[%parallel_loop3A_385, %parallel_loop3A_636, %parallel_loop3A_637] : memref<4x200x64xf32, #tpu.memory_space<vmem>> -> memref<1x200x64xf32, #tpu.memory_space<vmem>>
        %parallel_loop3A_639 = tpu.memref_squeeze %parallel_loop3A_638 : memref<1x200x64xf32, #tpu.memory_space<vmem>> -> memref<200x64xf32, #tpu.memory_space<vmem>>
        %parallel_loop3A_640 = arith.index_cast %parallel_loop3A_635 : i32 to index
        %parallel_loop3A_641 = arith.constant 16 : index
        %parallel_loop3A_642 = tpu.vector_load %parallel_loop3A_639[%parallel_loop3A_640, %parallel_loop3A_641] {strides = array<i32>} : memref<200x64xf32, #tpu.memory_space<vmem>>, vector<1x16xf32>,
        %parallel_loop3A_643 = vector.shape_cast %parallel_loop3A_642 : vector<1x16xf32> to vector<16xf32>
        %parallel_loop3A_644 = vector.shape_cast %parallel_loop3A_633 : vector<16xf32> to vector<1x16xf32>
        tpu.vector_store %parallel_loop3A_639[%parallel_loop3A_640, %parallel_loop3A_641], %parallel_loop3A_644 {strides = array<i32>} : memref<200x64xf32, #tpu.memory_space<vmem>>, vector<1x16xf32>,
        %parallel_loop3A_645 = arith.constant 2 : i32
        %parallel_loop3A_646 = arith.addi %parallel_loop3A_404, %parallel_loop3A_645 : i32
        %parallel_loop3A_647 = arith.constant 0 : i32
        %parallel_loop3A_648 = arith.constant 0 : i32
        %parallel_loop3A_649 = tpu.memref_slice %arg6[%parallel_loop3A_385, %parallel_loop3A_647, %parallel_loop3A_648] : memref<4x200x64xf32, #tpu.memory_space<vmem>> -> memref<1x200x64xf32, #tpu.memory_space<vmem>>
        %parallel_loop3A_650 = tpu.memref_squeeze %parallel_loop3A_649 : memref<1x200x64xf32, #tpu.memory_space<vmem>> -> memref<200x64xf32, #tpu.memory_space<vmem>>
        %parallel_loop3A_651 = arith.index_cast %parallel_loop3A_646 : i32 to index
        %parallel_loop3A_652 = arith.constant 32 : index
        %parallel_loop3A_653 = tpu.vector_load %parallel_loop3A_650[%parallel_loop3A_651, %parallel_loop3A_652] {strides = array<i32>} : memref<200x64xf32, #tpu.memory_space<vmem>>, vector<1x16xf32>,
        %parallel_loop3A_654 = vector.shape_cast %parallel_loop3A_653 : vector<1x16xf32> to vector<16xf32>
        %parallel_loop3A_655 = arith.constant 8.000000e+00 : f32
        %parallel_loop3A_656 = vector.broadcast %parallel_loop3A_655 : f32 to vector<16xf32>
        %parallel_loop3A_657 = arith.mulf %parallel_loop3A_654, %parallel_loop3A_656 : vector<16xf32>
        %parallel_loop3A_658 = arith.constant 2 : i32
        %parallel_loop3A_659 = arith.addi %parallel_loop3A_404, %parallel_loop3A_658 : i32
        %parallel_loop3A_660 = arith.constant 0 : i32
        %parallel_loop3A_661 = arith.constant 0 : i32
        %parallel_loop3A_662 = tpu.memref_slice %arg6[%parallel_loop3A_385, %parallel_loop3A_660, %parallel_loop3A_661] : memref<4x200x64xf32, #tpu.memory_space<vmem>> -> memref<1x200x64xf32, #tpu.memory_space<vmem>>
        %parallel_loop3A_663 = tpu.memref_squeeze %parallel_loop3A_662 : memref<1x200x64xf32, #tpu.memory_space<vmem>> -> memref<200x64xf32, #tpu.memory_space<vmem>>
        %parallel_loop3A_664 = arith.index_cast %parallel_loop3A_659 : i32 to index
        %parallel_loop3A_665 = arith.constant 32 : index
        %parallel_loop3A_666 = tpu.vector_load %parallel_loop3A_663[%parallel_loop3A_664, %parallel_loop3A_665] {strides = array<i32>} : memref<200x64xf32, #tpu.memory_space<vmem>>, vector<1x16xf32>,
        %parallel_loop3A_667 = vector.shape_cast %parallel_loop3A_666 : vector<1x16xf32> to vector<16xf32>
        %parallel_loop3A_668 = vector.shape_cast %parallel_loop3A_657 : vector<16xf32> to vector<1x16xf32>
        tpu.vector_store %parallel_loop3A_663[%parallel_loop3A_664, %parallel_loop3A_665], %parallel_loop3A_668 {strides = array<i32>} : memref<200x64xf32, #tpu.memory_space<vmem>>, vector<1x16xf32>,
        %parallel_loop3A_669 = arith.constant 2 : i32
        %parallel_loop3A_670 = arith.addi %parallel_loop3A_404, %parallel_loop3A_669 : i32
        %parallel_loop3A_671 = arith.constant 0 : i32
        %parallel_loop3A_672 = arith.constant 0 : i32
        %parallel_loop3A_673 = tpu.memref_slice %arg6[%parallel_loop3A_385, %parallel_loop3A_671, %parallel_loop3A_672] : memref<4x200x64xf32, #tpu.memory_space<vmem>> -> memref<1x200x64xf32, #tpu.memory_space<vmem>>
        %parallel_loop3A_674 = tpu.memref_squeeze %parallel_loop3A_673 : memref<1x200x64xf32, #tpu.memory_space<vmem>> -> memref<200x64xf32, #tpu.memory_space<vmem>>
        %parallel_loop3A_675 = arith.index_cast %parallel_loop3A_670 : i32 to index
        %parallel_loop3A_676 = arith.constant 48 : index
        %parallel_loop3A_677 = tpu.vector_load %parallel_loop3A_674[%parallel_loop3A_675, %parallel_loop3A_676] {strides = array<i32>} : memref<200x64xf32, #tpu.memory_space<vmem>>, vector<1x16xf32>,
        %parallel_loop3A_678 = vector.shape_cast %parallel_loop3A_677 : vector<1x16xf32> to vector<16xf32>
        %parallel_loop3A_679 = arith.constant 8.000000e+00 : f32
        %parallel_loop3A_680 = vector.broadcast %parallel_loop3A_679 : f32 to vector<16xf32>
        %parallel_loop3A_681 = arith.mulf %parallel_loop3A_678, %parallel_loop3A_680 : vector<16xf32>
        %parallel_loop3A_682 = arith.constant 2 : i32
        %parallel_loop3A_683 = arith.addi %parallel_loop3A_404, %parallel_loop3A_682 : i32
        %parallel_loop3A_684 = arith.constant 0 : i32
        %parallel_loop3A_685 = arith.constant 0 : i32
        %parallel_loop3A_686 = tpu.memref_slice %arg6[%parallel_loop3A_385, %parallel_loop3A_684, %parallel_loop3A_685] : memref<4x200x64xf32, #tpu.memory_space<vmem>> -> memref<1x200x64xf32, #tpu.memory_space<vmem>>
        %parallel_loop3A_687 = tpu.memref_squeeze %parallel_loop3A_686 : memref<1x200x64xf32, #tpu.memory_space<vmem>> -> memref<200x64xf32, #tpu.memory_space<vmem>>
        %parallel_loop3A_688 = arith.index_cast %parallel_loop3A_683 : i32 to index
        %parallel_loop3A_689 = arith.constant 48 : index
        %parallel_loop3A_690 = tpu.vector_load %parallel_loop3A_687[%parallel_loop3A_688, %parallel_loop3A_689] {strides = array<i32>} : memref<200x64xf32, #tpu.memory_space<vmem>>, vector<1x16xf32>,
        %parallel_loop3A_691 = vector.shape_cast %parallel_loop3A_690 : vector<1x16xf32> to vector<16xf32>
        %parallel_loop3A_692 = vector.shape_cast %parallel_loop3A_681 : vector<16xf32> to vector<1x16xf32>
        tpu.vector_store %parallel_loop3A_687[%parallel_loop3A_688, %parallel_loop3A_689], %parallel_loop3A_692 {strides = array<i32>} : memref<200x64xf32, #tpu.memory_space<vmem>>, vector<1x16xf32>,
        %parallel_loop3A_693 = arith.constant 3 : i32
        %parallel_loop3A_694 = arith.addi %parallel_loop3A_404, %parallel_loop3A_693 : i32
        %parallel_loop3A_695 = arith.constant 0 : i32
        %parallel_loop3A_696 = arith.constant 0 : i32
        %parallel_loop3A_697 = tpu.memref_slice %arg6[%parallel_loop3A_385, %parallel_loop3A_695, %parallel_loop3A_696] : memref<4x200x64xf32, #tpu.memory_space<vmem>> -> memref<1x200x64xf32, #tpu.memory_space<vmem>>
        %parallel_loop3A_698 = tpu.memref_squeeze %parallel_loop3A_697 : memref<1x200x64xf32, #tpu.memory_space<vmem>> -> memref<200x64xf32, #tpu.memory_space<vmem>>
        %parallel_loop3A_699 = arith.index_cast %parallel_loop3A_694 : i32 to index
        %parallel_loop3A_700 = arith.constant 0 : index
        %parallel_loop3A_701 = tpu.vector_load %parallel_loop3A_698[%parallel_loop3A_699, %parallel_loop3A_700] {strides = array<i32>} : memref<200x64xf32, #tpu.memory_space<vmem>>, vector<1x16xf32>,
        %parallel_loop3A_702 = vector.shape_cast %parallel_loop3A_701 : vector<1x16xf32> to vector<16xf32>
        %parallel_loop3A_703 = arith.constant 8.000000e+00 : f32
        %parallel_loop3A_704 = vector.broadcast %parallel_loop3A_703 : f32 to vector<16xf32>
        %parallel_loop3A_705 = arith.mulf %parallel_loop3A_702, %parallel_loop3A_704 : vector<16xf32>
        %parallel_loop3A_706 = arith.constant 3 : i32
        %parallel_loop3A_707 = arith.addi %parallel_loop3A_404, %parallel_loop3A_706 : i32
        %parallel_loop3A_708 = arith.constant 0 : i32
        %parallel_loop3A_709 = arith.constant 0 : i32
        %parallel_loop3A_710 = tpu.memref_slice %arg6[%parallel_loop3A_385, %parallel_loop3A_708, %parallel_loop3A_709] : memref<4x200x64xf32, #tpu.memory_space<vmem>> -> memref<1x200x64xf32, #tpu.memory_space<vmem>>
        %parallel_loop3A_711 = tpu.memref_squeeze %parallel_loop3A_710 : memref<1x200x64xf32, #tpu.memory_space<vmem>> -> memref<200x64xf32, #tpu.memory_space<vmem>>
        %parallel_loop3A_712 = arith.index_cast %parallel_loop3A_707 : i32 to index
        %parallel_loop3A_713 = arith.constant 0 : index
        %parallel_loop3A_714 = tpu.vector_load %parallel_loop3A_711[%parallel_loop3A_712, %parallel_loop3A_713] {strides = array<i32>} : memref<200x64xf32, #tpu.memory_space<vmem>>, vector<1x16xf32>,
        %parallel_loop3A_715 = vector.shape_cast %parallel_loop3A_714 : vector<1x16xf32> to vector<16xf32>
        %parallel_loop3A_716 = vector.shape_cast %parallel_loop3A_705 : vector<16xf32> to vector<1x16xf32>
        tpu.vector_store %parallel_loop3A_711[%parallel_loop3A_712, %parallel_loop3A_713], %parallel_loop3A_716 {strides = array<i32>} : memref<200x64xf32, #tpu.memory_space<vmem>>, vector<1x16xf32>,
        %parallel_loop3A_717 = arith.constant 3 : i32
        %parallel_loop3A_718 = arith.addi %parallel_loop3A_404, %parallel_loop3A_717 : i32
        %parallel_loop3A_719 = arith.constant 0 : i32
        %parallel_loop3A_720 = arith.constant 0 : i32
        %parallel_loop3A_721 = tpu.memref_slice %arg6[%parallel_loop3A_385, %parallel_loop3A_719, %parallel_loop3A_720] : memref<4x200x64xf32, #tpu.memory_space<vmem>> -> memref<1x200x64xf32, #tpu.memory_space<vmem>>
        %parallel_loop3A_722 = tpu.memref_squeeze %parallel_loop3A_721 : memref<1x200x64xf32, #tpu.memory_space<vmem>> -> memref<200x64xf32, #tpu.memory_space<vmem>>
        %parallel_loop3A_723 = arith.index_cast %parallel_loop3A_718 : i32 to index
        %parallel_loop3A_724 = arith.constant 16 : index
        %parallel_loop3A_725 = tpu.vector_load %parallel_loop3A_722[%parallel_loop3A_723, %parallel_loop3A_724] {strides = array<i32>} : memref<200x64xf32, #tpu.memory_space<vmem>>, vector<1x16xf32>,
        %parallel_loop3A_726 = vector.shape_cast %parallel_loop3A_725 : vector<1x16xf32> to vector<16xf32>
        %parallel_loop3A_727 = arith.constant 8.000000e+00 : f32
        %parallel_loop3A_728 = vector.broadcast %parallel_loop3A_727 : f32 to vector<16xf32>
        %parallel_loop3A_729 = arith.mulf %parallel_loop3A_726, %parallel_loop3A_728 : vector<16xf32>
        %parallel_loop3A_730 = arith.constant 3 : i32
        %parallel_loop3A_731 = arith.addi %parallel_loop3A_404, %parallel_loop3A_730 : i32
        %parallel_loop3A_732 = arith.constant 0 : i32
        %parallel_loop3A_733 = arith.constant 0 : i32
        %parallel_loop3A_734 = tpu.memref_slice %arg6[%parallel_loop3A_385, %parallel_loop3A_732, %parallel_loop3A_733] : memref<4x200x64xf32, #tpu.memory_space<vmem>> -> memref<1x200x64xf32, #tpu.memory_space<vmem>>
        %parallel_loop3A_735 = tpu.memref_squeeze %parallel_loop3A_734 : memref<1x200x64xf32, #tpu.memory_space<vmem>> -> memref<200x64xf32, #tpu.memory_space<vmem>>
        %parallel_loop3A_736 = arith.index_cast %parallel_loop3A_731 : i32 to index
        %parallel_loop3A_737 = arith.constant 16 : index
        %parallel_loop3A_738 = tpu.vector_load %parallel_loop3A_735[%parallel_loop3A_736, %parallel_loop3A_737] {strides = array<i32>} : memref<200x64xf32, #tpu.memory_space<vmem>>, vector<1x16xf32>,
        %parallel_loop3A_739 = vector.shape_cast %parallel_loop3A_738 : vector<1x16xf32> to vector<16xf32>
        %parallel_loop3A_740 = vector.shape_cast %parallel_loop3A_729 : vector<16xf32> to vector<1x16xf32>
        tpu.vector_store %parallel_loop3A_735[%parallel_loop3A_736, %parallel_loop3A_737], %parallel_loop3A_740 {strides = array<i32>} : memref<200x64xf32, #tpu.memory_space<vmem>>, vector<1x16xf32>,
        %parallel_loop3A_741 = arith.constant 3 : i32
        %parallel_loop3A_742 = arith.addi %parallel_loop3A_404, %parallel_loop3A_741 : i32
        %parallel_loop3A_743 = arith.constant 0 : i32
        %parallel_loop3A_744 = arith.constant 0 : i32
        %parallel_loop3A_745 = tpu.memref_slice %arg6[%parallel_loop3A_385, %parallel_loop3A_743, %parallel_loop3A_744] : memref<4x200x64xf32, #tpu.memory_space<vmem>> -> memref<1x200x64xf32, #tpu.memory_space<vmem>>
        %parallel_loop3A_746 = tpu.memref_squeeze %parallel_loop3A_745 : memref<1x200x64xf32, #tpu.memory_space<vmem>> -> memref<200x64xf32, #tpu.memory_space<vmem>>
        %parallel_loop3A_747 = arith.index_cast %parallel_loop3A_742 : i32 to index
        %parallel_loop3A_748 = arith.constant 32 : index
        %parallel_loop3A_749 = tpu.vector_load %parallel_loop3A_746[%parallel_loop3A_747, %parallel_loop3A_748] {strides = array<i32>} : memref<200x64xf32, #tpu.memory_space<vmem>>, vector<1x16xf32>,
        %parallel_loop3A_750 = vector.shape_cast %parallel_loop3A_749 : vector<1x16xf32> to vector<16xf32>
        %parallel_loop3A_751 = arith.constant 8.000000e+00 : f32
        %parallel_loop3A_752 = vector.broadcast %parallel_loop3A_751 : f32 to vector<16xf32>
        %parallel_loop3A_753 = arith.mulf %parallel_loop3A_750, %parallel_loop3A_752 : vector<16xf32>
        %parallel_loop3A_754 = arith.constant 3 : i32
        %parallel_loop3A_755 = arith.addi %parallel_loop3A_404, %parallel_loop3A_754 : i32
        %parallel_loop3A_756 = arith.constant 0 : i32
        %parallel_loop3A_757 = arith.constant 0 : i32
        %parallel_loop3A_758 = tpu.memref_slice %arg6[%parallel_loop3A_385, %parallel_loop3A_756, %parallel_loop3A_757] : memref<4x200x64xf32, #tpu.memory_space<vmem>> -> memref<1x200x64xf32, #tpu.memory_space<vmem>>
        %parallel_loop3A_759 = tpu.memref_squeeze %parallel_loop3A_758 : memref<1x200x64xf32, #tpu.memory_space<vmem>> -> memref<200x64xf32, #tpu.memory_space<vmem>>
        %parallel_loop3A_760 = arith.index_cast %parallel_loop3A_755 : i32 to index
        %parallel_loop3A_761 = arith.constant 32 : index
        %parallel_loop3A_762 = tpu.vector_load %parallel_loop3A_759[%parallel_loop3A_760, %parallel_loop3A_761] {strides = array<i32>} : memref<200x64xf32, #tpu.memory_space<vmem>>, vector<1x16xf32>,
        %parallel_loop3A_763 = vector.shape_cast %parallel_loop3A_762 : vector<1x16xf32> to vector<16xf32>
        %parallel_loop3A_764 = vector.shape_cast %parallel_loop3A_753 : vector<16xf32> to vector<1x16xf32>
        tpu.vector_store %parallel_loop3A_759[%parallel_loop3A_760, %parallel_loop3A_761], %parallel_loop3A_764 {strides = array<i32>} : memref<200x64xf32, #tpu.memory_space<vmem>>, vector<1x16xf32>,
        %parallel_loop3A_765 = arith.constant 3 : i32
        %parallel_loop3A_766 = arith.addi %parallel_loop3A_404, %parallel_loop3A_765 : i32
        %parallel_loop3A_767 = arith.constant 0 : i32
        %parallel_loop3A_768 = arith.constant 0 : i32
        %parallel_loop3A_769 = tpu.memref_slice %arg6[%parallel_loop3A_385, %parallel_loop3A_767, %parallel_loop3A_768] : memref<4x200x64xf32, #tpu.memory_space<vmem>> -> memref<1x200x64xf32, #tpu.memory_space<vmem>>
        %parallel_loop3A_770 = tpu.memref_squeeze %parallel_loop3A_769 : memref<1x200x64xf32, #tpu.memory_space<vmem>> -> memref<200x64xf32, #tpu.memory_space<vmem>>
        %parallel_loop3A_771 = arith.index_cast %parallel_loop3A_766 : i32 to index
        %parallel_loop3A_772 = arith.constant 48 : index
        %parallel_loop3A_773 = tpu.vector_load %parallel_loop3A_770[%parallel_loop3A_771, %parallel_loop3A_772] {strides = array<i32>} : memref<200x64xf32, #tpu.memory_space<vmem>>, vector<1x16xf32>,
        %parallel_loop3A_774 = vector.shape_cast %parallel_loop3A_773 : vector<1x16xf32> to vector<16xf32>
        %parallel_loop3A_775 = arith.constant 8.000000e+00 : f32
        %parallel_loop3A_776 = vector.broadcast %parallel_loop3A_775 : f32 to vector<16xf32>
        %parallel_loop3A_777 = arith.mulf %parallel_loop3A_774, %parallel_loop3A_776 : vector<16xf32>
        %parallel_loop3A_778 = arith.constant 3 : i32
        %parallel_loop3A_779 = arith.addi %parallel_loop3A_404, %parallel_loop3A_778 : i32
        %parallel_loop3A_780 = arith.constant 0 : i32
        %parallel_loop3A_781 = arith.constant 0 : i32
        %parallel_loop3A_782 = tpu.memref_slice %arg6[%parallel_loop3A_385, %parallel_loop3A_780, %parallel_loop3A_781] : memref<4x200x64xf32, #tpu.memory_space<vmem>> -> memref<1x200x64xf32, #tpu.memory_space<vmem>>
        %parallel_loop3A_783 = tpu.memref_squeeze %parallel_loop3A_782 : memref<1x200x64xf32, #tpu.memory_space<vmem>> -> memref<200x64xf32, #tpu.memory_space<vmem>>
        %parallel_loop3A_784 = arith.index_cast %parallel_loop3A_779 : i32 to index
        %parallel_loop3A_785 = arith.constant 48 : index
        %parallel_loop3A_786 = tpu.vector_load %parallel_loop3A_783[%parallel_loop3A_784, %parallel_loop3A_785] {strides = array<i32>} : memref<200x64xf32, #tpu.memory_space<vmem>>, vector<1x16xf32>,
        %parallel_loop3A_787 = vector.shape_cast %parallel_loop3A_786 : vector<1x16xf32> to vector<16xf32>
        %parallel_loop3A_788 = vector.shape_cast %parallel_loop3A_777 : vector<16xf32> to vector<1x16xf32>
        tpu.vector_store %parallel_loop3A_783[%parallel_loop3A_784, %parallel_loop3A_785], %parallel_loop3A_788 {strides = array<i32>} : memref<200x64xf32, #tpu.memory_space<vmem>>, vector<1x16xf32>,
        %parallel_loop3A_789 = arith.constant 4 : i32
        %parallel_loop3A_790 = arith.addi %parallel_loop3A_404, %parallel_loop3A_789 : i32
        %parallel_loop3A_791 = arith.constant 0 : i32
        %parallel_loop3A_792 = arith.constant 0 : i32
        %parallel_loop3A_793 = tpu.memref_slice %arg6[%parallel_loop3A_385, %parallel_loop3A_791, %parallel_loop3A_792] : memref<4x200x64xf32, #tpu.memory_space<vmem>> -> memref<1x200x64xf32, #tpu.memory_space<vmem>>
        %parallel_loop3A_794 = tpu.memref_squeeze %parallel_loop3A_793 : memref<1x200x64xf32, #tpu.memory_space<vmem>> -> memref<200x64xf32, #tpu.memory_space<vmem>>
        %parallel_loop3A_795 = arith.index_cast %parallel_loop3A_790 : i32 to index
        %parallel_loop3A_796 = arith.constant 0 : index
        %parallel_loop3A_797 = tpu.vector_load %parallel_loop3A_794[%parallel_loop3A_795, %parallel_loop3A_796] {strides = array<i32>} : memref<200x64xf32, #tpu.memory_space<vmem>>, vector<1x16xf32>,
        %parallel_loop3A_798 = vector.shape_cast %parallel_loop3A_797 : vector<1x16xf32> to vector<16xf32>
        %parallel_loop3A_799 = arith.constant 8.000000e+00 : f32
        %parallel_loop3A_800 = vector.broadcast %parallel_loop3A_799 : f32 to vector<16xf32>
        %parallel_loop3A_801 = arith.mulf %parallel_loop3A_798, %parallel_loop3A_800 : vector<16xf32>
        %parallel_loop3A_802 = arith.constant 4 : i32
        %parallel_loop3A_803 = arith.addi %parallel_loop3A_404, %parallel_loop3A_802 : i32
        %parallel_loop3A_804 = arith.constant 0 : i32
        %parallel_loop3A_805 = arith.constant 0 : i32
        %parallel_loop3A_806 = tpu.memref_slice %arg6[%parallel_loop3A_385, %parallel_loop3A_804, %parallel_loop3A_805] : memref<4x200x64xf32, #tpu.memory_space<vmem>> -> memref<1x200x64xf32, #tpu.memory_space<vmem>>
        %parallel_loop3A_807 = tpu.memref_squeeze %parallel_loop3A_806 : memref<1x200x64xf32, #tpu.memory_space<vmem>> -> memref<200x64xf32, #tpu.memory_space<vmem>>
        %parallel_loop3A_808 = arith.index_cast %parallel_loop3A_803 : i32 to index
        %parallel_loop3A_809 = arith.constant 0 : index
        %parallel_loop3A_810 = tpu.vector_load %parallel_loop3A_807[%parallel_loop3A_808, %parallel_loop3A_809] {strides = array<i32>} : memref<200x64xf32, #tpu.memory_space<vmem>>, vector<1x16xf32>,
        %parallel_loop3A_811 = vector.shape_cast %parallel_loop3A_810 : vector<1x16xf32> to vector<16xf32>
        %parallel_loop3A_812 = vector.shape_cast %parallel_loop3A_801 : vector<16xf32> to vector<1x16xf32>
        tpu.vector_store %parallel_loop3A_807[%parallel_loop3A_808, %parallel_loop3A_809], %parallel_loop3A_812 {strides = array<i32>} : memref<200x64xf32, #tpu.memory_space<vmem>>, vector<1x16xf32>,
        %parallel_loop3A_813 = arith.constant 4 : i32
        %parallel_loop3A_814 = arith.addi %parallel_loop3A_404, %parallel_loop3A_813 : i32
        %parallel_loop3A_815 = arith.constant 0 : i32
        %parallel_loop3A_816 = arith.constant 0 : i32
        %parallel_loop3A_817 = tpu.memref_slice %arg6[%parallel_loop3A_385, %parallel_loop3A_815, %parallel_loop3A_816] : memref<4x200x64xf32, #tpu.memory_space<vmem>> -> memref<1x200x64xf32, #tpu.memory_space<vmem>>
        %parallel_loop3A_818 = tpu.memref_squeeze %parallel_loop3A_817 : memref<1x200x64xf32, #tpu.memory_space<vmem>> -> memref<200x64xf32, #tpu.memory_space<vmem>>
        %parallel_loop3A_819 = arith.index_cast %parallel_loop3A_814 : i32 to index
        %parallel_loop3A_820 = arith.constant 16 : index
        %parallel_loop3A_821 = tpu.vector_load %parallel_loop3A_818[%parallel_loop3A_819, %parallel_loop3A_820] {strides = array<i32>} : memref<200x64xf32, #tpu.memory_space<vmem>>, vector<1x16xf32>,
        %parallel_loop3A_822 = vector.shape_cast %parallel_loop3A_821 : vector<1x16xf32> to vector<16xf32>
        %parallel_loop3A_823 = arith.constant 8.000000e+00 : f32
        %parallel_loop3A_824 = vector.broadcast %parallel_loop3A_823 : f32 to vector<16xf32>
        %parallel_loop3A_825 = arith.mulf %parallel_loop3A_822, %parallel_loop3A_824 : vector<16xf32>
        %parallel_loop3A_826 = arith.constant 4 : i32
        %parallel_loop3A_827 = arith.addi %parallel_loop3A_404, %parallel_loop3A_826 : i32
        %parallel_loop3A_828 = arith.constant 0 : i32
        %parallel_loop3A_829 = arith.constant 0 : i32
        %parallel_loop3A_830 = tpu.memref_slice %arg6[%parallel_loop3A_385, %parallel_loop3A_828, %parallel_loop3A_829] : memref<4x200x64xf32, #tpu.memory_space<vmem>> -> memref<1x200x64xf32, #tpu.memory_space<vmem>>
        %parallel_loop3A_831 = tpu.memref_squeeze %parallel_loop3A_830 : memref<1x200x64xf32, #tpu.memory_space<vmem>> -> memref<200x64xf32, #tpu.memory_space<vmem>>
        %parallel_loop3A_832 = arith.index_cast %parallel_loop3A_827 : i32 to index
        %parallel_loop3A_833 = arith.constant 16 : index
        %parallel_loop3A_834 = tpu.vector_load %parallel_loop3A_831[%parallel_loop3A_832, %parallel_loop3A_833] {strides = array<i32>} : memref<200x64xf32, #tpu.memory_space<vmem>>, vector<1x16xf32>,
        %parallel_loop3A_835 = vector.shape_cast %parallel_loop3A_834 : vector<1x16xf32> to vector<16xf32>
        %parallel_loop3A_836 = vector.shape_cast %parallel_loop3A_825 : vector<16xf32> to vector<1x16xf32>
        tpu.vector_store %parallel_loop3A_831[%parallel_loop3A_832, %parallel_loop3A_833], %parallel_loop3A_836 {strides = array<i32>} : memref<200x64xf32, #tpu.memory_space<vmem>>, vector<1x16xf32>,
        %parallel_loop3A_837 = arith.constant 4 : i32
        %parallel_loop3A_838 = arith.addi %parallel_loop3A_404, %parallel_loop3A_837 : i32
        %parallel_loop3A_839 = arith.constant 0 : i32
        %parallel_loop3A_840 = arith.constant 0 : i32
        %parallel_loop3A_841 = tpu.memref_slice %arg6[%parallel_loop3A_385, %parallel_loop3A_839, %parallel_loop3A_840] : memref<4x200x64xf32, #tpu.memory_space<vmem>> -> memref<1x200x64xf32, #tpu.memory_space<vmem>>
        %parallel_loop3A_842 = tpu.memref_squeeze %parallel_loop3A_841 : memref<1x200x64xf32, #tpu.memory_space<vmem>> -> memref<200x64xf32, #tpu.memory_space<vmem>>
        %parallel_loop3A_843 = arith.index_cast %parallel_loop3A_838 : i32 to index
        %parallel_loop3A_844 = arith.constant 32 : index
        %parallel_loop3A_845 = tpu.vector_load %parallel_loop3A_842[%parallel_loop3A_843, %parallel_loop3A_844] {strides = array<i32>} : memref<200x64xf32, #tpu.memory_space<vmem>>, vector<1x16xf32>,
        %parallel_loop3A_846 = vector.shape_cast %parallel_loop3A_845 : vector<1x16xf32> to vector<16xf32>
        %parallel_loop3A_847 = arith.constant 8.000000e+00 : f32
        %parallel_loop3A_848 = vector.broadcast %parallel_loop3A_847 : f32 to vector<16xf32>
        %parallel_loop3A_849 = arith.mulf %parallel_loop3A_846, %parallel_loop3A_848 : vector<16xf32>
        %parallel_loop3A_850 = arith.constant 4 : i32
        %parallel_loop3A_851 = arith.addi %parallel_loop3A_404, %parallel_loop3A_850 : i32
        %parallel_loop3A_852 = arith.constant 0 : i32
        %parallel_loop3A_853 = arith.constant 0 : i32
        %parallel_loop3A_854 = tpu.memref_slice %arg6[%parallel_loop3A_385, %parallel_loop3A_852, %parallel_loop3A_853] : memref<4x200x64xf32, #tpu.memory_space<vmem>> -> memref<1x200x64xf32, #tpu.memory_space<vmem>>
        %parallel_loop3A_855 = tpu.memref_squeeze %parallel_loop3A_854 : memref<1x200x64xf32, #tpu.memory_space<vmem>> -> memref<200x64xf32, #tpu.memory_space<vmem>>
        %parallel_loop3A_856 = arith.index_cast %parallel_loop3A_851 : i32 to index
        %parallel_loop3A_857 = arith.constant 32 : index
        %parallel_loop3A_858 = tpu.vector_load %parallel_loop3A_855[%parallel_loop3A_856, %parallel_loop3A_857] {strides = array<i32>} : memref<200x64xf32, #tpu.memory_space<vmem>>, vector<1x16xf32>,
        %parallel_loop3A_859 = vector.shape_cast %parallel_loop3A_858 : vector<1x16xf32> to vector<16xf32>
        %parallel_loop3A_860 = vector.shape_cast %parallel_loop3A_849 : vector<16xf32> to vector<1x16xf32>
        tpu.vector_store %parallel_loop3A_855[%parallel_loop3A_856, %parallel_loop3A_857], %parallel_loop3A_860 {strides = array<i32>} : memref<200x64xf32, #tpu.memory_space<vmem>>, vector<1x16xf32>,
        %parallel_loop3A_861 = arith.constant 4 : i32
        %parallel_loop3A_862 = arith.addi %parallel_loop3A_404, %parallel_loop3A_861 : i32
        %parallel_loop3A_863 = arith.constant 0 : i32
        %parallel_loop3A_864 = arith.constant 0 : i32
        %parallel_loop3A_865 = tpu.memref_slice %arg6[%parallel_loop3A_385, %parallel_loop3A_863, %parallel_loop3A_864] : memref<4x200x64xf32, #tpu.memory_space<vmem>> -> memref<1x200x64xf32, #tpu.memory_space<vmem>>
        %parallel_loop3A_866 = tpu.memref_squeeze %parallel_loop3A_865 : memref<1x200x64xf32, #tpu.memory_space<vmem>> -> memref<200x64xf32, #tpu.memory_space<vmem>>
        %parallel_loop3A_867 = arith.index_cast %parallel_loop3A_862 : i32 to index
        %parallel_loop3A_868 = arith.constant 48 : index
        %parallel_loop3A_869 = tpu.vector_load %parallel_loop3A_866[%parallel_loop3A_867, %parallel_loop3A_868] {strides = array<i32>} : memref<200x64xf32, #tpu.memory_space<vmem>>, vector<1x16xf32>,
        %parallel_loop3A_870 = vector.shape_cast %parallel_loop3A_869 : vector<1x16xf32> to vector<16xf32>
        %parallel_loop3A_871 = arith.constant 8.000000e+00 : f32
        %parallel_loop3A_872 = vector.broadcast %parallel_loop3A_871 : f32 to vector<16xf32>
        %parallel_loop3A_873 = arith.mulf %parallel_loop3A_870, %parallel_loop3A_872 : vector<16xf32>
        %parallel_loop3A_874 = arith.constant 4 : i32
        %parallel_loop3A_875 = arith.addi %parallel_loop3A_404, %parallel_loop3A_874 : i32
        %parallel_loop3A_876 = arith.constant 0 : i32
        %parallel_loop3A_877 = arith.constant 0 : i32
        %parallel_loop3A_878 = tpu.memref_slice %arg6[%parallel_loop3A_385, %parallel_loop3A_876, %parallel_loop3A_877] : memref<4x200x64xf32, #tpu.memory_space<vmem>> -> memref<1x200x64xf32, #tpu.memory_space<vmem>>
        %parallel_loop3A_879 = tpu.memref_squeeze %parallel_loop3A_878 : memref<1x200x64xf32, #tpu.memory_space<vmem>> -> memref<200x64xf32, #tpu.memory_space<vmem>>
        %parallel_loop3A_880 = arith.index_cast %parallel_loop3A_875 : i32 to index
        %parallel_loop3A_881 = arith.constant 48 : index
        %parallel_loop3A_882 = tpu.vector_load %parallel_loop3A_879[%parallel_loop3A_880, %parallel_loop3A_881] {strides = array<i32>} : memref<200x64xf32, #tpu.memory_space<vmem>>, vector<1x16xf32>,
        %parallel_loop3A_883 = vector.shape_cast %parallel_loop3A_882 : vector<1x16xf32> to vector<16xf32>
        %parallel_loop3A_884 = vector.shape_cast %parallel_loop3A_873 : vector<16xf32> to vector<1x16xf32>
        tpu.vector_store %parallel_loop3A_879[%parallel_loop3A_880, %parallel_loop3A_881], %parallel_loop3A_884 {strides = array<i32>} : memref<200x64xf32, #tpu.memory_space<vmem>>, vector<1x16xf32>,
        %parallel_loop3A_885 = arith.constant 5 : i32
        %parallel_loop3A_886 = arith.addi %parallel_loop3A_404, %parallel_loop3A_885 : i32
        %parallel_loop3A_887 = arith.constant 0 : i32
        %parallel_loop3A_888 = arith.constant 0 : i32
        %parallel_loop3A_889 = tpu.memref_slice %arg6[%parallel_loop3A_385, %parallel_loop3A_887, %parallel_loop3A_888] : memref<4x200x64xf32, #tpu.memory_space<vmem>> -> memref<1x200x64xf32, #tpu.memory_space<vmem>>
        %parallel_loop3A_890 = tpu.memref_squeeze %parallel_loop3A_889 : memref<1x200x64xf32, #tpu.memory_space<vmem>> -> memref<200x64xf32, #tpu.memory_space<vmem>>
        %parallel_loop3A_891 = arith.index_cast %parallel_loop3A_886 : i32 to index
        %parallel_loop3A_892 = arith.constant 0 : index
        %parallel_loop3A_893 = tpu.vector_load %parallel_loop3A_890[%parallel_loop3A_891, %parallel_loop3A_892] {strides = array<i32>} : memref<200x64xf32, #tpu.memory_space<vmem>>, vector<1x16xf32>,
        %parallel_loop3A_894 = vector.shape_cast %parallel_loop3A_893 : vector<1x16xf32> to vector<16xf32>
        %parallel_loop3A_895 = arith.constant 8.000000e+00 : f32
        %parallel_loop3A_896 = vector.broadcast %parallel_loop3A_895 : f32 to vector<16xf32>
        %parallel_loop3A_897 = arith.mulf %parallel_loop3A_894, %parallel_loop3A_896 : vector<16xf32>
        %parallel_loop3A_898 = arith.constant 5 : i32
        %parallel_loop3A_899 = arith.addi %parallel_loop3A_404, %parallel_loop3A_898 : i32
        %parallel_loop3A_900 = arith.constant 0 : i32
        %parallel_loop3A_901 = arith.constant 0 : i32
        %parallel_loop3A_902 = tpu.memref_slice %arg6[%parallel_loop3A_385, %parallel_loop3A_900, %parallel_loop3A_901] : memref<4x200x64xf32, #tpu.memory_space<vmem>> -> memref<1x200x64xf32, #tpu.memory_space<vmem>>
        %parallel_loop3A_903 = tpu.memref_squeeze %parallel_loop3A_902 : memref<1x200x64xf32, #tpu.memory_space<vmem>> -> memref<200x64xf32, #tpu.memory_space<vmem>>
        %parallel_loop3A_904 = arith.index_cast %parallel_loop3A_899 : i32 to index
        %parallel_loop3A_905 = arith.constant 0 : index
        %parallel_loop3A_906 = tpu.vector_load %parallel_loop3A_903[%parallel_loop3A_904, %parallel_loop3A_905] {strides = array<i32>} : memref<200x64xf32, #tpu.memory_space<vmem>>, vector<1x16xf32>,
        %parallel_loop3A_907 = vector.shape_cast %parallel_loop3A_906 : vector<1x16xf32> to vector<16xf32>
        %parallel_loop3A_908 = vector.shape_cast %parallel_loop3A_897 : vector<16xf32> to vector<1x16xf32>
        tpu.vector_store %parallel_loop3A_903[%parallel_loop3A_904, %parallel_loop3A_905], %parallel_loop3A_908 {strides = array<i32>} : memref<200x64xf32, #tpu.memory_space<vmem>>, vector<1x16xf32>,
        %parallel_loop3A_909 = arith.constant 5 : i32
        %parallel_loop3A_910 = arith.addi %parallel_loop3A_404, %parallel_loop3A_909 : i32
        %parallel_loop3A_911 = arith.constant 0 : i32
        %parallel_loop3A_912 = arith.constant 0 : i32
        %parallel_loop3A_913 = tpu.memref_slice %arg6[%parallel_loop3A_385, %parallel_loop3A_911, %parallel_loop3A_912] : memref<4x200x64xf32, #tpu.memory_space<vmem>> -> memref<1x200x64xf32, #tpu.memory_space<vmem>>
        %parallel_loop3A_914 = tpu.memref_squeeze %parallel_loop3A_913 : memref<1x200x64xf32, #tpu.memory_space<vmem>> -> memref<200x64xf32, #tpu.memory_space<vmem>>
        %parallel_loop3A_915 = arith.index_cast %parallel_loop3A_910 : i32 to index
        %parallel_loop3A_916 = arith.constant 16 : index
        %parallel_loop3A_917 = tpu.vector_load %parallel_loop3A_914[%parallel_loop3A_915, %parallel_loop3A_916] {strides = array<i32>} : memref<200x64xf32, #tpu.memory_space<vmem>>, vector<1x16xf32>,
        %parallel_loop3A_918 = vector.shape_cast %parallel_loop3A_917 : vector<1x16xf32> to vector<16xf32>
        %parallel_loop3A_919 = arith.constant 8.000000e+00 : f32
        %parallel_loop3A_920 = vector.broadcast %parallel_loop3A_919 : f32 to vector<16xf32>
        %parallel_loop3A_921 = arith.mulf %parallel_loop3A_918, %parallel_loop3A_920 : vector<16xf32>
        %parallel_loop3A_922 = arith.constant 5 : i32
        %parallel_loop3A_923 = arith.addi %parallel_loop3A_404, %parallel_loop3A_922 : i32
        %parallel_loop3A_924 = arith.constant 0 : i32
        %parallel_loop3A_925 = arith.constant 0 : i32
        %parallel_loop3A_926 = tpu.memref_slice %arg6[%parallel_loop3A_385, %parallel_loop3A_924, %parallel_loop3A_925] : memref<4x200x64xf32, #tpu.memory_space<vmem>> -> memref<1x200x64xf32, #tpu.memory_space<vmem>>
        %parallel_loop3A_927 = tpu.memref_squeeze %parallel_loop3A_926 : memref<1x200x64xf32, #tpu.memory_space<vmem>> -> memref<200x64xf32, #tpu.memory_space<vmem>>
        %parallel_loop3A_928 = arith.index_cast %parallel_loop3A_923 : i32 to index
        %parallel_loop3A_929 = arith.constant 16 : index
        %parallel_loop3A_930 = tpu.vector_load %parallel_loop3A_927[%parallel_loop3A_928, %parallel_loop3A_929] {strides = array<i32>} : memref<200x64xf32, #tpu.memory_space<vmem>>, vector<1x16xf32>,
        %parallel_loop3A_931 = vector.shape_cast %parallel_loop3A_930 : vector<1x16xf32> to vector<16xf32>
        %parallel_loop3A_932 = vector.shape_cast %parallel_loop3A_921 : vector<16xf32> to vector<1x16xf32>
        tpu.vector_store %parallel_loop3A_927[%parallel_loop3A_928, %parallel_loop3A_929], %parallel_loop3A_932 {strides = array<i32>} : memref<200x64xf32, #tpu.memory_space<vmem>>, vector<1x16xf32>,
        %parallel_loop3A_933 = arith.constant 5 : i32
        %parallel_loop3A_934 = arith.addi %parallel_loop3A_404, %parallel_loop3A_933 : i32
        %parallel_loop3A_935 = arith.constant 0 : i32
        %parallel_loop3A_936 = arith.constant 0 : i32
        %parallel_loop3A_937 = tpu.memref_slice %arg6[%parallel_loop3A_385, %parallel_loop3A_935, %parallel_loop3A_936] : memref<4x200x64xf32, #tpu.memory_space<vmem>> -> memref<1x200x64xf32, #tpu.memory_space<vmem>>
        %parallel_loop3A_938 = tpu.memref_squeeze %parallel_loop3A_937 : memref<1x200x64xf32, #tpu.memory_space<vmem>> -> memref<200x64xf32, #tpu.memory_space<vmem>>
        %parallel_loop3A_939 = arith.index_cast %parallel_loop3A_934 : i32 to index
        %parallel_loop3A_940 = arith.constant 32 : index
        %parallel_loop3A_941 = tpu.vector_load %parallel_loop3A_938[%parallel_loop3A_939, %parallel_loop3A_940] {strides = array<i32>} : memref<200x64xf32, #tpu.memory_space<vmem>>, vector<1x16xf32>,
        %parallel_loop3A_942 = vector.shape_cast %parallel_loop3A_941 : vector<1x16xf32> to vector<16xf32>
        %parallel_loop3A_943 = arith.constant 8.000000e+00 : f32
        %parallel_loop3A_944 = vector.broadcast %parallel_loop3A_943 : f32 to vector<16xf32>
        %parallel_loop3A_945 = arith.mulf %parallel_loop3A_942, %parallel_loop3A_944 : vector<16xf32>
        %parallel_loop3A_946 = arith.constant 5 : i32
        %parallel_loop3A_947 = arith.addi %parallel_loop3A_404, %parallel_loop3A_946 : i32
        %parallel_loop3A_948 = arith.constant 0 : i32
        %parallel_loop3A_949 = arith.constant 0 : i32
        %parallel_loop3A_950 = tpu.memref_slice %arg6[%parallel_loop3A_385, %parallel_loop3A_948, %parallel_loop3A_949] : memref<4x200x64xf32, #tpu.memory_space<vmem>> -> memref<1x200x64xf32, #tpu.memory_space<vmem>>
        %parallel_loop3A_951 = tpu.memref_squeeze %parallel_loop3A_950 : memref<1x200x64xf32, #tpu.memory_space<vmem>> -> memref<200x64xf32, #tpu.memory_space<vmem>>
        %parallel_loop3A_952 = arith.index_cast %parallel_loop3A_947 : i32 to index
        %parallel_loop3A_953 = arith.constant 32 : index
        %parallel_loop3A_954 = tpu.vector_load %parallel_loop3A_951[%parallel_loop3A_952, %parallel_loop3A_953] {strides = array<i32>} : memref<200x64xf32, #tpu.memory_space<vmem>>, vector<1x16xf32>,
        %parallel_loop3A_955 = vector.shape_cast %parallel_loop3A_954 : vector<1x16xf32> to vector<16xf32>
        %parallel_loop3A_956 = vector.shape_cast %parallel_loop3A_945 : vector<16xf32> to vector<1x16xf32>
        tpu.vector_store %parallel_loop3A_951[%parallel_loop3A_952, %parallel_loop3A_953], %parallel_loop3A_956 {strides = array<i32>} : memref<200x64xf32, #tpu.memory_space<vmem>>, vector<1x16xf32>,
        %parallel_loop3A_957 = arith.constant 5 : i32
        %parallel_loop3A_958 = arith.addi %parallel_loop3A_404, %parallel_loop3A_957 : i32
        %parallel_loop3A_959 = arith.constant 0 : i32
        %parallel_loop3A_960 = arith.constant 0 : i32
        %parallel_loop3A_961 = tpu.memref_slice %arg6[%parallel_loop3A_385, %parallel_loop3A_959, %parallel_loop3A_960] : memref<4x200x64xf32, #tpu.memory_space<vmem>> -> memref<1x200x64xf32, #tpu.memory_space<vmem>>
        %parallel_loop3A_962 = tpu.memref_squeeze %parallel_loop3A_961 : memref<1x200x64xf32, #tpu.memory_space<vmem>> -> memref<200x64xf32, #tpu.memory_space<vmem>>
        %parallel_loop3A_963 = arith.index_cast %parallel_loop3A_958 : i32 to index
        %parallel_loop3A_964 = arith.constant 48 : index
        %parallel_loop3A_965 = tpu.vector_load %parallel_loop3A_962[%parallel_loop3A_963, %parallel_loop3A_964] {strides = array<i32>} : memref<200x64xf32, #tpu.memory_space<vmem>>, vector<1x16xf32>,
        %parallel_loop3A_966 = vector.shape_cast %parallel_loop3A_965 : vector<1x16xf32> to vector<16xf32>
        %parallel_loop3A_967 = arith.constant 8.000000e+00 : f32
        %parallel_loop3A_968 = vector.broadcast %parallel_loop3A_967 : f32 to vector<16xf32>
        %parallel_loop3A_969 = arith.mulf %parallel_loop3A_966, %parallel_loop3A_968 : vector<16xf32>
        %parallel_loop3A_970 = arith.constant 5 : i32
        %parallel_loop3A_971 = arith.addi %parallel_loop3A_404, %parallel_loop3A_970 : i32
        %parallel_loop3A_972 = arith.constant 0 : i32
        %parallel_loop3A_973 = arith.constant 0 : i32
        %parallel_loop3A_974 = tpu.memref_slice %arg6[%parallel_loop3A_385, %parallel_loop3A_972, %parallel_loop3A_973] : memref<4x200x64xf32, #tpu.memory_space<vmem>> -> memref<1x200x64xf32, #tpu.memory_space<vmem>>
        %parallel_loop3A_975 = tpu.memref_squeeze %parallel_loop3A_974 : memref<1x200x64xf32, #tpu.memory_space<vmem>> -> memref<200x64xf32, #tpu.memory_space<vmem>>
        %parallel_loop3A_976 = arith.index_cast %parallel_loop3A_971 : i32 to index
        %parallel_loop3A_977 = arith.constant 48 : index
        %parallel_loop3A_978 = tpu.vector_load %parallel_loop3A_975[%parallel_loop3A_976, %parallel_loop3A_977] {strides = array<i32>} : memref<200x64xf32, #tpu.memory_space<vmem>>, vector<1x16xf32>,
        %parallel_loop3A_979 = vector.shape_cast %parallel_loop3A_978 : vector<1x16xf32> to vector<16xf32>
        %parallel_loop3A_980 = vector.shape_cast %parallel_loop3A_969 : vector<16xf32> to vector<1x16xf32>
        tpu.vector_store %parallel_loop3A_975[%parallel_loop3A_976, %parallel_loop3A_977], %parallel_loop3A_980 {strides = array<i32>} : memref<200x64xf32, #tpu.memory_space<vmem>>, vector<1x16xf32>,
        %parallel_loop3A_981 = arith.constant 6 : i32
        %parallel_loop3A_982 = arith.addi %parallel_loop3A_404, %parallel_loop3A_981 : i32
        %parallel_loop3A_983 = arith.constant 0 : i32
        %parallel_loop3A_984 = arith.constant 0 : i32
        %parallel_loop3A_985 = tpu.memref_slice %arg6[%parallel_loop3A_385, %parallel_loop3A_983, %parallel_loop3A_984] : memref<4x200x64xf32, #tpu.memory_space<vmem>> -> memref<1x200x64xf32, #tpu.memory_space<vmem>>
        %parallel_loop3A_986 = tpu.memref_squeeze %parallel_loop3A_985 : memref<1x200x64xf32, #tpu.memory_space<vmem>> -> memref<200x64xf32, #tpu.memory_space<vmem>>
        %parallel_loop3A_987 = arith.index_cast %parallel_loop3A_982 : i32 to index
        %parallel_loop3A_988 = arith.constant 0 : index
        %parallel_loop3A_989 = tpu.vector_load %parallel_loop3A_986[%parallel_loop3A_987, %parallel_loop3A_988] {strides = array<i32>} : memref<200x64xf32, #tpu.memory_space<vmem>>, vector<1x16xf32>,
        %parallel_loop3A_990 = vector.shape_cast %parallel_loop3A_989 : vector<1x16xf32> to vector<16xf32>
        %parallel_loop3A_991 = arith.constant 8.000000e+00 : f32
        %parallel_loop3A_992 = vector.broadcast %parallel_loop3A_991 : f32 to vector<16xf32>
        %parallel_loop3A_993 = arith.mulf %parallel_loop3A_990, %parallel_loop3A_992 : vector<16xf32>
        %parallel_loop3A_994 = arith.constant 6 : i32
        %parallel_loop3A_995 = arith.addi %parallel_loop3A_404, %parallel_loop3A_994 : i32
        %parallel_loop3A_996 = arith.constant 0 : i32
        %parallel_loop3A_997 = arith.constant 0 : i32
        %parallel_loop3A_998 = tpu.memref_slice %arg6[%parallel_loop3A_385, %parallel_loop3A_996, %parallel_loop3A_997] : memref<4x200x64xf32, #tpu.memory_space<vmem>> -> memref<1x200x64xf32, #tpu.memory_space<vmem>>
        %parallel_loop3A_999 = tpu.memref_squeeze %parallel_loop3A_998 : memref<1x200x64xf32, #tpu.memory_space<vmem>> -> memref<200x64xf32, #tpu.memory_space<vmem>>
        %parallel_loop3A_1000 = arith.index_cast %parallel_loop3A_995 : i32 to index
        %parallel_loop3A_1001 = arith.constant 0 : index
        %parallel_loop3A_1002 = tpu.vector_load %parallel_loop3A_999[%parallel_loop3A_1000, %parallel_loop3A_1001] {strides = array<i32>} : memref<200x64xf32, #tpu.memory_space<vmem>>, vector<1x16xf32>,
        %parallel_loop3A_1003 = vector.shape_cast %parallel_loop3A_1002 : vector<1x16xf32> to vector<16xf32>
        %parallel_loop3A_1004 = vector.shape_cast %parallel_loop3A_993 : vector<16xf32> to vector<1x16xf32>
        tpu.vector_store %parallel_loop3A_999[%parallel_loop3A_1000, %parallel_loop3A_1001], %parallel_loop3A_1004 {strides = array<i32>} : memref<200x64xf32, #tpu.memory_space<vmem>>, vector<1x16xf32>,
        %parallel_loop3A_1005 = arith.constant 6 : i32
        %parallel_loop3A_1006 = arith.addi %parallel_loop3A_404, %parallel_loop3A_1005 : i32
        %parallel_loop3A_1007 = arith.constant 0 : i32
        %parallel_loop3A_1008 = arith.constant 0 : i32
        %parallel_loop3A_1009 = tpu.memref_slice %arg6[%parallel_loop3A_385, %parallel_loop3A_1007, %parallel_loop3A_1008] : memref<4x200x64xf32, #tpu.memory_space<vmem>> -> memref<1x200x64xf32, #tpu.memory_space<vmem>>
        %parallel_loop3A_1010 = tpu.memref_squeeze %parallel_loop3A_1009 : memref<1x200x64xf32, #tpu.memory_space<vmem>> -> memref<200x64xf32, #tpu.memory_space<vmem>>
        %parallel_loop3A_1011 = arith.index_cast %parallel_loop3A_1006 : i32 to index
        %parallel_loop3A_1012 = arith.constant 16 : index
        %parallel_loop3A_1013 = tpu.vector_load %parallel_loop3A_1010[%parallel_loop3A_1011, %parallel_loop3A_1012] {strides = array<i32>} : memref<200x64xf32, #tpu.memory_space<vmem>>, vector<1x16xf32>,
        %parallel_loop3A_1014 = vector.shape_cast %parallel_loop3A_1013 : vector<1x16xf32> to vector<16xf32>
        %parallel_loop3A_1015 = arith.constant 8.000000e+00 : f32
        %parallel_loop3A_1016 = vector.broadcast %parallel_loop3A_1015 : f32 to vector<16xf32>
        %parallel_loop3A_1017 = arith.mulf %parallel_loop3A_1014, %parallel_loop3A_1016 : vector<16xf32>
        %parallel_loop3A_1018 = arith.constant 6 : i32
        %parallel_loop3A_1019 = arith.addi %parallel_loop3A_404, %parallel_loop3A_1018 : i32
        %parallel_loop3A_1020 = arith.constant 0 : i32
        %parallel_loop3A_1021 = arith.constant 0 : i32
        %parallel_loop3A_1022 = tpu.memref_slice %arg6[%parallel_loop3A_385, %parallel_loop3A_1020, %parallel_loop3A_1021] : memref<4x200x64xf32, #tpu.memory_space<vmem>> -> memref<1x200x64xf32, #tpu.memory_space<vmem>>
        %parallel_loop3A_1023 = tpu.memref_squeeze %parallel_loop3A_1022 : memref<1x200x64xf32, #tpu.memory_space<vmem>> -> memref<200x64xf32, #tpu.memory_space<vmem>>
        %parallel_loop3A_1024 = arith.index_cast %parallel_loop3A_1019 : i32 to index
        %parallel_loop3A_1025 = arith.constant 16 : index
        %parallel_loop3A_1026 = tpu.vector_load %parallel_loop3A_1023[%parallel_loop3A_1024, %parallel_loop3A_1025] {strides = array<i32>} : memref<200x64xf32, #tpu.memory_space<vmem>>, vector<1x16xf32>,
        %parallel_loop3A_1027 = vector.shape_cast %parallel_loop3A_1026 : vector<1x16xf32> to vector<16xf32>
        %parallel_loop3A_1028 = vector.shape_cast %parallel_loop3A_1017 : vector<16xf32> to vector<1x16xf32>
        tpu.vector_store %parallel_loop3A_1023[%parallel_loop3A_1024, %parallel_loop3A_1025], %parallel_loop3A_1028 {strides = array<i32>} : memref<200x64xf32, #tpu.memory_space<vmem>>, vector<1x16xf32>,
        %parallel_loop3A_1029 = arith.constant 6 : i32
        %parallel_loop3A_1030 = arith.addi %parallel_loop3A_404, %parallel_loop3A_1029 : i32
        %parallel_loop3A_1031 = arith.constant 0 : i32
        %parallel_loop3A_1032 = arith.constant 0 : i32
        %parallel_loop3A_1033 = tpu.memref_slice %arg6[%parallel_loop3A_385, %parallel_loop3A_1031, %parallel_loop3A_1032] : memref<4x200x64xf32, #tpu.memory_space<vmem>> -> memref<1x200x64xf32, #tpu.memory_space<vmem>>
        %parallel_loop3A_1034 = tpu.memref_squeeze %parallel_loop3A_1033 : memref<1x200x64xf32, #tpu.memory_space<vmem>> -> memref<200x64xf32, #tpu.memory_space<vmem>>
        %parallel_loop3A_1035 = arith.index_cast %parallel_loop3A_1030 : i32 to index
        %parallel_loop3A_1036 = arith.constant 32 : index
        %parallel_loop3A_1037 = tpu.vector_load %parallel_loop3A_1034[%parallel_loop3A_1035, %parallel_loop3A_1036] {strides = array<i32>} : memref<200x64xf32, #tpu.memory_space<vmem>>, vector<1x16xf32>,
        %parallel_loop3A_1038 = vector.shape_cast %parallel_loop3A_1037 : vector<1x16xf32> to vector<16xf32>
        %parallel_loop3A_1039 = arith.constant 8.000000e+00 : f32
        %parallel_loop3A_1040 = vector.broadcast %parallel_loop3A_1039 : f32 to vector<16xf32>
        %parallel_loop3A_1041 = arith.mulf %parallel_loop3A_1038, %parallel_loop3A_1040 : vector<16xf32>
        %parallel_loop3A_1042 = arith.constant 6 : i32
        %parallel_loop3A_1043 = arith.addi %parallel_loop3A_404, %parallel_loop3A_1042 : i32
        %parallel_loop3A_1044 = arith.constant 0 : i32
        %parallel_loop3A_1045 = arith.constant 0 : i32
        %parallel_loop3A_1046 = tpu.memref_slice %arg6[%parallel_loop3A_385, %parallel_loop3A_1044, %parallel_loop3A_1045] : memref<4x200x64xf32, #tpu.memory_space<vmem>> -> memref<1x200x64xf32, #tpu.memory_space<vmem>>
        %parallel_loop3A_1047 = tpu.memref_squeeze %parallel_loop3A_1046 : memref<1x200x64xf32, #tpu.memory_space<vmem>> -> memref<200x64xf32, #tpu.memory_space<vmem>>
        %parallel_loop3A_1048 = arith.index_cast %parallel_loop3A_1043 : i32 to index
        %parallel_loop3A_1049 = arith.constant 32 : index
        %parallel_loop3A_1050 = tpu.vector_load %parallel_loop3A_1047[%parallel_loop3A_1048, %parallel_loop3A_1049] {strides = array<i32>} : memref<200x64xf32, #tpu.memory_space<vmem>>, vector<1x16xf32>,
        %parallel_loop3A_1051 = vector.shape_cast %parallel_loop3A_1050 : vector<1x16xf32> to vector<16xf32>
        %parallel_loop3A_1052 = vector.shape_cast %parallel_loop3A_1041 : vector<16xf32> to vector<1x16xf32>
        tpu.vector_store %parallel_loop3A_1047[%parallel_loop3A_1048, %parallel_loop3A_1049], %parallel_loop3A_1052 {strides = array<i32>} : memref<200x64xf32, #tpu.memory_space<vmem>>, vector<1x16xf32>,
        %parallel_loop3A_1053 = arith.constant 6 : i32
        %parallel_loop3A_1054 = arith.addi %parallel_loop3A_404, %parallel_loop3A_1053 : i32
        %parallel_loop3A_1055 = arith.constant 0 : i32
        %parallel_loop3A_1056 = arith.constant 0 : i32
        %parallel_loop3A_1057 = tpu.memref_slice %arg6[%parallel_loop3A_385, %parallel_loop3A_1055, %parallel_loop3A_1056] : memref<4x200x64xf32, #tpu.memory_space<vmem>> -> memref<1x200x64xf32, #tpu.memory_space<vmem>>
        %parallel_loop3A_1058 = tpu.memref_squeeze %parallel_loop3A_1057 : memref<1x200x64xf32, #tpu.memory_space<vmem>> -> memref<200x64xf32, #tpu.memory_space<vmem>>
        %parallel_loop3A_1059 = arith.index_cast %parallel_loop3A_1054 : i32 to index
        %parallel_loop3A_1060 = arith.constant 48 : index
        %parallel_loop3A_1061 = tpu.vector_load %parallel_loop3A_1058[%parallel_loop3A_1059, %parallel_loop3A_1060] {strides = array<i32>} : memref<200x64xf32, #tpu.memory_space<vmem>>, vector<1x16xf32>,
        %parallel_loop3A_1062 = vector.shape_cast %parallel_loop3A_1061 : vector<1x16xf32> to vector<16xf32>
        %parallel_loop3A_1063 = arith.constant 8.000000e+00 : f32
        %parallel_loop3A_1064 = vector.broadcast %parallel_loop3A_1063 : f32 to vector<16xf32>
        %parallel_loop3A_1065 = arith.mulf %parallel_loop3A_1062, %parallel_loop3A_1064 : vector<16xf32>
        %parallel_loop3A_1066 = arith.constant 6 : i32
        %parallel_loop3A_1067 = arith.addi %parallel_loop3A_404, %parallel_loop3A_1066 : i32
        %parallel_loop3A_1068 = arith.constant 0 : i32
        %parallel_loop3A_1069 = arith.constant 0 : i32
        %parallel_loop3A_1070 = tpu.memref_slice %arg6[%parallel_loop3A_385, %parallel_loop3A_1068, %parallel_loop3A_1069] : memref<4x200x64xf32, #tpu.memory_space<vmem>> -> memref<1x200x64xf32, #tpu.memory_space<vmem>>
        %parallel_loop3A_1071 = tpu.memref_squeeze %parallel_loop3A_1070 : memref<1x200x64xf32, #tpu.memory_space<vmem>> -> memref<200x64xf32, #tpu.memory_space<vmem>>
        %parallel_loop3A_1072 = arith.index_cast %parallel_loop3A_1067 : i32 to index
        %parallel_loop3A_1073 = arith.constant 48 : index
        %parallel_loop3A_1074 = tpu.vector_load %parallel_loop3A_1071[%parallel_loop3A_1072, %parallel_loop3A_1073] {strides = array<i32>} : memref<200x64xf32, #tpu.memory_space<vmem>>, vector<1x16xf32>,
        %parallel_loop3A_1075 = vector.shape_cast %parallel_loop3A_1074 : vector<1x16xf32> to vector<16xf32>
        %parallel_loop3A_1076 = vector.shape_cast %parallel_loop3A_1065 : vector<16xf32> to vector<1x16xf32>
        tpu.vector_store %parallel_loop3A_1071[%parallel_loop3A_1072, %parallel_loop3A_1073], %parallel_loop3A_1076 {strides = array<i32>} : memref<200x64xf32, #tpu.memory_space<vmem>>, vector<1x16xf32>,
        %parallel_loop3A_1077 = arith.constant 7 : i32
        %parallel_loop3A_1078 = arith.addi %parallel_loop3A_404, %parallel_loop3A_1077 : i32
        %parallel_loop3A_1079 = arith.constant 0 : i32
        %parallel_loop3A_1080 = arith.constant 0 : i32
        %parallel_loop3A_1081 = tpu.memref_slice %arg6[%parallel_loop3A_385, %parallel_loop3A_1079, %parallel_loop3A_1080] : memref<4x200x64xf32, #tpu.memory_space<vmem>> -> memref<1x200x64xf32, #tpu.memory_space<vmem>>
        %parallel_loop3A_1082 = tpu.memref_squeeze %parallel_loop3A_1081 : memref<1x200x64xf32, #tpu.memory_space<vmem>> -> memref<200x64xf32, #tpu.memory_space<vmem>>
        %parallel_loop3A_1083 = arith.index_cast %parallel_loop3A_1078 : i32 to index
        %parallel_loop3A_1084 = arith.constant 0 : index
        %parallel_loop3A_1085 = tpu.vector_load %parallel_loop3A_1082[%parallel_loop3A_1083, %parallel_loop3A_1084] {strides = array<i32>} : memref<200x64xf32, #tpu.memory_space<vmem>>, vector<1x16xf32>,
        %parallel_loop3A_1086 = vector.shape_cast %parallel_loop3A_1085 : vector<1x16xf32> to vector<16xf32>
        %parallel_loop3A_1087 = arith.constant 8.000000e+00 : f32
        %parallel_loop3A_1088 = vector.broadcast %parallel_loop3A_1087 : f32 to vector<16xf32>
        %parallel_loop3A_1089 = arith.mulf %parallel_loop3A_1086, %parallel_loop3A_1088 : vector<16xf32>
        %parallel_loop3A_1090 = arith.constant 7 : i32
        %parallel_loop3A_1091 = arith.addi %parallel_loop3A_404, %parallel_loop3A_1090 : i32
        %parallel_loop3A_1092 = arith.constant 0 : i32
        %parallel_loop3A_1093 = arith.constant 0 : i32
        %parallel_loop3A_1094 = tpu.memref_slice %arg6[%parallel_loop3A_385, %parallel_loop3A_1092, %parallel_loop3A_1093] : memref<4x200x64xf32, #tpu.memory_space<vmem>> -> memref<1x200x64xf32, #tpu.memory_space<vmem>>
        %parallel_loop3A_1095 = tpu.memref_squeeze %parallel_loop3A_1094 : memref<1x200x64xf32, #tpu.memory_space<vmem>> -> memref<200x64xf32, #tpu.memory_space<vmem>>
        %parallel_loop3A_1096 = arith.index_cast %parallel_loop3A_1091 : i32 to index
        %parallel_loop3A_1097 = arith.constant 0 : index
        %parallel_loop3A_1098 = tpu.vector_load %parallel_loop3A_1095[%parallel_loop3A_1096, %parallel_loop3A_1097] {strides = array<i32>} : memref<200x64xf32, #tpu.memory_space<vmem>>, vector<1x16xf32>,
        %parallel_loop3A_1099 = vector.shape_cast %parallel_loop3A_1098 : vector<1x16xf32> to vector<16xf32>
        %parallel_loop3A_1100 = vector.shape_cast %parallel_loop3A_1089 : vector<16xf32> to vector<1x16xf32>
        tpu.vector_store %parallel_loop3A_1095[%parallel_loop3A_1096, %parallel_loop3A_1097], %parallel_loop3A_1100 {strides = array<i32>} : memref<200x64xf32, #tpu.memory_space<vmem>>, vector<1x16xf32>,
        %parallel_loop3A_1101 = arith.constant 7 : i32
        %parallel_loop3A_1102 = arith.addi %parallel_loop3A_404, %parallel_loop3A_1101 : i32
        %parallel_loop3A_1103 = arith.constant 0 : i32
        %parallel_loop3A_1104 = arith.constant 0 : i32
        %parallel_loop3A_1105 = tpu.memref_slice %arg6[%parallel_loop3A_385, %parallel_loop3A_1103, %parallel_loop3A_1104] : memref<4x200x64xf32, #tpu.memory_space<vmem>> -> memref<1x200x64xf32, #tpu.memory_space<vmem>>
        %parallel_loop3A_1106 = tpu.memref_squeeze %parallel_loop3A_1105 : memref<1x200x64xf32, #tpu.memory_space<vmem>> -> memref<200x64xf32, #tpu.memory_space<vmem>>
        %parallel_loop3A_1107 = arith.index_cast %parallel_loop3A_1102 : i32 to index
        %parallel_loop3A_1108 = arith.constant 16 : index
        %parallel_loop3A_1109 = tpu.vector_load %parallel_loop3A_1106[%parallel_loop3A_1107, %parallel_loop3A_1108] {strides = array<i32>} : memref<200x64xf32, #tpu.memory_space<vmem>>, vector<1x16xf32>,
        %parallel_loop3A_1110 = vector.shape_cast %parallel_loop3A_1109 : vector<1x16xf32> to vector<16xf32>
        %parallel_loop3A_1111 = arith.constant 8.000000e+00 : f32
        %parallel_loop3A_1112 = vector.broadcast %parallel_loop3A_1111 : f32 to vector<16xf32>
        %parallel_loop3A_1113 = arith.mulf %parallel_loop3A_1110, %parallel_loop3A_1112 : vector<16xf32>
        %parallel_loop3A_1114 = arith.constant 7 : i32
        %parallel_loop3A_1115 = arith.addi %parallel_loop3A_404, %parallel_loop3A_1114 : i32
        %parallel_loop3A_1116 = arith.constant 0 : i32
        %parallel_loop3A_1117 = arith.constant 0 : i32
        %parallel_loop3A_1118 = tpu.memref_slice %arg6[%parallel_loop3A_385, %parallel_loop3A_1116, %parallel_loop3A_1117] : memref<4x200x64xf32, #tpu.memory_space<vmem>> -> memref<1x200x64xf32, #tpu.memory_space<vmem>>
        %parallel_loop3A_1119 = tpu.memref_squeeze %parallel_loop3A_1118 : memref<1x200x64xf32, #tpu.memory_space<vmem>> -> memref<200x64xf32, #tpu.memory_space<vmem>>
        %parallel_loop3A_1120 = arith.index_cast %parallel_loop3A_1115 : i32 to index
        %parallel_loop3A_1121 = arith.constant 16 : index
        %parallel_loop3A_1122 = tpu.vector_load %parallel_loop3A_1119[%parallel_loop3A_1120, %parallel_loop3A_1121] {strides = array<i32>} : memref<200x64xf32, #tpu.memory_space<vmem>>, vector<1x16xf32>,
        %parallel_loop3A_1123 = vector.shape_cast %parallel_loop3A_1122 : vector<1x16xf32> to vector<16xf32>
        %parallel_loop3A_1124 = vector.shape_cast %parallel_loop3A_1113 : vector<16xf32> to vector<1x16xf32>
        tpu.vector_store %parallel_loop3A_1119[%parallel_loop3A_1120, %parallel_loop3A_1121], %parallel_loop3A_1124 {strides = array<i32>} : memref<200x64xf32, #tpu.memory_space<vmem>>, vector<1x16xf32>,
        %parallel_loop3A_1125 = arith.constant 7 : i32
        %parallel_loop3A_1126 = arith.addi %parallel_loop3A_404, %parallel_loop3A_1125 : i32
        %parallel_loop3A_1127 = arith.constant 0 : i32
        %parallel_loop3A_1128 = arith.constant 0 : i32
        %parallel_loop3A_1129 = tpu.memref_slice %arg6[%parallel_loop3A_385, %parallel_loop3A_1127, %parallel_loop3A_1128] : memref<4x200x64xf32, #tpu.memory_space<vmem>> -> memref<1x200x64xf32, #tpu.memory_space<vmem>>
        %parallel_loop3A_1130 = tpu.memref_squeeze %parallel_loop3A_1129 : memref<1x200x64xf32, #tpu.memory_space<vmem>> -> memref<200x64xf32, #tpu.memory_space<vmem>>
        %parallel_loop3A_1131 = arith.index_cast %parallel_loop3A_1126 : i32 to index
        %parallel_loop3A_1132 = arith.constant 32 : index
        %parallel_loop3A_1133 = tpu.vector_load %parallel_loop3A_1130[%parallel_loop3A_1131, %parallel_loop3A_1132] {strides = array<i32>} : memref<200x64xf32, #tpu.memory_space<vmem>>, vector<1x16xf32>,
        %parallel_loop3A_1134 = vector.shape_cast %parallel_loop3A_1133 : vector<1x16xf32> to vector<16xf32>
        %parallel_loop3A_1135 = arith.constant 8.000000e+00 : f32
        %parallel_loop3A_1136 = vector.broadcast %parallel_loop3A_1135 : f32 to vector<16xf32>
        %parallel_loop3A_1137 = arith.mulf %parallel_loop3A_1134, %parallel_loop3A_1136 : vector<16xf32>
        %parallel_loop3A_1138 = arith.constant 7 : i32
        %parallel_loop3A_1139 = arith.addi %parallel_loop3A_404, %parallel_loop3A_1138 : i32
        %parallel_loop3A_1140 = arith.constant 0 : i32
        %parallel_loop3A_1141 = arith.constant 0 : i32
        %parallel_loop3A_1142 = tpu.memref_slice %arg6[%parallel_loop3A_385, %parallel_loop3A_1140, %parallel_loop3A_1141] : memref<4x200x64xf32, #tpu.memory_space<vmem>> -> memref<1x200x64xf32, #tpu.memory_space<vmem>>
        %parallel_loop3A_1143 = tpu.memref_squeeze %parallel_loop3A_1142 : memref<1x200x64xf32, #tpu.memory_space<vmem>> -> memref<200x64xf32, #tpu.memory_space<vmem>>
        %parallel_loop3A_1144 = arith.index_cast %parallel_loop3A_1139 : i32 to index
        %parallel_loop3A_1145 = arith.constant 32 : index
        %parallel_loop3A_1146 = tpu.vector_load %parallel_loop3A_1143[%parallel_loop3A_1144, %parallel_loop3A_1145] {strides = array<i32>} : memref<200x64xf32, #tpu.memory_space<vmem>>, vector<1x16xf32>,
        %parallel_loop3A_1147 = vector.shape_cast %parallel_loop3A_1146 : vector<1x16xf32> to vector<16xf32>
        %parallel_loop3A_1148 = vector.shape_cast %parallel_loop3A_1137 : vector<16xf32> to vector<1x16xf32>
        tpu.vector_store %parallel_loop3A_1143[%parallel_loop3A_1144, %parallel_loop3A_1145], %parallel_loop3A_1148 {strides = array<i32>} : memref<200x64xf32, #tpu.memory_space<vmem>>, vector<1x16xf32>,
        %parallel_loop3A_1149 = arith.constant 7 : i32
        %parallel_loop3A_1150 = arith.addi %parallel_loop3A_404, %parallel_loop3A_1149 : i32
        %parallel_loop3A_1151 = arith.constant 0 : i32
        %parallel_loop3A_1152 = arith.constant 0 : i32
        %parallel_loop3A_1153 = tpu.memref_slice %arg6[%parallel_loop3A_385, %parallel_loop3A_1151, %parallel_loop3A_1152] : memref<4x200x64xf32, #tpu.memory_space<vmem>> -> memref<1x200x64xf32, #tpu.memory_space<vmem>>
        %parallel_loop3A_1154 = tpu.memref_squeeze %parallel_loop3A_1153 : memref<1x200x64xf32, #tpu.memory_space<vmem>> -> memref<200x64xf32, #tpu.memory_space<vmem>>
        %parallel_loop3A_1155 = arith.index_cast %parallel_loop3A_1150 : i32 to index
        %parallel_loop3A_1156 = arith.constant 48 : index
        %parallel_loop3A_1157 = tpu.vector_load %parallel_loop3A_1154[%parallel_loop3A_1155, %parallel_loop3A_1156] {strides = array<i32>} : memref<200x64xf32, #tpu.memory_space<vmem>>, vector<1x16xf32>,
        %parallel_loop3A_1158 = vector.shape_cast %parallel_loop3A_1157 : vector<1x16xf32> to vector<16xf32>
        %parallel_loop3A_1159 = arith.constant 8.000000e+00 : f32
        %parallel_loop3A_1160 = vector.broadcast %parallel_loop3A_1159 : f32 to vector<16xf32>
        %parallel_loop3A_1161 = arith.mulf %parallel_loop3A_1158, %parallel_loop3A_1160 : vector<16xf32>
        %parallel_loop3A_1162 = arith.constant 7 : i32
        %parallel_loop3A_1163 = arith.addi %parallel_loop3A_404, %parallel_loop3A_1162 : i32
        %parallel_loop3A_1164 = arith.constant 0 : i32
        %parallel_loop3A_1165 = arith.constant 0 : i32
        %parallel_loop3A_1166 = tpu.memref_slice %arg6[%parallel_loop3A_385, %parallel_loop3A_1164, %parallel_loop3A_1165] : memref<4x200x64xf32, #tpu.memory_space<vmem>> -> memref<1x200x64xf32, #tpu.memory_space<vmem>>
        %parallel_loop3A_1167 = tpu.memref_squeeze %parallel_loop3A_1166 : memref<1x200x64xf32, #tpu.memory_space<vmem>> -> memref<200x64xf32, #tpu.memory_space<vmem>>
        %parallel_loop3A_1168 = arith.index_cast %parallel_loop3A_1163 : i32 to index
        %parallel_loop3A_1169 = arith.constant 48 : index
        %parallel_loop3A_1170 = tpu.vector_load %parallel_loop3A_1167[%parallel_loop3A_1168, %parallel_loop3A_1169] {strides = array<i32>} : memref<200x64xf32, #tpu.memory_space<vmem>>, vector<1x16xf32>,
        %parallel_loop3A_1171 = vector.shape_cast %parallel_loop3A_1170 : vector<1x16xf32> to vector<16xf32>
        %parallel_loop3A_1172 = vector.shape_cast %parallel_loop3A_1161 : vector<16xf32> to vector<1x16xf32>
        tpu.vector_store %parallel_loop3A_1167[%parallel_loop3A_1168, %parallel_loop3A_1169], %parallel_loop3A_1172 {strides = array<i32>} : memref<200x64xf32, #tpu.memory_space<vmem>>, vector<1x16xf32>,
      } {sc.loop_unroll_factor = 2 : i64, sc.parallel_access}
      %add3A_386 = arith.addi %mul3A_2, %add3A_348 : i32
      %dma_start3A_387 = arith.constant 3 : i32
      %dma_start3A_388 = arith.constant 0 : i32
      %dma_start3A_389 = arith.constant 0 : i32
      %dma_start3A_390 = tpu.memref_slice %arg6[%dma_start3A_387, %dma_start3A_388, %dma_start3A_389] : memref<4x200x64xf32, #tpu.memory_space<vmem>> -> memref<1x200x64xf32, #tpu.memory_space<vmem>>
      %dma_start3A_391 = tpu.memref_squeeze %dma_start3A_390 : memref<1x200x64xf32, #tpu.memory_space<vmem>> -> memref<200x64xf32, #tpu.memory_space<vmem>>
      %dma_start3A_392 = arith.constant 0 : i32
      %dma_start3A_393 = arith.constant 0 : i32
      %dma_start3A_394 = tpu.memref_slice %arg4[%add3A_386, %dma_start3A_392, %dma_start3A_393] : memref<4096x200x64xf32, #tpu.memory_space<hbm>> -> memref<1x200x64xf32, #tpu.memory_space<hbm>>
      %dma_start3A_395 = tpu.memref_squeeze %dma_start3A_394 : memref<1x200x64xf32, #tpu.memory_space<hbm>> -> memref<200x64xf32, #tpu.memory_space<hbm>>
      %dma_start3A_396 = arith.constant 0 : i32
      %dma_start3A_397 = arith.constant 0 : i32
      %dma_start3A_398 = tpu.memref_slice %arg4[%add3A_386, %dma_start3A_396, %dma_start3A_397] : memref<4096x200x64xf32, #tpu.memory_space<hbm>> -> memref<1x200x64xf32, #tpu.memory_space<hbm>>
      %dma_start3A_399 = tpu.memref_squeeze %dma_start3A_398 : memref<1x200x64xf32, #tpu.memory_space<hbm>> -> memref<200x64xf32, #tpu.memory_space<hbm>>
      %dma_start3A_400 = arith.constant 0 : i32
      %dma_start3A_401 = arith.constant 0 : i32
      %dma_start3A_402 = tpu.memref_slice %arg6[%dma_start3A_387, %dma_start3A_400, %dma_start3A_401] : memref<4x200x64xf32, #tpu.memory_space<vmem>> -> memref<1x200x64xf32, #tpu.memory_space<vmem>>
      %dma_start3A_403 = tpu.memref_squeeze %dma_start3A_402 : memref<1x200x64xf32, #tpu.memory_space<vmem>> -> memref<200x64xf32, #tpu.memory_space<vmem>>
      tpu.enqueue_dma source(%dma_start3A_403 : memref<200x64xf32, #tpu.memory_space<vmem>>) target(%dma_start3A_399 : memref<200x64xf32, #tpu.memory_space<hbm>>) target_semaphore(%arg11 : memref<!tpu.dma_semaphore, #tpu.memory_space<semaphore_mem>>)
    }
    %scan3A_102 = arith.constant 32 : i32
    %dma_wait3A = arith.constant 0 : i32
    %dma_wait3A_103 = arith.constant 0 : i32
    %dma_wait3A_104 = arith.constant 0 : i32
    %dma_wait3A_105 = arith.constant 0 : i32
    %dma_wait3A_106 = tpu.memref_slice %arg6[%dma_wait3A, %dma_wait3A_104, %dma_wait3A_105] : memref<4x200x64xf32, #tpu.memory_space<vmem>> -> memref<1x200x64xf32, #tpu.memory_space<vmem>>
    %dma_wait3A_107 = tpu.memref_squeeze %dma_wait3A_106 : memref<1x200x64xf32, #tpu.memory_space<vmem>> -> memref<200x64xf32, #tpu.memory_space<vmem>>
    %dma_wait3A_108 = arith.constant 0 : i32
    %dma_wait3A_109 = arith.constant 0 : i32
    %dma_wait3A_110 = tpu.memref_slice %arg4[%dma_wait3A_103, %dma_wait3A_108, %dma_wait3A_109] : memref<4096x200x64xf32, #tpu.memory_space<hbm>> -> memref<1x200x64xf32, #tpu.memory_space<hbm>>
    %dma_wait3A_111 = tpu.memref_squeeze %dma_wait3A_110 : memref<1x200x64xf32, #tpu.memory_space<hbm>> -> memref<200x64xf32, #tpu.memory_space<hbm>>
    %dma_wait3A_112 = arith.constant 0 : i32
    %dma_wait3A_113 = arith.constant 0 : i32
    %dma_wait3A_114 = tpu.memref_slice %arg4[%dma_wait3A_103, %dma_wait3A_112, %dma_wait3A_113] : memref<4096x200x64xf32, #tpu.memory_space<hbm>> -> memref<1x200x64xf32, #tpu.memory_space<hbm>>
    %dma_wait3A_115 = tpu.memref_squeeze %dma_wait3A_114 : memref<1x200x64xf32, #tpu.memory_space<hbm>> -> memref<200x64xf32, #tpu.memory_space<hbm>>
    %dma_wait3A_116 = arith.constant 0 : i32
    %dma_wait3A_117 = arith.constant 0 : i32
    %dma_wait3A_118 = tpu.memref_slice %arg6[%dma_wait3A, %dma_wait3A_116, %dma_wait3A_117] : memref<4x200x64xf32, #tpu.memory_space<vmem>> -> memref<1x200x64xf32, #tpu.memory_space<vmem>>
    %dma_wait3A_119 = tpu.memref_squeeze %dma_wait3A_118 : memref<1x200x64xf32, #tpu.memory_space<vmem>> -> memref<200x64xf32, #tpu.memory_space<vmem>>
    tpu.wait_dma2 semaphore(%arg11 : memref<!tpu.dma_semaphore, #tpu.memory_space<semaphore_mem>>) src(%dma_wait3A_119 : memref<200x64xf32, #tpu.memory_space<vmem>>) dst(%dma_wait3A_115 : memref<200x64xf32, #tpu.memory_space<hbm>>)
    %dma_wait3A_120 = arith.constant 0 : i32
    %dma_wait3A_121 = arith.constant 0 : i32
    %dma_wait3A_122 = arith.constant 0 : i32
    %dma_wait3A_123 = arith.constant 0 : i32
    %dma_wait3A_124 = tpu.memref_slice %arg6[%dma_wait3A_120, %dma_wait3A_122, %dma_wait3A_123] : memref<4x200x64xf32, #tpu.memory_space<vmem>> -> memref<1x200x64xf32, #tpu.memory_space<vmem>>
    %dma_wait3A_125 = tpu.memref_squeeze %dma_wait3A_124 : memref<1x200x64xf32, #tpu.memory_space<vmem>> -> memref<200x64xf32, #tpu.memory_space<vmem>>
    %dma_wait3A_126 = arith.constant 0 : i32
    %dma_wait3A_127 = arith.constant 0 : i32
    %dma_wait3A_128 = tpu.memref_slice %arg4[%dma_wait3A_121, %dma_wait3A_126, %dma_wait3A_127] : memref<4096x200x64xf32, #tpu.memory_space<hbm>> -> memref<1x200x64xf32, #tpu.memory_space<hbm>>
    %dma_wait3A_129 = tpu.memref_squeeze %dma_wait3A_128 : memref<1x200x64xf32, #tpu.memory_space<hbm>> -> memref<200x64xf32, #tpu.memory_space<hbm>>
    %dma_wait3A_130 = arith.constant 0 : i32
    %dma_wait3A_131 = arith.constant 0 : i32
    %dma_wait3A_132 = tpu.memref_slice %arg4[%dma_wait3A_121, %dma_wait3A_130, %dma_wait3A_131] : memref<4096x200x64xf32, #tpu.memory_space<hbm>> -> memref<1x200x64xf32, #tpu.memory_space<hbm>>
    %dma_wait3A_133 = tpu.memref_squeeze %dma_wait3A_132 : memref<1x200x64xf32, #tpu.memory_space<hbm>> -> memref<200x64xf32, #tpu.memory_space<hbm>>
    %dma_wait3A_134 = arith.constant 0 : i32
    %dma_wait3A_135 = arith.constant 0 : i32
    %dma_wait3A_136 = tpu.memref_slice %arg6[%dma_wait3A_120, %dma_wait3A_134, %dma_wait3A_135] : memref<4x200x64xf32, #tpu.memory_space<vmem>> -> memref<1x200x64xf32, #tpu.memory_space<vmem>>
    %dma_wait3A_137 = tpu.memref_squeeze %dma_wait3A_136 : memref<1x200x64xf32, #tpu.memory_space<vmem>> -> memref<200x64xf32, #tpu.memory_space<vmem>>
    tpu.wait_dma2 semaphore(%arg11 : memref<!tpu.dma_semaphore, #tpu.memory_space<semaphore_mem>>) src(%dma_wait3A_137 : memref<200x64xf32, #tpu.memory_space<vmem>>) dst(%dma_wait3A_133 : memref<200x64xf32, #tpu.memory_space<hbm>>)
    %dma_wait3A_138 = arith.constant 0 : i32
    %dma_wait3A_139 = arith.constant 0 : i32
    %dma_wait3A_140 = arith.constant 0 : i32
    %dma_wait3A_141 = arith.constant 0 : i32
    %dma_wait3A_142 = tpu.memref_slice %arg6[%dma_wait3A_138, %dma_wait3A_140, %dma_wait3A_141] : memref<4x200x64xf32, #tpu.memory_space<vmem>> -> memref<1x200x64xf32, #tpu.memory_space<vmem>>
    %dma_wait3A_143 = tpu.memref_squeeze %dma_wait3A_142 : memref<1x200x64xf32, #tpu.memory_space<vmem>> -> memref<200x64xf32, #tpu.memory_space<vmem>>
    %dma_wait3A_144 = arith.constant 0 : i32
    %dma_wait3A_145 = arith.constant 0 : i32
    %dma_wait3A_146 = tpu.memref_slice %arg4[%dma_wait3A_139, %dma_wait3A_144, %dma_wait3A_145] : memref<4096x200x64xf32, #tpu.memory_space<hbm>> -> memref<1x200x64xf32, #tpu.memory_space<hbm>>
    %dma_wait3A_147 = tpu.memref_squeeze %dma_wait3A_146 : memref<1x200x64xf32, #tpu.memory_space<hbm>> -> memref<200x64xf32, #tpu.memory_space<hbm>>
    %dma_wait3A_148 = arith.constant 0 : i32
    %dma_wait3A_149 = arith.constant 0 : i32
    %dma_wait3A_150 = tpu.memref_slice %arg4[%dma_wait3A_139, %dma_wait3A_148, %dma_wait3A_149] : memref<4096x200x64xf32, #tpu.memory_space<hbm>> -> memref<1x200x64xf32, #tpu.memory_space<hbm>>
    %dma_wait3A_151 = tpu.memref_squeeze %dma_wait3A_150 : memref<1x200x64xf32, #tpu.memory_space<hbm>> -> memref<200x64xf32, #tpu.memory_space<hbm>>
    %dma_wait3A_152 = arith.constant 0 : i32
    %dma_wait3A_153 = arith.constant 0 : i32
    %dma_wait3A_154 = tpu.memref_slice %arg6[%dma_wait3A_138, %dma_wait3A_152, %dma_wait3A_153] : memref<4x200x64xf32, #tpu.memory_space<vmem>> -> memref<1x200x64xf32, #tpu.memory_space<vmem>>
    %dma_wait3A_155 = tpu.memref_squeeze %dma_wait3A_154 : memref<1x200x64xf32, #tpu.memory_space<vmem>> -> memref<200x64xf32, #tpu.memory_space<vmem>>
    tpu.wait_dma2 semaphore(%arg11 : memref<!tpu.dma_semaphore, #tpu.memory_space<semaphore_mem>>) src(%dma_wait3A_155 : memref<200x64xf32, #tpu.memory_space<vmem>>) dst(%dma_wait3A_151 : memref<200x64xf32, #tpu.memory_space<hbm>>)
    %dma_wait3A_156 = arith.constant 0 : i32
    %dma_wait3A_157 = arith.constant 0 : i32
    %dma_wait3A_158 = arith.constant 0 : i32
    %dma_wait3A_159 = arith.constant 0 : i32
    %dma_wait3A_160 = tpu.memref_slice %arg6[%dma_wait3A_156, %dma_wait3A_158, %dma_wait3A_159] : memref<4x200x64xf32, #tpu.memory_space<vmem>> -> memref<1x200x64xf32, #tpu.memory_space<vmem>>
    %dma_wait3A_161 = tpu.memref_squeeze %dma_wait3A_160 : memref<1x200x64xf32, #tpu.memory_space<vmem>> -> memref<200x64xf32, #tpu.memory_space<vmem>>
    %dma_wait3A_162 = arith.constant 0 : i32
    %dma_wait3A_163 = arith.constant 0 : i32
    %dma_wait3A_164 = tpu.memref_slice %arg4[%dma_wait3A_157, %dma_wait3A_162, %dma_wait3A_163] : memref<4096x200x64xf32, #tpu.memory_space<hbm>> -> memref<1x200x64xf32, #tpu.memory_space<hbm>>
    %dma_wait3A_165 = tpu.memref_squeeze %dma_wait3A_164 : memref<1x200x64xf32, #tpu.memory_space<hbm>> -> memref<200x64xf32, #tpu.memory_space<hbm>>
    %dma_wait3A_166 = arith.constant 0 : i32
    %dma_wait3A_167 = arith.constant 0 : i32
    %dma_wait3A_168 = tpu.memref_slice %arg4[%dma_wait3A_157, %dma_wait3A_166, %dma_wait3A_167] : memref<4096x200x64xf32, #tpu.memory_space<hbm>> -> memref<1x200x64xf32, #tpu.memory_space<hbm>>
    %dma_wait3A_169 = tpu.memref_squeeze %dma_wait3A_168 : memref<1x200x64xf32, #tpu.memory_space<hbm>> -> memref<200x64xf32, #tpu.memory_space<hbm>>
    %dma_wait3A_170 = arith.constant 0 : i32
    %dma_wait3A_171 = arith.constant 0 : i32
    %dma_wait3A_172 = tpu.memref_slice %arg6[%dma_wait3A_156, %dma_wait3A_170, %dma_wait3A_171] : memref<4x200x64xf32, #tpu.memory_space<vmem>> -> memref<1x200x64xf32, #tpu.memory_space<vmem>>
    %dma_wait3A_173 = tpu.memref_squeeze %dma_wait3A_172 : memref<1x200x64xf32, #tpu.memory_space<vmem>> -> memref<200x64xf32, #tpu.memory_space<vmem>>
    tpu.wait_dma2 semaphore(%arg11 : memref<!tpu.dma_semaphore, #tpu.memory_space<semaphore_mem>>) src(%dma_wait3A_173 : memref<200x64xf32, #tpu.memory_space<vmem>>) dst(%dma_wait3A_169 : memref<200x64xf32, #tpu.memory_space<hbm>>)
    return
  }
}

</mosaic_0001>

<sc_bundles>
// kernel: kernel.3.cloned.1.call-start
scs
__scs_entry_jumppad:
0x0: {  	(pc) =	sbr.rel $0x88, $3  }
0x1: {  	(tag) =	ssettag $0x0;
	lr =	simm.s32 $0x1  }
0x2: {  	[smem:$0x3F9F] =	sst lr;
	_ =	strace $0xD0000000  }
0x3: {  	_ = 	snop  }
0x4: {  	_ = 	snop  }
0x5: {  	_ = 	snop  }
0x6: {  	_ = 	snop  }
0x7: {  	_ = 	snop  }
__scs_overlays_trampoline_lowered:
0x8: {  	[smem:$0x3FAE] =	sst s0  }
0x9: {  	[smem:$0x3FAF] =	sst s1  }
0xa: {  	[smem:$0x3FB0] =	sst s2  }
0xb: {  	[smem:$0x3FB1] =	sst s3  }
0xc: {  	[smem:$0x3FB2] =	sst s4  }
0xd: {  	[smem:$0x3FB3] =	sst s5  }
0xe: {  	[smem:$0x3FB4] =	sst s6  }
0xf: {  	[smem:$0x3FB5] =	sst s7  }
0x10: {  	[smem:$0x3FB6] =	sst s8  }
0x11: {  	[smem:$0x3FB7] =	sst s9;
	s0 =	simm.s32 @!p0 $0x0  }
0x12: {  	s1 =	sld [smem:$0x3F9D];
	s0 =	simm.s32 @p0 $0x1  }
0x13: {  	[smem:$0x3FB8] =	sst s0;
	s0 =	simm.s32 @!p1 $0x0  }
0x14: {  	s2 =	sld [smem:$0x3F9C];
	s0 =	simm.s32 @p1 $0x1  }
0x15: {  	[smem:$0x3FB9] =	sst s0;
	s0 =	simm.s32 @!p2 $0x0  }
0x16: {  	s3 =	sld [smem:$0x3FDB];
	s0 =	simm.s32 @p2 $0x1  }
0x17: {  	s4 =	simm.s32 $0x1BF5;
	[smem:$0x3FBB] =	sst s0  }
0x18: {  	s0 =	sld [smem:$0x3F9E];
	_ =	swait.ge [sflag:s4], $0x0  }
0x19: {  	s7 =	sld [smem:$0x3F9F]  }
0x1a: {  	s8 =	sadd.s32 $0xFFFFE003, lr  }
0x1b: {  	s9 =	sadd.s32 $0xFFFFFEF7, lr;
	s5 =	simm.s32 $0xFFFFFFFF;
	p2 =	slt.u32 s8, $0xFFFFF086  }
0x1c: {  	p1 =	slt.u32 s9, $0xF7A;
	s5 =	simm.s32 @!p2 $0x0  }
0x1d: {  	s5 =	simm.s32 @p1 $0x1;
	p0 =	seq.s32 s7, s2  }
0x1e: {  	s7 =	smul.u32 @!p0 $0xF7A, s2;
	p2 =	seq.s32 @!p0 s5, $0x0  }
0x1f: {  	s9 =	smul.u32 $0xF7A, s1;
	s8 =	simm.s32 @!p0 $0x1BF5;
	p2 =	por !p2, p0  }
0x20: {  	[sflag:s8] =	ssyncset.s32 @!p0 $0xFFFFF086;
	s6 =	sadd.s32 @!p0 s3, s7;
	s7 =	simm.s32 @!p0 $0x108  }
0x21: {  	s3 =	sadd.s32 s3, s9;
	s6 =	sadd.s32 @!p0 $0x88, s6;
	s7 =	simm.s32 @p2 $0x1082  }
0x22: {  	[simem:s7], [sflag:s8] =	dma.local @!p0 [hbm:s6], $0xF7A  }
0x23: {  	s9 =	sor.u32 $0xD0000000, s2;
	s6 =	simm.s32 $0x108;
	_ =	swait.ge @!p0 [sflag:s8], $0x0  }
0x24: {  	s3 =	sadd.s32 $0x88, s3;
	s6 =	simm.s32 @!p1 $0x1082;
	[sflag:s4] =	ssyncset.s32 $0xFFFFF086  }
0x25: {  	[simem:s6], [sflag:s4] =	dma.local [hbm:s3], $0xF7A  }
0x26: {  	[smem:$0x3F9F] =	sst s1;
	(tag) =	ssettag s2;
	_ =	strace s9  }
0x27: {  	s1 =	sld [smem:$0x3FAF]  }
0x28: {  	s2 =	sld [smem:$0x3FB0]  }
0x29: {  	s4 =	sld [smem:$0x3FB2]  }
0x2a: {  	p0 =	seq.s32 s5, $0x0;
	s5 =	sld [smem:$0x3FB3]  }
0x2b: {  	s6 =	sld [smem:$0x3FB4]  }
0x2c: {  	s7 =	sld [smem:$0x3FB5]  }
0x2d: {  	s3 =	simm.s32 $0x108;
	s8 =	sld [smem:$0x3FB6]  }
0x2e: {  	s3 =	simm.s32 @!p0 $0x1082;
	s9 =	sld [smem:$0x3FB7]  }
0x2f: {  	lr =	sadd.s32 s0, s3;
	s0 =	sld [smem:$0x3FAE]  }
0x30: {  	s3 =	sld [smem:$0x3FB1]  }
0x31: {  	[smem:$0x3FBA] =	sst s10  }
0x32: {  	s10 =	sld [smem:$0x3FB8];
	_ =	sdelay $0x3  }
0x33: {  	p0 =	seq.s32 s10, $0x1;
	s10 =	sld [smem:$0x3FBA];
	_ =	sdelay $0x3  }
0x34: {  	[smem:$0x3FBA] =	sst s10  }
0x35: {  	s10 =	sld [smem:$0x3FB9];
	_ =	sdelay $0x3  }
0x36: {  	p1 =	seq.s32 s10, $0x1;
	s10 =	sld [smem:$0x3FBA];
	_ =	sdelay $0x3  }
0x37: {  	[smem:$0x3FBA] =	sst s10  }
0x38: {  	s10 =	sld [smem:$0x3FBB]  }
0x39: {  	_ = 	snop;
	(pc) =	sbr.ind lr, $3  }
0x3a: {  	_ = 	snop  }
0x3b: {  	_ = 	snop  }
0x3c: {  	p2 =	seq.s32 s10, $0x1;
	s10 =	sld [smem:$0x3FBA]  }
0x3d: {  	_ =	shalt  }
0x3e: {  	_ =	shalt  }
0x3f: {  	_ =	shalt  }
0x40: {  	_ =	shalt  }
0x41: {  	_ =	shalt  }
0x42: {  	_ =	shalt  }
0x43: {  	_ =	shalt  }
0x44: {  	_ =	shalt  }
0x45: {  	_ =	shalt  }
0x46: {  	_ =	shalt  }
0x47: {  	_ =	shalt  }
0x48: {  	_ =	shalt  }
0x49: {  	_ =	shalt  }
0x4a: {  	_ =	shalt  }
0x4b: {  	_ =	shalt  }
0x4c: {  	_ =	shalt  }
0x4d: {  	_ =	shalt  }
0x4e: {  	_ =	shalt  }
0x4f: {  	_ =	shalt  }
0x50: {  	_ =	shalt  }
0x51: {  	_ =	shalt  }
0x52: {  	_ =	shalt  }
0x53: {  	_ =	shalt  }
0x54: {  	_ =	shalt  }
0x55: {  	_ =	shalt  }
0x56: {  	_ =	shalt  }
0x57: {  	_ =	shalt  }
0x58: {  	_ =	shalt  }
0x59: {  	_ =	shalt  }
0x5a: {  	_ =	shalt  }
0x5b: {  	_ =	shalt  }
0x5c: {  	_ =	shalt  }
0x5d: {  	_ =	shalt  }
0x5e: {  	_ =	shalt  }
0x5f: {  	_ =	shalt  }
0x60: {  	_ =	shalt  }
0x61: {  	_ =	shalt  }
0x62: {  	_ =	shalt  }
0x63: {  	_ =	shalt  }
0x64: {  	_ =	shalt  }
0x65: {  	_ =	shalt  }
0x66: {  	_ =	shalt  }
0x67: {  	_ =	shalt  }
0x68: {  	_ =	shalt  }
0x69: {  	_ =	shalt  }
0x6a: {  	_ =	shalt  }
0x6b: {  	_ =	shalt  }
0x6c: {  	_ =	shalt  }
0x6d: {  	_ =	shalt  }
0x6e: {  	_ =	shalt  }
0x6f: {  	_ =	shalt  }
0x70: {  	_ =	shalt  }
0x71: {  	_ =	shalt  }
0x72: {  	_ =	shalt  }
0x73: {  	_ =	shalt  }
0x74: {  	_ =	shalt  }
0x75: {  	_ =	shalt  }
0x76: {  	_ =	shalt  }
0x77: {  	_ =	shalt  }
0x78: {  	_ =	shalt  }
0x79: {  	_ =	shalt  }
0x7a: {  	_ =	shalt  }
0x7b: {  	_ =	shalt  }
0x7c: {  	_ =	shalt  }
0x7d: {  	_ =	shalt  }
0x7e: {  	_ =	shalt  }
0x7f: {  	_ =	shalt  }
0x80: {  	_ =	shalt  }
0x81: {  	_ =	shalt  }
0x82: {  	_ =	shalt  }
0x83: {  	_ =	shalt  }
0x84: {  	_ =	shalt  }
0x85: {  	_ =	shalt  }
0x86: {  	_ =	shalt  }
0x87: {  	_ =	shalt  }
.Lfunc_end0:
.L_simem_size_0:
called_computation.1_lowered:
.L_overlay_start_0:
0x88: {  	s2 =	sld [smem:$0x3FD9]  }
0x89: {  	s3 =	sld [smem:$0x3FFE];
	_ =	sdelay $0x1  }
0x8a: {  	s1 =	srdreg.scid  }
0x8b: {  	s0 =	sand.u32 $0x1, s1  }
0x8c: {  	s17 =	sshll.u32 s0, $0xA;
	s2 =	sadd.s32 s3, s2  }
0x8d: {  	s2 =	sadd.s32 s2, s17  }
0x8e: {  	[smem:$0x3FC6] =	sst s2  }
0x8f: {  	_ = 	snop  }
0x90: {  	s2 =	sld [smem:$0x3FD0];
	(tm) =	ssettm $0x1  }
0x91: {  	s18 =	sld [smem:$0x3FFB];
	_ =	sdelay $0x3  }
0x92: {  	_ =	strace s18  }
0x93: {  	s3 =	sld [smem:$0x3FFC];
	_ =	sdelay $0x3  }
0x94: {  	_ =	strace s3  }
0x95: {  	s3 =	sld [smem:$0x3FFD];
	_ =	sdelay $0x3  }
0x96: {  	_ =	strace s3  }
0x97: {  	_ =	strace $0x8FFFFFFF  }
0x98: {  	s19 =	sld [smem:$0x3FDB];
	_ =	sdelay $0x1  }
0x99: {  	s4 =	simm.s32 $_scs_section_size  }
0x9a: {  	s5 =	simm.s32 $_size__tile_overlayer_lowered;
	s6 =	simm.s32 $_tile_overlayer_lowered  }
0x9b: {  	s22 =	simm.s32 $0x1BFF;
	s21 =	sshll.u32 s6, $0x1;
	s3 =	sadd.s32 s4, s19  }
0x9c: {  	s7 =	simm.s32 $0x0;
	s20 =	sshll.u32 s5, $0x1;
	s5 =	sadd.s32 s21, s3  }
0x9d: {  	[timem:s7], [sflag:s22] =	dma.local [hbm:s5], s20  }
0x9e: {  	_ =	swait.ge [sflag:s22], s20  }
0x9f: {  	s4 =	ssub.s32 $0x0, s20;
	[sflag:s22] =	ssyncset.done $0x0  }
0xa0: {  	[sflag:s22] =	ssyncadd.s32 s4;
	_ =	sdelay $0x1  }
0xa1: {  	s23 =	simm.s32 $0x1B8B  }
0xa2: {  	_ =	swait.ge [sflag:s23], $0x1  }
0xa3: {  	[sflag:s23] =	ssyncset.done $0x0  }
0xa4: {  	s25 =	simm.s32 $0x1B8E;
	s24 =	sld [smem:$0x3FFE];
	[sflag:s23] =	ssyncadd.s32 $0xFFFFFFFF  }
0xa5: {  	s26 =	simm.s32 $execute0_lowered;
	[smem:$0x3FD2] =	sst s25  }
0xa6: {  	s5 =	sshll.u32 s26, $0x1;
	_ =	strace $0x80000046;
	[dreg:$0x1] =	wrdreg $0xFFFFFFFF  }
0xa7: {  	s28 =	simm.s32 $_size_execute0_lowered;
	s3 =	sadd.s32 s3, s5;
	[dreg:$0x0] =	wrdreg $0x0  }
0xa8: {  	s5 =	sshll.u32 s28, $0x1;
	[dreg:$0x2] =	wrdreg s3  }
0xa9: {  	[dreg:$0x3] =	wrdreg s5  }
0xaa: {  	[dreg:$0x4] =	wrdreg $0xC0  }
0xab: {  	_ =	task [dreg:s7], $0x5FFFF  }
0xac: {  	[dreg:$0x1] =	wrdreg $0xFFFFFFFF  }
0xad: {  	[dreg:$0x0] =	wrdreg $0x60  }
0xae: {  	[dreg:$0x2] =	wrdreg s24  }
0xaf: {  	[dreg:$0x3] =	wrdreg s2  }
0xb0: {  	[dreg:$0x4] =	wrdreg $0x9  }
0xb1: {  	_ =	task.clear_ibuf [dreg:s7], $0x5FFFF;
	_ =	strace $0x90000046  }
0xb2: {  	s29 =	simm.s32 $0x9;
	_ =	strace $0x80000048  }
0xb3: {  	_ =	swait.ge [sflag:s29], $0x1  }
0xb4: {  	[sflag:s29] =	ssyncadd.s32 $0xFFFFFFFF  }
0xb5: {  	_ =	strace $0x90000048  }
0xb6: {  	_ =	sfence  }
0xb7: {  	s30 =	sld [smem:$0x0];
	_ =	sdelay $0x2  }
0xb8: {  	s31 =	sshll.u32 s1, $0xD;
	s1 =	sshrl.u32 s1, $0x2  }
0xb9: {  	s3 =	sand.u32 $0x4000, s31;
	s1 =	sadd.s32 s1, s30  }
0xba: {  	s0 =	sor.u32 s3, s0;
	s1 =	sshll.u32 s1, $0x11  }
0xbb: {  	s0 =	sor.u32 s1, s0  }
0xbc: {  	s0 =	sadd.s32 $0x8F2B, s0  }
0xbd: {  	[sflag:s0] =	ssyncadd.remote.s32 $0x1  }
0xbe: {  	_ =	sfence.sel $0xFFFF  }
0xbf: {  	[dreg:$0x0] =	wrdreg $0xFFFFFFFF;
	(pc) =	sbr.abs _section_cstart, $3  }
0xc0: {  	[dreg:$0x1] =	wrdreg $0xFFFFFFFF  }
0xc1: {  	_ =	task.clear_ibuf [dreg:s7], $0x2FFFF;
	_ =	strace $0x9FFFFFFF  }
0xc2: {  	(tm) =	ssettm $0x7FFFFFFF  }
0xc3: {  	_ =	shalt  }
tec
execute0_lowered:
.L_overlay_start_1:
0x0: {  	(tag) =	ssettag $0x1  }
0x1: {  	s0 =	srdreg.scid  }
0x2: {  	s2 =	stileid.u32;
	s1 =	rddreg [dreg:$0x0]  }
0x3: {  	s8 =	simm.s32 $0x6;
	s9 =	simm.s32 $0x80;
	s10 =	simm.s32 $0x6400  }
0x4: {  	s11 =	simm.s32 $0x48;
	s14 =	simm.s32 $0x9600;
	s18 =	simm.s32 $0xC800  }
0x5: {  	s20 =	simm.s32 $0xE800;
	s21 =	simm.s32 $0x258;
	s22 =	simm.s32 $0xFA00  }
0x6: {  	s23 =	simm.s32 $0x2D8;
	s24 =	simm.s32 $0x11A00;
	s25 =	simm.s32 $0x1  }
0x7: {  	s26 =	simm.s32 $0x2;
	s28 =	simm.s32 $0x3;
	s0 =	sand.u32 $0x1, s0  }
0x8: {  	s29 =	simm.s32 $0x4;
	s3 =	sshll.u32 s2, $0x8;
	s4 =	sshll.u32 s0, $0x7  }
0x9: {  	s30 =	simm.s32 $0x5;
	s2 =	rddreg [dreg:$0x1];
	s3 =	sor.u32 s4, s3  }
0xa: {  	s0 =	ssub.s32 $0x2, s0;
	s4 =	simm.s32 $0x0;
	s5 =	smul.u32 $0x19, s3  }
0xb: {  	s31 =	simm.s32 $0x0;
	s7 =	sshrl.u32 s0, $0x1;
	[smem:$0x7FF] =	sst s4  }
0xc: {  	s0 =	ssub.s32 s0, s7;
	_ =	strace $0x80000047;
	s6 =	sadd.s32 s5, s1  }
0xd: {  	s7 =	smax.u32 s0, $0x1;
	s5 =	sadd.s32 $0xF42E00, s1;
	s6 =	sadd.s32 $0xA00, s6  }
.LBB2_1:
0xe: {  	[tilespmem:s4], [sflag:$0x6] =	stream.linear.gather [hbm4b:s6+s4], $0x6400, $0x38;
	[tilespmem:$0x12C00] =	vst v63  }
0xf: {  	_ =	swait.ge [sflag:s8], $0x6400  }
0x10: {  	[sflag:s8] =	ssyncset.done $0x0  }
0x11: {  	[sflag:s8] =	ssyncadd.s32 $0xFFFF9C00  }
0x12: {  	[tilespmem:s10], [sflag:$0x1] =	stream.indirect.gather [hbm4b:s5+s9], $0x40, s4, s9, $0xb8;
	[tilespmem:$0x12C00] =	vst v63  }
0x13: {  	s0 =	simm.s32 $0x8400  }
0x14: {  	[tilespmem:s0], [sflag:$0x1] =	stream.indirect.gather [hbm4b:s5+s11], $0x40, s9, s11, $0xb8;
	[tilespmem:$0x12C00] =	vst v63  }
0x15: {  	s15 =	simm.s32 $0xC8  }
0x16: {  	[tilespmem:s14], [sflag:$0x2] =	stream.indirect.gather [hbm4b:s5+s9], $0x40, s15, s9, $0xb8;
	[tilespmem:$0x12C00] =	vst v63  }
0x17: {  	s16 =	simm.s32 $0x148;
	s1 =	simm.s32 $0xB600  }
0x18: {  	[tilespmem:s1], [sflag:$0x2] =	stream.indirect.gather [hbm4b:s5+s11], $0x40, s16, s11, $0xb8;
	[tilespmem:$0x12C00] =	vst v63  }
0x19: {  	s17 =	simm.s32 $0x190  }
0x1a: {  	[tilespmem:s18], [sflag:$0x3] =	stream.indirect.gather [hbm4b:s5+s9], $0x40, s17, s9, $0xb8;
	[tilespmem:$0x12C00] =	vst v63  }
0x1b: {  	s19 =	simm.s32 $0x210  }
0x1c: {  	[tilespmem:s20], [sflag:$0x3] =	stream.indirect.gather [hbm4b:s5+s11], $0x40, s19, s11, $0xb8;
	[tilespmem:$0x12C00] =	vst v63  }
0x1d: {  	_ = 	snop  }
0x1e: {  	[tilespmem:s22], [sflag:$0x4] =	stream.indirect.gather [hbm4b:s5+s9], $0x40, s21, s9, $0xb8;
	[tilespmem:$0x12C00] =	vst v63  }
0x1f: {  	s1 =	simm.s32 $0x0  }
0x20: {  	[tilespmem:s24], [sflag:$0x4] =	stream.indirect.gather [hbm4b:s5+s11], $0x40, s23, s11, $0xb8;
	[tilespmem:$0x12C00] =	vst v63  }
.LBB2_2:
0x21: {  	p0 =	seq.s32 s1, $0x0  }
0x22: {  	s0 =	sshllo.u32 s1, $0x2;
	s12 =	simm.s32 @!p0 $0x5  }
0x23: {  	s13 =	smul.u32 @!p0 $0x320, s0;
	_ =	swait.ge @!p0 [sflag:s12], $0x3200  }
0x24: {  	s15 =	simm.s32 @!p0 $0xFA00;
	[sflag:s12] =	ssyncset.done @!p0 $0x0  }
0x25: {  	[sflag:s12] =	ssyncadd.s32 @!p0 $0xFFFFCE00;
	s12 =	sshra.s32 @!p0 s13, $0x2;
	s13 =	simm.s32 @!p0 $0x80  }
0x26: {  	[tilespmem:s15], [sflag:$0x4] =	stream.indirect.gather @!p0 [hbm4b:s5+s13], $0x40, s12, s13, $0xb8;
	[tilespmem:$0x12C00] =	vst v63  }
0x27: {  	s12 =	sadd.s32 @!p0 $0x80, s12;
	s13 =	simm.s32 @!p0 $0x48;
	s15 =	simm.s32 @!p0 $0x11A00  }
0x28: {  	[tilespmem:s15], [sflag:$0x4] =	stream.indirect.gather @!p0 [hbm4b:s5+s13], $0x40, s12, s13, $0xb8;
	[tilespmem:$0x12C00] =	vst v63  }
0x29: {  	_ =	swait.ge [sflag:s25], $0x3200  }
0x2a: {  	[sflag:s25] =	ssyncset.done $0x0  }
0x2b: {  	s12 =	simm.s32 $0x6600;
	[sflag:s25] =	ssyncadd.s32 $0xFFFFCE00  }
0x2c: {  	v0 =	vld [tilespmem:s12+$0xFFFFFE10]  }
0x2d: {  	v1 =	vld [tilespmem:s12+$0xFFFFFE20]  }
0x2e: {  	v2 =	vld [tilespmem:s12+$0xFFFFFE30]  }
0x2f: {  	v3 =	vld [tilespmem:s12+$0xFFFFFE40]  }
0x30: {  	v4 =	vld [tilespmem:s12+$0xFFFFFE50]  }
0x31: {  	v5 =	vld [tilespmem:s12+$0xFFFFFE60];
	v0 =	vmul.f32 $8.000000000e+00, v0  }
0x32: {  	v6 =	vld [tilespmem:s12+$0xFFFFFE70];
	v1 =	vmul.f32 $8.000000000e+00, v1  }
0x33: {  	v8 =	vld [tilespmem:s12+$0x10];
	v2 =	vmul.f32 $8.000000000e+00, v2;
	[tilespmem:s12+$0xFFFFFE10] =	vst v0  }
0x34: {  	v9 =	vld [tilespmem:s12+$0x20];
	v3 =	vmul.f32 $8.000000000e+00, v3;
	[tilespmem:s12+$0xFFFFFE20] =	vst v1  }
0x35: {  	v10 =	vld [tilespmem:s12+$0x30];
	v4 =	vmul.f32 $8.000000000e+00, v4;
	[tilespmem:s12+$0xFFFFFE30] =	vst v2  }
0x36: {  	v11 =	vld [tilespmem:s12+$0x40];
	v5 =	vmul.f32 $8.000000000e+00, v5;
	[tilespmem:s12+$0xFFFFFE40] =	vst v3  }
0x37: {  	v12 =	vld [tilespmem:s12+$0x50];
	v6 =	vmul.f32 $8.000000000e+00, v6;
	[tilespmem:s12+$0xFFFFFE50] =	vst v4  }
0x38: {  	v7 =	vld [tilespmem:s12+$0x1F0];
	v8 =	vmul.f32 $8.000000000e+00, v8;
	[tilespmem:s12+$0xFFFFFE60] =	vst v5  }
0x39: {  	v53 =	vld [tilespmem:s12+$0xFFFFFF00];
	v9 =	vmul.f32 $8.000000000e+00, v9;
	[tilespmem:s12+$0xFFFFFE70] =	vst v6  }
0x3a: {  	v54 =	vld [tilespmem:s12+$0xFFFFFF10];
	v10 =	vmul.f32 $8.000000000e+00, v10;
	[tilespmem:s12+$0x10] =	vst v8  }
0x3b: {  	v55 =	vld [tilespmem:s12+$0xFFFFFF20];
	v11 =	vmul.f32 $8.000000000e+00, v11;
	[tilespmem:s12+$0x20] =	vst v9  }
0x3c: {  	v56 =	vld [tilespmem:s12+$0xFFFFFF30];
	v12 =	vmul.f32 $8.000000000e+00, v12;
	[tilespmem:s12+$0x30] =	vst v10  }
0x3d: {  	v57 =	vld [tilespmem:s12+$0xF0];
	v4 =	vmul.f32 $8.000000000e+00, v7;
	[tilespmem:s12+$0x40] =	vst v11  }
0x3e: {  	v58 =	vld [tilespmem:s12+$0x100];
	[tilespmem:s12+$0x50] =	vst v12;
	v9 =	vmul.f32 $8.000000000e+00, v53  }
0x3f: {  	v59 =	vld [tilespmem:s12+$0x110];
	v10 =	vmul.f32 $8.000000000e+00, v54;
	[tilespmem:s12+$0x1F0] =	vst v4  }
0x40: {  	v60 =	vld [tilespmem:s12+$0x120];
	v11 =	vmul.f32 $8.000000000e+00, v55;
	[tilespmem:s12+$0xFFFFFF00] =	vst v9  }
0x41: {  	v5 =	vld [tilespmem:s12+$0x0];
	v12 =	vmul.f32 $8.000000000e+00, v56;
	[tilespmem:s12+$0xFFFFFF10] =	vst v10  }
0x42: {  	v0 =	vld [tilespmem:s12+$0xFFFFFE80];
	[tilespmem:s12+$0xFFFFFF20] =	vst v11;
	v9 =	vmul.f32 $8.000000000e+00, v57  }
0x43: {  	v1 =	vld [tilespmem:s12+$0xFFFFFE90];
	[tilespmem:s12+$0xFFFFFF30] =	vst v12;
	v10 =	vmul.f32 $8.000000000e+00, v58  }
0x44: {  	v2 =	vld [tilespmem:s12+$0xFFFFFEA0];
	v11 =	vmul.f32 $8.000000000e+00, v59;
	[tilespmem:s12+$0xF0] =	vst v9  }
0x45: {  	v3 =	vld [tilespmem:s12+$0xFFFFFEB0];
	v12 =	vmul.f32 $8.000000000e+00, v60;
	[tilespmem:s12+$0x100] =	vst v10  }
0x46: {  	v7 =	vld [tilespmem:s12+$0xFFFFFEC0];
	[tilespmem:s12+$0x110] =	vst v11;
	v5 =	vmul.f32 $8.000000000e+00, v5  }
0x47: {  	v6 =	vld [tilespmem:s12+$0x60];
	[tilespmem:s12+$0x120] =	vst v12;
	v0 =	vmul.f32 $8.000000000e+00, v0  }
0x48: {  	v8 =	vld [tilespmem:s12+$0xFFFFFEF0];
	v1 =	vmul.f32 $8.000000000e+00, v1;
	[tilespmem:s12+$0x0] =	vst v5  }
0x49: {  	v4 =	vld [tilespmem:s12+$0xFFFFFED0];
	v2 =	vmul.f32 $8.000000000e+00, v2;
	[tilespmem:s12+$0xFFFFFE80] =	vst v0  }
0x4a: {  	v3 =	vmul.f32 $8.000000000e+00, v3;
	v5 =	vld [tilespmem:s12+$0xFFFFFEE0];
	[tilespmem:s12+$0xFFFFFE90] =	vst v1  }
0x4b: {  	v7 =	vmul.f32 $8.000000000e+00, v7;
	v0 =	vld [tilespmem:s12+$0x70];
	[tilespmem:s12+$0xFFFFFEA0] =	vst v2  }
0x4c: {  	v6 =	vmul.f32 $8.000000000e+00, v6;
	v1 =	vld [tilespmem:s12+$0x80];
	[tilespmem:s12+$0xFFFFFEB0] =	vst v3  }
0x4d: {  	v8 =	vmul.f32 $8.000000000e+00, v8;
	v2 =	vld [tilespmem:s12+$0x90];
	[tilespmem:s12+$0xFFFFFEC0] =	vst v7  }
0x4e: {  	v3 =	vld [tilespmem:s12+$0xA0];
	v4 =	vmul.f32 $8.000000000e+00, v4;
	[tilespmem:s12+$0x60] =	vst v6  }
0x4f: {  	v7 =	vld [tilespmem:s12+$0xB0];
	[tilespmem:s12+$0xFFFFFEF0] =	vst v8;
	v5 =	vmul.f32 $8.000000000e+00, v5  }
0x50: {  	v6 =	vld [tilespmem:s12+$0xFFFFFF40];
	[tilespmem:s12+$0xFFFFFED0] =	vst v4;
	v0 =	vmul.f32 $8.000000000e+00, v0  }
0x51: {  	v8 =	vld [tilespmem:s12+$0xE0];
	v1 =	vmul.f32 $8.000000000e+00, v1;
	[tilespmem:s12+$0xFFFFFEE0] =	vst v5  }
0x52: {  	v4 =	vld [tilespmem:s12+$0xC0];
	v2 =	vmul.f32 $8.000000000e+00, v2;
	[tilespmem:s12+$0x70] =	vst v0  }
0x53: {  	v3 =	vmul.f32 $8.000000000e+00, v3;
	v5 =	vld [tilespmem:s12+$0xD0];
	[tilespmem:s12+$0x80] =	vst v1  }
0x54: {  	v7 =	vmul.f32 $8.000000000e+00, v7;
	v0 =	vld [tilespmem:s12+$0xFFFFFF50];
	[tilespmem:s12+$0x90] =	vst v2  }
0x55: {  	v6 =	vmul.f32 $8.000000000e+00, v6;
	v1 =	vld [tilespmem:s12+$0xFFFFFF60];
	[tilespmem:s12+$0xA0] =	vst v3  }
0x56: {  	v8 =	vmul.f32 $8.000000000e+00, v8;
	v2 =	vld [tilespmem:s12+$0xFFFFFF70];
	[tilespmem:s12+$0xB0] =	vst v7  }
0x57: {  	v3 =	vld [tilespmem:s12+$0xFFFFFF80];
	v4 =	vmul.f32 $8.000000000e+00, v4;
	[tilespmem:s12+$0xFFFFFF40] =	vst v6  }
0x58: {  	v6 =	vld [tilespmem:s12+$0x130];
	[tilespmem:s12+$0xE0] =	vst v8;
	v5 =	vmul.f32 $8.000000000e+00, v5  }
0x59: {  	v7 =	vld [tilespmem:s12+$0xFFFFFF90];
	[tilespmem:s12+$0xC0] =	vst v4;
	v0 =	vmul.f32 $8.000000000e+00, v0  }
0x5a: {  	v8 =	vld [tilespmem:s12+$0xFFFFFFC0];
	v1 =	vmul.f32 $8.000000000e+00, v1;
	[tilespmem:s12+$0xD0] =	vst v5  }
0x5b: {  	v4 =	vld [tilespmem:s12+$0xFFFFFFA0];
	v2 =	vmul.f32 $8.000000000e+00, v2;
	[tilespmem:s12+$0xFFFFFF50] =	vst v0  }
0x5c: {  	v62 =	vld [tilespmem:s12+$0xFFFFFFE0];
	v3 =	vmul.f32 $8.000000000e+00, v3;
	[tilespmem:s12+$0xFFFFFF60] =	vst v1  }
0x5d: {  	v6 =	vmul.f32 $8.000000000e+00, v6;
	v5 =	vld [tilespmem:s12+$0xFFFFFFB0];
	[tilespmem:s12+$0xFFFFFF70] =	vst v2  }
0x5e: {  	v7 =	vmul.f32 $8.000000000e+00, v7;
	v0 =	vld [tilespmem:s12+$0x140];
	[tilespmem:s12+$0xFFFFFF80] =	vst v3  }
0x5f: {  	v1 =	vld [tilespmem:s12+$0x150];
	[tilespmem:s12+$0x130] =	vst v6;
	v6 =	vmul.f32 $8.000000000e+00, v8  }
0x60: {  	v2 =	vld [tilespmem:s12+$0x160];
	v4 =	vmul.f32 $8.000000000e+00, v4;
	[tilespmem:s12+$0xFFFFFF90] =	vst v7  }
0x61: {  	v61 =	vld [tilespmem:s12+$0xFFFFFFD0];
	[tilespmem:s12+$0xFFFFFFC0] =	vst v6;
	v6 =	vmul.f32 $8.000000000e+00, v62  }
0x62: {  	v3 =	vld [tilespmem:s12+$0x170];
	[tilespmem:s12+$0xFFFFFFA0] =	vst v4;
	v5 =	vmul.f32 $8.000000000e+00, v5  }
0x63: {  	v63 =	vld [tilespmem:s12+$0xFFFFFFF0];
	[tilespmem:s12+$0xFFFFFFE0] =	vst v6;
	v0 =	vmul.f32 $8.000000000e+00, v0  }
0x64: {  	v7 =	vld [tilespmem:s12+$0x180];
	v1 =	vmul.f32 $8.000000000e+00, v1;
	[tilespmem:s12+$0xFFFFFFB0] =	vst v5  }
0x65: {  	v4 =	vld [tilespmem:s12+$0x190];
	v2 =	vmul.f32 $8.000000000e+00, v2;
	[tilespmem:s12+$0x140] =	vst v0  }
0x66: {  	v8 =	vld [tilespmem:s12+$0x1A0];
	v5 =	vmul.f32 $8.000000000e+00, v61;
	[tilespmem:s12+$0x150] =	vst v1  }
0x67: {  	v3 =	vmul.f32 $8.000000000e+00, v3;
	v0 =	vld [tilespmem:s12+$0x1B0];
	[tilespmem:s12+$0x160] =	vst v2  }
0x68: {  	v1 =	vld [tilespmem:s12+$0x1C0];
	[tilespmem:s12+$0xFFFFFFD0] =	vst v5;
	v5 =	vmul.f32 $8.000000000e+00, v63  }
0x69: {  	v6 =	vmul.f32 $8.000000000e+00, v7;
	v2 =	vld [tilespmem:s12+$0x1D0];
	[tilespmem:s12+$0x170] =	vst v3  }
0x6a: {  	v3 =	vld [tilespmem:s12+$0x1E0];
	[tilespmem:s12+$0xFFFFFFF0] =	vst v5;
	v5 =	vmul.f32 $8.000000000e+00, v4  }
0x6b: {  	s16 =	simm.s32 $0x6A00;
	s13 =	sshll.u32 s1, $0x2;
	s15 =	simm.s32 $0x0;
	[tilespmem:s12+$0x180] =	vst v6;
	v6 =	vmul.f32 $8.000000000e+00, v8;
	v4 =	vld [tilespmem:s12+$0xFFFFFE00]  }
.LBB2_3:
0x6c: {  	v7 =	vld [tilespmem:s16+$0x1F0];
	s15 =	sadd.s32 $0x10, s15;
	[tilespmem:s12+$0x190] =	vst v5;
	v0 =	vmul.f32 $8.000000000e+00, v0  }
0x6d: {  	v5 =	vld [tilespmem:s16+$0xFFFFFE10];
	p0 =	slt.u32 s15, $0xB0;
	[tilespmem:s12+$0x1A0] =	vst v6;
	v1 =	vmul.f32 $8.000000000e+00, v1  }
0x6e: {  	v6 =	vld [tilespmem:s16+$0xFFFFFE20];
	[tilespmem:s12+$0x1B0] =	vst v0;
	v0 =	vmul.f32 $8.000000000e+00, v2  }
0x6f: {  	v2 =	vld [tilespmem:s16+$0xFFFFFE30];
	[tilespmem:s12+$0x1C0] =	vst v1;
	v1 =	vmul.f32 $8.000000000e+00, v3  }
0x70: {  	v3 =	vld [tilespmem:s16+$0xFFFFFE40];
	v4 =	vmul.f32 $8.000000000e+00, v4;
	[tilespmem:s12+$0x1D0] =	vst v0  }
0x71: {  	v0 =	vld [tilespmem:s16+$0xFFFFFE50];
	v7 =	vmul.f32 $8.000000000e+00, v7;
	[tilespmem:s12+$0x1E0] =	vst v1  }
0x72: {  	v1 =	vmul.f32 $8.000000000e+00, v5;
	v5 =	vld [tilespmem:s16+$0xFFFFFE60];
	[tilespmem:s12+$0xFFFFFE00] =	vst v4;
	s12 =	smov.u32 s16  }
0x73: {  	v4 =	vmul.f32 $8.000000000e+00, v6;
	v6 =	vld [tilespmem:s16+$0xFFFFFE70];
	[tilespmem:s16+$0x1F0] =	vst v7  }
0x74: {  	[tilespmem:s16+$0xFFFFFE10] =	vst v1;
	v1 =	vmul.f32 $8.000000000e+00, v2;
	v2 =	vld [tilespmem:s16+$0xFFFFFE80]  }
0x75: {  	[tilespmem:s16+$0xFFFFFE20] =	vst v4;
	v3 =	vmul.f32 $8.000000000e+00, v3;
	v4 =	vld [tilespmem:s16+$0xFFFFFE90]  }
0x76: {  	[tilespmem:s16+$0xFFFFFE30] =	vst v1;
	v0 =	vmul.f32 $8.000000000e+00, v0;
	v1 =	vld [tilespmem:s16+$0xFFFFFEA0]  }
0x77: {  	[tilespmem:s16+$0xFFFFFE40] =	vst v3;
	v3 =	vmul.f32 $8.000000000e+00, v5;
	v5 =	vld [tilespmem:s16+$0xFFFFFEB0]  }
0x78: {  	[tilespmem:s16+$0xFFFFFE50] =	vst v0;
	v0 =	vmul.f32 $8.000000000e+00, v6;
	v6 =	vld [tilespmem:s16+$0xFFFFFEC0]  }
0x79: {  	[tilespmem:s16+$0xFFFFFE60] =	vst v3;
	v2 =	vmul.f32 $8.000000000e+00, v2;
	v3 =	vld [tilespmem:s16+$0xFFFFFED0]  }
0x7a: {  	[tilespmem:s16+$0xFFFFFE70] =	vst v0;
	v0 =	vmul.f32 $8.000000000e+00, v4;
	v4 =	vld [tilespmem:s16+$0xFFFFFEE0]  }
0x7b: {  	[tilespmem:s16+$0xFFFFFE80] =	vst v2;
	v1 =	vmul.f32 $8.000000000e+00, v1;
	v2 =	vld [tilespmem:s16+$0xFFFFFEF0]  }
0x7c: {  	[tilespmem:s16+$0xFFFFFE90] =	vst v0;
	v0 =	vmul.f32 $8.000000000e+00, v5;
	v5 =	vld [tilespmem:s16+$0xFFFFFF00]  }
0x7d: {  	[tilespmem:s16+$0xFFFFFEA0] =	vst v1;
	v1 =	vmul.f32 $8.000000000e+00, v6;
	v6 =	vld [tilespmem:s16+$0xFFFFFF10]  }
0x7e: {  	[tilespmem:s16+$0xFFFFFEB0] =	vst v0;
	v0 =	vmul.f32 $8.000000000e+00, v3;
	v3 =	vld [tilespmem:s16+$0xFFFFFF20]  }
0x7f: {  	[tilespmem:s16+$0xFFFFFEC0] =	vst v1;
	v1 =	vmul.f32 $8.000000000e+00, v4;
	v4 =	vld [tilespmem:s16+$0xFFFFFF30]  }
0x80: {  	[tilespmem:s16+$0xFFFFFED0] =	vst v0;
	v0 =	vmul.f32 $8.000000000e+00, v2;
	v2 =	vld [tilespmem:s16+$0xFFFFFF40]  }
0x81: {  	[tilespmem:s16+$0xFFFFFEE0] =	vst v1;
	v1 =	vmul.f32 $8.000000000e+00, v5;
	v5 =	vld [tilespmem:s16+$0xFFFFFF50]  }
0x82: {  	[tilespmem:s16+$0xFFFFFEF0] =	vst v0;
	v0 =	vmul.f32 $8.000000000e+00, v6;
	v6 =	vld [tilespmem:s16+$0xFFFFFF60]  }
0x83: {  	[tilespmem:s16+$0xFFFFFF00] =	vst v1;
	v1 =	vmul.f32 $8.000000000e+00, v3;
	v3 =	vld [tilespmem:s16+$0xFFFFFF70]  }
0x84: {  	[tilespmem:s16+$0xFFFFFF10] =	vst v0;
	v0 =	vmul.f32 $8.000000000e+00, v4;
	v4 =	vld [tilespmem:s16+$0xFFFFFF80]  }
0x85: {  	[tilespmem:s16+$0xFFFFFF20] =	vst v1;
	v1 =	vmul.f32 $8.000000000e+00, v2;
	v2 =	vld [tilespmem:s16+$0xFFFFFF90]  }
0x86: {  	[tilespmem:s16+$0xFFFFFF30] =	vst v0;
	v0 =	vmul.f32 $8.000000000e+00, v5;
	v5 =	vld [tilespmem:s16+$0xFFFFFFA0]  }
0x87: {  	[tilespmem:s16+$0xFFFFFF40] =	vst v1;
	v1 =	vmul.f32 $8.000000000e+00, v6;
	v6 =	vld [tilespmem:s16+$0xFFFFFFB0]  }
0x88: {  	[tilespmem:s16+$0xFFFFFF50] =	vst v0;
	v0 =	vmul.f32 $8.000000000e+00, v3;
	v3 =	vld [tilespmem:s16+$0xFFFFFFC0]  }
0x89: {  	[tilespmem:s16+$0xFFFFFF60] =	vst v1;
	v1 =	vmul.f32 $8.000000000e+00, v4;
	v4 =	vld [tilespmem:s16+$0xFFFFFFD0]  }
0x8a: {  	[tilespmem:s16+$0xFFFFFF70] =	vst v0;
	v0 =	vmul.f32 $8.000000000e+00, v2;
	v2 =	vld [tilespmem:s16+$0xFFFFFFE0]  }
0x8b: {  	[tilespmem:s16+$0xFFFFFF80] =	vst v1;
	v1 =	vmul.f32 $8.000000000e+00, v5;
	v5 =	vld [tilespmem:s16+$0xFFFFFFF0]  }
0x8c: {  	[tilespmem:s16+$0xFFFFFF90] =	vst v0;
	v0 =	vmul.f32 $8.000000000e+00, v6;
	v6 =	vld [tilespmem:s16+$0x0]  }
0x8d: {  	[tilespmem:s16+$0xFFFFFFA0] =	vst v1;
	v1 =	vmul.f32 $8.000000000e+00, v3;
	v3 =	vld [tilespmem:s16+$0x10]  }
0x8e: {  	[tilespmem:s16+$0xFFFFFFB0] =	vst v0;
	v0 =	vmul.f32 $8.000000000e+00, v4;
	v4 =	vld [tilespmem:s16+$0x20]  }
0x8f: {  	[tilespmem:s16+$0xFFFFFFC0] =	vst v1;
	v1 =	vmul.f32 $8.000000000e+00, v2;
	v2 =	vld [tilespmem:s16+$0x30]  }
0x90: {  	[tilespmem:s16+$0xFFFFFFD0] =	vst v0;
	v0 =	vmul.f32 $8.000000000e+00, v5;
	v5 =	vld [tilespmem:s16+$0x40]  }
0x91: {  	[tilespmem:s16+$0xFFFFFFE0] =	vst v1;
	v1 =	vmul.f32 $8.000000000e+00, v6;
	v6 =	vld [tilespmem:s16+$0x50]  }
0x92: {  	[tilespmem:s16+$0xFFFFFFF0] =	vst v0;
	v0 =	vmul.f32 $8.000000000e+00, v3;
	v3 =	vld [tilespmem:s16+$0x60]  }
0x93: {  	[tilespmem:s16+$0x0] =	vst v1;
	v1 =	vmul.f32 $8.000000000e+00, v4;
	v4 =	vld [tilespmem:s16+$0x70]  }
0x94: {  	[tilespmem:s16+$0x10] =	vst v0;
	v0 =	vmul.f32 $8.000000000e+00, v2;
	v2 =	vld [tilespmem:s16+$0x80]  }
0x95: {  	[tilespmem:s16+$0x20] =	vst v1;
	v1 =	vmul.f32 $8.000000000e+00, v5;
	v5 =	vld [tilespmem:s16+$0x90]  }
0x96: {  	[tilespmem:s16+$0x30] =	vst v0;
	v0 =	vmul.f32 $8.000000000e+00, v6;
	v6 =	vld [tilespmem:s16+$0xA0]  }
0x97: {  	[tilespmem:s16+$0x40] =	vst v1;
	v1 =	vmul.f32 $8.000000000e+00, v3;
	v3 =	vld [tilespmem:s16+$0xB0]  }
0x98: {  	[tilespmem:s16+$0x50] =	vst v0;
	v0 =	vmul.f32 $8.000000000e+00, v4;
	v4 =	vld [tilespmem:s16+$0xC0]  }
0x99: {  	[tilespmem:s16+$0x60] =	vst v1;
	v1 =	vmul.f32 $8.000000000e+00, v2;
	v2 =	vld [tilespmem:s16+$0xD0]  }
0x9a: {  	[tilespmem:s16+$0x70] =	vst v0;
	v0 =	vmul.f32 $8.000000000e+00, v5;
	v5 =	vld [tilespmem:s16+$0xE0]  }
0x9b: {  	[tilespmem:s16+$0x80] =	vst v1;
	v1 =	vmul.f32 $8.000000000e+00, v6;
	v6 =	vld [tilespmem:s16+$0xF0]  }
0x9c: {  	[tilespmem:s16+$0x90] =	vst v0;
	v0 =	vmul.f32 $8.000000000e+00, v3;
	v3 =	vld [tilespmem:s16+$0x100]  }
0x9d: {  	[tilespmem:s16+$0xA0] =	vst v1;
	v1 =	vmul.f32 $8.000000000e+00, v4;
	v4 =	vld [tilespmem:s16+$0x110]  }
0x9e: {  	[tilespmem:s16+$0xB0] =	vst v0;
	v0 =	vmul.f32 $8.000000000e+00, v2;
	v2 =	vld [tilespmem:s16+$0x120]  }
0x9f: {  	[tilespmem:s16+$0xC0] =	vst v1;
	v1 =	vmul.f32 $8.000000000e+00, v5;
	v5 =	vld [tilespmem:s16+$0x130]  }
0xa0: {  	[tilespmem:s16+$0xD0] =	vst v0;
	v0 =	vmul.f32 $8.000000000e+00, v6;
	v6 =	vld [tilespmem:s16+$0x140]  }
0xa1: {  	[tilespmem:s16+$0xE0] =	vst v1;
	v1 =	vmul.f32 $8.000000000e+00, v3;
	v3 =	vld [tilespmem:s16+$0x150]  }
0xa2: {  	[tilespmem:s16+$0xF0] =	vst v0;
	v0 =	vmul.f32 $8.000000000e+00, v4;
	v4 =	vld [tilespmem:s16+$0x160]  }
0xa3: {  	[tilespmem:s16+$0x100] =	vst v1;
	v1 =	vmul.f32 $8.000000000e+00, v2;
	v2 =	vld [tilespmem:s16+$0x170]  }
0xa4: {  	[tilespmem:s16+$0x110] =	vst v0;
	v0 =	vmul.f32 $8.000000000e+00, v5;
	v5 =	vld [tilespmem:s16+$0x180]  }
0xa5: {  	[tilespmem:s16+$0x120] =	vst v1;
	v1 =	vmul.f32 $8.000000000e+00, v6;
	v6 =	vld [tilespmem:s16+$0x190]  }
0xa6: {  	[tilespmem:s16+$0x130] =	vst v0;
	v3 =	vmul.f32 $8.000000000e+00, v3;
	v7 =	vld [tilespmem:s16+$0x1A0]  }
.Ltmp0:
0xa7: {  	[tilespmem:s16+$0x140] =	vst v1;
	v4 =	vmul.f32 $8.000000000e+00, v4;
	v0 =	vld [tilespmem:s16+$0x1B0];
	(pc) =	sbr.rel @p0 .LBB2_3-.Ltmp0, $4  }
0xa8: {  	[tilespmem:s16+$0x150] =	vst v3;
	v3 =	vmul.f32 $8.000000000e+00, v2;
	v1 =	vld [tilespmem:s16+$0x1C0]  }
0xa9: {  	[tilespmem:s16+$0x160] =	vst v4;
	v8 =	vmul.f32 $8.000000000e+00, v5;
	v2 =	vld [tilespmem:s16+$0x1D0]  }
0xaa: {  	[tilespmem:s16+$0x170] =	vst v3;
	v5 =	vmul.f32 $8.000000000e+00, v6;
	v3 =	vld [tilespmem:s16+$0x1E0]  }
0xab: {  	s16 =	sadd.s32 $0x400, s16;
	v4 =	vld [tilespmem:s12+$0xFFFFFE00];
	[tilespmem:s12+$0x180] =	vst v8;
	v6 =	vmul.f32 $8.000000000e+00, v7  }
0xac: {  	[tilespmem:s12+$0x190] =	vst v5;
	v0 =	vmul.f32 $8.000000000e+00, v0  }
0xad: {  	[tilespmem:s12+$0x1A0] =	vst v6;
	v1 =	vmul.f32 $8.000000000e+00, v1  }
0xae: {  	[tilespmem:s12+$0x1B0] =	vst v0;
	v0 =	vmul.f32 $8.000000000e+00, v2  }
0xaf: {  	[tilespmem:s12+$0x1C0] =	vst v1;
	v1 =	vmul.f32 $8.000000000e+00, v3  }
0xb0: {  	v2 =	vmul.f32 $8.000000000e+00, v4;
	[tilespmem:s12+$0x1D0] =	vst v0  }
0xb1: {  	[tilespmem:s12+$0x1E0] =	vst v1  }
0xb2: {  	[tilespmem:s12+$0xFFFFFE00] =	vst v2  }
0xb3: {  	v0 =	vld [tilespmem:$0x9400]  }
0xb4: {  	v1 =	vld [tilespmem:$0x9410]  }
0xb5: {  	v2 =	vld [tilespmem:$0x9420]  }
0xb6: {  	v3 =	vld [tilespmem:$0x9430]  }
0xb7: {  	v4 =	vld [tilespmem:$0x9440]  }
0xb8: {  	v5 =	vld [tilespmem:$0x9450];
	v0 =	vmul.f32 $8.000000000e+00, v0  }
0xb9: {  	v6 =	vld [tilespmem:$0x9460];
	v1 =	vmul.f32 $8.000000000e+00, v1  }
0xba: {  	[tilespmem:$0x9400] =	vst v0;
	v0 =	vmul.f32 $8.000000000e+00, v2;
	v2 =	vld [tilespmem:$0x9470]  }
0xbb: {  	[tilespmem:$0x9410] =	vst v1;
	v1 =	vmul.f32 $8.000000000e+00, v3;
	v3 =	vld [tilespmem:$0x9480]  }
0xbc: {  	[tilespmem:$0x9420] =	vst v0;
	v0 =	vmul.f32 $8.000000000e+00, v4;
	v4 =	vld [tilespmem:$0x9490]  }
0xbd: {  	[tilespmem:$0x9430] =	vst v1;
	v1 =	vmul.f32 $8.000000000e+00, v5;
	v5 =	vld [tilespmem:$0x94A0]  }
0xbe: {  	[tilespmem:$0x9440] =	vst v0;
	v0 =	vmul.f32 $8.000000000e+00, v6;
	v6 =	vld [tilespmem:$0x94B0]  }
0xbf: {  	[tilespmem:$0x9450] =	vst v1;
	v1 =	vmul.f32 $8.000000000e+00, v2;
	v2 =	vld [tilespmem:$0x94C0]  }
0xc0: {  	[tilespmem:$0x9460] =	vst v0;
	v0 =	vmul.f32 $8.000000000e+00, v3;
	v3 =	vld [tilespmem:$0x94D0]  }
0xc1: {  	[tilespmem:$0x9470] =	vst v1;
	v1 =	vmul.f32 $8.000000000e+00, v4;
	v4 =	vld [tilespmem:$0x94E0]  }
0xc2: {  	[tilespmem:$0x9480] =	vst v0;
	v0 =	vmul.f32 $8.000000000e+00, v5;
	v5 =	vld [tilespmem:$0x94F0]  }
0xc3: {  	[tilespmem:$0x9490] =	vst v1;
	v1 =	vmul.f32 $8.000000000e+00, v6;
	v6 =	vld [tilespmem:$0x9500]  }
0xc4: {  	[tilespmem:$0x94A0] =	vst v0;
	v0 =	vmul.f32 $8.000000000e+00, v2;
	v2 =	vld [tilespmem:$0x9510]  }
0xc5: {  	[tilespmem:$0x94B0] =	vst v1;
	v1 =	vmul.f32 $8.000000000e+00, v3;
	v3 =	vld [tilespmem:$0x9520]  }
0xc6: {  	[tilespmem:$0x94C0] =	vst v0;
	v0 =	vmul.f32 $8.000000000e+00, v4;
	v4 =	vld [tilespmem:$0x9530]  }
0xc7: {  	[tilespmem:$0x94D0] =	vst v1;
	v1 =	vmul.f32 $8.000000000e+00, v5;
	v5 =	vld [tilespmem:$0x9540]  }
0xc8: {  	[tilespmem:$0x94E0] =	vst v0;
	v0 =	vmul.f32 $8.000000000e+00, v6;
	v6 =	vld [tilespmem:$0x9550]  }
0xc9: {  	[tilespmem:$0x94F0] =	vst v1;
	v1 =	vmul.f32 $8.000000000e+00, v2;
	v2 =	vld [tilespmem:$0x9560]  }
0xca: {  	[tilespmem:$0x9500] =	vst v0;
	v0 =	vmul.f32 $8.000000000e+00, v3;
	v3 =	vld [tilespmem:$0x9570]  }
0xcb: {  	[tilespmem:$0x9510] =	vst v1;
	v1 =	vmul.f32 $8.000000000e+00, v4;
	v4 =	vld [tilespmem:$0x9580]  }
0xcc: {  	[tilespmem:$0x9520] =	vst v0;
	v0 =	vmul.f32 $8.000000000e+00, v5;
	v5 =	vld [tilespmem:$0x9590]  }
0xcd: {  	[tilespmem:$0x9530] =	vst v1;
	v1 =	vmul.f32 $8.000000000e+00, v6;
	v6 =	vld [tilespmem:$0x95A0]  }
0xce: {  	[tilespmem:$0x9540] =	vst v0;
	v0 =	vmul.f32 $8.000000000e+00, v2;
	v2 =	vld [tilespmem:$0x95B0]  }
0xcf: {  	[tilespmem:$0x9550] =	vst v1;
	v1 =	vmul.f32 $8.000000000e+00, v3;
	v3 =	vld [tilespmem:$0x95C0]  }
0xd0: {  	[tilespmem:$0x9560] =	vst v0;
	v0 =	vmul.f32 $8.000000000e+00, v4;
	v4 =	vld [tilespmem:$0x95D0]  }
0xd1: {  	[tilespmem:$0x9570] =	vst v1;
	v1 =	vmul.f32 $8.000000000e+00, v5;
	v5 =	vld [tilespmem:$0x95E0]  }
0xd2: {  	[tilespmem:$0x9580] =	vst v0;
	v0 =	vmul.f32 $8.000000000e+00, v6;
	v6 =	vld [tilespmem:$0x95F0]  }
0xd3: {  	[tilespmem:$0x9590] =	vst v1;
	v1 =	vmul.f32 $8.000000000e+00, v2  }
0xd4: {  	[tilespmem:$0x95A0] =	vst v0;
	v0 =	vmul.f32 $8.000000000e+00, v3  }
0xd5: {  	[tilespmem:$0x95B0] =	vst v1;
	v1 =	vmul.f32 $8.000000000e+00, v4  }
0xd6: {  	s19 =	sadd.s32 s3, s13;
	[tilespmem:$0x95C0] =	vst v0;
	v0 =	vmul.f32 $8.000000000e+00, v5  }
0xd7: {  	s12 =	smul.u32 $0x640, s19;
	[tilespmem:$0x95D0] =	vst v1;
	v1 =	vmul.f32 $8.000000000e+00, v6  }
0xd8: {  	[tilespmem:$0x95E0] =	vst v0  }
0xd9: {  	p0 =	seq.s32 s1, $0x1F;
	s12 =	sadd.s32 s2, s12;
	[tilespmem:$0x95F0] =	vst v1  }
0xda: {  	[hbm4b:s12+s4] =	stream.linear.scatter [tilespmem:s10], [sflag:$0x5], $0x3200, $0x38;
	[tilespmem:$0x12C00] =	vst v63  }
0xdb: {  	s12 =	simm.s32 @!p0 $0x5  }
0xdc: {  	s15 =	smul.u32 @!p0 $0xC80, s1;
	_ =	swait.ge @!p0 [sflag:s12], $0x3200  }
0xdd: {  	[sflag:s12] =	ssyncset.done @!p0 $0x0  }
0xde: {  	[sflag:s12] =	ssyncadd.s32 @!p0 $0xFFFFCE00;
	s12 =	sshra.s32 @!p0 s15, $0x2  }
0xdf: {  	s16 =	simm.s32 @!p0 $0x80;
	s17 =	simm.s32 @!p0 $0x6400;
	s15 =	sadd.s32 @!p0 $0x320, s12  }
0xe0: {  	[tilespmem:s17], [sflag:$0x1] =	stream.indirect.gather @!p0 [hbm4b:s5+s16], $0x40, s15, s16, $0xb8;
	[tilespmem:$0x12C00] =	vst v63  }
0xe1: {  	s15 =	sadd.s32 @!p0 $0x3A0, s12;
	s16 =	simm.s32 @!p0 $0x48;
	s17 =	simm.s32 @!p0 $0x8400  }
0xe2: {  	[tilespmem:s17], [sflag:$0x1] =	stream.indirect.gather @!p0 [hbm4b:s5+s16], $0x40, s15, s16, $0xb8;
	[tilespmem:$0x12C00] =	vst v63  }
0xe3: {  	_ =	swait.ge [sflag:s26], $0x3200  }
0xe4: {  	[sflag:s26] =	ssyncset.done $0x0  }
0xe5: {  	s15 =	simm.s32 $0x99F0;
	[sflag:s26] =	ssyncadd.s32 $0xFFFFCE00  }
0xe6: {  	v0 =	vld [tilespmem:s15+$0xFFFFFC20]  }
0xe7: {  	v1 =	vld [tilespmem:s15+$0xFFFFFC30]  }
0xe8: {  	v2 =	vld [tilespmem:s15+$0xFFFFFC40]  }
0xe9: {  	v3 =	vld [tilespmem:s15+$0xFFFFFC50]  }
0xea: {  	v4 =	vld [tilespmem:s15+$0xFFFFFC60]  }
0xeb: {  	v5 =	vld [tilespmem:s15+$0xFFFFFC70];
	v0 =	vmul.f32 $8.000000000e+00, v0  }
0xec: {  	v6 =	vld [tilespmem:s15+$0xFFFFFC80];
	v1 =	vmul.f32 $8.000000000e+00, v1  }
0xed: {  	v8 =	vld [tilespmem:s15+$0xFFFFFE20];
	v2 =	vmul.f32 $8.000000000e+00, v2;
	[tilespmem:s15+$0xFFFFFC20] =	vst v0  }
0xee: {  	v9 =	vld [tilespmem:s15+$0xFFFFFE30];
	v3 =	vmul.f32 $8.000000000e+00, v3;
	[tilespmem:s15+$0xFFFFFC30] =	vst v1  }
0xef: {  	v10 =	vld [tilespmem:s15+$0xFFFFFE40];
	v4 =	vmul.f32 $8.000000000e+00, v4;
	[tilespmem:s15+$0xFFFFFC40] =	vst v2  }
0xf0: {  	v11 =	vld [tilespmem:s15+$0xFFFFFE50];
	v5 =	vmul.f32 $8.000000000e+00, v5;
	[tilespmem:s15+$0xFFFFFC50] =	vst v3  }
0xf1: {  	v12 =	vld [tilespmem:s15+$0xFFFFFE60];
	v6 =	vmul.f32 $8.000000000e+00, v6;
	[tilespmem:s15+$0xFFFFFC60] =	vst v4  }
0xf2: {  	v7 =	vld [tilespmem:s15+$0x0];
	v8 =	vmul.f32 $8.000000000e+00, v8;
	[tilespmem:s15+$0xFFFFFC70] =	vst v5  }
0xf3: {  	v53 =	vld [tilespmem:s15+$0xFFFFFD10];
	v9 =	vmul.f32 $8.000000000e+00, v9;
	[tilespmem:s15+$0xFFFFFC80] =	vst v6  }
0xf4: {  	v54 =	vld [tilespmem:s15+$0xFFFFFD20];
	v10 =	vmul.f32 $8.000000000e+00, v10;
	[tilespmem:s15+$0xFFFFFE20] =	vst v8  }
0xf5: {  	v55 =	vld [tilespmem:s15+$0xFFFFFD30];
	v11 =	vmul.f32 $8.000000000e+00, v11;
	[tilespmem:s15+$0xFFFFFE30] =	vst v9  }
0xf6: {  	v56 =	vld [tilespmem:s15+$0xFFFFFD40];
	v12 =	vmul.f32 $8.000000000e+00, v12;
	[tilespmem:s15+$0xFFFFFE40] =	vst v10  }
0xf7: {  	v57 =	vld [tilespmem:s15+$0xFFFFFF00];
	v4 =	vmul.f32 $8.000000000e+00, v7;
	[tilespmem:s15+$0xFFFFFE50] =	vst v11  }
0xf8: {  	v58 =	vld [tilespmem:s15+$0xFFFFFF10];
	[tilespmem:s15+$0xFFFFFE60] =	vst v12;
	v9 =	vmul.f32 $8.000000000e+00, v53  }
0xf9: {  	v59 =	vld [tilespmem:s15+$0xFFFFFF20];
	v10 =	vmul.f32 $8.000000000e+00, v54;
	[tilespmem:s15+$0x0] =	vst v4  }
0xfa: {  	v60 =	vld [tilespmem:s15+$0xFFFFFF30];
	v11 =	vmul.f32 $8.000000000e+00, v55;
	[tilespmem:s15+$0xFFFFFD10] =	vst v9  }
0xfb: {  	v5 =	vld [tilespmem:s15+$0xFFFFFE10];
	v12 =	vmul.f32 $8.000000000e+00, v56;
	[tilespmem:s15+$0xFFFFFD20] =	vst v10  }
0xfc: {  	v0 =	vld [tilespmem:s15+$0xFFFFFC90];
	[tilespmem:s15+$0xFFFFFD30] =	vst v11;
	v9 =	vmul.f32 $8.000000000e+00, v57  }
0xfd: {  	v1 =	vld [tilespmem:s15+$0xFFFFFCA0];
	[tilespmem:s15+$0xFFFFFD40] =	vst v12;
	v10 =	vmul.f32 $8.000000000e+00, v58  }
0xfe: {  	v2 =	vld [tilespmem:s15+$0xFFFFFCB0];
	v11 =	vmul.f32 $8.000000000e+00, v59;
	[tilespmem:s15+$0xFFFFFF00] =	vst v9  }
0xff: {  	v3 =	vld [tilespmem:s15+$0xFFFFFCC0];
	v12 =	vmul.f32 $8.000000000e+00, v60;
	[tilespmem:s15+$0xFFFFFF10] =	vst v10  }
0x100: {  	v7 =	vld [tilespmem:s15+$0xFFFFFCD0];
	[tilespmem:s15+$0xFFFFFF20] =	vst v11;
	v5 =	vmul.f32 $8.000000000e+00, v5  }
0x101: {  	v6 =	vld [tilespmem:s15+$0xFFFFFE70];
	[tilespmem:s15+$0xFFFFFF30] =	vst v12;
	v0 =	vmul.f32 $8.000000000e+00, v0  }
0x102: {  	v8 =	vld [tilespmem:s15+$0xFFFFFD00];
	v1 =	vmul.f32 $8.000000000e+00, v1;
	[tilespmem:s15+$0xFFFFFE10] =	vst v5  }
0x103: {  	v4 =	vld [tilespmem:s15+$0xFFFFFCE0];
	v2 =	vmul.f32 $8.000000000e+00, v2;
	[tilespmem:s15+$0xFFFFFC90] =	vst v0  }
0x104: {  	v3 =	vmul.f32 $8.000000000e+00, v3;
	v5 =	vld [tilespmem:s15+$0xFFFFFCF0];
	[tilespmem:s15+$0xFFFFFCA0] =	vst v1  }
0x105: {  	v7 =	vmul.f32 $8.000000000e+00, v7;
	v0 =	vld [tilespmem:s15+$0xFFFFFE80];
	[tilespmem:s15+$0xFFFFFCB0] =	vst v2  }
0x106: {  	v6 =	vmul.f32 $8.000000000e+00, v6;
	v1 =	vld [tilespmem:s15+$0xFFFFFE90];
	[tilespmem:s15+$0xFFFFFCC0] =	vst v3  }
0x107: {  	v8 =	vmul.f32 $8.000000000e+00, v8;
	v2 =	vld [tilespmem:s15+$0xFFFFFEA0];
	[tilespmem:s15+$0xFFFFFCD0] =	vst v7  }
0x108: {  	v3 =	vld [tilespmem:s15+$0xFFFFFEB0];
	v4 =	vmul.f32 $8.000000000e+00, v4;
	[tilespmem:s15+$0xFFFFFE70] =	vst v6  }
0x109: {  	v7 =	vld [tilespmem:s15+$0xFFFFFEC0];
	[tilespmem:s15+$0xFFFFFD00] =	vst v8;
	v5 =	vmul.f32 $8.000000000e+00, v5  }
0x10a: {  	v6 =	vld [tilespmem:s15+$0xFFFFFD50];
	[tilespmem:s15+$0xFFFFFCE0] =	vst v4;
	v0 =	vmul.f32 $8.000000000e+00, v0  }
0x10b: {  	v8 =	vld [tilespmem:s15+$0xFFFFFEF0];
	v1 =	vmul.f32 $8.000000000e+00, v1;
	[tilespmem:s15+$0xFFFFFCF0] =	vst v5  }
0x10c: {  	v4 =	vld [tilespmem:s15+$0xFFFFFED0];
	v2 =	vmul.f32 $8.000000000e+00, v2;
	[tilespmem:s15+$0xFFFFFE80] =	vst v0  }
0x10d: {  	v3 =	vmul.f32 $8.000000000e+00, v3;
	v5 =	vld [tilespmem:s15+$0xFFFFFEE0];
	[tilespmem:s15+$0xFFFFFE90] =	vst v1  }
0x10e: {  	v7 =	vmul.f32 $8.000000000e+00, v7;
	v0 =	vld [tilespmem:s15+$0xFFFFFD60];
	[tilespmem:s15+$0xFFFFFEA0] =	vst v2  }
0x10f: {  	v6 =	vmul.f32 $8.000000000e+00, v6;
	v1 =	vld [tilespmem:s15+$0xFFFFFD70];
	[tilespmem:s15+$0xFFFFFEB0] =	vst v3  }
0x110: {  	v8 =	vmul.f32 $8.000000000e+00, v8;
	v2 =	vld [tilespmem:s15+$0xFFFFFD80];
	[tilespmem:s15+$0xFFFFFEC0] =	vst v7  }
0x111: {  	v3 =	vld [tilespmem:s15+$0xFFFFFD90];
	v4 =	vmul.f32 $8.000000000e+00, v4;
	[tilespmem:s15+$0xFFFFFD50] =	vst v6  }
0x112: {  	v6 =	vld [tilespmem:s15+$0xFFFFFF40];
	[tilespmem:s15+$0xFFFFFEF0] =	vst v8;
	v5 =	vmul.f32 $8.000000000e+00, v5  }
0x113: {  	v7 =	vld [tilespmem:s15+$0xFFFFFDA0];
	[tilespmem:s15+$0xFFFFFED0] =	vst v4;
	v0 =	vmul.f32 $8.000000000e+00, v0  }
0x114: {  	v8 =	vld [tilespmem:s15+$0xFFFFFDD0];
	v1 =	vmul.f32 $8.000000000e+00, v1;
	[tilespmem:s15+$0xFFFFFEE0] =	vst v5  }
0x115: {  	v4 =	vld [tilespmem:s15+$0xFFFFFDB0];
	v2 =	vmul.f32 $8.000000000e+00, v2;
	[tilespmem:s15+$0xFFFFFD60] =	vst v0  }
0x116: {  	v62 =	vld [tilespmem:s15+$0xFFFFFDF0];
	v3 =	vmul.f32 $8.000000000e+00, v3;
	[tilespmem:s15+$0xFFFFFD70] =	vst v1  }
0x117: {  	v6 =	vmul.f32 $8.000000000e+00, v6;
	v5 =	vld [tilespmem:s15+$0xFFFFFDC0];
	[tilespmem:s15+$0xFFFFFD80] =	vst v2  }
0x118: {  	v7 =	vmul.f32 $8.000000000e+00, v7;
	v0 =	vld [tilespmem:s15+$0xFFFFFF50];
	[tilespmem:s15+$0xFFFFFD90] =	vst v3  }
0x119: {  	v1 =	vld [tilespmem:s15+$0xFFFFFF60];
	[tilespmem:s15+$0xFFFFFF40] =	vst v6;
	v6 =	vmul.f32 $8.000000000e+00, v8  }
0x11a: {  	v2 =	vld [tilespmem:s15+$0xFFFFFF70];
	v4 =	vmul.f32 $8.000000000e+00, v4;
	[tilespmem:s15+$0xFFFFFDA0] =	vst v7  }
0x11b: {  	v61 =	vld [tilespmem:s15+$0xFFFFFDE0];
	[tilespmem:s15+$0xFFFFFDD0] =	vst v6;
	v6 =	vmul.f32 $8.000000000e+00, v62  }
0x11c: {  	v3 =	vld [tilespmem:s15+$0xFFFFFF80];
	[tilespmem:s15+$0xFFFFFDB0] =	vst v4;
	v5 =	vmul.f32 $8.000000000e+00, v5  }
0x11d: {  	v63 =	vld [tilespmem:s15+$0xFFFFFE00];
	[tilespmem:s15+$0xFFFFFDF0] =	vst v6;
	v0 =	vmul.f32 $8.000000000e+00, v0  }
0x11e: {  	v7 =	vld [tilespmem:s15+$0xFFFFFF90];
	v1 =	vmul.f32 $8.000000000e+00, v1;
	[tilespmem:s15+$0xFFFFFDC0] =	vst v5  }
0x11f: {  	v4 =	vld [tilespmem:s15+$0xFFFFFFA0];
	v2 =	vmul.f32 $8.000000000e+00, v2;
	[tilespmem:s15+$0xFFFFFF50] =	vst v0  }
0x120: {  	v8 =	vld [tilespmem:s15+$0xFFFFFFB0];
	v5 =	vmul.f32 $8.000000000e+00, v61;
	[tilespmem:s15+$0xFFFFFF60] =	vst v1  }
0x121: {  	v3 =	vmul.f32 $8.000000000e+00, v3;
	v0 =	vld [tilespmem:s15+$0xFFFFFFC0];
	[tilespmem:s15+$0xFFFFFF70] =	vst v2  }
0x122: {  	v1 =	vld [tilespmem:s15+$0xFFFFFFD0];
	[tilespmem:s15+$0xFFFFFDE0] =	vst v5;
	v5 =	vmul.f32 $8.000000000e+00, v63  }
0x123: {  	v6 =	vmul.f32 $8.000000000e+00, v7;
	v2 =	vld [tilespmem:s15+$0xFFFFFFE0];
	[tilespmem:s15+$0xFFFFFF80] =	vst v3  }
0x124: {  	v3 =	vld [tilespmem:s15+$0xFFFFFFF0];
	[tilespmem:s15+$0xFFFFFE00] =	vst v5;
	v5 =	vmul.f32 $8.000000000e+00, v4  }
0x125: {  	s19 =	simm.s32 $0x9DF0;
	s16 =	sor.u32 $0x1, s13;
	s17 =	simm.s32 $0x0;
	[tilespmem:s15+$0xFFFFFF90] =	vst v6;
	v6 =	vmul.f32 $8.000000000e+00, v8;
	v4 =	vld [tilespmem:s15+$0xFFFFFC10]  }
.LBB2_5:
0x126: {  	v7 =	vld [tilespmem:s19+$0x0];
	s17 =	sadd.s32 $0x10, s17;
	[tilespmem:s15+$0xFFFFFFA0] =	vst v5;
	v0 =	vmul.f32 $8.000000000e+00, v0  }
0x127: {  	v5 =	vld [tilespmem:s19+$0xFFFFFC20];
	p1 =	slt.u32 s17, $0xB0;
	[tilespmem:s15+$0xFFFFFFB0] =	vst v6;
	v1 =	vmul.f32 $8.000000000e+00, v1  }
0x128: {  	v6 =	vld [tilespmem:s19+$0xFFFFFC30];
	[tilespmem:s15+$0xFFFFFFC0] =	vst v0;
	v0 =	vmul.f32 $8.000000000e+00, v2  }
0x129: {  	v2 =	vld [tilespmem:s19+$0xFFFFFC40];
	[tilespmem:s15+$0xFFFFFFD0] =	vst v1;
	v1 =	vmul.f32 $8.000000000e+00, v3  }
0x12a: {  	v3 =	vld [tilespmem:s19+$0xFFFFFC50];
	v4 =	vmul.f32 $8.000000000e+00, v4;
	[tilespmem:s15+$0xFFFFFFE0] =	vst v0  }
0x12b: {  	v0 =	vld [tilespmem:s19+$0xFFFFFC60];
	v7 =	vmul.f32 $8.000000000e+00, v7;
	[tilespmem:s15+$0xFFFFFFF0] =	vst v1  }
0x12c: {  	v1 =	vmul.f32 $8.000000000e+00, v5;
	v5 =	vld [tilespmem:s19+$0xFFFFFC70];
	[tilespmem:s15+$0xFFFFFC10] =	vst v4;
	s15 =	smov.u32 s19  }
0x12d: {  	v4 =	vmul.f32 $8.000000000e+00, v6;
	v6 =	vld [tilespmem:s19+$0xFFFFFC80];
	[tilespmem:s19+$0x0] =	vst v7  }
0x12e: {  	[tilespmem:s19+$0xFFFFFC20] =	vst v1;
	v1 =	vmul.f32 $8.000000000e+00, v2;
	v2 =	vld [tilespmem:s19+$0xFFFFFC90]  }
0x12f: {  	[tilespmem:s19+$0xFFFFFC30] =	vst v4;
	v3 =	vmul.f32 $8.000000000e+00, v3;
	v4 =	vld [tilespmem:s19+$0xFFFFFCA0]  }
0x130: {  	[tilespmem:s19+$0xFFFFFC40] =	vst v1;
	v0 =	vmul.f32 $8.000000000e+00, v0;
	v1 =	vld [tilespmem:s19+$0xFFFFFCB0]  }
0x131: {  	[tilespmem:s19+$0xFFFFFC50] =	vst v3;
	v3 =	vmul.f32 $8.000000000e+00, v5;
	v5 =	vld [tilespmem:s19+$0xFFFFFCC0]  }
0x132: {  	[tilespmem:s19+$0xFFFFFC60] =	vst v0;
	v0 =	vmul.f32 $8.000000000e+00, v6;
	v6 =	vld [tilespmem:s19+$0xFFFFFCD0]  }
0x133: {  	[tilespmem:s19+$0xFFFFFC70] =	vst v3;
	v2 =	vmul.f32 $8.000000000e+00, v2;
	v3 =	vld [tilespmem:s19+$0xFFFFFCE0]  }
0x134: {  	[tilespmem:s19+$0xFFFFFC80] =	vst v0;
	v0 =	vmul.f32 $8.000000000e+00, v4;
	v4 =	vld [tilespmem:s19+$0xFFFFFCF0]  }
0x135: {  	[tilespmem:s19+$0xFFFFFC90] =	vst v2;
	v1 =	vmul.f32 $8.000000000e+00, v1;
	v2 =	vld [tilespmem:s19+$0xFFFFFD00]  }
0x136: {  	[tilespmem:s19+$0xFFFFFCA0] =	vst v0;
	v0 =	vmul.f32 $8.000000000e+00, v5;
	v5 =	vld [tilespmem:s19+$0xFFFFFD10]  }
0x137: {  	[tilespmem:s19+$0xFFFFFCB0] =	vst v1;
	v1 =	vmul.f32 $8.000000000e+00, v6;
	v6 =	vld [tilespmem:s19+$0xFFFFFD20]  }
0x138: {  	[tilespmem:s19+$0xFFFFFCC0] =	vst v0;
	v0 =	vmul.f32 $8.000000000e+00, v3;
	v3 =	vld [tilespmem:s19+$0xFFFFFD30]  }
0x139: {  	[tilespmem:s19+$0xFFFFFCD0] =	vst v1;
	v1 =	vmul.f32 $8.000000000e+00, v4;
	v4 =	vld [tilespmem:s19+$0xFFFFFD40]  }
0x13a: {  	[tilespmem:s19+$0xFFFFFCE0] =	vst v0;
	v0 =	vmul.f32 $8.000000000e+00, v2;
	v2 =	vld [tilespmem:s19+$0xFFFFFD50]  }
0x13b: {  	[tilespmem:s19+$0xFFFFFCF0] =	vst v1;
	v1 =	vmul.f32 $8.000000000e+00, v5;
	v5 =	vld [tilespmem:s19+$0xFFFFFD60]  }
0x13c: {  	[tilespmem:s19+$0xFFFFFD00] =	vst v0;
	v0 =	vmul.f32 $8.000000000e+00, v6;
	v6 =	vld [tilespmem:s19+$0xFFFFFD70]  }
0x13d: {  	[tilespmem:s19+$0xFFFFFD10] =	vst v1;
	v1 =	vmul.f32 $8.000000000e+00, v3;
	v3 =	vld [tilespmem:s19+$0xFFFFFD80]  }
0x13e: {  	[tilespmem:s19+$0xFFFFFD20] =	vst v0;
	v0 =	vmul.f32 $8.000000000e+00, v4;
	v4 =	vld [tilespmem:s19+$0xFFFFFD90]  }
0x13f: {  	[tilespmem:s19+$0xFFFFFD30] =	vst v1;
	v1 =	vmul.f32 $8.000000000e+00, v2;
	v2 =	vld [tilespmem:s19+$0xFFFFFDA0]  }
0x140: {  	[tilespmem:s19+$0xFFFFFD40] =	vst v0;
	v0 =	vmul.f32 $8.000000000e+00, v5;
	v5 =	vld [tilespmem:s19+$0xFFFFFDB0]  }
0x141: {  	[tilespmem:s19+$0xFFFFFD50] =	vst v1;
	v1 =	vmul.f32 $8.000000000e+00, v6;
	v6 =	vld [tilespmem:s19+$0xFFFFFDC0]  }
0x142: {  	[tilespmem:s19+$0xFFFFFD60] =	vst v0;
	v0 =	vmul.f32 $8.000000000e+00, v3;
	v3 =	vld [tilespmem:s19+$0xFFFFFDD0]  }
0x143: {  	[tilespmem:s19+$0xFFFFFD70] =	vst v1;
	v1 =	vmul.f32 $8.000000000e+00, v4;
	v4 =	vld [tilespmem:s19+$0xFFFFFDE0]  }
0x144: {  	[tilespmem:s19+$0xFFFFFD80] =	vst v0;
	v0 =	vmul.f32 $8.000000000e+00, v2;
	v2 =	vld [tilespmem:s19+$0xFFFFFDF0]  }
0x145: {  	[tilespmem:s19+$0xFFFFFD90] =	vst v1;
	v1 =	vmul.f32 $8.000000000e+00, v5;
	v5 =	vld [tilespmem:s19+$0xFFFFFE00]  }
0x146: {  	[tilespmem:s19+$0xFFFFFDA0] =	vst v0;
	v0 =	vmul.f32 $8.000000000e+00, v6;
	v6 =	vld [tilespmem:s19+$0xFFFFFE10]  }
0x147: {  	[tilespmem:s19+$0xFFFFFDB0] =	vst v1;
	v1 =	vmul.f32 $8.000000000e+00, v3;
	v3 =	vld [tilespmem:s19+$0xFFFFFE20]  }
0x148: {  	[tilespmem:s19+$0xFFFFFDC0] =	vst v0;
	v0 =	vmul.f32 $8.000000000e+00, v4;
	v4 =	vld [tilespmem:s19+$0xFFFFFE30]  }
0x149: {  	[tilespmem:s19+$0xFFFFFDD0] =	vst v1;
	v1 =	vmul.f32 $8.000000000e+00, v2;
	v2 =	vld [tilespmem:s19+$0xFFFFFE40]  }
0x14a: {  	[tilespmem:s19+$0xFFFFFDE0] =	vst v0;
	v0 =	vmul.f32 $8.000000000e+00, v5;
	v5 =	vld [tilespmem:s19+$0xFFFFFE50]  }
0x14b: {  	[tilespmem:s19+$0xFFFFFDF0] =	vst v1;
	v1 =	vmul.f32 $8.000000000e+00, v6;
	v6 =	vld [tilespmem:s19+$0xFFFFFE60]  }
0x14c: {  	[tilespmem:s19+$0xFFFFFE00] =	vst v0;
	v0 =	vmul.f32 $8.000000000e+00, v3;
	v3 =	vld [tilespmem:s19+$0xFFFFFE70]  }
0x14d: {  	[tilespmem:s19+$0xFFFFFE10] =	vst v1;
	v1 =	vmul.f32 $8.000000000e+00, v4;
	v4 =	vld [tilespmem:s19+$0xFFFFFE80]  }
0x14e: {  	[tilespmem:s19+$0xFFFFFE20] =	vst v0;
	v0 =	vmul.f32 $8.000000000e+00, v2;
	v2 =	vld [tilespmem:s19+$0xFFFFFE90]  }
0x14f: {  	[tilespmem:s19+$0xFFFFFE30] =	vst v1;
	v1 =	vmul.f32 $8.000000000e+00, v5;
	v5 =	vld [tilespmem:s19+$0xFFFFFEA0]  }
0x150: {  	[tilespmem:s19+$0xFFFFFE40] =	vst v0;
	v0 =	vmul.f32 $8.000000000e+00, v6;
	v6 =	vld [tilespmem:s19+$0xFFFFFEB0]  }
0x151: {  	[tilespmem:s19+$0xFFFFFE50] =	vst v1;
	v1 =	vmul.f32 $8.000000000e+00, v3;
	v3 =	vld [tilespmem:s19+$0xFFFFFEC0]  }
0x152: {  	[tilespmem:s19+$0xFFFFFE60] =	vst v0;
	v0 =	vmul.f32 $8.000000000e+00, v4;
	v4 =	vld [tilespmem:s19+$0xFFFFFED0]  }
0x153: {  	[tilespmem:s19+$0xFFFFFE70] =	vst v1;
	v1 =	vmul.f32 $8.000000000e+00, v2;
	v2 =	vld [tilespmem:s19+$0xFFFFFEE0]  }
0x154: {  	[tilespmem:s19+$0xFFFFFE80] =	vst v0;
	v0 =	vmul.f32 $8.000000000e+00, v5;
	v5 =	vld [tilespmem:s19+$0xFFFFFEF0]  }
0x155: {  	[tilespmem:s19+$0xFFFFFE90] =	vst v1;
	v1 =	vmul.f32 $8.000000000e+00, v6;
	v6 =	vld [tilespmem:s19+$0xFFFFFF00]  }
0x156: {  	[tilespmem:s19+$0xFFFFFEA0] =	vst v0;
	v0 =	vmul.f32 $8.000000000e+00, v3;
	v3 =	vld [tilespmem:s19+$0xFFFFFF10]  }
0x157: {  	[tilespmem:s19+$0xFFFFFEB0] =	vst v1;
	v1 =	vmul.f32 $8.000000000e+00, v4;
	v4 =	vld [tilespmem:s19+$0xFFFFFF20]  }
0x158: {  	[tilespmem:s19+$0xFFFFFEC0] =	vst v0;
	v0 =	vmul.f32 $8.000000000e+00, v2;
	v2 =	vld [tilespmem:s19+$0xFFFFFF30]  }
0x159: {  	[tilespmem:s19+$0xFFFFFED0] =	vst v1;
	v1 =	vmul.f32 $8.000000000e+00, v5;
	v5 =	vld [tilespmem:s19+$0xFFFFFF40]  }
0x15a: {  	[tilespmem:s19+$0xFFFFFEE0] =	vst v0;
	v0 =	vmul.f32 $8.000000000e+00, v6;
	v6 =	vld [tilespmem:s19+$0xFFFFFF50]  }
0x15b: {  	[tilespmem:s19+$0xFFFFFEF0] =	vst v1;
	v1 =	vmul.f32 $8.000000000e+00, v3;
	v3 =	vld [tilespmem:s19+$0xFFFFFF60]  }
0x15c: {  	[tilespmem:s19+$0xFFFFFF00] =	vst v0;
	v0 =	vmul.f32 $8.000000000e+00, v4;
	v4 =	vld [tilespmem:s19+$0xFFFFFF70]  }
0x15d: {  	[tilespmem:s19+$0xFFFFFF10] =	vst v1;
	v1 =	vmul.f32 $8.000000000e+00, v2;
	v2 =	vld [tilespmem:s19+$0xFFFFFF80]  }
0x15e: {  	[tilespmem:s19+$0xFFFFFF20] =	vst v0;
	v0 =	vmul.f32 $8.000000000e+00, v5;
	v5 =	vld [tilespmem:s19+$0xFFFFFF90]  }
0x15f: {  	[tilespmem:s19+$0xFFFFFF30] =	vst v1;
	v1 =	vmul.f32 $8.000000000e+00, v6;
	v6 =	vld [tilespmem:s19+$0xFFFFFFA0]  }
0x160: {  	[tilespmem:s19+$0xFFFFFF40] =	vst v0;
	v3 =	vmul.f32 $8.000000000e+00, v3;
	v7 =	vld [tilespmem:s19+$0xFFFFFFB0]  }
.Ltmp1:
0x161: {  	[tilespmem:s19+$0xFFFFFF50] =	vst v1;
	v4 =	vmul.f32 $8.000000000e+00, v4;
	v0 =	vld [tilespmem:s19+$0xFFFFFFC0];
	(pc) =	sbr.rel @p1 .LBB2_5-.Ltmp1, $4  }
0x162: {  	[tilespmem:s19+$0xFFFFFF60] =	vst v3;
	v3 =	vmul.f32 $8.000000000e+00, v2;
	v1 =	vld [tilespmem:s19+$0xFFFFFFD0]  }
0x163: {  	[tilespmem:s19+$0xFFFFFF70] =	vst v4;
	v8 =	vmul.f32 $8.000000000e+00, v5;
	v2 =	vld [tilespmem:s19+$0xFFFFFFE0]  }
0x164: {  	[tilespmem:s19+$0xFFFFFF80] =	vst v3;
	v5 =	vmul.f32 $8.000000000e+00, v6;
	v3 =	vld [tilespmem:s19+$0xFFFFFFF0]  }
0x165: {  	s19 =	sadd.s32 $0x400, s19;
	v4 =	vld [tilespmem:s15+$0xFFFFFC10];
	[tilespmem:s15+$0xFFFFFF90] =	vst v8;
	v6 =	vmul.f32 $8.000000000e+00, v7  }
0x166: {  	[tilespmem:s15+$0xFFFFFFA0] =	vst v5;
	v0 =	vmul.f32 $8.000000000e+00, v0  }
0x167: {  	[tilespmem:s15+$0xFFFFFFB0] =	vst v6;
	v1 =	vmul.f32 $8.000000000e+00, v1  }
0x168: {  	[tilespmem:s15+$0xFFFFFFC0] =	vst v0;
	v0 =	vmul.f32 $8.000000000e+00, v2  }
0x169: {  	[tilespmem:s15+$0xFFFFFFD0] =	vst v1;
	v1 =	vmul.f32 $8.000000000e+00, v3  }
0x16a: {  	v2 =	vmul.f32 $8.000000000e+00, v4;
	[tilespmem:s15+$0xFFFFFFE0] =	vst v0  }
0x16b: {  	[tilespmem:s15+$0xFFFFFFF0] =	vst v1  }
0x16c: {  	[tilespmem:s15+$0xFFFFFC10] =	vst v2  }
0x16d: {  	v0 =	vld [tilespmem:$0xC600]  }
0x16e: {  	v1 =	vld [tilespmem:$0xC610]  }
0x16f: {  	v2 =	vld [tilespmem:$0xC620]  }
0x170: {  	v3 =	vld [tilespmem:$0xC630]  }
0x171: {  	v4 =	vld [tilespmem:$0xC640]  }
0x172: {  	v5 =	vld [tilespmem:$0xC650];
	v0 =	vmul.f32 $8.000000000e+00, v0  }
0x173: {  	v6 =	vld [tilespmem:$0xC660];
	v1 =	vmul.f32 $8.000000000e+00, v1  }
0x174: {  	[tilespmem:$0xC600] =	vst v0;
	v0 =	vmul.f32 $8.000000000e+00, v2;
	v2 =	vld [tilespmem:$0xC670]  }
0x175: {  	[tilespmem:$0xC610] =	vst v1;
	v1 =	vmul.f32 $8.000000000e+00, v3;
	v3 =	vld [tilespmem:$0xC680]  }
0x176: {  	[tilespmem:$0xC620] =	vst v0;
	v0 =	vmul.f32 $8.000000000e+00, v4;
	v4 =	vld [tilespmem:$0xC690]  }
0x177: {  	[tilespmem:$0xC630] =	vst v1;
	v1 =	vmul.f32 $8.000000000e+00, v5;
	v5 =	vld [tilespmem:$0xC6A0]  }
0x178: {  	[tilespmem:$0xC640] =	vst v0;
	v0 =	vmul.f32 $8.000000000e+00, v6;
	v6 =	vld [tilespmem:$0xC6B0]  }
0x179: {  	[tilespmem:$0xC650] =	vst v1;
	v1 =	vmul.f32 $8.000000000e+00, v2;
	v2 =	vld [tilespmem:$0xC6C0]  }
0x17a: {  	[tilespmem:$0xC660] =	vst v0;
	v0 =	vmul.f32 $8.000000000e+00, v3;
	v3 =	vld [tilespmem:$0xC6D0]  }
0x17b: {  	[tilespmem:$0xC670] =	vst v1;
	v1 =	vmul.f32 $8.000000000e+00, v4;
	v4 =	vld [tilespmem:$0xC6E0]  }
0x17c: {  	[tilespmem:$0xC680] =	vst v0;
	v0 =	vmul.f32 $8.000000000e+00, v5;
	v5 =	vld [tilespmem:$0xC6F0]  }
0x17d: {  	[tilespmem:$0xC690] =	vst v1;
	v1 =	vmul.f32 $8.000000000e+00, v6;
	v6 =	vld [tilespmem:$0xC700]  }
0x17e: {  	[tilespmem:$0xC6A0] =	vst v0;
	v0 =	vmul.f32 $8.000000000e+00, v2;
	v2 =	vld [tilespmem:$0xC710]  }
0x17f: {  	[tilespmem:$0xC6B0] =	vst v1;
	v1 =	vmul.f32 $8.000000000e+00, v3;
	v3 =	vld [tilespmem:$0xC720]  }
0x180: {  	[tilespmem:$0xC6C0] =	vst v0;
	v0 =	vmul.f32 $8.000000000e+00, v4;
	v4 =	vld [tilespmem:$0xC730]  }
0x181: {  	[tilespmem:$0xC6D0] =	vst v1;
	v1 =	vmul.f32 $8.000000000e+00, v5;
	v5 =	vld [tilespmem:$0xC740]  }
0x182: {  	[tilespmem:$0xC6E0] =	vst v0;
	v0 =	vmul.f32 $8.000000000e+00, v6;
	v6 =	vld [tilespmem:$0xC750]  }
0x183: {  	[tilespmem:$0xC6F0] =	vst v1;
	v1 =	vmul.f32 $8.000000000e+00, v2;
	v2 =	vld [tilespmem:$0xC760]  }
0x184: {  	[tilespmem:$0xC700] =	vst v0;
	v0 =	vmul.f32 $8.000000000e+00, v3;
	v3 =	vld [tilespmem:$0xC770]  }
0x185: {  	[tilespmem:$0xC710] =	vst v1;
	v1 =	vmul.f32 $8.000000000e+00, v4;
	v4 =	vld [tilespmem:$0xC780]  }
0x186: {  	[tilespmem:$0xC720] =	vst v0;
	v0 =	vmul.f32 $8.000000000e+00, v5;
	v5 =	vld [tilespmem:$0xC790]  }
0x187: {  	[tilespmem:$0xC730] =	vst v1;
	v1 =	vmul.f32 $8.000000000e+00, v6;
	v6 =	vld [tilespmem:$0xC7A0]  }
0x188: {  	[tilespmem:$0xC740] =	vst v0;
	v0 =	vmul.f32 $8.000000000e+00, v2;
	v2 =	vld [tilespmem:$0xC7B0]  }
0x189: {  	[tilespmem:$0xC750] =	vst v1;
	v1 =	vmul.f32 $8.000000000e+00, v3;
	v3 =	vld [tilespmem:$0xC7C0]  }
0x18a: {  	[tilespmem:$0xC760] =	vst v0;
	v0 =	vmul.f32 $8.000000000e+00, v4;
	v4 =	vld [tilespmem:$0xC7D0]  }
0x18b: {  	[tilespmem:$0xC770] =	vst v1;
	v1 =	vmul.f32 $8.000000000e+00, v5;
	v5 =	vld [tilespmem:$0xC7E0]  }
0x18c: {  	[tilespmem:$0xC780] =	vst v0;
	v0 =	vmul.f32 $8.000000000e+00, v6;
	v6 =	vld [tilespmem:$0xC7F0]  }
0x18d: {  	[tilespmem:$0xC790] =	vst v1;
	v1 =	vmul.f32 $8.000000000e+00, v2  }
0x18e: {  	[tilespmem:$0xC7A0] =	vst v0;
	v0 =	vmul.f32 $8.000000000e+00, v3  }
0x18f: {  	[tilespmem:$0xC7B0] =	vst v1;
	v1 =	vmul.f32 $8.000000000e+00, v4  }
0x190: {  	s19 =	sadd.s32 s3, s16;
	[tilespmem:$0xC7C0] =	vst v0;
	v0 =	vmul.f32 $8.000000000e+00, v5  }
0x191: {  	s15 =	smul.u32 $0x640, s19;
	[tilespmem:$0xC7D0] =	vst v1;
	v1 =	vmul.f32 $8.000000000e+00, v6  }
0x192: {  	[tilespmem:$0xC7E0] =	vst v0  }
0x193: {  	s15 =	sadd.s32 s2, s15;
	[tilespmem:$0xC7F0] =	vst v1  }
0x194: {  	[hbm4b:s15+s4] =	stream.linear.scatter [tilespmem:s14], [sflag:$0x5], $0x3200, $0x38;
	[tilespmem:$0x12C00] =	vst v63  }
0x195: {  	s15 =	simm.s32 @!p0 $0x5  }
0x196: {  	_ =	swait.ge @!p0 [sflag:s15], $0x3200  }
0x197: {  	s16 =	simm.s32 @!p0 $0x80;
	[sflag:s15] =	ssyncset.done @!p0 $0x0  }
0x198: {  	s17 =	simm.s32 @!p0 $0x9600;
	[sflag:s15] =	ssyncadd.s32 @!p0 $0xFFFFCE00;
	s15 =	sadd.s32 @!p0 $0x3E8, s12  }
0x199: {  	[tilespmem:s17], [sflag:$0x2] =	stream.indirect.gather @!p0 [hbm4b:s5+s16], $0x40, s15, s16, $0xb8;
	[tilespmem:$0x12C00] =	vst v63  }
0x19a: {  	s15 =	sadd.s32 @!p0 $0x468, s12;
	s16 =	simm.s32 @!p0 $0x48;
	s17 =	simm.s32 @!p0 $0xB600  }
0x19b: {  	[tilespmem:s17], [sflag:$0x2] =	stream.indirect.gather @!p0 [hbm4b:s5+s16], $0x40, s15, s16, $0xb8;
	[tilespmem:$0x12C00] =	vst v63  }
0x19c: {  	_ =	swait.ge [sflag:s28], $0x3200  }
0x19d: {  	[sflag:s28] =	ssyncset.done $0x0  }
0x19e: {  	s15 =	simm.s32 $0xC800;
	[sflag:s28] =	ssyncadd.s32 $0xFFFFCE00  }
0x19f: {  	v0 =	vld [tilespmem:s15+$0x10]  }
0x1a0: {  	v1 =	vld [tilespmem:s15+$0x20]  }
0x1a1: {  	v2 =	vld [tilespmem:s15+$0x30]  }
0x1a2: {  	v3 =	vld [tilespmem:s15+$0x40]  }
0x1a3: {  	v4 =	vld [tilespmem:s15+$0x50]  }
0x1a4: {  	v5 =	vld [tilespmem:s15+$0x60];
	v0 =	vmul.f32 $8.000000000e+00, v0  }
0x1a5: {  	v6 =	vld [tilespmem:s15+$0x70];
	v1 =	vmul.f32 $8.000000000e+00, v1  }
0x1a6: {  	v8 =	vld [tilespmem:s15+$0x210];
	v2 =	vmul.f32 $8.000000000e+00, v2;
	[tilespmem:s15+$0x10] =	vst v0  }
0x1a7: {  	v9 =	vld [tilespmem:s15+$0x220];
	v3 =	vmul.f32 $8.000000000e+00, v3;
	[tilespmem:s15+$0x20] =	vst v1  }
0x1a8: {  	v10 =	vld [tilespmem:s15+$0x230];
	v4 =	vmul.f32 $8.000000000e+00, v4;
	[tilespmem:s15+$0x30] =	vst v2  }
0x1a9: {  	v11 =	vld [tilespmem:s15+$0x240];
	v5 =	vmul.f32 $8.000000000e+00, v5;
	[tilespmem:s15+$0x40] =	vst v3  }
0x1aa: {  	v12 =	vld [tilespmem:s15+$0x250];
	v6 =	vmul.f32 $8.000000000e+00, v6;
	[tilespmem:s15+$0x50] =	vst v4  }
0x1ab: {  	v7 =	vld [tilespmem:s15+$0x3F0];
	v8 =	vmul.f32 $8.000000000e+00, v8;
	[tilespmem:s15+$0x60] =	vst v5  }
0x1ac: {  	v53 =	vld [tilespmem:s15+$0x100];
	v9 =	vmul.f32 $8.000000000e+00, v9;
	[tilespmem:s15+$0x70] =	vst v6  }
0x1ad: {  	v54 =	vld [tilespmem:s15+$0x110];
	v10 =	vmul.f32 $8.000000000e+00, v10;
	[tilespmem:s15+$0x210] =	vst v8  }
0x1ae: {  	v55 =	vld [tilespmem:s15+$0x120];
	v11 =	vmul.f32 $8.000000000e+00, v11;
	[tilespmem:s15+$0x220] =	vst v9  }
0x1af: {  	v56 =	vld [tilespmem:s15+$0x130];
	v12 =	vmul.f32 $8.000000000e+00, v12;
	[tilespmem:s15+$0x230] =	vst v10  }
0x1b0: {  	v57 =	vld [tilespmem:s15+$0x2F0];
	v4 =	vmul.f32 $8.000000000e+00, v7;
	[tilespmem:s15+$0x240] =	vst v11  }
0x1b1: {  	v58 =	vld [tilespmem:s15+$0x300];
	[tilespmem:s15+$0x250] =	vst v12;
	v9 =	vmul.f32 $8.000000000e+00, v53  }
0x1b2: {  	v59 =	vld [tilespmem:s15+$0x310];
	v10 =	vmul.f32 $8.000000000e+00, v54;
	[tilespmem:s15+$0x3F0] =	vst v4  }
0x1b3: {  	v60 =	vld [tilespmem:s15+$0x320];
	v11 =	vmul.f32 $8.000000000e+00, v55;
	[tilespmem:s15+$0x100] =	vst v9  }
0x1b4: {  	v5 =	vld [tilespmem:s15+$0x200];
	v12 =	vmul.f32 $8.000000000e+00, v56;
	[tilespmem:s15+$0x110] =	vst v10  }
0x1b5: {  	v0 =	vld [tilespmem:s15+$0x80];
	[tilespmem:s15+$0x120] =	vst v11;
	v9 =	vmul.f32 $8.000000000e+00, v57  }
0x1b6: {  	v1 =	vld [tilespmem:s15+$0x90];
	[tilespmem:s15+$0x130] =	vst v12;
	v10 =	vmul.f32 $8.000000000e+00, v58  }
0x1b7: {  	v2 =	vld [tilespmem:s15+$0xA0];
	v11 =	vmul.f32 $8.000000000e+00, v59;
	[tilespmem:s15+$0x2F0] =	vst v9  }
0x1b8: {  	v3 =	vld [tilespmem:s15+$0xB0];
	v12 =	vmul.f32 $8.000000000e+00, v60;
	[tilespmem:s15+$0x300] =	vst v10  }
0x1b9: {  	v7 =	vld [tilespmem:s15+$0xC0];
	[tilespmem:s15+$0x310] =	vst v11;
	v5 =	vmul.f32 $8.000000000e+00, v5  }
0x1ba: {  	v6 =	vld [tilespmem:s15+$0x260];
	[tilespmem:s15+$0x320] =	vst v12;
	v0 =	vmul.f32 $8.000000000e+00, v0  }
0x1bb: {  	v8 =	vld [tilespmem:s15+$0xF0];
	v1 =	vmul.f32 $8.000000000e+00, v1;
	[tilespmem:s15+$0x200] =	vst v5  }
0x1bc: {  	v4 =	vld [tilespmem:s15+$0xD0];
	v2 =	vmul.f32 $8.000000000e+00, v2;
	[tilespmem:s15+$0x80] =	vst v0  }
0x1bd: {  	v3 =	vmul.f32 $8.000000000e+00, v3;
	v5 =	vld [tilespmem:s15+$0xE0];
	[tilespmem:s15+$0x90] =	vst v1  }
0x1be: {  	v7 =	vmul.f32 $8.000000000e+00, v7;
	v0 =	vld [tilespmem:s15+$0x270];
	[tilespmem:s15+$0xA0] =	vst v2  }
0x1bf: {  	v6 =	vmul.f32 $8.000000000e+00, v6;
	v1 =	vld [tilespmem:s15+$0x280];
	[tilespmem:s15+$0xB0] =	vst v3  }
0x1c0: {  	v8 =	vmul.f32 $8.000000000e+00, v8;
	v2 =	vld [tilespmem:s15+$0x290];
	[tilespmem:s15+$0xC0] =	vst v7  }
0x1c1: {  	v3 =	vld [tilespmem:s15+$0x2A0];
	v4 =	vmul.f32 $8.000000000e+00, v4;
	[tilespmem:s15+$0x260] =	vst v6  }
0x1c2: {  	v7 =	vld [tilespmem:s15+$0x2B0];
	[tilespmem:s15+$0xF0] =	vst v8;
	v5 =	vmul.f32 $8.000000000e+00, v5  }
0x1c3: {  	v6 =	vld [tilespmem:s15+$0x140];
	[tilespmem:s15+$0xD0] =	vst v4;
	v0 =	vmul.f32 $8.000000000e+00, v0  }
0x1c4: {  	v8 =	vld [tilespmem:s15+$0x2E0];
	v1 =	vmul.f32 $8.000000000e+00, v1;
	[tilespmem:s15+$0xE0] =	vst v5  }
0x1c5: {  	v4 =	vld [tilespmem:s15+$0x2C0];
	v2 =	vmul.f32 $8.000000000e+00, v2;
	[tilespmem:s15+$0x270] =	vst v0  }
0x1c6: {  	v3 =	vmul.f32 $8.000000000e+00, v3;
	v5 =	vld [tilespmem:s15+$0x2D0];
	[tilespmem:s15+$0x280] =	vst v1  }
0x1c7: {  	v7 =	vmul.f32 $8.000000000e+00, v7;
	v0 =	vld [tilespmem:s15+$0x150];
	[tilespmem:s15+$0x290] =	vst v2  }
0x1c8: {  	v6 =	vmul.f32 $8.000000000e+00, v6;
	v1 =	vld [tilespmem:s15+$0x160];
	[tilespmem:s15+$0x2A0] =	vst v3  }
0x1c9: {  	v8 =	vmul.f32 $8.000000000e+00, v8;
	v2 =	vld [tilespmem:s15+$0x170];
	[tilespmem:s15+$0x2B0] =	vst v7  }
0x1ca: {  	v3 =	vld [tilespmem:s15+$0x180];
	v4 =	vmul.f32 $8.000000000e+00, v4;
	[tilespmem:s15+$0x140] =	vst v6  }
0x1cb: {  	v6 =	vld [tilespmem:s15+$0x330];
	[tilespmem:s15+$0x2E0] =	vst v8;
	v5 =	vmul.f32 $8.000000000e+00, v5  }
0x1cc: {  	v7 =	vld [tilespmem:s15+$0x190];
	[tilespmem:s15+$0x2C0] =	vst v4;
	v0 =	vmul.f32 $8.000000000e+00, v0  }
0x1cd: {  	v8 =	vld [tilespmem:s15+$0x1C0];
	v1 =	vmul.f32 $8.000000000e+00, v1;
	[tilespmem:s15+$0x2D0] =	vst v5  }
0x1ce: {  	v4 =	vld [tilespmem:s15+$0x1A0];
	v2 =	vmul.f32 $8.000000000e+00, v2;
	[tilespmem:s15+$0x150] =	vst v0  }
0x1cf: {  	v62 =	vld [tilespmem:s15+$0x1E0];
	v3 =	vmul.f32 $8.000000000e+00, v3;
	[tilespmem:s15+$0x160] =	vst v1  }
0x1d0: {  	v6 =	vmul.f32 $8.000000000e+00, v6;
	v5 =	vld [tilespmem:s15+$0x1B0];
	[tilespmem:s15+$0x170] =	vst v2  }
0x1d1: {  	v7 =	vmul.f32 $8.000000000e+00, v7;
	v0 =	vld [tilespmem:s15+$0x340];
	[tilespmem:s15+$0x180] =	vst v3  }
0x1d2: {  	v1 =	vld [tilespmem:s15+$0x350];
	[tilespmem:s15+$0x330] =	vst v6;
	v6 =	vmul.f32 $8.000000000e+00, v8  }
0x1d3: {  	v2 =	vld [tilespmem:s15+$0x360];
	v4 =	vmul.f32 $8.000000000e+00, v4;
	[tilespmem:s15+$0x190] =	vst v7  }
0x1d4: {  	v61 =	vld [tilespmem:s15+$0x1D0];
	[tilespmem:s15+$0x1C0] =	vst v6;
	v6 =	vmul.f32 $8.000000000e+00, v62  }
0x1d5: {  	v3 =	vld [tilespmem:s15+$0x370];
	[tilespmem:s15+$0x1A0] =	vst v4;
	v5 =	vmul.f32 $8.000000000e+00, v5  }
0x1d6: {  	v63 =	vld [tilespmem:s15+$0x1F0];
	[tilespmem:s15+$0x1E0] =	vst v6;
	v0 =	vmul.f32 $8.000000000e+00, v0  }
0x1d7: {  	v7 =	vld [tilespmem:s15+$0x380];
	v1 =	vmul.f32 $8.000000000e+00, v1;
	[tilespmem:s15+$0x1B0] =	vst v5  }
0x1d8: {  	v4 =	vld [tilespmem:s15+$0x390];
	v2 =	vmul.f32 $8.000000000e+00, v2;
	[tilespmem:s15+$0x340] =	vst v0  }
0x1d9: {  	v8 =	vld [tilespmem:s15+$0x3A0];
	v5 =	vmul.f32 $8.000000000e+00, v61;
	[tilespmem:s15+$0x350] =	vst v1  }
0x1da: {  	v3 =	vmul.f32 $8.000000000e+00, v3;
	v0 =	vld [tilespmem:s15+$0x3B0];
	[tilespmem:s15+$0x360] =	vst v2  }
0x1db: {  	v1 =	vld [tilespmem:s15+$0x3C0];
	[tilespmem:s15+$0x1D0] =	vst v5;
	v5 =	vmul.f32 $8.000000000e+00, v63  }
0x1dc: {  	v6 =	vmul.f32 $8.000000000e+00, v7;
	v2 =	vld [tilespmem:s15+$0x3D0];
	[tilespmem:s15+$0x370] =	vst v3  }
0x1dd: {  	v3 =	vld [tilespmem:s15+$0x3E0];
	[tilespmem:s15+$0x1F0] =	vst v5;
	v5 =	vmul.f32 $8.000000000e+00, v4  }
0x1de: {  	s13 =	sor.u32 $0x2, s13;
	s16 =	simm.s32 $0x0;
	s17 =	simm.s32 $0xCC00;
	[tilespmem:s15+$0x380] =	vst v6;
	v6 =	vmul.f32 $8.000000000e+00, v8;
	v4 =	vld [tilespmem:s15+$0x0]  }
.LBB2_7:
0x1df: {  	v7 =	vld [tilespmem:s17+$0x3F0];
	s16 =	sadd.s32 $0x10, s16;
	[tilespmem:s15+$0x390] =	vst v5;
	v0 =	vmul.f32 $8.000000000e+00, v0  }
0x1e0: {  	v5 =	vld [tilespmem:s17+$0x10];
	p1 =	slt.u32 s16, $0xB0;
	[tilespmem:s15+$0x3A0] =	vst v6;
	v1 =	vmul.f32 $8.000000000e+00, v1  }
0x1e1: {  	v6 =	vld [tilespmem:s17+$0x20];
	[tilespmem:s15+$0x3B0] =	vst v0;
	v0 =	vmul.f32 $8.000000000e+00, v2  }
0x1e2: {  	v2 =	vld [tilespmem:s17+$0x30];
	[tilespmem:s15+$0x3C0] =	vst v1;
	v1 =	vmul.f32 $8.000000000e+00, v3  }
0x1e3: {  	v3 =	vld [tilespmem:s17+$0x40];
	v4 =	vmul.f32 $8.000000000e+00, v4;
	[tilespmem:s15+$0x3D0] =	vst v0  }
0x1e4: {  	v0 =	vld [tilespmem:s17+$0x50];
	v7 =	vmul.f32 $8.000000000e+00, v7;
	[tilespmem:s15+$0x3E0] =	vst v1  }
0x1e5: {  	v1 =	vmul.f32 $8.000000000e+00, v5;
	v5 =	vld [tilespmem:s17+$0x60];
	[tilespmem:s15+$0x0] =	vst v4;
	s15 =	smov.u32 s17  }
0x1e6: {  	v4 =	vmul.f32 $8.000000000e+00, v6;
	v6 =	vld [tilespmem:s17+$0x70];
	[tilespmem:s17+$0x3F0] =	vst v7  }
0x1e7: {  	[tilespmem:s17+$0x10] =	vst v1;
	v1 =	vmul.f32 $8.000000000e+00, v2;
	v2 =	vld [tilespmem:s17+$0x80]  }
0x1e8: {  	[tilespmem:s17+$0x20] =	vst v4;
	v3 =	vmul.f32 $8.000000000e+00, v3;
	v4 =	vld [tilespmem:s17+$0x90]  }
0x1e9: {  	[tilespmem:s17+$0x30] =	vst v1;
	v0 =	vmul.f32 $8.000000000e+00, v0;
	v1 =	vld [tilespmem:s17+$0xA0]  }
0x1ea: {  	[tilespmem:s17+$0x40] =	vst v3;
	v3 =	vmul.f32 $8.000000000e+00, v5;
	v5 =	vld [tilespmem:s17+$0xB0]  }
0x1eb: {  	[tilespmem:s17+$0x50] =	vst v0;
	v0 =	vmul.f32 $8.000000000e+00, v6;
	v6 =	vld [tilespmem:s17+$0xC0]  }
0x1ec: {  	[tilespmem:s17+$0x60] =	vst v3;
	v2 =	vmul.f32 $8.000000000e+00, v2;
	v3 =	vld [tilespmem:s17+$0xD0]  }
0x1ed: {  	[tilespmem:s17+$0x70] =	vst v0;
	v0 =	vmul.f32 $8.000000000e+00, v4;
	v4 =	vld [tilespmem:s17+$0xE0]  }
0x1ee: {  	[tilespmem:s17+$0x80] =	vst v2;
	v1 =	vmul.f32 $8.000000000e+00, v1;
	v2 =	vld [tilespmem:s17+$0xF0]  }
0x1ef: {  	[tilespmem:s17+$0x90] =	vst v0;
	v0 =	vmul.f32 $8.000000000e+00, v5;
	v5 =	vld [tilespmem:s17+$0x100]  }
0x1f0: {  	[tilespmem:s17+$0xA0] =	vst v1;
	v1 =	vmul.f32 $8.000000000e+00, v6;
	v6 =	vld [tilespmem:s17+$0x110]  }
0x1f1: {  	[tilespmem:s17+$0xB0] =	vst v0;
	v0 =	vmul.f32 $8.000000000e+00, v3;
	v3 =	vld [tilespmem:s17+$0x120]  }
0x1f2: {  	[tilespmem:s17+$0xC0] =	vst v1;
	v1 =	vmul.f32 $8.000000000e+00, v4;
	v4 =	vld [tilespmem:s17+$0x130]  }
0x1f3: {  	[tilespmem:s17+$0xD0] =	vst v0;
	v0 =	vmul.f32 $8.000000000e+00, v2;
	v2 =	vld [tilespmem:s17+$0x140]  }
0x1f4: {  	[tilespmem:s17+$0xE0] =	vst v1;
	v1 =	vmul.f32 $8.000000000e+00, v5;
	v5 =	vld [tilespmem:s17+$0x150]  }
0x1f5: {  	[tilespmem:s17+$0xF0] =	vst v0;
	v0 =	vmul.f32 $8.000000000e+00, v6;
	v6 =	vld [tilespmem:s17+$0x160]  }
0x1f6: {  	[tilespmem:s17+$0x100] =	vst v1;
	v1 =	vmul.f32 $8.000000000e+00, v3;
	v3 =	vld [tilespmem:s17+$0x170]  }
0x1f7: {  	[tilespmem:s17+$0x110] =	vst v0;
	v0 =	vmul.f32 $8.000000000e+00, v4;
	v4 =	vld [tilespmem:s17+$0x180]  }
0x1f8: {  	[tilespmem:s17+$0x120] =	vst v1;
	v1 =	vmul.f32 $8.000000000e+00, v2;
	v2 =	vld [tilespmem:s17+$0x190]  }
0x1f9: {  	[tilespmem:s17+$0x130] =	vst v0;
	v0 =	vmul.f32 $8.000000000e+00, v5;
	v5 =	vld [tilespmem:s17+$0x1A0]  }
0x1fa: {  	[tilespmem:s17+$0x140] =	vst v1;
	v1 =	vmul.f32 $8.000000000e+00, v6;
	v6 =	vld [tilespmem:s17+$0x1B0]  }
0x1fb: {  	[tilespmem:s17+$0x150] =	vst v0;
	v0 =	vmul.f32 $8.000000000e+00, v3;
	v3 =	vld [tilespmem:s17+$0x1C0]  }
0x1fc: {  	[tilespmem:s17+$0x160] =	vst v1;
	v1 =	vmul.f32 $8.000000000e+00, v4;
	v4 =	vld [tilespmem:s17+$0x1D0]  }
0x1fd: {  	[tilespmem:s17+$0x170] =	vst v0;
	v0 =	vmul.f32 $8.000000000e+00, v2;
	v2 =	vld [tilespmem:s17+$0x1E0]  }
0x1fe: {  	[tilespmem:s17+$0x180] =	vst v1;
	v1 =	vmul.f32 $8.000000000e+00, v5;
	v5 =	vld [tilespmem:s17+$0x1F0]  }
0x1ff: {  	[tilespmem:s17+$0x190] =	vst v0;
	v0 =	vmul.f32 $8.000000000e+00, v6;
	v6 =	vld [tilespmem:s17+$0x200]  }
0x200: {  	[tilespmem:s17+$0x1A0] =	vst v1;
	v1 =	vmul.f32 $8.000000000e+00, v3;
	v3 =	vld [tilespmem:s17+$0x210]  }
0x201: {  	[tilespmem:s17+$0x1B0] =	vst v0;
	v0 =	vmul.f32 $8.000000000e+00, v4;
	v4 =	vld [tilespmem:s17+$0x220]  }
0x202: {  	[tilespmem:s17+$0x1C0] =	vst v1;
	v1 =	vmul.f32 $8.000000000e+00, v2;
	v2 =	vld [tilespmem:s17+$0x230]  }
0x203: {  	[tilespmem:s17+$0x1D0] =	vst v0;
	v0 =	vmul.f32 $8.000000000e+00, v5;
	v5 =	vld [tilespmem:s17+$0x240]  }
0x204: {  	[tilespmem:s17+$0x1E0] =	vst v1;
	v1 =	vmul.f32 $8.000000000e+00, v6;
	v6 =	vld [tilespmem:s17+$0x250]  }
0x205: {  	[tilespmem:s17+$0x1F0] =	vst v0;
	v0 =	vmul.f32 $8.000000000e+00, v3;
	v3 =	vld [tilespmem:s17+$0x260]  }
0x206: {  	[tilespmem:s17+$0x200] =	vst v1;
	v1 =	vmul.f32 $8.000000000e+00, v4;
	v4 =	vld [tilespmem:s17+$0x270]  }
0x207: {  	[tilespmem:s17+$0x210] =	vst v0;
	v0 =	vmul.f32 $8.000000000e+00, v2;
	v2 =	vld [tilespmem:s17+$0x280]  }
0x208: {  	[tilespmem:s17+$0x220] =	vst v1;
	v1 =	vmul.f32 $8.000000000e+00, v5;
	v5 =	vld [tilespmem:s17+$0x290]  }
0x209: {  	[tilespmem:s17+$0x230] =	vst v0;
	v0 =	vmul.f32 $8.000000000e+00, v6;
	v6 =	vld [tilespmem:s17+$0x2A0]  }
0x20a: {  	[tilespmem:s17+$0x240] =	vst v1;
	v1 =	vmul.f32 $8.000000000e+00, v3;
	v3 =	vld [tilespmem:s17+$0x2B0]  }
0x20b: {  	[tilespmem:s17+$0x250] =	vst v0;
	v0 =	vmul.f32 $8.000000000e+00, v4;
	v4 =	vld [tilespmem:s17+$0x2C0]  }
0x20c: {  	[tilespmem:s17+$0x260] =	vst v1;
	v1 =	vmul.f32 $8.000000000e+00, v2;
	v2 =	vld [tilespmem:s17+$0x2D0]  }
0x20d: {  	[tilespmem:s17+$0x270] =	vst v0;
	v0 =	vmul.f32 $8.000000000e+00, v5;
	v5 =	vld [tilespmem:s17+$0x2E0]  }
0x20e: {  	[tilespmem:s17+$0x280] =	vst v1;
	v1 =	vmul.f32 $8.000000000e+00, v6;
	v6 =	vld [tilespmem:s17+$0x2F0]  }
0x20f: {  	[tilespmem:s17+$0x290] =	vst v0;
	v0 =	vmul.f32 $8.000000000e+00, v3;
	v3 =	vld [tilespmem:s17+$0x300]  }
0x210: {  	[tilespmem:s17+$0x2A0] =	vst v1;
	v1 =	vmul.f32 $8.000000000e+00, v4;
	v4 =	vld [tilespmem:s17+$0x310]  }
0x211: {  	[tilespmem:s17+$0x2B0] =	vst v0;
	v0 =	vmul.f32 $8.000000000e+00, v2;
	v2 =	vld [tilespmem:s17+$0x320]  }
0x212: {  	[tilespmem:s17+$0x2C0] =	vst v1;
	v1 =	vmul.f32 $8.000000000e+00, v5;
	v5 =	vld [tilespmem:s17+$0x330]  }
0x213: {  	[tilespmem:s17+$0x2D0] =	vst v0;
	v0 =	vmul.f32 $8.000000000e+00, v6;
	v6 =	vld [tilespmem:s17+$0x340]  }
0x214: {  	[tilespmem:s17+$0x2E0] =	vst v1;
	v1 =	vmul.f32 $8.000000000e+00, v3;
	v3 =	vld [tilespmem:s17+$0x350]  }
0x215: {  	[tilespmem:s17+$0x2F0] =	vst v0;
	v0 =	vmul.f32 $8.000000000e+00, v4;
	v4 =	vld [tilespmem:s17+$0x360]  }
0x216: {  	[tilespmem:s17+$0x300] =	vst v1;
	v1 =	vmul.f32 $8.000000000e+00, v2;
	v2 =	vld [tilespmem:s17+$0x370]  }
0x217: {  	[tilespmem:s17+$0x310] =	vst v0;
	v0 =	vmul.f32 $8.000000000e+00, v5;
	v5 =	vld [tilespmem:s17+$0x380]  }
0x218: {  	[tilespmem:s17+$0x320] =	vst v1;
	v1 =	vmul.f32 $8.000000000e+00, v6;
	v6 =	vld [tilespmem:s17+$0x390]  }
0x219: {  	[tilespmem:s17+$0x330] =	vst v0;
	v3 =	vmul.f32 $8.000000000e+00, v3;
	v7 =	vld [tilespmem:s17+$0x3A0]  }
.Ltmp2:
0x21a: {  	[tilespmem:s17+$0x340] =	vst v1;
	v4 =	vmul.f32 $8.000000000e+00, v4;
	v0 =	vld [tilespmem:s17+$0x3B0];
	(pc) =	sbr.rel @p1 .LBB2_7-.Ltmp2, $4  }
0x21b: {  	[tilespmem:s17+$0x350] =	vst v3;
	v3 =	vmul.f32 $8.000000000e+00, v2;
	v1 =	vld [tilespmem:s17+$0x3C0]  }
0x21c: {  	[tilespmem:s17+$0x360] =	vst v4;
	v8 =	vmul.f32 $8.000000000e+00, v5;
	v2 =	vld [tilespmem:s17+$0x3D0]  }
0x21d: {  	[tilespmem:s17+$0x370] =	vst v3;
	v5 =	vmul.f32 $8.000000000e+00, v6;
	v3 =	vld [tilespmem:s17+$0x3E0]  }
0x21e: {  	s17 =	sadd.s32 $0x400, s17;
	v4 =	vld [tilespmem:s15+$0x0];
	[tilespmem:s15+$0x380] =	vst v8;
	v6 =	vmul.f32 $8.000000000e+00, v7  }
0x21f: {  	[tilespmem:s15+$0x390] =	vst v5;
	v0 =	vmul.f32 $8.000000000e+00, v0  }
0x220: {  	[tilespmem:s15+$0x3A0] =	vst v6;
	v1 =	vmul.f32 $8.000000000e+00, v1  }
0x221: {  	[tilespmem:s15+$0x3B0] =	vst v0;
	v0 =	vmul.f32 $8.000000000e+00, v2  }
0x222: {  	[tilespmem:s15+$0x3C0] =	vst v1;
	v1 =	vmul.f32 $8.000000000e+00, v3  }
0x223: {  	v2 =	vmul.f32 $8.000000000e+00, v4;
	[tilespmem:s15+$0x3D0] =	vst v0  }
0x224: {  	[tilespmem:s15+$0x3E0] =	vst v1  }
0x225: {  	[tilespmem:s15+$0x0] =	vst v2  }
0x226: {  	v0 =	vld [tilespmem:$0xF800]  }
0x227: {  	v1 =	vld [tilespmem:$0xF810]  }
0x228: {  	v2 =	vld [tilespmem:$0xF820]  }
0x229: {  	v3 =	vld [tilespmem:$0xF830]  }
0x22a: {  	v4 =	vld [tilespmem:$0xF840]  }
0x22b: {  	v5 =	vld [tilespmem:$0xF850];
	v0 =	vmul.f32 $8.000000000e+00, v0  }
0x22c: {  	v6 =	vld [tilespmem:$0xF860];
	v1 =	vmul.f32 $8.000000000e+00, v1  }
0x22d: {  	[tilespmem:$0xF800] =	vst v0;
	v0 =	vmul.f32 $8.000000000e+00, v2;
	v2 =	vld [tilespmem:$0xF870]  }
0x22e: {  	[tilespmem:$0xF810] =	vst v1;
	v1 =	vmul.f32 $8.000000000e+00, v3;
	v3 =	vld [tilespmem:$0xF880]  }
0x22f: {  	[tilespmem:$0xF820] =	vst v0;
	v0 =	vmul.f32 $8.000000000e+00, v4;
	v4 =	vld [tilespmem:$0xF890]  }
0x230: {  	[tilespmem:$0xF830] =	vst v1;
	v1 =	vmul.f32 $8.000000000e+00, v5;
	v5 =	vld [tilespmem:$0xF8A0]  }
0x231: {  	[tilespmem:$0xF840] =	vst v0;
	v0 =	vmul.f32 $8.000000000e+00, v6;
	v6 =	vld [tilespmem:$0xF8B0]  }
0x232: {  	[tilespmem:$0xF850] =	vst v1;
	v1 =	vmul.f32 $8.000000000e+00, v2;
	v2 =	vld [tilespmem:$0xF8C0]  }
0x233: {  	[tilespmem:$0xF860] =	vst v0;
	v0 =	vmul.f32 $8.000000000e+00, v3;
	v3 =	vld [tilespmem:$0xF8D0]  }
0x234: {  	[tilespmem:$0xF870] =	vst v1;
	v1 =	vmul.f32 $8.000000000e+00, v4;
	v4 =	vld [tilespmem:$0xF8E0]  }
0x235: {  	[tilespmem:$0xF880] =	vst v0;
	v0 =	vmul.f32 $8.000000000e+00, v5;
	v5 =	vld [tilespmem:$0xF8F0]  }
0x236: {  	[tilespmem:$0xF890] =	vst v1;
	v1 =	vmul.f32 $8.000000000e+00, v6;
	v6 =	vld [tilespmem:$0xF900]  }
0x237: {  	[tilespmem:$0xF8A0] =	vst v0;
	v0 =	vmul.f32 $8.000000000e+00, v2;
	v2 =	vld [tilespmem:$0xF910]  }
0x238: {  	[tilespmem:$0xF8B0] =	vst v1;
	v1 =	vmul.f32 $8.000000000e+00, v3;
	v3 =	vld [tilespmem:$0xF920]  }
0x239: {  	[tilespmem:$0xF8C0] =	vst v0;
	v0 =	vmul.f32 $8.000000000e+00, v4;
	v4 =	vld [tilespmem:$0xF930]  }
0x23a: {  	[tilespmem:$0xF8D0] =	vst v1;
	v1 =	vmul.f32 $8.000000000e+00, v5;
	v5 =	vld [tilespmem:$0xF940]  }
0x23b: {  	[tilespmem:$0xF8E0] =	vst v0;
	v0 =	vmul.f32 $8.000000000e+00, v6;
	v6 =	vld [tilespmem:$0xF950]  }
0x23c: {  	[tilespmem:$0xF8F0] =	vst v1;
	v1 =	vmul.f32 $8.000000000e+00, v2;
	v2 =	vld [tilespmem:$0xF960]  }
0x23d: {  	[tilespmem:$0xF900] =	vst v0;
	v0 =	vmul.f32 $8.000000000e+00, v3;
	v3 =	vld [tilespmem:$0xF970]  }
0x23e: {  	[tilespmem:$0xF910] =	vst v1;
	v1 =	vmul.f32 $8.000000000e+00, v4;
	v4 =	vld [tilespmem:$0xF980]  }
0x23f: {  	[tilespmem:$0xF920] =	vst v0;
	v0 =	vmul.f32 $8.000000000e+00, v5;
	v5 =	vld [tilespmem:$0xF990]  }
0x240: {  	[tilespmem:$0xF930] =	vst v1;
	v1 =	vmul.f32 $8.000000000e+00, v6;
	v6 =	vld [tilespmem:$0xF9A0]  }
0x241: {  	[tilespmem:$0xF940] =	vst v0;
	v0 =	vmul.f32 $8.000000000e+00, v2;
	v2 =	vld [tilespmem:$0xF9B0]  }
0x242: {  	[tilespmem:$0xF950] =	vst v1;
	v1 =	vmul.f32 $8.000000000e+00, v3;
	v3 =	vld [tilespmem:$0xF9C0]  }
0x243: {  	[tilespmem:$0xF960] =	vst v0;
	v0 =	vmul.f32 $8.000000000e+00, v4;
	v4 =	vld [tilespmem:$0xF9D0]  }
0x244: {  	[tilespmem:$0xF970] =	vst v1;
	v1 =	vmul.f32 $8.000000000e+00, v5;
	v5 =	vld [tilespmem:$0xF9E0]  }
0x245: {  	[tilespmem:$0xF980] =	vst v0;
	v0 =	vmul.f32 $8.000000000e+00, v6;
	v6 =	vld [tilespmem:$0xF9F0]  }
0x246: {  	[tilespmem:$0xF990] =	vst v1;
	v1 =	vmul.f32 $8.000000000e+00, v2  }
0x247: {  	[tilespmem:$0xF9A0] =	vst v0;
	v0 =	vmul.f32 $8.000000000e+00, v3  }
0x248: {  	[tilespmem:$0xF9B0] =	vst v1;
	v1 =	vmul.f32 $8.000000000e+00, v4  }
0x249: {  	s13 =	sadd.s32 s3, s13;
	[tilespmem:$0xF9C0] =	vst v0;
	v0 =	vmul.f32 $8.000000000e+00, v5  }
0x24a: {  	s13 =	smul.u32 $0x640, s13;
	[tilespmem:$0xF9D0] =	vst v1;
	v1 =	vmul.f32 $8.000000000e+00, v6  }
0x24b: {  	[tilespmem:$0xF9E0] =	vst v0  }
0x24c: {  	s13 =	sadd.s32 s2, s13;
	[tilespmem:$0xF9F0] =	vst v1  }
0x24d: {  	[hbm4b:s13+s4] =	stream.linear.scatter [tilespmem:s18], [sflag:$0x5], $0x3200, $0x38;
	[tilespmem:$0x12C00] =	vst v63  }
0x24e: {  	s13 =	simm.s32 @!p0 $0x5  }
0x24f: {  	_ =	swait.ge @!p0 [sflag:s13], $0x3200  }
0x250: {  	s16 =	simm.s32 @!p0 $0xC800;
	[sflag:s13] =	ssyncset.done @!p0 $0x0  }
0x251: {  	s15 =	simm.s32 @!p0 $0x80;
	[sflag:s13] =	ssyncadd.s32 @!p0 $0xFFFFCE00;
	s13 =	sadd.s32 @!p0 $0x4B0, s12  }
0x252: {  	[tilespmem:s16], [sflag:$0x3] =	stream.indirect.gather @!p0 [hbm4b:s5+s15], $0x40, s13, s15, $0xb8;
	[tilespmem:$0x12C00] =	vst v63  }
0x253: {  	s12 =	sadd.s32 @!p0 $0x530, s12;
	s13 =	simm.s32 @!p0 $0x48;
	s15 =	simm.s32 @!p0 $0xE800  }
0x254: {  	[tilespmem:s15], [sflag:$0x3] =	stream.indirect.gather @!p0 [hbm4b:s5+s13], $0x40, s12, s13, $0xb8;
	[tilespmem:$0x12C00] =	vst v63  }
0x255: {  	_ =	swait.ge [sflag:s29], $0x3200  }
0x256: {  	[sflag:s29] =	ssyncset.done $0x0  }
0x257: {  	s12 =	simm.s32 $0xFA00;
	[sflag:s29] =	ssyncadd.s32 $0xFFFFCE00  }
0x258: {  	v0 =	vld [tilespmem:s12+$0x10]  }
0x259: {  	v1 =	vld [tilespmem:s12+$0x20]  }
0x25a: {  	v2 =	vld [tilespmem:s12+$0x30]  }
0x25b: {  	v3 =	vld [tilespmem:s12+$0x40]  }
0x25c: {  	v4 =	vld [tilespmem:s12+$0x50]  }
0x25d: {  	v5 =	vld [tilespmem:s12+$0x60];
	v0 =	vmul.f32 $8.000000000e+00, v0  }
0x25e: {  	v6 =	vld [tilespmem:s12+$0x70];
	v1 =	vmul.f32 $8.000000000e+00, v1  }
0x25f: {  	v8 =	vld [tilespmem:s12+$0x210];
	v2 =	vmul.f32 $8.000000000e+00, v2;
	[tilespmem:s12+$0x10] =	vst v0  }
0x260: {  	v9 =	vld [tilespmem:s12+$0x220];
	v3 =	vmul.f32 $8.000000000e+00, v3;
	[tilespmem:s12+$0x20] =	vst v1  }
0x261: {  	v10 =	vld [tilespmem:s12+$0x230];
	v4 =	vmul.f32 $8.000000000e+00, v4;
	[tilespmem:s12+$0x30] =	vst v2  }
0x262: {  	v11 =	vld [tilespmem:s12+$0x240];
	v5 =	vmul.f32 $8.000000000e+00, v5;
	[tilespmem:s12+$0x40] =	vst v3  }
0x263: {  	v12 =	vld [tilespmem:s12+$0x250];
	v6 =	vmul.f32 $8.000000000e+00, v6;
	[tilespmem:s12+$0x50] =	vst v4  }
0x264: {  	v7 =	vld [tilespmem:s12+$0x3F0];
	v8 =	vmul.f32 $8.000000000e+00, v8;
	[tilespmem:s12+$0x60] =	vst v5  }
0x265: {  	v53 =	vld [tilespmem:s12+$0x100];
	v9 =	vmul.f32 $8.000000000e+00, v9;
	[tilespmem:s12+$0x70] =	vst v6  }
0x266: {  	v54 =	vld [tilespmem:s12+$0x110];
	v10 =	vmul.f32 $8.000000000e+00, v10;
	[tilespmem:s12+$0x210] =	vst v8  }
0x267: {  	v55 =	vld [tilespmem:s12+$0x120];
	v11 =	vmul.f32 $8.000000000e+00, v11;
	[tilespmem:s12+$0x220] =	vst v9  }
0x268: {  	v56 =	vld [tilespmem:s12+$0x130];
	v12 =	vmul.f32 $8.000000000e+00, v12;
	[tilespmem:s12+$0x230] =	vst v10  }
0x269: {  	v57 =	vld [tilespmem:s12+$0x2F0];
	v4 =	vmul.f32 $8.000000000e+00, v7;
	[tilespmem:s12+$0x240] =	vst v11  }
0x26a: {  	v58 =	vld [tilespmem:s12+$0x300];
	[tilespmem:s12+$0x250] =	vst v12;
	v9 =	vmul.f32 $8.000000000e+00, v53  }
0x26b: {  	v59 =	vld [tilespmem:s12+$0x310];
	v10 =	vmul.f32 $8.000000000e+00, v54;
	[tilespmem:s12+$0x3F0] =	vst v4  }
0x26c: {  	v60 =	vld [tilespmem:s12+$0x320];
	v11 =	vmul.f32 $8.000000000e+00, v55;
	[tilespmem:s12+$0x100] =	vst v9  }
0x26d: {  	v5 =	vld [tilespmem:s12+$0x200];
	v12 =	vmul.f32 $8.000000000e+00, v56;
	[tilespmem:s12+$0x110] =	vst v10  }
0x26e: {  	v0 =	vld [tilespmem:s12+$0x80];
	[tilespmem:s12+$0x120] =	vst v11;
	v9 =	vmul.f32 $8.000000000e+00, v57  }
0x26f: {  	v1 =	vld [tilespmem:s12+$0x90];
	[tilespmem:s12+$0x130] =	vst v12;
	v10 =	vmul.f32 $8.000000000e+00, v58  }
0x270: {  	v2 =	vld [tilespmem:s12+$0xA0];
	v11 =	vmul.f32 $8.000000000e+00, v59;
	[tilespmem:s12+$0x2F0] =	vst v9  }
0x271: {  	v3 =	vld [tilespmem:s12+$0xB0];
	v12 =	vmul.f32 $8.000000000e+00, v60;
	[tilespmem:s12+$0x300] =	vst v10  }
0x272: {  	v7 =	vld [tilespmem:s12+$0xC0];
	[tilespmem:s12+$0x310] =	vst v11;
	v5 =	vmul.f32 $8.000000000e+00, v5  }
0x273: {  	v6 =	vld [tilespmem:s12+$0x260];
	[tilespmem:s12+$0x320] =	vst v12;
	v0 =	vmul.f32 $8.000000000e+00, v0  }
0x274: {  	v8 =	vld [tilespmem:s12+$0xF0];
	v1 =	vmul.f32 $8.000000000e+00, v1;
	[tilespmem:s12+$0x200] =	vst v5  }
0x275: {  	v4 =	vld [tilespmem:s12+$0xD0];
	v2 =	vmul.f32 $8.000000000e+00, v2;
	[tilespmem:s12+$0x80] =	vst v0  }
0x276: {  	v3 =	vmul.f32 $8.000000000e+00, v3;
	v5 =	vld [tilespmem:s12+$0xE0];
	[tilespmem:s12+$0x90] =	vst v1  }
0x277: {  	v7 =	vmul.f32 $8.000000000e+00, v7;
	v0 =	vld [tilespmem:s12+$0x270];
	[tilespmem:s12+$0xA0] =	vst v2  }
0x278: {  	v6 =	vmul.f32 $8.000000000e+00, v6;
	v1 =	vld [tilespmem:s12+$0x280];
	[tilespmem:s12+$0xB0] =	vst v3  }
0x279: {  	v8 =	vmul.f32 $8.000000000e+00, v8;
	v2 =	vld [tilespmem:s12+$0x290];
	[tilespmem:s12+$0xC0] =	vst v7  }
0x27a: {  	v3 =	vld [tilespmem:s12+$0x2A0];
	v4 =	vmul.f32 $8.000000000e+00, v4;
	[tilespmem:s12+$0x260] =	vst v6  }
0x27b: {  	v7 =	vld [tilespmem:s12+$0x2B0];
	[tilespmem:s12+$0xF0] =	vst v8;
	v5 =	vmul.f32 $8.000000000e+00, v5  }
0x27c: {  	v6 =	vld [tilespmem:s12+$0x140];
	[tilespmem:s12+$0xD0] =	vst v4;
	v0 =	vmul.f32 $8.000000000e+00, v0  }
0x27d: {  	v8 =	vld [tilespmem:s12+$0x2E0];
	v1 =	vmul.f32 $8.000000000e+00, v1;
	[tilespmem:s12+$0xE0] =	vst v5  }
0x27e: {  	v4 =	vld [tilespmem:s12+$0x2C0];
	v2 =	vmul.f32 $8.000000000e+00, v2;
	[tilespmem:s12+$0x270] =	vst v0  }
0x27f: {  	v3 =	vmul.f32 $8.000000000e+00, v3;
	v5 =	vld [tilespmem:s12+$0x2D0];
	[tilespmem:s12+$0x280] =	vst v1  }
0x280: {  	v7 =	vmul.f32 $8.000000000e+00, v7;
	v0 =	vld [tilespmem:s12+$0x150];
	[tilespmem:s12+$0x290] =	vst v2  }
0x281: {  	v6 =	vmul.f32 $8.000000000e+00, v6;
	v1 =	vld [tilespmem:s12+$0x160];
	[tilespmem:s12+$0x2A0] =	vst v3  }
0x282: {  	v8 =	vmul.f32 $8.000000000e+00, v8;
	v2 =	vld [tilespmem:s12+$0x170];
	[tilespmem:s12+$0x2B0] =	vst v7  }
0x283: {  	v3 =	vld [tilespmem:s12+$0x180];
	v4 =	vmul.f32 $8.000000000e+00, v4;
	[tilespmem:s12+$0x140] =	vst v6  }
0x284: {  	v6 =	vld [tilespmem:s12+$0x330];
	[tilespmem:s12+$0x2E0] =	vst v8;
	v5 =	vmul.f32 $8.000000000e+00, v5  }
0x285: {  	v7 =	vld [tilespmem:s12+$0x190];
	[tilespmem:s12+$0x2C0] =	vst v4;
	v0 =	vmul.f32 $8.000000000e+00, v0  }
0x286: {  	v8 =	vld [tilespmem:s12+$0x1C0];
	v1 =	vmul.f32 $8.000000000e+00, v1;
	[tilespmem:s12+$0x2D0] =	vst v5  }
0x287: {  	v4 =	vld [tilespmem:s12+$0x1A0];
	v2 =	vmul.f32 $8.000000000e+00, v2;
	[tilespmem:s12+$0x150] =	vst v0  }
0x288: {  	v62 =	vld [tilespmem:s12+$0x1E0];
	v3 =	vmul.f32 $8.000000000e+00, v3;
	[tilespmem:s12+$0x160] =	vst v1  }
0x289: {  	v6 =	vmul.f32 $8.000000000e+00, v6;
	v5 =	vld [tilespmem:s12+$0x1B0];
	[tilespmem:s12+$0x170] =	vst v2  }
0x28a: {  	v7 =	vmul.f32 $8.000000000e+00, v7;
	v0 =	vld [tilespmem:s12+$0x340];
	[tilespmem:s12+$0x180] =	vst v3  }
0x28b: {  	v1 =	vld [tilespmem:s12+$0x350];
	[tilespmem:s12+$0x330] =	vst v6;
	v6 =	vmul.f32 $8.000000000e+00, v8  }
0x28c: {  	v2 =	vld [tilespmem:s12+$0x360];
	v4 =	vmul.f32 $8.000000000e+00, v4;
	[tilespmem:s12+$0x190] =	vst v7  }
0x28d: {  	v61 =	vld [tilespmem:s12+$0x1D0];
	[tilespmem:s12+$0x1C0] =	vst v6;
	v6 =	vmul.f32 $8.000000000e+00, v62  }
0x28e: {  	v3 =	vld [tilespmem:s12+$0x370];
	[tilespmem:s12+$0x1A0] =	vst v4;
	v5 =	vmul.f32 $8.000000000e+00, v5  }
0x28f: {  	v63 =	vld [tilespmem:s12+$0x1F0];
	[tilespmem:s12+$0x1E0] =	vst v6;
	v0 =	vmul.f32 $8.000000000e+00, v0  }
0x290: {  	v7 =	vld [tilespmem:s12+$0x380];
	v1 =	vmul.f32 $8.000000000e+00, v1;
	[tilespmem:s12+$0x1B0] =	vst v5  }
0x291: {  	v4 =	vld [tilespmem:s12+$0x390];
	v2 =	vmul.f32 $8.000000000e+00, v2;
	[tilespmem:s12+$0x340] =	vst v0  }
0x292: {  	v8 =	vld [tilespmem:s12+$0x3A0];
	v5 =	vmul.f32 $8.000000000e+00, v61;
	[tilespmem:s12+$0x350] =	vst v1  }
0x293: {  	v3 =	vmul.f32 $8.000000000e+00, v3;
	v0 =	vld [tilespmem:s12+$0x3B0];
	[tilespmem:s12+$0x360] =	vst v2  }
0x294: {  	v1 =	vld [tilespmem:s12+$0x3C0];
	[tilespmem:s12+$0x1D0] =	vst v5;
	v5 =	vmul.f32 $8.000000000e+00, v63  }
0x295: {  	v6 =	vmul.f32 $8.000000000e+00, v7;
	v2 =	vld [tilespmem:s12+$0x3D0];
	[tilespmem:s12+$0x370] =	vst v3  }
0x296: {  	v3 =	vld [tilespmem:s12+$0x3E0];
	[tilespmem:s12+$0x1F0] =	vst v5;
	v5 =	vmul.f32 $8.000000000e+00, v4  }
0x297: {  	s13 =	simm.s32 $0x0;
	s15 =	simm.s32 $0xFE00;
	[tilespmem:s12+$0x380] =	vst v6;
	v6 =	vmul.f32 $8.000000000e+00, v8;
	v4 =	vld [tilespmem:s12+$0x0]  }
.LBB2_9:
0x298: {  	v7 =	vld [tilespmem:s15+$0x3F0];
	s13 =	sadd.s32 $0x10, s13;
	[tilespmem:s12+$0x390] =	vst v5;
	v0 =	vmul.f32 $8.000000000e+00, v0  }
0x299: {  	v5 =	vld [tilespmem:s15+$0x10];
	p0 =	slt.u32 s13, $0xB0;
	[tilespmem:s12+$0x3A0] =	vst v6;
	v1 =	vmul.f32 $8.000000000e+00, v1  }
0x29a: {  	v6 =	vld [tilespmem:s15+$0x20];
	[tilespmem:s12+$0x3B0] =	vst v0;
	v0 =	vmul.f32 $8.000000000e+00, v2  }
0x29b: {  	v2 =	vld [tilespmem:s15+$0x30];
	[tilespmem:s12+$0x3C0] =	vst v1;
	v1 =	vmul.f32 $8.000000000e+00, v3  }
0x29c: {  	v3 =	vld [tilespmem:s15+$0x40];
	v4 =	vmul.f32 $8.000000000e+00, v4;
	[tilespmem:s12+$0x3D0] =	vst v0  }
0x29d: {  	v0 =	vld [tilespmem:s15+$0x50];
	v7 =	vmul.f32 $8.000000000e+00, v7;
	[tilespmem:s12+$0x3E0] =	vst v1  }
0x29e: {  	v1 =	vmul.f32 $8.000000000e+00, v5;
	v5 =	vld [tilespmem:s15+$0x60];
	[tilespmem:s12+$0x0] =	vst v4;
	s12 =	smov.u32 s15  }
0x29f: {  	v4 =	vmul.f32 $8.000000000e+00, v6;
	v6 =	vld [tilespmem:s15+$0x70];
	[tilespmem:s15+$0x3F0] =	vst v7  }
0x2a0: {  	[tilespmem:s15+$0x10] =	vst v1;
	v1 =	vmul.f32 $8.000000000e+00, v2;
	v2 =	vld [tilespmem:s15+$0x80]  }
0x2a1: {  	[tilespmem:s15+$0x20] =	vst v4;
	v3 =	vmul.f32 $8.000000000e+00, v3;
	v4 =	vld [tilespmem:s15+$0x90]  }
0x2a2: {  	[tilespmem:s15+$0x30] =	vst v1;
	v0 =	vmul.f32 $8.000000000e+00, v0;
	v1 =	vld [tilespmem:s15+$0xA0]  }
0x2a3: {  	[tilespmem:s15+$0x40] =	vst v3;
	v3 =	vmul.f32 $8.000000000e+00, v5;
	v5 =	vld [tilespmem:s15+$0xB0]  }
0x2a4: {  	[tilespmem:s15+$0x50] =	vst v0;
	v0 =	vmul.f32 $8.000000000e+00, v6;
	v6 =	vld [tilespmem:s15+$0xC0]  }
0x2a5: {  	[tilespmem:s15+$0x60] =	vst v3;
	v2 =	vmul.f32 $8.000000000e+00, v2;
	v3 =	vld [tilespmem:s15+$0xD0]  }
0x2a6: {  	[tilespmem:s15+$0x70] =	vst v0;
	v0 =	vmul.f32 $8.000000000e+00, v4;
	v4 =	vld [tilespmem:s15+$0xE0]  }
0x2a7: {  	[tilespmem:s15+$0x80] =	vst v2;
	v1 =	vmul.f32 $8.000000000e+00, v1;
	v2 =	vld [tilespmem:s15+$0xF0]  }
0x2a8: {  	[tilespmem:s15+$0x90] =	vst v0;
	v0 =	vmul.f32 $8.000000000e+00, v5;
	v5 =	vld [tilespmem:s15+$0x100]  }
0x2a9: {  	[tilespmem:s15+$0xA0] =	vst v1;
	v1 =	vmul.f32 $8.000000000e+00, v6;
	v6 =	vld [tilespmem:s15+$0x110]  }
0x2aa: {  	[tilespmem:s15+$0xB0] =	vst v0;
	v0 =	vmul.f32 $8.000000000e+00, v3;
	v3 =	vld [tilespmem:s15+$0x120]  }
0x2ab: {  	[tilespmem:s15+$0xC0] =	vst v1;
	v1 =	vmul.f32 $8.000000000e+00, v4;
	v4 =	vld [tilespmem:s15+$0x130]  }
0x2ac: {  	[tilespmem:s15+$0xD0] =	vst v0;
	v0 =	vmul.f32 $8.000000000e+00, v2;
	v2 =	vld [tilespmem:s15+$0x140]  }
0x2ad: {  	[tilespmem:s15+$0xE0] =	vst v1;
	v1 =	vmul.f32 $8.000000000e+00, v5;
	v5 =	vld [tilespmem:s15+$0x150]  }
0x2ae: {  	[tilespmem:s15+$0xF0] =	vst v0;
	v0 =	vmul.f32 $8.000000000e+00, v6;
	v6 =	vld [tilespmem:s15+$0x160]  }
0x2af: {  	[tilespmem:s15+$0x100] =	vst v1;
	v1 =	vmul.f32 $8.000000000e+00, v3;
	v3 =	vld [tilespmem:s15+$0x170]  }
0x2b0: {  	[tilespmem:s15+$0x110] =	vst v0;
	v0 =	vmul.f32 $8.000000000e+00, v4;
	v4 =	vld [tilespmem:s15+$0x180]  }
0x2b1: {  	[tilespmem:s15+$0x120] =	vst v1;
	v1 =	vmul.f32 $8.000000000e+00, v2;
	v2 =	vld [tilespmem:s15+$0x190]  }
0x2b2: {  	[tilespmem:s15+$0x130] =	vst v0;
	v0 =	vmul.f32 $8.000000000e+00, v5;
	v5 =	vld [tilespmem:s15+$0x1A0]  }
0x2b3: {  	[tilespmem:s15+$0x140] =	vst v1;
	v1 =	vmul.f32 $8.000000000e+00, v6;
	v6 =	vld [tilespmem:s15+$0x1B0]  }
0x2b4: {  	[tilespmem:s15+$0x150] =	vst v0;
	v0 =	vmul.f32 $8.000000000e+00, v3;
	v3 =	vld [tilespmem:s15+$0x1C0]  }
0x2b5: {  	[tilespmem:s15+$0x160] =	vst v1;
	v1 =	vmul.f32 $8.000000000e+00, v4;
	v4 =	vld [tilespmem:s15+$0x1D0]  }
0x2b6: {  	[tilespmem:s15+$0x170] =	vst v0;
	v0 =	vmul.f32 $8.000000000e+00, v2;
	v2 =	vld [tilespmem:s15+$0x1E0]  }
0x2b7: {  	[tilespmem:s15+$0x180] =	vst v1;
	v1 =	vmul.f32 $8.000000000e+00, v5;
	v5 =	vld [tilespmem:s15+$0x1F0]  }
0x2b8: {  	[tilespmem:s15+$0x190] =	vst v0;
	v0 =	vmul.f32 $8.000000000e+00, v6;
	v6 =	vld [tilespmem:s15+$0x200]  }
0x2b9: {  	[tilespmem:s15+$0x1A0] =	vst v1;
	v1 =	vmul.f32 $8.000000000e+00, v3;
	v3 =	vld [tilespmem:s15+$0x210]  }
0x2ba: {  	[tilespmem:s15+$0x1B0] =	vst v0;
	v0 =	vmul.f32 $8.000000000e+00, v4;
	v4 =	vld [tilespmem:s15+$0x220]  }
0x2bb: {  	[tilespmem:s15+$0x1C0] =	vst v1;
	v1 =	vmul.f32 $8.000000000e+00, v2;
	v2 =	vld [tilespmem:s15+$0x230]  }
0x2bc: {  	[tilespmem:s15+$0x1D0] =	vst v0;
	v0 =	vmul.f32 $8.000000000e+00, v5;
	v5 =	vld [tilespmem:s15+$0x240]  }
0x2bd: {  	[tilespmem:s15+$0x1E0] =	vst v1;
	v1 =	vmul.f32 $8.000000000e+00, v6;
	v6 =	vld [tilespmem:s15+$0x250]  }
0x2be: {  	[tilespmem:s15+$0x1F0] =	vst v0;
	v0 =	vmul.f32 $8.000000000e+00, v3;
	v3 =	vld [tilespmem:s15+$0x260]  }
0x2bf: {  	[tilespmem:s15+$0x200] =	vst v1;
	v1 =	vmul.f32 $8.000000000e+00, v4;
	v4 =	vld [tilespmem:s15+$0x270]  }
0x2c0: {  	[tilespmem:s15+$0x210] =	vst v0;
	v0 =	vmul.f32 $8.000000000e+00, v2;
	v2 =	vld [tilespmem:s15+$0x280]  }
0x2c1: {  	[tilespmem:s15+$0x220] =	vst v1;
	v1 =	vmul.f32 $8.000000000e+00, v5;
	v5 =	vld [tilespmem:s15+$0x290]  }
0x2c2: {  	[tilespmem:s15+$0x230] =	vst v0;
	v0 =	vmul.f32 $8.000000000e+00, v6;
	v6 =	vld [tilespmem:s15+$0x2A0]  }
0x2c3: {  	[tilespmem:s15+$0x240] =	vst v1;
	v1 =	vmul.f32 $8.000000000e+00, v3;
	v3 =	vld [tilespmem:s15+$0x2B0]  }
0x2c4: {  	[tilespmem:s15+$0x250] =	vst v0;
	v0 =	vmul.f32 $8.000000000e+00, v4;
	v4 =	vld [tilespmem:s15+$0x2C0]  }
0x2c5: {  	[tilespmem:s15+$0x260] =	vst v1;
	v1 =	vmul.f32 $8.000000000e+00, v2;
	v2 =	vld [tilespmem:s15+$0x2D0]  }
0x2c6: {  	[tilespmem:s15+$0x270] =	vst v0;
	v0 =	vmul.f32 $8.000000000e+00, v5;
	v5 =	vld [tilespmem:s15+$0x2E0]  }
0x2c7: {  	[tilespmem:s15+$0x280] =	vst v1;
	v1 =	vmul.f32 $8.000000000e+00, v6;
	v6 =	vld [tilespmem:s15+$0x2F0]  }
0x2c8: {  	[tilespmem:s15+$0x290] =	vst v0;
	v0 =	vmul.f32 $8.000000000e+00, v3;
	v3 =	vld [tilespmem:s15+$0x300]  }
0x2c9: {  	[tilespmem:s15+$0x2A0] =	vst v1;
	v1 =	vmul.f32 $8.000000000e+00, v4;
	v4 =	vld [tilespmem:s15+$0x310]  }
0x2ca: {  	[tilespmem:s15+$0x2B0] =	vst v0;
	v0 =	vmul.f32 $8.000000000e+00, v2;
	v2 =	vld [tilespmem:s15+$0x320]  }
0x2cb: {  	[tilespmem:s15+$0x2C0] =	vst v1;
	v1 =	vmul.f32 $8.000000000e+00, v5;
	v5 =	vld [tilespmem:s15+$0x330]  }
0x2cc: {  	[tilespmem:s15+$0x2D0] =	vst v0;
	v0 =	vmul.f32 $8.000000000e+00, v6;
	v6 =	vld [tilespmem:s15+$0x340]  }
0x2cd: {  	[tilespmem:s15+$0x2E0] =	vst v1;
	v1 =	vmul.f32 $8.000000000e+00, v3;
	v3 =	vld [tilespmem:s15+$0x350]  }
0x2ce: {  	[tilespmem:s15+$0x2F0] =	vst v0;
	v0 =	vmul.f32 $8.000000000e+00, v4;
	v4 =	vld [tilespmem:s15+$0x360]  }
0x2cf: {  	[tilespmem:s15+$0x300] =	vst v1;
	v1 =	vmul.f32 $8.000000000e+00, v2;
	v2 =	vld [tilespmem:s15+$0x370]  }
0x2d0: {  	[tilespmem:s15+$0x310] =	vst v0;
	v0 =	vmul.f32 $8.000000000e+00, v5;
	v5 =	vld [tilespmem:s15+$0x380]  }
0x2d1: {  	[tilespmem:s15+$0x320] =	vst v1;
	v1 =	vmul.f32 $8.000000000e+00, v6;
	v6 =	vld [tilespmem:s15+$0x390]  }
0x2d2: {  	[tilespmem:s15+$0x330] =	vst v0;
	v3 =	vmul.f32 $8.000000000e+00, v3;
	v7 =	vld [tilespmem:s15+$0x3A0]  }
.Ltmp3:
0x2d3: {  	[tilespmem:s15+$0x340] =	vst v1;
	v4 =	vmul.f32 $8.000000000e+00, v4;
	v0 =	vld [tilespmem:s15+$0x3B0];
	(pc) =	sbr.rel @p0 .LBB2_9-.Ltmp3, $4  }
0x2d4: {  	[tilespmem:s15+$0x350] =	vst v3;
	v3 =	vmul.f32 $8.000000000e+00, v2;
	v1 =	vld [tilespmem:s15+$0x3C0]  }
0x2d5: {  	[tilespmem:s15+$0x360] =	vst v4;
	v8 =	vmul.f32 $8.000000000e+00, v5;
	v2 =	vld [tilespmem:s15+$0x3D0]  }
0x2d6: {  	[tilespmem:s15+$0x370] =	vst v3;
	v5 =	vmul.f32 $8.000000000e+00, v6;
	v3 =	vld [tilespmem:s15+$0x3E0]  }
0x2d7: {  	s15 =	sadd.s32 $0x400, s15;
	v4 =	vld [tilespmem:s12+$0x0];
	[tilespmem:s12+$0x380] =	vst v8;
	v6 =	vmul.f32 $8.000000000e+00, v7  }
0x2d8: {  	[tilespmem:s12+$0x390] =	vst v5;
	v0 =	vmul.f32 $8.000000000e+00, v0  }
0x2d9: {  	[tilespmem:s12+$0x3A0] =	vst v6;
	v1 =	vmul.f32 $8.000000000e+00, v1  }
0x2da: {  	[tilespmem:s12+$0x3B0] =	vst v0;
	v59 =	vmul.f32 $8.000000000e+00, v2  }
0x2db: {  	[tilespmem:s12+$0x3C0] =	vst v1;
	v60 =	vmul.f32 $8.000000000e+00, v3  }
0x2dc: {  	v61 =	vmul.f32 $8.000000000e+00, v4;
	[tilespmem:s12+$0x3D0] =	vst v59  }
0x2dd: {  	[tilespmem:s12+$0x3E0] =	vst v60  }
0x2de: {  	[tilespmem:s12+$0x0] =	vst v61  }
0x2df: {  	v0 =	vld [tilespmem:$0x12A00]  }
0x2e0: {  	v1 =	vld [tilespmem:$0x12A10]  }
0x2e1: {  	v2 =	vld [tilespmem:$0x12A20]  }
0x2e2: {  	v62 =	vld [tilespmem:$0x12A30]  }
0x2e3: {  	v63 =	vld [tilespmem:$0x12A40]  }
0x2e4: {  	v5 =	vld [tilespmem:$0x12A50];
	v0 =	vmul.f32 $8.000000000e+00, v0  }
0x2e5: {  	v6 =	vld [tilespmem:$0x12A60];
	v1 =	vmul.f32 $8.000000000e+00, v1  }
0x2e6: {  	v10 =	vld [tilespmem:$0x12A70];
	v9 =	vmul.f32 $8.000000000e+00, v2;
	[tilespmem:$0x12A00] =	vst v0  }
0x2e7: {  	v12 =	vld [tilespmem:$0x12A80];
	v11 =	vmul.f32 $8.000000000e+00, v62;
	[tilespmem:$0x12A10] =	vst v1  }
0x2e8: {  	v14 =	vld [tilespmem:$0x12A90];
	v13 =	vmul.f32 $8.000000000e+00, v63;
	[tilespmem:$0x12A20] =	vst v9  }
0x2e9: {  	v16 =	vld [tilespmem:$0x12AA0];
	v15 =	vmul.f32 $8.000000000e+00, v5;
	[tilespmem:$0x12A30] =	vst v11  }
0x2ea: {  	v18 =	vld [tilespmem:$0x12AB0];
	v17 =	vmul.f32 $8.000000000e+00, v6;
	[tilespmem:$0x12A40] =	vst v13  }
0x2eb: {  	v20 =	vld [tilespmem:$0x12AC0];
	v19 =	vmul.f32 $8.000000000e+00, v10;
	[tilespmem:$0x12A50] =	vst v15  }
0x2ec: {  	v22 =	vld [tilespmem:$0x12AD0];
	v21 =	vmul.f32 $8.000000000e+00, v12;
	[tilespmem:$0x12A60] =	vst v17  }
0x2ed: {  	v24 =	vld [tilespmem:$0x12AE0];
	v23 =	vmul.f32 $8.000000000e+00, v14;
	[tilespmem:$0x12A70] =	vst v19  }
0x2ee: {  	v26 =	vld [tilespmem:$0x12AF0];
	v25 =	vmul.f32 $8.000000000e+00, v16;
	[tilespmem:$0x12A80] =	vst v21  }
0x2ef: {  	v28 =	vld [tilespmem:$0x12B00];
	v27 =	vmul.f32 $8.000000000e+00, v18;
	[tilespmem:$0x12A90] =	vst v23  }
0x2f0: {  	v30 =	vld [tilespmem:$0x12B10];
	v29 =	vmul.f32 $8.000000000e+00, v20;
	[tilespmem:$0x12AA0] =	vst v25  }
0x2f1: {  	v32 =	vld [tilespmem:$0x12B20];
	v31 =	vmul.f32 $8.000000000e+00, v22;
	[tilespmem:$0x12AB0] =	vst v27  }
0x2f2: {  	v34 =	vld [tilespmem:$0x12B30];
	v33 =	vmul.f32 $8.000000000e+00, v24;
	[tilespmem:$0x12AC0] =	vst v29  }
0x2f3: {  	v36 =	vld [tilespmem:$0x12B40];
	v35 =	vmul.f32 $8.000000000e+00, v26;
	[tilespmem:$0x12AD0] =	vst v31  }
0x2f4: {  	v38 =	vld [tilespmem:$0x12B50];
	v37 =	vmul.f32 $8.000000000e+00, v28;
	[tilespmem:$0x12AE0] =	vst v33  }
0x2f5: {  	v40 =	vld [tilespmem:$0x12B60];
	v39 =	vmul.f32 $8.000000000e+00, v30;
	[tilespmem:$0x12AF0] =	vst v35  }
0x2f6: {  	v42 =	vld [tilespmem:$0x12B70];
	v41 =	vmul.f32 $8.000000000e+00, v32;
	[tilespmem:$0x12B00] =	vst v37  }
0x2f7: {  	v44 =	vld [tilespmem:$0x12B80];
	v43 =	vmul.f32 $8.000000000e+00, v34;
	[tilespmem:$0x12B10] =	vst v39  }
0x2f8: {  	v46 =	vld [tilespmem:$0x12B90];
	v45 =	vmul.f32 $8.000000000e+00, v36;
	[tilespmem:$0x12B20] =	vst v41  }
0x2f9: {  	v48 =	vld [tilespmem:$0x12BA0];
	v47 =	vmul.f32 $8.000000000e+00, v38;
	[tilespmem:$0x12B30] =	vst v43  }
0x2fa: {  	v50 =	vld [tilespmem:$0x12BB0];
	v49 =	vmul.f32 $8.000000000e+00, v40;
	[tilespmem:$0x12B40] =	vst v45  }
0x2fb: {  	v52 =	vld [tilespmem:$0x12BC0];
	v51 =	vmul.f32 $8.000000000e+00, v42;
	[tilespmem:$0x12B50] =	vst v47  }
0x2fc: {  	v54 =	vld [tilespmem:$0x12BD0];
	v53 =	vmul.f32 $8.000000000e+00, v44;
	[tilespmem:$0x12B60] =	vst v49  }
0x2fd: {  	v56 =	vld [tilespmem:$0x12BE0];
	v55 =	vmul.f32 $8.000000000e+00, v46;
	[tilespmem:$0x12B70] =	vst v51  }
0x2fe: {  	v58 =	vld [tilespmem:$0x12BF0];
	v57 =	vmul.f32 $8.000000000e+00, v48;
	[tilespmem:$0x12B80] =	vst v53  }
0x2ff: {  	v59 =	vmul.f32 $8.000000000e+00, v50;
	[tilespmem:$0x12B90] =	vst v55  }
0x300: {  	s1 =	sadd.s32 $0x1, s1;
	v60 =	vmul.f32 $8.000000000e+00, v52;
	[tilespmem:$0x12BA0] =	vst v57  }
0x301: {  	p0 =	sne.s32 s1, $0x20;
	v61 =	vmul.f32 $8.000000000e+00, v54;
	[tilespmem:$0x12BB0] =	vst v59  }
.Ltmp4:
0x302: {  	s0 =	sadd.s32 s3, s0;
	v62 =	vmul.f32 $8.000000000e+00, v56;
	[tilespmem:$0x12BC0] =	vst v60;
	(pc) =	sbr.rel @p0 .LBB2_2-.Ltmp4, $4  }
0x303: {  	s0 =	smul.u32 $0x640, s0;
	v63 =	vmul.f32 $8.000000000e+00, v58;
	[tilespmem:$0x12BD0] =	vst v61  }
0x304: {  	[tilespmem:$0x12BE0] =	vst v62  }
0x305: {  	s0 =	sadd.s32 s2, s0;
	[tilespmem:$0x12BF0] =	vst v63  }
0x306: {  	[hbm4b:s0+s4] =	stream.linear.scatter [tilespmem:s22], [sflag:$0x5], $0x3200, $0x38;
	[tilespmem:$0x12C00] =	vst v63  }
0x307: {  	_ =	swait.ge [sflag:s30], $0x3200  }
0x308: {  	[sflag:s30] =	ssyncset.done $0x0  }
0x309: {  	[sflag:s30] =	ssyncadd.s32 $0xFFFFCE00  }
0x30a: {  	_ =	swait.ge [sflag:s30], $0x3200  }
0x30b: {  	[sflag:s30] =	ssyncset.done $0x0  }
0x30c: {  	s31 =	sadd.s32 $0x1, s31;
	[sflag:s30] =	ssyncadd.s32 $0xFFFFCE00  }
0x30d: {  	p0 =	sne.s32 s31, s7;
	_ =	swait.ge [sflag:s30], $0x3200  }
.Ltmp5:
0x30e: {  	[sflag:s30] =	ssyncset.done $0x0;
	(pc) =	sbr.rel @p0 .LBB2_1-.Ltmp5, $4  }
0x30f: {  	[sflag:s30] =	ssyncadd.s32 $0xFFFFCE00  }
0x310: {  	_ =	swait.ge [sflag:s30], $0x3200  }
0x311: {  	[sflag:s30] =	ssyncset.done $0x0  }
0x312: {  	[sflag:s30] =	ssyncadd.s32 $0xFFFFCE00  }
0x313: {  	_ =	sfence.sel $0x180000  }
0x314: {  	[bflag:$0x0] =	sbarrier.arrive $0xFFFF  }
0x315: {  	_ =	strace $0x90000047  }
0x316: {  	s0 =	stileid.u32;
	[bflag:$0x2] =	sbarrier.arrive $0xFFFF  }
0x317: {  	p0 =	sne.s32 s0, $0x0;
	s0 =	rddreg [dreg:$0x2]  }
0x318: {  	s0 =	sadd.s32 @!p0 $0x100000, s0  }
0x319: {  	[sflag:s0] =	ssyncadd.tile.s32 @!p0 $0x1;
	_ =	shalt  }
.Lfunc_end2:
_tile_overlayer_lowered:
.L_overlay_start_2:
0x31a: {  	(tag) =	ssettag $0x2  }
0x31b: {  	s0 =	rddreg [dreg:$0x0];
	s2 =	stileid.u32  }
0x31c: {  	s1 =	rddreg [dreg:$0x1];
	p0 =	sne.s32 s2, $0x0  }
0x31d: {  	s3 =	rddreg [dreg:$0x2];
	[bflag:$0x3] =	sbarrier.arrive $0xFFFF;
	s2 =	simm.s32 @!p0 $0x1C06  }
0x31e: {  	[timem:s3], [sflag:s2] =	dma.local @!p0 [hbm:s0], s1  }
0x31f: {  	s0 =	simm.s32 @!p0 $0x6  }
0x320: {  	_ =	swait.ge @!p0 [sflag:s0], s1  }
0x321: {  	s1 =	ssub.s32 @!p0 $0x0, s1;
	[sflag:s0] =	ssyncset.done @!p0 $0x0  }
0x322: {  	[sflag:s0] =	ssyncadd.s32 @!p0 s1  }
0x323: {  	[bflag:$0x3] =	sbarrier.arrive $0xFFFF  }
0x324: {  	_ =	shalt  }

// kernel: sparse-core-data-format-call.cloned.1.call-start
scs
called_computation_lowered:
.L_overlay_start_0:
0x0: {  	s2 =	sld [smem:$0x3FD9]  }
0x1: {  	s3 =	sld [smem:$0x3FFE];
	_ =	sdelay $0x1  }
0x2: {  	s1 =	srdreg.scid  }
0x3: {  	s0 =	sand.u32 $0x1, s1  }
0x4: {  	s18 =	sshll.u32 s0, $0xA;
	s2 =	sadd.s32 s3, s2  }
0x5: {  	s2 =	sadd.s32 s2, s18  }
0x6: {  	[smem:$0x3FC6] =	sst s2  }
0x7: {  	_ = 	snop  }
0x8: {  	s2 =	sld [smem:$0x3FD0];
	(tm) =	ssettm $0x1  }
0x9: {  	s19 =	sld [smem:$0x3FFB];
	_ =	sdelay $0x3  }
0xa: {  	_ =	strace s19  }
0xb: {  	s3 =	sld [smem:$0x3FFC];
	_ =	sdelay $0x3  }
0xc: {  	_ =	strace s3  }
0xd: {  	s3 =	sld [smem:$0x3FFD];
	_ =	sdelay $0x3  }
0xe: {  	_ =	strace s3  }
0xf: {  	_ =	strace $0x8FFFFFFF  }
0x10: {  	s20 =	sld [smem:$0x3FDB];
	_ =	sdelay $0x1  }
0x11: {  	s4 =	simm.s32 $_scs_section_size  }
0x12: {  	s5 =	simm.s32 $_size__tile_overlayer_lowered;
	s6 =	simm.s32 $_tile_overlayer_lowered  }
0x13: {  	s23 =	simm.s32 $0x1BFF;
	s22 =	sshll.u32 s6, $0x1;
	s3 =	sadd.s32 s4, s20  }
0x14: {  	s7 =	simm.s32 $0x0;
	s21 =	sshll.u32 s5, $0x1;
	s5 =	sadd.s32 s22, s3  }
0x15: {  	[timem:s7], [sflag:s23] =	dma.local [hbm:s5], s21  }
0x16: {  	_ =	swait.ge [sflag:s23], s21  }
0x17: {  	s4 =	ssub.s32 $0x0, s21;
	[sflag:s23] =	ssyncset.done $0x0  }
0x18: {  	[sflag:s23] =	ssyncadd.s32 s4;
	_ =	sdelay $0x1  }
0x19: {  	s24 =	simm.s32 $0x1B8B  }
0x1a: {  	_ =	swait.ge [sflag:s24], $0x1  }
0x1b: {  	[sflag:s24] =	ssyncset.done $0x0  }
0x1c: {  	s26 =	simm.s32 $0x1B8E;
	s25 =	sld [smem:$0x3FFE];
	[sflag:s24] =	ssyncadd.s32 $0xFFFFFFFF  }
0x1d: {  	s27 =	simm.s32 $execute0_lowered;
	[smem:$0x3FD2] =	sst s26  }
0x1e: {  	s5 =	sshll.u32 s27, $0x1;
	_ =	strace $0x80000049;
	[dreg:$0x1] =	wrdreg $0xFFFFFFFF  }
0x1f: {  	s28 =	simm.s32 $_size_execute0_lowered;
	s3 =	sadd.s32 s3, s5;
	[dreg:$0x0] =	wrdreg $0x0  }
0x20: {  	s5 =	sshll.u32 s28, $0x1;
	[dreg:$0x2] =	wrdreg s3  }
0x21: {  	[dreg:$0x3] =	wrdreg s5  }
0x22: {  	[dreg:$0x4] =	wrdreg $0xC0  }
0x23: {  	_ =	task [dreg:s7], $0x5FFFF  }
0x24: {  	[dreg:$0x1] =	wrdreg $0xFFFFFFFF  }
0x25: {  	[dreg:$0x0] =	wrdreg $0x60  }
0x26: {  	[dreg:$0x2] =	wrdreg s25  }
0x27: {  	[dreg:$0x3] =	wrdreg s2  }
0x28: {  	[dreg:$0x4] =	wrdreg $0x9  }
0x29: {  	_ =	task.clear_ibuf [dreg:s7], $0x5FFFF;
	_ =	strace $0x90000049  }
0x2a: {  	s29 =	simm.s32 $0x9;
	_ =	strace $0x8000004B  }
0x2b: {  	_ =	swait.ge [sflag:s29], $0x1  }
0x2c: {  	[sflag:s29] =	ssyncadd.s32 $0xFFFFFFFF  }
0x2d: {  	_ =	strace $0x9000004B  }
0x2e: {  	_ =	sfence  }
0x2f: {  	s30 =	sld [smem:$0x0];
	_ =	sdelay $0x2  }
0x30: {  	s31 =	sshll.u32 s1, $0xD;
	s1 =	sshrl.u32 s1, $0x2  }
0x31: {  	s3 =	sand.u32 $0x4000, s31;
	s1 =	sadd.s32 s1, s30  }
0x32: {  	s0 =	sor.u32 s3, s0;
	s1 =	sshll.u32 s1, $0x11  }
0x33: {  	s0 =	sor.u32 s1, s0  }
0x34: {  	s0 =	sadd.s32 $0x8F2B, s0  }
0x35: {  	[sflag:s0] =	ssyncadd.remote.s32 $0x1  }
0x36: {  	_ =	sfence.sel $0xFFFF  }
0x37: {  	[dreg:$0x0] =	wrdreg $0xFFFFFFFF;
	(pc) =	sbr.abs _section_cstart, $3  }
0x38: {  	[dreg:$0x1] =	wrdreg $0xFFFFFFFF  }
0x39: {  	_ =	task.clear_ibuf [dreg:s7], $0x2FFFF;
	_ =	strace $0x9FFFFFFF  }
0x3a: {  	(tm) =	ssettm $0x7FFFFFFF  }
0x3b: {  	_ =	shalt  }
tec
execute0_lowered:
.L_overlay_start_1:
0x0: {  	(tag) =	ssettag $0x1  }
0x1: {  	s0 =	srdreg.scid  }
0x2: {  	s1 =	sshll.u32 s0, $0x4  }
0x3: {  	s0 =	stileid.u32;
	s1 =	sand.u32 $0x10, s1  }
0x4: {  	s1 =	sor.u32 s0, s1  }
0x5: {  	s6 =	rddreg [dreg:$0x0];
	s4 =	simm.s32 $0x1;
	s2 =	sshll.u32 s1, $0x7  }
0x6: {  	s7 =	simm.s32 $0x2;
	s12 =	simm.s32 $0x0;
	s1 =	ssub.s32 $0x1000, s2  }
0x7: {  	s8 =	simm.s32 $0x8000;
	s13 =	simm.s32 $0x0;
	s3 =	sand.u32 $0xF80, s1  }
0x8: {  	s9 =	simm.s32 $0x0;
	s5 =	sshrl.u32 s1, $0xC;
	p0 =	sne.s32 s3, $0x0  }
.Ltmp0:
0x9: {  	s1 =	rddreg [dreg:$0x2];
	s4 =	simm.s32 @!p0 $0x0;
	(pc) =	sbr.rel .LBB1_1-.Ltmp0, $4  }
0xa: {  	s11 =	simm.s32 $0x0;
	s3 =	rddreg [dreg:$0x1];
	s5 =	sadd.s32 s4, s5  }
0xb: {  	_ =	strace $0x8000004A;
	s4 =	simm.s32 $0x1;
	s5 =	smul.u32 $0xC8, s5  }
0xc: {  	s6 =	sadd.s32 $0xA00, s6;
	s10 =	smov.u32 s2;
	[sflag:s4] =	ssyncpa.u1 $0x0  }
0xd: {  	p0 =	por $0x0, $0x0;
	[sflag:s7] =	ssyncpa.u1 $0x0;
	s7 =	sor.u32 $0x1, s5  }
.LBB1_4:
0xe: {  	s16 =	sshll.u32 s13, $0x3;
	s17 =	sand.u32 $0x78, s13  }
0xf: {  	s30 =	sand.u32 $0x7E00, s13;
	s12 =	sshll.u32 s12, $0xF;
	s16 =	sand.u32 $0xC00, s16  }
0x10: {  	[tilespmem:s15+$0x810 ss:$0x81] =	vst.msk $0xffff, v2;
	s31 =	sand.u32 $0x7, s13;
	s16 =	sor.u32 s17, s16;
	s17 =	sadd.s32 s3, s30  }
0x11: {  	[tilespmem:s15+$0x1020 ss:$0x81] =	vst.msk $0xffff, v0;
	s13 =	sshll.u32 s31, $0x12;
	s12 =	sadd.s32 s12, s17;
	s16 =	sshrl.u32 s16, $0x3  }
0x12: {  	[tilespmem:s15+$0x0 ss:$0x81] =	vst.msk $0xffff, v1;
	s13 =	sor.u32 $0x400, s13;
	s12 =	sadd.s32 s16, s12  }
0x13: {  	[hbm4b:s12+s13] =	stream.strided.scatter [tilespmem:s14], [sflag:$0x2], $0x2000, s8, s13, $0x20;
	[tilespmem:$0x8080] =	vst v63  }
.LBB1_5:
0x14: {  	s14 =	sadd.s32 $0x1, s9  }
0x15: {  	s12 =	sadd.s32 $0x1000, s10;
	s16 =	smov.u32 s10;
	p2 =	sgt.s32 s14, $0xC7  }
0x16: {  	s16 =	smov.u32 @p2 s12  }
0x17: {  	s14 =	simm.s32 @p2 $0x0;
	p2 =	sgt.s32 s16, $0xFFF  }
0x18: {  	s16 =	smov.u32 @p2 s2;
	p2 =	sne.s32 s11, s7  }
.Ltmp1:
0x19: {  	p1 =	slt.u32 s11, $0x2;
	(pc) =	sbr.rel @!p2 .LBB1_6-.Ltmp1, $4  }
0x1a: {  	s15 =	simm.s32 @!p1 $0x2  }
0x1b: {  	s13 =	smov.u32 s10;
	p0 =	por !p0, !p0;
	_ =	swait.ge @!p1 [sflag:s15], $0x2000  }
0x1c: {  	s12 =	smov.u32 s9;
	[sflag:s15] =	ssyncset.done @!p1 $0x0;
	s9 =	smov.u32 s14  }
0x1d: {  	s11 =	sadd.s32 $0x1, s11;
	[sflag:s15] =	ssyncadd.s32 @!p1 $0xFFFFE000;
	s10 =	smov.u32 s16  }
.LBB1_1:
0x1e: {  	p1 =	sge.u32 s11, s5  }
0x1f: {  	s14 =	sand.u32 @!p1 $0x1FFFFFF, s9  }
0x20: {  	s15 =	smulhi.u32 @!p1 $0x147AE15, s14;
	_ =	sdelay $0x1  }
0x21: {  	s15 =	smul.u32 @!p1 $0xC8, s15  }
0x22: {  	s16 =	sxor.u32 @!p1 $0xFFFFFFFF, s11;
	s17 =	smul.u32 @!p1 $0xC80, s10  }
0x23: {  	s31 =	sadd.s32 $0xFFFFFFFF, s11;
	s16 =	sshll.u32 @!p1 s16, $0xD;
	s14 =	ssub.s32 @!p1 s14, s15  }
0x24: {  	s15 =	sand.u32 @!p1 $0x2000, s16;
	s16 =	sadd.s32 @!p1 s6, s17;
	s14 =	sshll.u32 @!p1 s14, $0x4  }
0x25: {  	s17 =	simm.s32 @!p1 $0x6400;
	s14 =	sadd.s32 @!p1 s14, s16;
	s16 =	simm.s32 @!p1 $0x40  }
0x26: {  	[tilespmem:s15], [sflag:$0x1] =	stream.strided.gather @!p1 [hbm4b:s14+s16], $0x2000, s17, s16, $0x38;
	[tilespmem:$0x8080] =	vst v63  }
0x27: {  	p1 =	sge.u32 s31, s5  }
.Ltmp2:
0x28: {  	_ = 	snop;
	(pc) =	sbr.rel @p1 .LBB1_5-.Ltmp2, $1  }
0x29: {  	_ =	sdelay $0x3  }
0x2a: {  	s14 =	simm.s32 $0x1  }
0x2b: {  	_ =	swait.ge [sflag:s4], $0x2000;
	s14 =	simm.s32 @!p0 $0x0  }
0x2c: {  	[sflag:s4] =	ssyncset.done $0x0;
	s15 =	sshll.u32 s14, $0xD  }
0x2d: {  	[sflag:s4] =	ssyncadd.s32 $0xFFFFE000;
	s18 =	sor.u32 $0x20, s15  }
0x2e: {  	s14 =	smul.u32 $0x8100, s14;
	v3 =	vld [tilespmem:s18+$0x10]  }
0x2f: {  	s30 =	sand.u32 $0x1, s11;
	v2 =	vld [tilespmem:s18+$0xFFFFFFF0]  }
0x30: {  	s15 =	smul.u32 $0x8100, s30;
	s14 =	sshrl.u32 s14, $0x2;
	v0 =	vld [tilespmem:s18+$0x0]  }
0x31: {  	v1 =	vld [tilespmem:s18+$0xFFFFFFE0];
	s16 =	sor.u32 $0x4000, s14  }
0x32: {  	s31 =	sshrl.u32 s15, $0x2;
	s15 =	sadd.s32 $0x0, s16  }
0x33: {  	s17 =	simm.s32 $0x4;
	s18 =	sadd.s32 $0x40, s18;
	s14 =	sor.u32 $0x4000, s31;
	[tilespmem:s15+$0x1830 ss:$0x81] =	vst.msk $0xffff, v3  }
.LBB1_3:
0x34: {  	v3 =	vld [tilespmem:s18+$0x10];
	p1 =	sne.s32 s17, $0x1FC;
	[tilespmem:s15+$0x810 ss:$0x81] =	vst.msk $0xffff, v2;
	s19 =	smov.u32 s17;
	s17 =	sadd.s32 $0x4, s17  }
.Ltmp3:
0x35: {  	v2 =	vld [tilespmem:s18+$0xFFFFFFF0];
	[tilespmem:s15+$0x1020 ss:$0x81] =	vst.msk $0xffff, v0;
	(pc) =	sbr.rel @p1 .LBB1_3-.Ltmp3, $4  }
0x36: {  	v0 =	vld [tilespmem:s18+$0x0];
	[tilespmem:s15+$0x0 ss:$0x81] =	vst.msk $0xffff, v1  }
0x37: {  	s15 =	sshra.s32 s19, $0x2;
	v1 =	vld [tilespmem:s18+$0xFFFFFFE0]  }
0x38: {  	s15 =	sadd.s32 s15, s16  }
0x39: {  	s18 =	sadd.s32 $0x40, s18;
	[tilespmem:s15+$0x1830 ss:$0x81] =	vst.msk $0xffff, v3  }
.Ltmp4:
0x3a: {  	_ = 	snop;
	(pc) =	sbr.rel .LBB1_4-.Ltmp4, $1  }
0x3b: {  	_ =	sdelay $0x3  }
.LBB1_6:
0x3c: {  	_ =	sfence.sel $0x180000  }
0x3d: {  	s2 =	simm.s32 $0x1;
	[bflag:$0x0] =	sbarrier.arrive $0xFFFF  }
0x3e: {  	s31 =	simm.s32 $0x2;
	[sflag:s2] =	ssyncpa.u1 $0x1  }
0x3f: {  	[sflag:s31] =	ssyncpa.u1 $0x1  }
0x40: {  	p0 =	sne.s32 s0, $0x0;
	_ =	strace $0x9000004A  }
0x41: {  	s0 =	sadd.s32 @!p0 $0x100000, s1;
	[bflag:$0x2] =	sbarrier.arrive $0xFFFF  }
0x42: {  	[sflag:s0] =	ssyncadd.tile.s32 @!p0 $0x1;
	_ =	shalt  }
.Lfunc_end1:
_tile_overlayer_lowered:
.L_overlay_start_2:
0x43: {  	(tag) =	ssettag $0x2  }
0x44: {  	s0 =	rddreg [dreg:$0x0];
	s2 =	stileid.u32  }
0x45: {  	s1 =	rddreg [dreg:$0x1];
	p0 =	sne.s32 s2, $0x0  }
0x46: {  	s3 =	rddreg [dreg:$0x2];
	[bflag:$0x3] =	sbarrier.arrive $0xFFFF;
	s2 =	simm.s32 @!p0 $0x1C01  }
0x47: {  	[timem:s3], [sflag:s2] =	dma.local @!p0 [hbm:s0], s1  }
0x48: {  	s0 =	simm.s32 @!p0 $0x1  }
0x49: {  	_ =	swait.ge @!p0 [sflag:s0], s1  }
0x4a: {  	s1 =	ssub.s32 @!p0 $0x0, s1;
	[sflag:s0] =	ssyncset.done @!p0 $0x0  }
0x4b: {  	[sflag:s0] =	ssyncadd.s32 @!p0 s1  }
0x4c: {  	[bflag:$0x3] =	sbarrier.arrive $0xFFFF  }
0x4d: {  	_ =	shalt  }

</sc_bundles>
